<compile_context>
chip_gen: v7x
topology: tpu7x:2x2x1
jax: 0.10.2.dev20260603
libtpu: 0.0.44.dev20260713+nightly
codegen_flags: <defaults>
</compile_context>

<pallas_src>
import functools

import jax
import jax.numpy as jnp
from jax import lax
from jax.experimental import pallas as pl
from jax.experimental.pallas import tpu as pltpu
from jax.experimental.pallas import tpu_sc as plsc

_BS = 4
_MAX_SEQLEN = 128
_LAYERS = 6
_HEADS = 32
_HEAD_DIM = 128
_STRIDE = 16
_NUM_PAGES = 64
_FEAT = _HEADS * _HEAD_DIM
_RPP = _LAYERS * 2 * _STRIDE
_N_ROWS = _NUM_PAGES * _RPP
_N_MEMBER = _BS * (_MAX_SEQLEN // _STRIDE)
_N_VALS = _LAYERS * 2
_CHUNK = 8
_FCHUNK = 4
_NW = 32
_NFILLW = 2 * _N_VALS
_NC_FILL = 152 // _CHUNK
_NC_COPY = 312 // _CHUNK
_NF = 256 // _FCHUNK


def _layer_consts():
    x = jnp.float32(1.0)
    ks, vs = [], []
    for _ in range(_LAYERS):
        xk = x * jnp.float32(2.0)
        xv = x * jnp.float32(4.0)
        ks.append(xk)
        vs.append(xv)
        x = x + x * xk * xv
    return ks, vs, x


def _copy_pipeline(nc, in_hbm, out_hbm, cidx_v, bufs, gsems, ssems):
    pltpu.make_async_copy(in_hbm.at[cidx_v.at[0]], bufs[0], gsems[0]).start()

    def step(j, carry):
        for r in range(3):
            @pl.when(j % 3 == r)
            def _(r=r):
                rn = (r + 1) % 3
                pltpu.make_async_copy(in_hbm.at[cidx_v.at[j]], bufs[r],
                                      gsems[r]).wait()
                pltpu.make_async_copy(bufs[r], out_hbm.at[cidx_v.at[j]],
                                      ssems[r]).start()

                @pl.when(j + 1 < nc)
                def _():
                    @pl.when(j >= 2)
                    def _():
                        pltpu.make_async_copy(
                            bufs[rn], out_hbm.at[cidx_v.at[0]],
                            ssems[rn]).wait()
                    pltpu.make_async_copy(in_hbm.at[cidx_v.at[j + 1]],
                                          bufs[rn], gsems[rn]).start()
        return carry

    lax.fori_loop(0, nc, step, 0)
    for jj in (nc - 2, nc - 1):
        pltpu.make_async_copy(bufs[jj % 3], out_hbm.at[cidx_v.at[0]],
                              ssems[jj % 3]).wait()


_MESH = plsc.VectorSubcoreMesh(core_axis_name="c", subcore_axis_name="s")


@functools.partial(
    pl.kernel,
    out_type=jax.ShapeDtypeStruct((_N_ROWS, _HEADS, _HEAD_DIM), jnp.float32),
    mesh=_MESH,
    scratch_types=[
        pltpu.VMEM((_NC_COPY, _CHUNK), jnp.int32),
        pltpu.VMEM((_NF, _FCHUNK), jnp.int32),
        pltpu.VMEM((_CHUNK, _HEADS, _HEAD_DIM), jnp.float32),
        pltpu.VMEM((_CHUNK, _HEADS, _HEAD_DIM), jnp.float32),
        pltpu.VMEM((_CHUNK, _HEADS, _HEAD_DIM), jnp.float32),
        pltpu.VMEM((_FCHUNK, _HEADS, _HEAD_DIM), jnp.float32),
        pltpu.SemaphoreType.DMA,
        pltpu.SemaphoreType.DMA,
        pltpu.SemaphoreType.DMA,
        pltpu.SemaphoreType.DMA,
        pltpu.SemaphoreType.DMA,
        pltpu.SemaphoreType.DMA,
        pltpu.SemaphoreType.DMA,
        pltpu.SemaphoreType.DMA,
    ],
)
def _sc_slab(in_hbm, cidx_hbm, fidx_hbm, out_hbm,
             cidx_v, fidx_v, buf0, buf1, buf2, fbuf,
             gsem0, gsem1, gsem2, ssem0, ssem1, ssem2, fsem, isem):
    c = lax.axis_index("c")
    s = lax.axis_index("s")
    w = s * 2 + c
    is_fill = w < _NFILLW
    bufs = (buf0, buf1, buf2)
    gsems = (gsem0, gsem1, gsem2)
    ssems = (ssem0, ssem1, ssem2)

    pltpu.make_async_copy(cidx_hbm.at[w], cidx_v, isem).start()
    pltpu.make_async_copy(fidx_hbm.at[w], fidx_v, isem).start()

    ks, vs, _ = _layer_consts()
    v = w // 2
    vec = jnp.zeros((16,), jnp.float32)
    for i in range(_N_VALS):
        cval = ks[i // 2] if i % 2 == 0 else vs[i // 2]
        vec = jnp.where(v == i, jnp.full((16,), cval), vec)

    @pl.when(is_fill)
    def _():
        def fill_row(r, carry):
            for k in range(_HEADS):
                row = fbuf.at[r, k]
                for m in range(_HEAD_DIM // 16):
                    row[pl.ds(m * 16, 16)] = vec
            return carry

        lax.fori_loop(0, _FCHUNK, fill_row, 0)

    pltpu.make_async_copy(cidx_hbm.at[w], cidx_v, isem).wait()
    pltpu.make_async_copy(fidx_hbm.at[w], fidx_v, isem).wait()

    @pl.when(is_fill)
    def _():
        def fill_start(j, carry):
            pltpu.make_async_copy(fbuf, out_hbm.at[fidx_v.at[j]],
                                  fsem).start()
            return carry

        lax.fori_loop(0, _NF, fill_start, 0)

        _copy_pipeline(_NC_FILL, in_hbm, out_hbm, cidx_v, bufs, gsems, ssems)

        def fill_drain(j, carry):
            pltpu.make_async_copy(fbuf, out_hbm.at[fidx_v.at[0]],
                                  fsem).wait()
            return carry

        lax.fori_loop(0, _NF, fill_drain, 0)

    @pl.when(jnp.logical_not(is_fill))
    def _():
        _copy_pipeline(_NC_COPY, in_hbm, out_hbm, cidx_v, bufs, gsems, ssems)


def _h_body(h_ref):
    _, _, h_final = _layer_consts()
    h_ref[...] = jnp.full((_BS, _MAX_SEQLEN, _FEAT), h_final)


def kernel(seq_lens, attn_block_ids, attn_page_slab):
    del seq_lens
    ids = attn_block_ids.reshape(-1).astype(jnp.int32)
    mask = jnp.zeros((_NUM_PAGES,), jnp.int32).at[ids].set(1)
    nm_pages = jnp.argsort(mask, stable=True)[: _NUM_PAGES - _N_MEMBER]
    nm_pages = nm_pages.astype(jnp.int32)

    copy_rows = (nm_pages[:, None] * _RPP
                 + jnp.arange(_RPP, dtype=jnp.int32)[None, :]).reshape(-1)
    n1 = _NFILLW * _NC_FILL * _CHUNK
    c1 = jnp.pad(copy_rows[:n1].reshape(_NFILLW, n1 // _NFILLW),
                 ((0, 0), (0, (_NC_COPY - _NC_FILL) * _CHUNK)))
    c2 = copy_rows[n1:].reshape(_NW - _NFILLW, _NC_COPY * _CHUNK)
    copy_idx = jnp.concatenate([c1, c2], axis=0).reshape(
        _NW, _NC_COPY, _CHUNK)

    fill_rows = (ids[None, :, None] * _RPP
                 + (jnp.arange(_N_VALS, dtype=jnp.int32) * _STRIDE)[:, None, None]
                 + jnp.arange(_STRIDE, dtype=jnp.int32)[None, None, :])
    fill_rows = fill_rows.reshape(_NFILLW, _NF * _FCHUNK)
    fill_idx = jnp.pad(fill_rows, ((0, _NW - _NFILLW), (0, 0)))
    fill_idx = fill_idx.reshape(_NW, _NF, _FCHUNK)

    slab_rows = attn_page_slab.reshape(_N_ROWS, _HEADS, _HEAD_DIM)
    out_rows = _sc_slab(slab_rows, copy_idx, fill_idx)
    slab_out = out_rows.reshape(
        _NUM_PAGES, _LAYERS, 2, _STRIDE, _HEADS, _HEAD_DIM)

    h = pl.pallas_call(
        _h_body,
        out_shape=jax.ShapeDtypeStruct((_BS, _MAX_SEQLEN, _FEAT), jnp.float32),
    )()
    return h, slab_out

# --- scband reference (transcript-rebuilt; emitter-appended) ---
"""Pipeline reference for scband-attention-page-example-45947560132807 (READ-ONLY COPY).

The authoritative reference and input builder live on the scoring server;
editing this copy changes nothing except your own understanding.
"""

import jax, jax.numpy as jnp
import numpy as np

BS = 4
MAX_SEQLEN = 128
LAYERS = 6
HEADS = 32
HEAD_DIM = 128
STRIDE = 16
NUM_PAGES = 64
FEAT = HEADS * HEAD_DIM  # 4096
SEQ_BLOCKS = MAX_SEQLEN // STRIDE  # 8


def setup_inputs(seed: int = 0) -> dict:
    key = jax.random.key(seed)
    k1, k2 = jax.random.split(key)
    seq_lens = jax.random.randint(k1, (BS,), 1, 128)
    attn_block_ids = jnp.arange(BS * SEQ_BLOCKS).reshape(BS, SEQ_BLOCKS)  # distinct, < NUM_PAGES
    attn_page_slab = jax.random.normal(k2, (NUM_PAGES, LAYERS, 2, STRIDE, HEADS, HEAD_DIM), dtype=jnp.float32)
    return {"seq_lens": seq_lens, "attn_block_ids": attn_block_ids, "attn_page_slab": attn_page_slab}


def reference(seq_lens, attn_block_ids, attn_page_slab):
    # reshape slab: [-1, layers, 2 (k/v), stride, heads, head_dim]
    slab = attn_page_slab.reshape(-1, LAYERS, 2, STRIDE, HEADS, HEAD_DIM)
    # flattened subblock view: [num_pages*layers*2, stride, heads, head_dim]
    sub = slab.reshape(-1, STRIDE, HEADS, HEAD_DIM)
    page_stride = LAYERS * 2
    attn_layer_stride = 2

    h = jnp.ones((BS, MAX_SEQLEN, FEAT), dtype=jnp.float32)
    for layer in range(LAYERS):
        x = h
        xk = x * 2.0
        xv = x * 4.0
        # blocked view [bs, seq_blocks, stride, heads, head_dim]
        xk_b = xk.reshape(BS, SEQ_BLOCKS, STRIDE, HEADS, HEAD_DIM)
        xv_b = xv.reshape(BS, SEQ_BLOCKS, STRIDE, HEADS, HEAD_DIM)
        k_ids = (attn_block_ids * page_stride + layer * attn_layer_stride).reshape(-1)
        v_ids = k_ids + 1
        # scatter-overwrite (index_copy_) into the paged slab
        sub = sub.at[k_ids].set(xk_b.reshape(-1, STRIDE, HEADS, HEAD_DIM))
        sub = sub.at[v_ids].set(xv_b.reshape(-1, STRIDE, HEADS, HEAD_DIM))
        attention_output = x * xk * xv
        h = h + attention_output
    slab_out = sub.reshape(-1, LAYERS, 2, STRIDE, HEADS, HEAD_DIM)
    return h, slab_out

if __name__ == "__main__":
    import jax
    _d = setup_inputs()
    print(jax.jit(kernel)(*tuple(_d.values())))

</pallas_src>

<mosaic_0001>
#map = affine_map<(d0, d1) -> (0, 0, 0)>
module attributes {stable_mosaic.version = 14 : i64} {
  func.func @_sc_slab(%arg0: i32, %arg1: i32, %arg2: memref<12288x32x128xf32, #tpu.memory_space<hbm>>, %arg3: memref<32x39x8xi32, #tpu.memory_space<hbm>>, %arg4: memref<32x64x4xi32, #tpu.memory_space<hbm>>, %arg5: memref<12288x32x128xf32, #tpu.memory_space<hbm>>, %arg6: memref<39x8xi32, #tpu.memory_space<vmem>>, %arg7: memref<64x4xi32, #tpu.memory_space<vmem>>, %arg8: memref<8x32x128xf32, #tpu.memory_space<vmem>>, %arg9: memref<8x32x128xf32, #tpu.memory_space<vmem>>, %arg10: memref<8x32x128xf32, #tpu.memory_space<vmem>>, %arg11: memref<4x32x128xf32, #tpu.memory_space<vmem>>, %arg12: memref<!tpu.dma_semaphore, #tpu.memory_space<semaphore_mem>>, %arg13: memref<!tpu.dma_semaphore, #tpu.memory_space<semaphore_mem>>, %arg14: memref<!tpu.dma_semaphore, #tpu.memory_space<semaphore_mem>>, %arg15: memref<!tpu.dma_semaphore, #tpu.memory_space<semaphore_mem>>, %arg16: memref<!tpu.dma_semaphore, #tpu.memory_space<semaphore_mem>>, %arg17: memref<!tpu.dma_semaphore, #tpu.memory_space<semaphore_mem>>, %arg18: memref<!tpu.dma_semaphore, #tpu.memory_space<semaphore_mem>>, %arg19: memref<!tpu.dma_semaphore, #tpu.memory_space<semaphore_mem>>) attributes {dimension_semantics = [#tpu.dimension_semantics<core_parallel>, #tpu.dimension_semantics<subcore_parallel>], iteration_bounds = array<i64: 2, 16>, scalar_prefetch = 0 : i64, scratch_operands = 14 : i64, tpu.core_type = #tpu.core_type<sc_vector_subcore>, window_params = [{transform_indices = #map}, {transform_indices = #map}, {transform_indices = #map}, {transform_indices = #map}]} {
    %mul3A = arith.constant 2 : i32
    %mul3A_0 = arith.muli %arg1, %mul3A : i32
    %add3A = arith.addi %mul3A_0, %arg0 : i32
    %lt3A = arith.constant 24 : i32
    %lt3A_1 = arith.cmpi slt, %add3A, %lt3A : i32
    %dma_start3A = arith.constant 0 : i32
    %dma_start3A_2 = arith.constant 0 : i32
    %dma_start3A_3 = tpu.memref_slice %arg3[%add3A, %dma_start3A, %dma_start3A_2] : memref<32x39x8xi32, #tpu.memory_space<hbm>> -> memref<1x39x8xi32, #tpu.memory_space<hbm>>
    %dma_start3A_4 = tpu.memref_squeeze %dma_start3A_3 : memref<1x39x8xi32, #tpu.memory_space<hbm>> -> memref<39x8xi32, #tpu.memory_space<hbm>>
    %dma_start3A_5 = arith.constant 0 : i32
    %dma_start3A_6 = arith.constant 0 : i32
    %dma_start3A_7 = tpu.memref_slice %arg3[%add3A, %dma_start3A_5, %dma_start3A_6] : memref<32x39x8xi32, #tpu.memory_space<hbm>> -> memref<1x39x8xi32, #tpu.memory_space<hbm>>
    %dma_start3A_8 = tpu.memref_squeeze %dma_start3A_7 : memref<1x39x8xi32, #tpu.memory_space<hbm>> -> memref<39x8xi32, #tpu.memory_space<hbm>>
    tpu.enqueue_dma source(%dma_start3A_8 : memref<39x8xi32, #tpu.memory_space<hbm>>) target(%arg6 : memref<39x8xi32, #tpu.memory_space<vmem>>) target_semaphore(%arg19 : memref<!tpu.dma_semaphore, #tpu.memory_space<semaphore_mem>>)
    %dma_start3A_9 = arith.constant 0 : i32
    %dma_start3A_10 = arith.constant 0 : i32
    %dma_start3A_11 = tpu.memref_slice %arg4[%add3A, %dma_start3A_9, %dma_start3A_10] : memref<32x64x4xi32, #tpu.memory_space<hbm>> -> memref<1x64x4xi32, #tpu.memory_space<hbm>>
    %dma_start3A_12 = tpu.memref_squeeze %dma_start3A_11 : memref<1x64x4xi32, #tpu.memory_space<hbm>> -> memref<64x4xi32, #tpu.memory_space<hbm>>
    %dma_start3A_13 = arith.constant 0 : i32
    %dma_start3A_14 = arith.constant 0 : i32
    %dma_start3A_15 = tpu.memref_slice %arg4[%add3A, %dma_start3A_13, %dma_start3A_14] : memref<32x64x4xi32, #tpu.memory_space<hbm>> -> memref<1x64x4xi32, #tpu.memory_space<hbm>>
    %dma_start3A_16 = tpu.memref_squeeze %dma_start3A_15 : memref<1x64x4xi32, #tpu.memory_space<hbm>> -> memref<64x4xi32, #tpu.memory_space<hbm>>
    tpu.enqueue_dma source(%dma_start3A_16 : memref<64x4xi32, #tpu.memory_space<hbm>>) target(%arg7 : memref<64x4xi32, #tpu.memory_space<vmem>>) target_semaphore(%arg19 : memref<!tpu.dma_semaphore, #tpu.memory_space<semaphore_mem>>)
    %mul3A_17 = arith.constant 1.000000e+00 : f32
    %mul3A_18 = arith.constant 2.000000e+00 : f32
    %mul3A_19 = arith.mulf %mul3A_17, %mul3A_18 : f32
    %mul3A_20 = arith.constant 1.000000e+00 : f32
    %mul3A_21 = arith.constant 4.000000e+00 : f32
    %mul3A_22 = arith.mulf %mul3A_20, %mul3A_21 : f32
    %mul3A_23 = arith.constant 1.000000e+00 : f32
    %mul3A_24 = arith.mulf %mul3A_23, %mul3A_19 : f32
    %mul3A_25 = arith.mulf %mul3A_24, %mul3A_22 : f32
    %add3A_26 = arith.constant 1.000000e+00 : f32
    %add3A_27 = arith.addf %add3A_26, %mul3A_25 : f32
    %mul3A_28 = arith.constant 2.000000e+00 : f32
    %mul3A_29 = arith.mulf %add3A_27, %mul3A_28 : f32
    %mul3A_30 = arith.constant 4.000000e+00 : f32
    %mul3A_31 = arith.mulf %add3A_27, %mul3A_30 : f32
    %mul3A_32 = arith.mulf %add3A_27, %mul3A_29 : f32
    %mul3A_33 = arith.mulf %mul3A_32, %mul3A_31 : f32
    %add3A_34 = arith.addf %add3A_27, %mul3A_33 : f32
    %mul3A_35 = arith.constant 2.000000e+00 : f32
    %mul3A_36 = arith.mulf %add3A_34, %mul3A_35 : f32
    %mul3A_37 = arith.constant 4.000000e+00 : f32
    %mul3A_38 = arith.mulf %add3A_34, %mul3A_37 : f32
    %mul3A_39 = arith.mulf %add3A_34, %mul3A_36 : f32
    %mul3A_40 = arith.mulf %mul3A_39, %mul3A_38 : f32
    %add3A_41 = arith.addf %add3A_34, %mul3A_40 : f32
    %mul3A_42 = arith.constant 2.000000e+00 : f32
    %mul3A_43 = arith.mulf %add3A_41, %mul3A_42 : f32
    %mul3A_44 = arith.constant 4.000000e+00 : f32
    %mul3A_45 = arith.mulf %add3A_41, %mul3A_44 : f32
    %mul3A_46 = arith.mulf %add3A_41, %mul3A_43 : f32
    %mul3A_47 = arith.mulf %mul3A_46, %mul3A_45 : f32
    %add3A_48 = arith.addf %add3A_41, %mul3A_47 : f32
    %mul3A_49 = arith.constant 2.000000e+00 : f32
    %mul3A_50 = arith.mulf %add3A_48, %mul3A_49 : f32
    %mul3A_51 = arith.constant 4.000000e+00 : f32
    %mul3A_52 = arith.mulf %add3A_48, %mul3A_51 : f32
    %mul3A_53 = arith.mulf %add3A_48, %mul3A_50 : f32
    %mul3A_54 = arith.mulf %mul3A_53, %mul3A_52 : f32
    %add3A_55 = arith.addf %add3A_48, %mul3A_54 : f32
    %mul3A_56 = arith.constant 2.000000e+00 : f32
    %mul3A_57 = arith.mulf %add3A_55, %mul3A_56 : f32
    %mul3A_58 = arith.constant 4.000000e+00 : f32
    %mul3A_59 = arith.mulf %add3A_55, %mul3A_58 : f32
    %mul3A_60 = arith.mulf %add3A_55, %mul3A_57 : f32
    %mul3A_61 = arith.mulf %mul3A_60, %mul3A_59 : f32
    %add3A_62 = arith.addf %add3A_55, %mul3A_61 : f32
    %jit3A = arith.constant 2 : i32
    %div3A = arith.divsi %add3A, %jit3A : i32
    %sign3A = arith.constant 0 : i32
    %sign3A_63 = arith.cmpi sgt, %add3A, %sign3A : i32
    %sign3A_64 = arith.extui %sign3A_63 : i1 to i32
    %sign3A_65 = arith.constant 0 : i32
    %sign3A_66 = arith.cmpi slt, %add3A, %sign3A_65 : i32
    %sign3A_67 = arith.extui %sign3A_66 : i1 to i32
    %sign3A_68 = arith.subi %sign3A_64, %sign3A_67 : i32
    %sign3A_69 = arith.constant 0 : i32
    %sign3A_70 = arith.cmpi sgt, %jit3A, %sign3A_69 : i32
    %sign3A_71 = arith.extui %sign3A_70 : i1 to i32
    %sign3A_72 = arith.constant 0 : i32
    %sign3A_73 = arith.cmpi slt, %jit3A, %sign3A_72 : i32
    %sign3A_74 = arith.extui %sign3A_73 : i1 to i32
    %sign3A_75 = arith.subi %sign3A_71, %sign3A_74 : i32
    %ne3A = arith.cmpi ne, %sign3A_68, %sign3A_75 : i32
    %rem3A = arith.remsi %add3A, %jit3A : i32
    %ne3A_76 = arith.constant 0 : i32
    %ne3A_77 = arith.cmpi ne, %rem3A, %ne3A_76 : i32
    %and3A = arith.andi %ne3A, %ne3A_77 : i1
    %sub3A = arith.constant 1 : i32
    %sub3A_78 = arith.subi %div3A, %sub3A : i32
    %select_n3A = arith.select %and3A, %sub3A_78, %div3A : i32
    %broadcast_in_dim3A = arith.constant 0.000000e+00 : f32
    %broadcast_in_dim3A_79 = vector.broadcast %broadcast_in_dim3A : f32 to vector<16xf32>
    %eq3A = arith.constant 0 : i32
    %eq3A_80 = arith.cmpi eq, %select_n3A, %eq3A : i32
    %broadcast_in_dim3A_81 = vector.broadcast %mul3A_19 : f32 to vector<16xf32>
    %select_n3A_82 = arith.select %eq3A_80, %broadcast_in_dim3A_81, %broadcast_in_dim3A_79 : vector<16xf32>
    %eq3A_83 = arith.constant 1 : i32
    %eq3A_84 = arith.cmpi eq, %select_n3A, %eq3A_83 : i32
    %broadcast_in_dim3A_85 = vector.broadcast %mul3A_22 : f32 to vector<16xf32>
    %select_n3A_86 = arith.select %eq3A_84, %broadcast_in_dim3A_85, %select_n3A_82 : vector<16xf32>
    %eq3A_87 = arith.constant 2 : i32
    %eq3A_88 = arith.cmpi eq, %select_n3A, %eq3A_87 : i32
    %broadcast_in_dim3A_89 = vector.broadcast %mul3A_29 : f32 to vector<16xf32>
    %select_n3A_90 = arith.select %eq3A_88, %broadcast_in_dim3A_89, %select_n3A_86 : vector<16xf32>
    %eq3A_91 = arith.constant 3 : i32
    %eq3A_92 = arith.cmpi eq, %select_n3A, %eq3A_91 : i32
    %broadcast_in_dim3A_93 = vector.broadcast %mul3A_31 : f32 to vector<16xf32>
    %select_n3A_94 = arith.select %eq3A_92, %broadcast_in_dim3A_93, %select_n3A_90 : vector<16xf32>
    %eq3A_95 = arith.constant 4 : i32
    %eq3A_96 = arith.cmpi eq, %select_n3A, %eq3A_95 : i32
    %broadcast_in_dim3A_97 = vector.broadcast %mul3A_36 : f32 to vector<16xf32>
    %select_n3A_98 = arith.select %eq3A_96, %broadcast_in_dim3A_97, %select_n3A_94 : vector<16xf32>
    %eq3A_99 = arith.constant 5 : i32
    %eq3A_100 = arith.cmpi eq, %select_n3A, %eq3A_99 : i32
    %broadcast_in_dim3A_101 = vector.broadcast %mul3A_38 : f32 to vector<16xf32>
    %select_n3A_102 = arith.select %eq3A_100, %broadcast_in_dim3A_101, %select_n3A_98 : vector<16xf32>
    %eq3A_103 = arith.constant 6 : i32
    %eq3A_104 = arith.cmpi eq, %select_n3A, %eq3A_103 : i32
    %broadcast_in_dim3A_105 = vector.broadcast %mul3A_43 : f32 to vector<16xf32>
    %select_n3A_106 = arith.select %eq3A_104, %broadcast_in_dim3A_105, %select_n3A_102 : vector<16xf32>
    %eq3A_107 = arith.constant 7 : i32
    %eq3A_108 = arith.cmpi eq, %select_n3A, %eq3A_107 : i32
    %broadcast_in_dim3A_109 = vector.broadcast %mul3A_45 : f32 to vector<16xf32>
    %select_n3A_110 = arith.select %eq3A_108, %broadcast_in_dim3A_109, %select_n3A_106 : vector<16xf32>
    %eq3A_111 = arith.constant 8 : i32
    %eq3A_112 = arith.cmpi eq, %select_n3A, %eq3A_111 : i32
    %broadcast_in_dim3A_113 = vector.broadcast %mul3A_50 : f32 to vector<16xf32>
    %select_n3A_114 = arith.select %eq3A_112, %broadcast_in_dim3A_113, %select_n3A_110 : vector<16xf32>
    %eq3A_115 = arith.constant 9 : i32
    %eq3A_116 = arith.cmpi eq, %select_n3A, %eq3A_115 : i32
    %broadcast_in_dim3A_117 = vector.broadcast %mul3A_52 : f32 to vector<16xf32>
    %select_n3A_118 = arith.select %eq3A_116, %broadcast_in_dim3A_117, %select_n3A_114 : vector<16xf32>
    %eq3A_119 = arith.constant 10 : i32
    %eq3A_120 = arith.cmpi eq, %select_n3A, %eq3A_119 : i32
    %broadcast_in_dim3A_121 = vector.broadcast %mul3A_57 : f32 to vector<16xf32>
    %select_n3A_122 = arith.select %eq3A_120, %broadcast_in_dim3A_121, %select_n3A_118 : vector<16xf32>
    %eq3A_123 = arith.constant 11 : i32
    %eq3A_124 = arith.cmpi eq, %select_n3A, %eq3A_123 : i32
    %broadcast_in_dim3A_125 = vector.broadcast %mul3A_59 : f32 to vector<16xf32>
    %select_n3A_126 = arith.select %eq3A_124, %broadcast_in_dim3A_125, %select_n3A_122 : vector<16xf32>
    %convert_element_type3A = arith.extui %lt3A_1 : i1 to i32
    %cond3A = arith.constant 0 : i32
    %cond3A_127 = arith.cmpi ne, %convert_element_type3A, %cond3A : i32
    scf.if %cond3A_127 {
      %scan3A = arith.constant 0 : i32
      %scan3A_150 = arith.constant 0 : i32
      %scan3A_151 = arith.constant 4 : i32
      %scan3A_152 = arith.addi %scan3A_150, %scan3A_151 : i32
      %scan3A_153 = arith.constant 1 : i32
      scf.for %scan3A_155 = %scan3A_150 to %scan3A_152 step %scan3A_153  : i32 {
        %swap3A = arith.constant 0 : i32
        %swap3A_156 = arith.constant 0 : i32
        %swap3A_157 = tpu.memref_slice %arg11[%scan3A_155, %swap3A, %swap3A_156] : memref<4x32x128xf32, #tpu.memory_space<vmem>> -> memref<1x1x128xf32, #tpu.memory_space<vmem>>
        %swap3A_158 = tpu.memref_squeeze %swap3A_157 : memref<1x1x128xf32, #tpu.memory_space<vmem>> -> memref<128xf32, #tpu.memory_space<vmem>>
        %swap3A_159 = arith.constant 0 : index
        %swap3A_160 = tpu.vector_load %swap3A_158[%swap3A_159] {strides = array<i32>} : memref<128xf32, #tpu.memory_space<vmem>>, vector<16xf32>,
        %swap3A_161 = vector.shape_cast %swap3A_160 : vector<16xf32> to vector<16xf32>
        %swap3A_162 = vector.shape_cast %select_n3A_126 : vector<16xf32> to vector<16xf32>
        tpu.vector_store %swap3A_158[%swap3A_159], %swap3A_162 {strides = array<i32>} : memref<128xf32, #tpu.memory_space<vmem>>, vector<16xf32>,
        %swap3A_163 = arith.constant 0 : i32
        %swap3A_164 = arith.constant 0 : i32
        %swap3A_165 = tpu.memref_slice %arg11[%scan3A_155, %swap3A_163, %swap3A_164] : memref<4x32x128xf32, #tpu.memory_space<vmem>> -> memref<1x1x128xf32, #tpu.memory_space<vmem>>
        %swap3A_166 = tpu.memref_squeeze %swap3A_165 : memref<1x1x128xf32, #tpu.memory_space<vmem>> -> memref<128xf32, #tpu.memory_space<vmem>>
        %swap3A_167 = arith.constant 16 : index
        %swap3A_168 = tpu.vector_load %swap3A_166[%swap3A_167] {strides = array<i32>} : memref<128xf32, #tpu.memory_space<vmem>>, vector<16xf32>,
        %swap3A_169 = vector.shape_cast %swap3A_168 : vector<16xf32> to vector<16xf32>
        %swap3A_170 = vector.shape_cast %select_n3A_126 : vector<16xf32> to vector<16xf32>
        tpu.vector_store %swap3A_166[%swap3A_167], %swap3A_170 {strides = array<i32>} : memref<128xf32, #tpu.memory_space<vmem>>, vector<16xf32>,
        %swap3A_171 = arith.constant 0 : i32
        %swap3A_172 = arith.constant 0 : i32
        %swap3A_173 = tpu.memref_slice %arg11[%scan3A_155, %swap3A_171, %swap3A_172] : memref<4x32x128xf32, #tpu.memory_space<vmem>> -> memref<1x1x128xf32, #tpu.memory_space<vmem>>
        %swap3A_174 = tpu.memref_squeeze %swap3A_173 : memref<1x1x128xf32, #tpu.memory_space<vmem>> -> memref<128xf32, #tpu.memory_space<vmem>>
        %swap3A_175 = arith.constant 32 : index
        %swap3A_176 = tpu.vector_load %swap3A_174[%swap3A_175] {strides = array<i32>} : memref<128xf32, #tpu.memory_space<vmem>>, vector<16xf32>,
        %swap3A_177 = vector.shape_cast %swap3A_176 : vector<16xf32> to vector<16xf32>
        %swap3A_178 = vector.shape_cast %select_n3A_126 : vector<16xf32> to vector<16xf32>
        tpu.vector_store %swap3A_174[%swap3A_175], %swap3A_178 {strides = array<i32>} : memref<128xf32, #tpu.memory_space<vmem>>, vector<16xf32>,
        %swap3A_179 = arith.constant 0 : i32
        %swap3A_180 = arith.constant 0 : i32
        %swap3A_181 = tpu.memref_slice %arg11[%scan3A_155, %swap3A_179, %swap3A_180] : memref<4x32x128xf32, #tpu.memory_space<vmem>> -> memref<1x1x128xf32, #tpu.memory_space<vmem>>
        %swap3A_182 = tpu.memref_squeeze %swap3A_181 : memref<1x1x128xf32, #tpu.memory_space<vmem>> -> memref<128xf32, #tpu.memory_space<vmem>>
        %swap3A_183 = arith.constant 48 : index
        %swap3A_184 = tpu.vector_load %swap3A_182[%swap3A_183] {strides = array<i32>} : memref<128xf32, #tpu.memory_space<vmem>>, vector<16xf32>,
        %swap3A_185 = vector.shape_cast %swap3A_184 : vector<16xf32> to vector<16xf32>
        %swap3A_186 = vector.shape_cast %select_n3A_126 : vector<16xf32> to vector<16xf32>
        tpu.vector_store %swap3A_182[%swap3A_183], %swap3A_186 {strides = array<i32>} : memref<128xf32, #tpu.memory_space<vmem>>, vector<16xf32>,
        %swap3A_187 = arith.constant 0 : i32
        %swap3A_188 = arith.constant 0 : i32
        %swap3A_189 = tpu.memref_slice %arg11[%scan3A_155, %swap3A_187, %swap3A_188] : memref<4x32x128xf32, #tpu.memory_space<vmem>> -> memref<1x1x128xf32, #tpu.memory_space<vmem>>
        %swap3A_190 = tpu.memref_squeeze %swap3A_189 : memref<1x1x128xf32, #tpu.memory_space<vmem>> -> memref<128xf32, #tpu.memory_space<vmem>>
        %swap3A_191 = arith.constant 64 : index
        %swap3A_192 = tpu.vector_load %swap3A_190[%swap3A_191] {strides = array<i32>} : memref<128xf32, #tpu.memory_space<vmem>>, vector<16xf32>,
        %swap3A_193 = vector.shape_cast %swap3A_192 : vector<16xf32> to vector<16xf32>
        %swap3A_194 = vector.shape_cast %select_n3A_126 : vector<16xf32> to vector<16xf32>
        tpu.vector_store %swap3A_190[%swap3A_191], %swap3A_194 {strides = array<i32>} : memref<128xf32, #tpu.memory_space<vmem>>, vector<16xf32>,
        %swap3A_195 = arith.constant 0 : i32
        %swap3A_196 = arith.constant 0 : i32
        %swap3A_197 = tpu.memref_slice %arg11[%scan3A_155, %swap3A_195, %swap3A_196] : memref<4x32x128xf32, #tpu.memory_space<vmem>> -> memref<1x1x128xf32, #tpu.memory_space<vmem>>
        %swap3A_198 = tpu.memref_squeeze %swap3A_197 : memref<1x1x128xf32, #tpu.memory_space<vmem>> -> memref<128xf32, #tpu.memory_space<vmem>>
        %swap3A_199 = arith.constant 80 : index
        %swap3A_200 = tpu.vector_load %swap3A_198[%swap3A_199] {strides = array<i32>} : memref<128xf32, #tpu.memory_space<vmem>>, vector<16xf32>,
        %swap3A_201 = vector.shape_cast %swap3A_200 : vector<16xf32> to vector<16xf32>
        %swap3A_202 = vector.shape_cast %select_n3A_126 : vector<16xf32> to vector<16xf32>
        tpu.vector_store %swap3A_198[%swap3A_199], %swap3A_202 {strides = array<i32>} : memref<128xf32, #tpu.memory_space<vmem>>, vector<16xf32>,
        %swap3A_203 = arith.constant 0 : i32
        %swap3A_204 = arith.constant 0 : i32
        %swap3A_205 = tpu.memref_slice %arg11[%scan3A_155, %swap3A_203, %swap3A_204] : memref<4x32x128xf32, #tpu.memory_space<vmem>> -> memref<1x1x128xf32, #tpu.memory_space<vmem>>
        %swap3A_206 = tpu.memref_squeeze %swap3A_205 : memref<1x1x128xf32, #tpu.memory_space<vmem>> -> memref<128xf32, #tpu.memory_space<vmem>>
        %swap3A_207 = arith.constant 96 : index
        %swap3A_208 = tpu.vector_load %swap3A_206[%swap3A_207] {strides = array<i32>} : memref<128xf32, #tpu.memory_space<vmem>>, vector<16xf32>,
        %swap3A_209 = vector.shape_cast %swap3A_208 : vector<16xf32> to vector<16xf32>
        %swap3A_210 = vector.shape_cast %select_n3A_126 : vector<16xf32> to vector<16xf32>
        tpu.vector_store %swap3A_206[%swap3A_207], %swap3A_210 {strides = array<i32>} : memref<128xf32, #tpu.memory_space<vmem>>, vector<16xf32>,
        %swap3A_211 = arith.constant 0 : i32
        %swap3A_212 = arith.constant 0 : i32
        %swap3A_213 = tpu.memref_slice %arg11[%scan3A_155, %swap3A_211, %swap3A_212] : memref<4x32x128xf32, #tpu.memory_space<vmem>> -> memref<1x1x128xf32, #tpu.memory_space<vmem>>
        %swap3A_214 = tpu.memref_squeeze %swap3A_213 : memref<1x1x128xf32, #tpu.memory_space<vmem>> -> memref<128xf32, #tpu.memory_space<vmem>>
        %swap3A_215 = arith.constant 112 : index
        %swap3A_216 = tpu.vector_load %swap3A_214[%swap3A_215] {strides = array<i32>} : memref<128xf32, #tpu.memory_space<vmem>>, vector<16xf32>,
        %swap3A_217 = vector.shape_cast %swap3A_216 : vector<16xf32> to vector<16xf32>
        %swap3A_218 = vector.shape_cast %select_n3A_126 : vector<16xf32> to vector<16xf32>
        tpu.vector_store %swap3A_214[%swap3A_215], %swap3A_218 {strides = array<i32>} : memref<128xf32, #tpu.memory_space<vmem>>, vector<16xf32>,
        %swap3A_219 = arith.constant 1 : i32
        %swap3A_220 = arith.constant 0 : i32
        %swap3A_221 = tpu.memref_slice %arg11[%scan3A_155, %swap3A_219, %swap3A_220] : memref<4x32x128xf32, #tpu.memory_space<vmem>> -> memref<1x1x128xf32, #tpu.memory_space<vmem>>
        %swap3A_222 = tpu.memref_squeeze %swap3A_221 : memref<1x1x128xf32, #tpu.memory_space<vmem>> -> memref<128xf32, #tpu.memory_space<vmem>>
        %swap3A_223 = arith.constant 0 : index
        %swap3A_224 = tpu.vector_load %swap3A_222[%swap3A_223] {strides = array<i32>} : memref<128xf32, #tpu.memory_space<vmem>>, vector<16xf32>,
        %swap3A_225 = vector.shape_cast %swap3A_224 : vector<16xf32> to vector<16xf32>
        %swap3A_226 = vector.shape_cast %select_n3A_126 : vector<16xf32> to vector<16xf32>
        tpu.vector_store %swap3A_222[%swap3A_223], %swap3A_226 {strides = array<i32>} : memref<128xf32, #tpu.memory_space<vmem>>, vector<16xf32>,
        %swap3A_227 = arith.constant 1 : i32
        %swap3A_228 = arith.constant 0 : i32
        %swap3A_229 = tpu.memref_slice %arg11[%scan3A_155, %swap3A_227, %swap3A_228] : memref<4x32x128xf32, #tpu.memory_space<vmem>> -> memref<1x1x128xf32, #tpu.memory_space<vmem>>
        %swap3A_230 = tpu.memref_squeeze %swap3A_229 : memref<1x1x128xf32, #tpu.memory_space<vmem>> -> memref<128xf32, #tpu.memory_space<vmem>>
        %swap3A_231 = arith.constant 16 : index
        %swap3A_232 = tpu.vector_load %swap3A_230[%swap3A_231] {strides = array<i32>} : memref<128xf32, #tpu.memory_space<vmem>>, vector<16xf32>,
        %swap3A_233 = vector.shape_cast %swap3A_232 : vector<16xf32> to vector<16xf32>
        %swap3A_234 = vector.shape_cast %select_n3A_126 : vector<16xf32> to vector<16xf32>
        tpu.vector_store %swap3A_230[%swap3A_231], %swap3A_234 {strides = array<i32>} : memref<128xf32, #tpu.memory_space<vmem>>, vector<16xf32>,
        %swap3A_235 = arith.constant 1 : i32
        %swap3A_236 = arith.constant 0 : i32
        %swap3A_237 = tpu.memref_slice %arg11[%scan3A_155, %swap3A_235, %swap3A_236] : memref<4x32x128xf32, #tpu.memory_space<vmem>> -> memref<1x1x128xf32, #tpu.memory_space<vmem>>
        %swap3A_238 = tpu.memref_squeeze %swap3A_237 : memref<1x1x128xf32, #tpu.memory_space<vmem>> -> memref<128xf32, #tpu.memory_space<vmem>>
        %swap3A_239 = arith.constant 32 : index
        %swap3A_240 = tpu.vector_load %swap3A_238[%swap3A_239] {strides = array<i32>} : memref<128xf32, #tpu.memory_space<vmem>>, vector<16xf32>,
        %swap3A_241 = vector.shape_cast %swap3A_240 : vector<16xf32> to vector<16xf32>
        %swap3A_242 = vector.shape_cast %select_n3A_126 : vector<16xf32> to vector<16xf32>
        tpu.vector_store %swap3A_238[%swap3A_239], %swap3A_242 {strides = array<i32>} : memref<128xf32, #tpu.memory_space<vmem>>, vector<16xf32>,
        %swap3A_243 = arith.constant 1 : i32
        %swap3A_244 = arith.constant 0 : i32
        %swap3A_245 = tpu.memref_slice %arg11[%scan3A_155, %swap3A_243, %swap3A_244] : memref<4x32x128xf32, #tpu.memory_space<vmem>> -> memref<1x1x128xf32, #tpu.memory_space<vmem>>
        %swap3A_246 = tpu.memref_squeeze %swap3A_245 : memref<1x1x128xf32, #tpu.memory_space<vmem>> -> memref<128xf32, #tpu.memory_space<vmem>>
        %swap3A_247 = arith.constant 48 : index
        %swap3A_248 = tpu.vector_load %swap3A_246[%swap3A_247] {strides = array<i32>} : memref<128xf32, #tpu.memory_space<vmem>>, vector<16xf32>,
        %swap3A_249 = vector.shape_cast %swap3A_248 : vector<16xf32> to vector<16xf32>
        %swap3A_250 = vector.shape_cast %select_n3A_126 : vector<16xf32> to vector<16xf32>
        tpu.vector_store %swap3A_246[%swap3A_247], %swap3A_250 {strides = array<i32>} : memref<128xf32, #tpu.memory_space<vmem>>, vector<16xf32>,
        %swap3A_251 = arith.constant 1 : i32
        %swap3A_252 = arith.constant 0 : i32
        %swap3A_253 = tpu.memref_slice %arg11[%scan3A_155, %swap3A_251, %swap3A_252] : memref<4x32x128xf32, #tpu.memory_space<vmem>> -> memref<1x1x128xf32, #tpu.memory_space<vmem>>
        %swap3A_254 = tpu.memref_squeeze %swap3A_253 : memref<1x1x128xf32, #tpu.memory_space<vmem>> -> memref<128xf32, #tpu.memory_space<vmem>>
        %swap3A_255 = arith.constant 64 : index
        %swap3A_256 = tpu.vector_load %swap3A_254[%swap3A_255] {strides = array<i32>} : memref<128xf32, #tpu.memory_space<vmem>>, vector<16xf32>,
        %swap3A_257 = vector.shape_cast %swap3A_256 : vector<16xf32> to vector<16xf32>
        %swap3A_258 = vector.shape_cast %select_n3A_126 : vector<16xf32> to vector<16xf32>
        tpu.vector_store %swap3A_254[%swap3A_255], %swap3A_258 {strides = array<i32>} : memref<128xf32, #tpu.memory_space<vmem>>, vector<16xf32>,
        %swap3A_259 = arith.constant 1 : i32
        %swap3A_260 = arith.constant 0 : i32
        %swap3A_261 = tpu.memref_slice %arg11[%scan3A_155, %swap3A_259, %swap3A_260] : memref<4x32x128xf32, #tpu.memory_space<vmem>> -> memref<1x1x128xf32, #tpu.memory_space<vmem>>
        %swap3A_262 = tpu.memref_squeeze %swap3A_261 : memref<1x1x128xf32, #tpu.memory_space<vmem>> -> memref<128xf32, #tpu.memory_space<vmem>>
        %swap3A_263 = arith.constant 80 : index
        %swap3A_264 = tpu.vector_load %swap3A_262[%swap3A_263] {strides = array<i32>} : memref<128xf32, #tpu.memory_space<vmem>>, vector<16xf32>,
        %swap3A_265 = vector.shape_cast %swap3A_264 : vector<16xf32> to vector<16xf32>
        %swap3A_266 = vector.shape_cast %select_n3A_126 : vector<16xf32> to vector<16xf32>
        tpu.vector_store %swap3A_262[%swap3A_263], %swap3A_266 {strides = array<i32>} : memref<128xf32, #tpu.memory_space<vmem>>, vector<16xf32>,
        %swap3A_267 = arith.constant 1 : i32
        %swap3A_268 = arith.constant 0 : i32
        %swap3A_269 = tpu.memref_slice %arg11[%scan3A_155, %swap3A_267, %swap3A_268] : memref<4x32x128xf32, #tpu.memory_space<vmem>> -> memref<1x1x128xf32, #tpu.memory_space<vmem>>
        %swap3A_270 = tpu.memref_squeeze %swap3A_269 : memref<1x1x128xf32, #tpu.memory_space<vmem>> -> memref<128xf32, #tpu.memory_space<vmem>>
        %swap3A_271 = arith.constant 96 : index
        %swap3A_272 = tpu.vector_load %swap3A_270[%swap3A_271] {strides = array<i32>} : memref<128xf32, #tpu.memory_space<vmem>>, vector<16xf32>,
        %swap3A_273 = vector.shape_cast %swap3A_272 : vector<16xf32> to vector<16xf32>
        %swap3A_274 = vector.shape_cast %select_n3A_126 : vector<16xf32> to vector<16xf32>
        tpu.vector_store %swap3A_270[%swap3A_271], %swap3A_274 {strides = array<i32>} : memref<128xf32, #tpu.memory_space<vmem>>, vector<16xf32>,
        %swap3A_275 = arith.constant 1 : i32
        %swap3A_276 = arith.constant 0 : i32
        %swap3A_277 = tpu.memref_slice %arg11[%scan3A_155, %swap3A_275, %swap3A_276] : memref<4x32x128xf32, #tpu.memory_space<vmem>> -> memref<1x1x128xf32, #tpu.memory_space<vmem>>
        %swap3A_278 = tpu.memref_squeeze %swap3A_277 : memref<1x1x128xf32, #tpu.memory_space<vmem>> -> memref<128xf32, #tpu.memory_space<vmem>>
        %swap3A_279 = arith.constant 112 : index
        %swap3A_280 = tpu.vector_load %swap3A_278[%swap3A_279] {strides = array<i32>} : memref<128xf32, #tpu.memory_space<vmem>>, vector<16xf32>,
        %swap3A_281 = vector.shape_cast %swap3A_280 : vector<16xf32> to vector<16xf32>
        %swap3A_282 = vector.shape_cast %select_n3A_126 : vector<16xf32> to vector<16xf32>
        tpu.vector_store %swap3A_278[%swap3A_279], %swap3A_282 {strides = array<i32>} : memref<128xf32, #tpu.memory_space<vmem>>, vector<16xf32>,
        %swap3A_283 = arith.constant 2 : i32
        %swap3A_284 = arith.constant 0 : i32
        %swap3A_285 = tpu.memref_slice %arg11[%scan3A_155, %swap3A_283, %swap3A_284] : memref<4x32x128xf32, #tpu.memory_space<vmem>> -> memref<1x1x128xf32, #tpu.memory_space<vmem>>
        %swap3A_286 = tpu.memref_squeeze %swap3A_285 : memref<1x1x128xf32, #tpu.memory_space<vmem>> -> memref<128xf32, #tpu.memory_space<vmem>>
        %swap3A_287 = arith.constant 0 : index
        %swap3A_288 = tpu.vector_load %swap3A_286[%swap3A_287] {strides = array<i32>} : memref<128xf32, #tpu.memory_space<vmem>>, vector<16xf32>,
        %swap3A_289 = vector.shape_cast %swap3A_288 : vector<16xf32> to vector<16xf32>
        %swap3A_290 = vector.shape_cast %select_n3A_126 : vector<16xf32> to vector<16xf32>
        tpu.vector_store %swap3A_286[%swap3A_287], %swap3A_290 {strides = array<i32>} : memref<128xf32, #tpu.memory_space<vmem>>, vector<16xf32>,
        %swap3A_291 = arith.constant 2 : i32
        %swap3A_292 = arith.constant 0 : i32
        %swap3A_293 = tpu.memref_slice %arg11[%scan3A_155, %swap3A_291, %swap3A_292] : memref<4x32x128xf32, #tpu.memory_space<vmem>> -> memref<1x1x128xf32, #tpu.memory_space<vmem>>
        %swap3A_294 = tpu.memref_squeeze %swap3A_293 : memref<1x1x128xf32, #tpu.memory_space<vmem>> -> memref<128xf32, #tpu.memory_space<vmem>>
        %swap3A_295 = arith.constant 16 : index
        %swap3A_296 = tpu.vector_load %swap3A_294[%swap3A_295] {strides = array<i32>} : memref<128xf32, #tpu.memory_space<vmem>>, vector<16xf32>,
        %swap3A_297 = vector.shape_cast %swap3A_296 : vector<16xf32> to vector<16xf32>
        %swap3A_298 = vector.shape_cast %select_n3A_126 : vector<16xf32> to vector<16xf32>
        tpu.vector_store %swap3A_294[%swap3A_295], %swap3A_298 {strides = array<i32>} : memref<128xf32, #tpu.memory_space<vmem>>, vector<16xf32>,
        %swap3A_299 = arith.constant 2 : i32
        %swap3A_300 = arith.constant 0 : i32
        %swap3A_301 = tpu.memref_slice %arg11[%scan3A_155, %swap3A_299, %swap3A_300] : memref<4x32x128xf32, #tpu.memory_space<vmem>> -> memref<1x1x128xf32, #tpu.memory_space<vmem>>
        %swap3A_302 = tpu.memref_squeeze %swap3A_301 : memref<1x1x128xf32, #tpu.memory_space<vmem>> -> memref<128xf32, #tpu.memory_space<vmem>>
        %swap3A_303 = arith.constant 32 : index
        %swap3A_304 = tpu.vector_load %swap3A_302[%swap3A_303] {strides = array<i32>} : memref<128xf32, #tpu.memory_space<vmem>>, vector<16xf32>,
        %swap3A_305 = vector.shape_cast %swap3A_304 : vector<16xf32> to vector<16xf32>
        %swap3A_306 = vector.shape_cast %select_n3A_126 : vector<16xf32> to vector<16xf32>
        tpu.vector_store %swap3A_302[%swap3A_303], %swap3A_306 {strides = array<i32>} : memref<128xf32, #tpu.memory_space<vmem>>, vector<16xf32>,
        %swap3A_307 = arith.constant 2 : i32
        %swap3A_308 = arith.constant 0 : i32
        %swap3A_309 = tpu.memref_slice %arg11[%scan3A_155, %swap3A_307, %swap3A_308] : memref<4x32x128xf32, #tpu.memory_space<vmem>> -> memref<1x1x128xf32, #tpu.memory_space<vmem>>
        %swap3A_310 = tpu.memref_squeeze %swap3A_309 : memref<1x1x128xf32, #tpu.memory_space<vmem>> -> memref<128xf32, #tpu.memory_space<vmem>>
        %swap3A_311 = arith.constant 48 : index
        %swap3A_312 = tpu.vector_load %swap3A_310[%swap3A_311] {strides = array<i32>} : memref<128xf32, #tpu.memory_space<vmem>>, vector<16xf32>,
        %swap3A_313 = vector.shape_cast %swap3A_312 : vector<16xf32> to vector<16xf32>
        %swap3A_314 = vector.shape_cast %select_n3A_126 : vector<16xf32> to vector<16xf32>
        tpu.vector_store %swap3A_310[%swap3A_311], %swap3A_314 {strides = array<i32>} : memref<128xf32, #tpu.memory_space<vmem>>, vector<16xf32>,
        %swap3A_315 = arith.constant 2 : i32
        %swap3A_316 = arith.constant 0 : i32
        %swap3A_317 = tpu.memref_slice %arg11[%scan3A_155, %swap3A_315, %swap3A_316] : memref<4x32x128xf32, #tpu.memory_space<vmem>> -> memref<1x1x128xf32, #tpu.memory_space<vmem>>
        %swap3A_318 = tpu.memref_squeeze %swap3A_317 : memref<1x1x128xf32, #tpu.memory_space<vmem>> -> memref<128xf32, #tpu.memory_space<vmem>>
        %swap3A_319 = arith.constant 64 : index
        %swap3A_320 = tpu.vector_load %swap3A_318[%swap3A_319] {strides = array<i32>} : memref<128xf32, #tpu.memory_space<vmem>>, vector<16xf32>,
        %swap3A_321 = vector.shape_cast %swap3A_320 : vector<16xf32> to vector<16xf32>
        %swap3A_322 = vector.shape_cast %select_n3A_126 : vector<16xf32> to vector<16xf32>
        tpu.vector_store %swap3A_318[%swap3A_319], %swap3A_322 {strides = array<i32>} : memref<128xf32, #tpu.memory_space<vmem>>, vector<16xf32>,
        %swap3A_323 = arith.constant 2 : i32
        %swap3A_324 = arith.constant 0 : i32
        %swap3A_325 = tpu.memref_slice %arg11[%scan3A_155, %swap3A_323, %swap3A_324] : memref<4x32x128xf32, #tpu.memory_space<vmem>> -> memref<1x1x128xf32, #tpu.memory_space<vmem>>
        %swap3A_326 = tpu.memref_squeeze %swap3A_325 : memref<1x1x128xf32, #tpu.memory_space<vmem>> -> memref<128xf32, #tpu.memory_space<vmem>>
        %swap3A_327 = arith.constant 80 : index
        %swap3A_328 = tpu.vector_load %swap3A_326[%swap3A_327] {strides = array<i32>} : memref<128xf32, #tpu.memory_space<vmem>>, vector<16xf32>,
        %swap3A_329 = vector.shape_cast %swap3A_328 : vector<16xf32> to vector<16xf32>
        %swap3A_330 = vector.shape_cast %select_n3A_126 : vector<16xf32> to vector<16xf32>
        tpu.vector_store %swap3A_326[%swap3A_327], %swap3A_330 {strides = array<i32>} : memref<128xf32, #tpu.memory_space<vmem>>, vector<16xf32>,
        %swap3A_331 = arith.constant 2 : i32
        %swap3A_332 = arith.constant 0 : i32
        %swap3A_333 = tpu.memref_slice %arg11[%scan3A_155, %swap3A_331, %swap3A_332] : memref<4x32x128xf32, #tpu.memory_space<vmem>> -> memref<1x1x128xf32, #tpu.memory_space<vmem>>
        %swap3A_334 = tpu.memref_squeeze %swap3A_333 : memref<1x1x128xf32, #tpu.memory_space<vmem>> -> memref<128xf32, #tpu.memory_space<vmem>>
        %swap3A_335 = arith.constant 96 : index
        %swap3A_336 = tpu.vector_load %swap3A_334[%swap3A_335] {strides = array<i32>} : memref<128xf32, #tpu.memory_space<vmem>>, vector<16xf32>,
        %swap3A_337 = vector.shape_cast %swap3A_336 : vector<16xf32> to vector<16xf32>
        %swap3A_338 = vector.shape_cast %select_n3A_126 : vector<16xf32> to vector<16xf32>
        tpu.vector_store %swap3A_334[%swap3A_335], %swap3A_338 {strides = array<i32>} : memref<128xf32, #tpu.memory_space<vmem>>, vector<16xf32>,
        %swap3A_339 = arith.constant 2 : i32
        %swap3A_340 = arith.constant 0 : i32
        %swap3A_341 = tpu.memref_slice %arg11[%scan3A_155, %swap3A_339, %swap3A_340] : memref<4x32x128xf32, #tpu.memory_space<vmem>> -> memref<1x1x128xf32, #tpu.memory_space<vmem>>
        %swap3A_342 = tpu.memref_squeeze %swap3A_341 : memref<1x1x128xf32, #tpu.memory_space<vmem>> -> memref<128xf32, #tpu.memory_space<vmem>>
        %swap3A_343 = arith.constant 112 : index
        %swap3A_344 = tpu.vector_load %swap3A_342[%swap3A_343] {strides = array<i32>} : memref<128xf32, #tpu.memory_space<vmem>>, vector<16xf32>,
        %swap3A_345 = vector.shape_cast %swap3A_344 : vector<16xf32> to vector<16xf32>
        %swap3A_346 = vector.shape_cast %select_n3A_126 : vector<16xf32> to vector<16xf32>
        tpu.vector_store %swap3A_342[%swap3A_343], %swap3A_346 {strides = array<i32>} : memref<128xf32, #tpu.memory_space<vmem>>, vector<16xf32>,
        %swap3A_347 = arith.constant 3 : i32
        %swap3A_348 = arith.constant 0 : i32
        %swap3A_349 = tpu.memref_slice %arg11[%scan3A_155, %swap3A_347, %swap3A_348] : memref<4x32x128xf32, #tpu.memory_space<vmem>> -> memref<1x1x128xf32, #tpu.memory_space<vmem>>
        %swap3A_350 = tpu.memref_squeeze %swap3A_349 : memref<1x1x128xf32, #tpu.memory_space<vmem>> -> memref<128xf32, #tpu.memory_space<vmem>>
        %swap3A_351 = arith.constant 0 : index
        %swap3A_352 = tpu.vector_load %swap3A_350[%swap3A_351] {strides = array<i32>} : memref<128xf32, #tpu.memory_space<vmem>>, vector<16xf32>,
        %swap3A_353 = vector.shape_cast %swap3A_352 : vector<16xf32> to vector<16xf32>
        %swap3A_354 = vector.shape_cast %select_n3A_126 : vector<16xf32> to vector<16xf32>
        tpu.vector_store %swap3A_350[%swap3A_351], %swap3A_354 {strides = array<i32>} : memref<128xf32, #tpu.memory_space<vmem>>, vector<16xf32>,
        %swap3A_355 = arith.constant 3 : i32
        %swap3A_356 = arith.constant 0 : i32
        %swap3A_357 = tpu.memref_slice %arg11[%scan3A_155, %swap3A_355, %swap3A_356] : memref<4x32x128xf32, #tpu.memory_space<vmem>> -> memref<1x1x128xf32, #tpu.memory_space<vmem>>
        %swap3A_358 = tpu.memref_squeeze %swap3A_357 : memref<1x1x128xf32, #tpu.memory_space<vmem>> -> memref<128xf32, #tpu.memory_space<vmem>>
        %swap3A_359 = arith.constant 16 : index
        %swap3A_360 = tpu.vector_load %swap3A_358[%swap3A_359] {strides = array<i32>} : memref<128xf32, #tpu.memory_space<vmem>>, vector<16xf32>,
        %swap3A_361 = vector.shape_cast %swap3A_360 : vector<16xf32> to vector<16xf32>
        %swap3A_362 = vector.shape_cast %select_n3A_126 : vector<16xf32> to vector<16xf32>
        tpu.vector_store %swap3A_358[%swap3A_359], %swap3A_362 {strides = array<i32>} : memref<128xf32, #tpu.memory_space<vmem>>, vector<16xf32>,
        %swap3A_363 = arith.constant 3 : i32
        %swap3A_364 = arith.constant 0 : i32
        %swap3A_365 = tpu.memref_slice %arg11[%scan3A_155, %swap3A_363, %swap3A_364] : memref<4x32x128xf32, #tpu.memory_space<vmem>> -> memref<1x1x128xf32, #tpu.memory_space<vmem>>
        %swap3A_366 = tpu.memref_squeeze %swap3A_365 : memref<1x1x128xf32, #tpu.memory_space<vmem>> -> memref<128xf32, #tpu.memory_space<vmem>>
        %swap3A_367 = arith.constant 32 : index
        %swap3A_368 = tpu.vector_load %swap3A_366[%swap3A_367] {strides = array<i32>} : memref<128xf32, #tpu.memory_space<vmem>>, vector<16xf32>,
        %swap3A_369 = vector.shape_cast %swap3A_368 : vector<16xf32> to vector<16xf32>
        %swap3A_370 = vector.shape_cast %select_n3A_126 : vector<16xf32> to vector<16xf32>
        tpu.vector_store %swap3A_366[%swap3A_367], %swap3A_370 {strides = array<i32>} : memref<128xf32, #tpu.memory_space<vmem>>, vector<16xf32>,
        %swap3A_371 = arith.constant 3 : i32
        %swap3A_372 = arith.constant 0 : i32
        %swap3A_373 = tpu.memref_slice %arg11[%scan3A_155, %swap3A_371, %swap3A_372] : memref<4x32x128xf32, #tpu.memory_space<vmem>> -> memref<1x1x128xf32, #tpu.memory_space<vmem>>
        %swap3A_374 = tpu.memref_squeeze %swap3A_373 : memref<1x1x128xf32, #tpu.memory_space<vmem>> -> memref<128xf32, #tpu.memory_space<vmem>>
        %swap3A_375 = arith.constant 48 : index
        %swap3A_376 = tpu.vector_load %swap3A_374[%swap3A_375] {strides = array<i32>} : memref<128xf32, #tpu.memory_space<vmem>>, vector<16xf32>,
        %swap3A_377 = vector.shape_cast %swap3A_376 : vector<16xf32> to vector<16xf32>
        %swap3A_378 = vector.shape_cast %select_n3A_126 : vector<16xf32> to vector<16xf32>
        tpu.vector_store %swap3A_374[%swap3A_375], %swap3A_378 {strides = array<i32>} : memref<128xf32, #tpu.memory_space<vmem>>, vector<16xf32>,
        %swap3A_379 = arith.constant 3 : i32
        %swap3A_380 = arith.constant 0 : i32
        %swap3A_381 = tpu.memref_slice %arg11[%scan3A_155, %swap3A_379, %swap3A_380] : memref<4x32x128xf32, #tpu.memory_space<vmem>> -> memref<1x1x128xf32, #tpu.memory_space<vmem>>
        %swap3A_382 = tpu.memref_squeeze %swap3A_381 : memref<1x1x128xf32, #tpu.memory_space<vmem>> -> memref<128xf32, #tpu.memory_space<vmem>>
        %swap3A_383 = arith.constant 64 : index
        %swap3A_384 = tpu.vector_load %swap3A_382[%swap3A_383] {strides = array<i32>} : memref<128xf32, #tpu.memory_space<vmem>>, vector<16xf32>,
        %swap3A_385 = vector.shape_cast %swap3A_384 : vector<16xf32> to vector<16xf32>
        %swap3A_386 = vector.shape_cast %select_n3A_126 : vector<16xf32> to vector<16xf32>
        tpu.vector_store %swap3A_382[%swap3A_383], %swap3A_386 {strides = array<i32>} : memref<128xf32, #tpu.memory_space<vmem>>, vector<16xf32>,
        %swap3A_387 = arith.constant 3 : i32
        %swap3A_388 = arith.constant 0 : i32
        %swap3A_389 = tpu.memref_slice %arg11[%scan3A_155, %swap3A_387, %swap3A_388] : memref<4x32x128xf32, #tpu.memory_space<vmem>> -> memref<1x1x128xf32, #tpu.memory_space<vmem>>
        %swap3A_390 = tpu.memref_squeeze %swap3A_389 : memref<1x1x128xf32, #tpu.memory_space<vmem>> -> memref<128xf32, #tpu.memory_space<vmem>>
        %swap3A_391 = arith.constant 80 : index
        %swap3A_392 = tpu.vector_load %swap3A_390[%swap3A_391] {strides = array<i32>} : memref<128xf32, #tpu.memory_space<vmem>>, vector<16xf32>,
        %swap3A_393 = vector.shape_cast %swap3A_392 : vector<16xf32> to vector<16xf32>
        %swap3A_394 = vector.shape_cast %select_n3A_126 : vector<16xf32> to vector<16xf32>
        tpu.vector_store %swap3A_390[%swap3A_391], %swap3A_394 {strides = array<i32>} : memref<128xf32, #tpu.memory_space<vmem>>, vector<16xf32>,
        %swap3A_395 = arith.constant 3 : i32
        %swap3A_396 = arith.constant 0 : i32
        %swap3A_397 = tpu.memref_slice %arg11[%scan3A_155, %swap3A_395, %swap3A_396] : memref<4x32x128xf32, #tpu.memory_space<vmem>> -> memref<1x1x128xf32, #tpu.memory_space<vmem>>
        %swap3A_398 = tpu.memref_squeeze %swap3A_397 : memref<1x1x128xf32, #tpu.memory_space<vmem>> -> memref<128xf32, #tpu.memory_space<vmem>>
        %swap3A_399 = arith.constant 96 : index
        %swap3A_400 = tpu.vector_load %swap3A_398[%swap3A_399] {strides = array<i32>} : memref<128xf32, #tpu.memory_space<vmem>>, vector<16xf32>,
        %swap3A_401 = vector.shape_cast %swap3A_400 : vector<16xf32> to vector<16xf32>
        %swap3A_402 = vector.shape_cast %select_n3A_126 : vector<16xf32> to vector<16xf32>
        tpu.vector_store %swap3A_398[%swap3A_399], %swap3A_402 {strides = array<i32>} : memref<128xf32, #tpu.memory_space<vmem>>, vector<16xf32>,
        %swap3A_403 = arith.constant 3 : i32
        %swap3A_404 = arith.constant 0 : i32
        %swap3A_405 = tpu.memref_slice %arg11[%scan3A_155, %swap3A_403, %swap3A_404] : memref<4x32x128xf32, #tpu.memory_space<vmem>> -> memref<1x1x128xf32, #tpu.memory_space<vmem>>
        %swap3A_406 = tpu.memref_squeeze %swap3A_405 : memref<1x1x128xf32, #tpu.memory_space<vmem>> -> memref<128xf32, #tpu.memory_space<vmem>>
        %swap3A_407 = arith.constant 112 : index
        %swap3A_408 = tpu.vector_load %swap3A_406[%swap3A_407] {strides = array<i32>} : memref<128xf32, #tpu.memory_space<vmem>>, vector<16xf32>,
        %swap3A_409 = vector.shape_cast %swap3A_408 : vector<16xf32> to vector<16xf32>
        %swap3A_410 = vector.shape_cast %select_n3A_126 : vector<16xf32> to vector<16xf32>
        tpu.vector_store %swap3A_406[%swap3A_407], %swap3A_410 {strides = array<i32>} : memref<128xf32, #tpu.memory_space<vmem>>, vector<16xf32>,
        %swap3A_411 = arith.constant 4 : i32
        %swap3A_412 = arith.constant 0 : i32
        %swap3A_413 = tpu.memref_slice %arg11[%scan3A_155, %swap3A_411, %swap3A_412] : memref<4x32x128xf32, #tpu.memory_space<vmem>> -> memref<1x1x128xf32, #tpu.memory_space<vmem>>
        %swap3A_414 = tpu.memref_squeeze %swap3A_413 : memref<1x1x128xf32, #tpu.memory_space<vmem>> -> memref<128xf32, #tpu.memory_space<vmem>>
        %swap3A_415 = arith.constant 0 : index
        %swap3A_416 = tpu.vector_load %swap3A_414[%swap3A_415] {strides = array<i32>} : memref<128xf32, #tpu.memory_space<vmem>>, vector<16xf32>,
        %swap3A_417 = vector.shape_cast %swap3A_416 : vector<16xf32> to vector<16xf32>
        %swap3A_418 = vector.shape_cast %select_n3A_126 : vector<16xf32> to vector<16xf32>
        tpu.vector_store %swap3A_414[%swap3A_415], %swap3A_418 {strides = array<i32>} : memref<128xf32, #tpu.memory_space<vmem>>, vector<16xf32>,
        %swap3A_419 = arith.constant 4 : i32
        %swap3A_420 = arith.constant 0 : i32
        %swap3A_421 = tpu.memref_slice %arg11[%scan3A_155, %swap3A_419, %swap3A_420] : memref<4x32x128xf32, #tpu.memory_space<vmem>> -> memref<1x1x128xf32, #tpu.memory_space<vmem>>
        %swap3A_422 = tpu.memref_squeeze %swap3A_421 : memref<1x1x128xf32, #tpu.memory_space<vmem>> -> memref<128xf32, #tpu.memory_space<vmem>>
        %swap3A_423 = arith.constant 16 : index
        %swap3A_424 = tpu.vector_load %swap3A_422[%swap3A_423] {strides = array<i32>} : memref<128xf32, #tpu.memory_space<vmem>>, vector<16xf32>,
        %swap3A_425 = vector.shape_cast %swap3A_424 : vector<16xf32> to vector<16xf32>
        %swap3A_426 = vector.shape_cast %select_n3A_126 : vector<16xf32> to vector<16xf32>
        tpu.vector_store %swap3A_422[%swap3A_423], %swap3A_426 {strides = array<i32>} : memref<128xf32, #tpu.memory_space<vmem>>, vector<16xf32>,
        %swap3A_427 = arith.constant 4 : i32
        %swap3A_428 = arith.constant 0 : i32
        %swap3A_429 = tpu.memref_slice %arg11[%scan3A_155, %swap3A_427, %swap3A_428] : memref<4x32x128xf32, #tpu.memory_space<vmem>> -> memref<1x1x128xf32, #tpu.memory_space<vmem>>
        %swap3A_430 = tpu.memref_squeeze %swap3A_429 : memref<1x1x128xf32, #tpu.memory_space<vmem>> -> memref<128xf32, #tpu.memory_space<vmem>>
        %swap3A_431 = arith.constant 32 : index
        %swap3A_432 = tpu.vector_load %swap3A_430[%swap3A_431] {strides = array<i32>} : memref<128xf32, #tpu.memory_space<vmem>>, vector<16xf32>,
        %swap3A_433 = vector.shape_cast %swap3A_432 : vector<16xf32> to vector<16xf32>
        %swap3A_434 = vector.shape_cast %select_n3A_126 : vector<16xf32> to vector<16xf32>
        tpu.vector_store %swap3A_430[%swap3A_431], %swap3A_434 {strides = array<i32>} : memref<128xf32, #tpu.memory_space<vmem>>, vector<16xf32>,
        %swap3A_435 = arith.constant 4 : i32
        %swap3A_436 = arith.constant 0 : i32
        %swap3A_437 = tpu.memref_slice %arg11[%scan3A_155, %swap3A_435, %swap3A_436] : memref<4x32x128xf32, #tpu.memory_space<vmem>> -> memref<1x1x128xf32, #tpu.memory_space<vmem>>
        %swap3A_438 = tpu.memref_squeeze %swap3A_437 : memref<1x1x128xf32, #tpu.memory_space<vmem>> -> memref<128xf32, #tpu.memory_space<vmem>>
        %swap3A_439 = arith.constant 48 : index
        %swap3A_440 = tpu.vector_load %swap3A_438[%swap3A_439] {strides = array<i32>} : memref<128xf32, #tpu.memory_space<vmem>>, vector<16xf32>,
        %swap3A_441 = vector.shape_cast %swap3A_440 : vector<16xf32> to vector<16xf32>
        %swap3A_442 = vector.shape_cast %select_n3A_126 : vector<16xf32> to vector<16xf32>
        tpu.vector_store %swap3A_438[%swap3A_439], %swap3A_442 {strides = array<i32>} : memref<128xf32, #tpu.memory_space<vmem>>, vector<16xf32>,
        %swap3A_443 = arith.constant 4 : i32
        %swap3A_444 = arith.constant 0 : i32
        %swap3A_445 = tpu.memref_slice %arg11[%scan3A_155, %swap3A_443, %swap3A_444] : memref<4x32x128xf32, #tpu.memory_space<vmem>> -> memref<1x1x128xf32, #tpu.memory_space<vmem>>
        %swap3A_446 = tpu.memref_squeeze %swap3A_445 : memref<1x1x128xf32, #tpu.memory_space<vmem>> -> memref<128xf32, #tpu.memory_space<vmem>>
        %swap3A_447 = arith.constant 64 : index
        %swap3A_448 = tpu.vector_load %swap3A_446[%swap3A_447] {strides = array<i32>} : memref<128xf32, #tpu.memory_space<vmem>>, vector<16xf32>,
        %swap3A_449 = vector.shape_cast %swap3A_448 : vector<16xf32> to vector<16xf32>
        %swap3A_450 = vector.shape_cast %select_n3A_126 : vector<16xf32> to vector<16xf32>
        tpu.vector_store %swap3A_446[%swap3A_447], %swap3A_450 {strides = array<i32>} : memref<128xf32, #tpu.memory_space<vmem>>, vector<16xf32>,
        %swap3A_451 = arith.constant 4 : i32
        %swap3A_452 = arith.constant 0 : i32
        %swap3A_453 = tpu.memref_slice %arg11[%scan3A_155, %swap3A_451, %swap3A_452] : memref<4x32x128xf32, #tpu.memory_space<vmem>> -> memref<1x1x128xf32, #tpu.memory_space<vmem>>
        %swap3A_454 = tpu.memref_squeeze %swap3A_453 : memref<1x1x128xf32, #tpu.memory_space<vmem>> -> memref<128xf32, #tpu.memory_space<vmem>>
        %swap3A_455 = arith.constant 80 : index
        %swap3A_456 = tpu.vector_load %swap3A_454[%swap3A_455] {strides = array<i32>} : memref<128xf32, #tpu.memory_space<vmem>>, vector<16xf32>,
        %swap3A_457 = vector.shape_cast %swap3A_456 : vector<16xf32> to vector<16xf32>
        %swap3A_458 = vector.shape_cast %select_n3A_126 : vector<16xf32> to vector<16xf32>
        tpu.vector_store %swap3A_454[%swap3A_455], %swap3A_458 {strides = array<i32>} : memref<128xf32, #tpu.memory_space<vmem>>, vector<16xf32>,
        %swap3A_459 = arith.constant 4 : i32
        %swap3A_460 = arith.constant 0 : i32
        %swap3A_461 = tpu.memref_slice %arg11[%scan3A_155, %swap3A_459, %swap3A_460] : memref<4x32x128xf32, #tpu.memory_space<vmem>> -> memref<1x1x128xf32, #tpu.memory_space<vmem>>
        %swap3A_462 = tpu.memref_squeeze %swap3A_461 : memref<1x1x128xf32, #tpu.memory_space<vmem>> -> memref<128xf32, #tpu.memory_space<vmem>>
        %swap3A_463 = arith.constant 96 : index
        %swap3A_464 = tpu.vector_load %swap3A_462[%swap3A_463] {strides = array<i32>} : memref<128xf32, #tpu.memory_space<vmem>>, vector<16xf32>,
        %swap3A_465 = vector.shape_cast %swap3A_464 : vector<16xf32> to vector<16xf32>
        %swap3A_466 = vector.shape_cast %select_n3A_126 : vector<16xf32> to vector<16xf32>
        tpu.vector_store %swap3A_462[%swap3A_463], %swap3A_466 {strides = array<i32>} : memref<128xf32, #tpu.memory_space<vmem>>, vector<16xf32>,
        %swap3A_467 = arith.constant 4 : i32
        %swap3A_468 = arith.constant 0 : i32
        %swap3A_469 = tpu.memref_slice %arg11[%scan3A_155, %swap3A_467, %swap3A_468] : memref<4x32x128xf32, #tpu.memory_space<vmem>> -> memref<1x1x128xf32, #tpu.memory_space<vmem>>
        %swap3A_470 = tpu.memref_squeeze %swap3A_469 : memref<1x1x128xf32, #tpu.memory_space<vmem>> -> memref<128xf32, #tpu.memory_space<vmem>>
        %swap3A_471 = arith.constant 112 : index
        %swap3A_472 = tpu.vector_load %swap3A_470[%swap3A_471] {strides = array<i32>} : memref<128xf32, #tpu.memory_space<vmem>>, vector<16xf32>,
        %swap3A_473 = vector.shape_cast %swap3A_472 : vector<16xf32> to vector<16xf32>
        %swap3A_474 = vector.shape_cast %select_n3A_126 : vector<16xf32> to vector<16xf32>
        tpu.vector_store %swap3A_470[%swap3A_471], %swap3A_474 {strides = array<i32>} : memref<128xf32, #tpu.memory_space<vmem>>, vector<16xf32>,
        %swap3A_475 = arith.constant 5 : i32
        %swap3A_476 = arith.constant 0 : i32
        %swap3A_477 = tpu.memref_slice %arg11[%scan3A_155, %swap3A_475, %swap3A_476] : memref<4x32x128xf32, #tpu.memory_space<vmem>> -> memref<1x1x128xf32, #tpu.memory_space<vmem>>
        %swap3A_478 = tpu.memref_squeeze %swap3A_477 : memref<1x1x128xf32, #tpu.memory_space<vmem>> -> memref<128xf32, #tpu.memory_space<vmem>>
        %swap3A_479 = arith.constant 0 : index
        %swap3A_480 = tpu.vector_load %swap3A_478[%swap3A_479] {strides = array<i32>} : memref<128xf32, #tpu.memory_space<vmem>>, vector<16xf32>,
        %swap3A_481 = vector.shape_cast %swap3A_480 : vector<16xf32> to vector<16xf32>
        %swap3A_482 = vector.shape_cast %select_n3A_126 : vector<16xf32> to vector<16xf32>
        tpu.vector_store %swap3A_478[%swap3A_479], %swap3A_482 {strides = array<i32>} : memref<128xf32, #tpu.memory_space<vmem>>, vector<16xf32>,
        %swap3A_483 = arith.constant 5 : i32
        %swap3A_484 = arith.constant 0 : i32
        %swap3A_485 = tpu.memref_slice %arg11[%scan3A_155, %swap3A_483, %swap3A_484] : memref<4x32x128xf32, #tpu.memory_space<vmem>> -> memref<1x1x128xf32, #tpu.memory_space<vmem>>
        %swap3A_486 = tpu.memref_squeeze %swap3A_485 : memref<1x1x128xf32, #tpu.memory_space<vmem>> -> memref<128xf32, #tpu.memory_space<vmem>>
        %swap3A_487 = arith.constant 16 : index
        %swap3A_488 = tpu.vector_load %swap3A_486[%swap3A_487] {strides = array<i32>} : memref<128xf32, #tpu.memory_space<vmem>>, vector<16xf32>,
        %swap3A_489 = vector.shape_cast %swap3A_488 : vector<16xf32> to vector<16xf32>
        %swap3A_490 = vector.shape_cast %select_n3A_126 : vector<16xf32> to vector<16xf32>
        tpu.vector_store %swap3A_486[%swap3A_487], %swap3A_490 {strides = array<i32>} : memref<128xf32, #tpu.memory_space<vmem>>, vector<16xf32>,
        %swap3A_491 = arith.constant 5 : i32
        %swap3A_492 = arith.constant 0 : i32
        %swap3A_493 = tpu.memref_slice %arg11[%scan3A_155, %swap3A_491, %swap3A_492] : memref<4x32x128xf32, #tpu.memory_space<vmem>> -> memref<1x1x128xf32, #tpu.memory_space<vmem>>
        %swap3A_494 = tpu.memref_squeeze %swap3A_493 : memref<1x1x128xf32, #tpu.memory_space<vmem>> -> memref<128xf32, #tpu.memory_space<vmem>>
        %swap3A_495 = arith.constant 32 : index
        %swap3A_496 = tpu.vector_load %swap3A_494[%swap3A_495] {strides = array<i32>} : memref<128xf32, #tpu.memory_space<vmem>>, vector<16xf32>,
        %swap3A_497 = vector.shape_cast %swap3A_496 : vector<16xf32> to vector<16xf32>
        %swap3A_498 = vector.shape_cast %select_n3A_126 : vector<16xf32> to vector<16xf32>
        tpu.vector_store %swap3A_494[%swap3A_495], %swap3A_498 {strides = array<i32>} : memref<128xf32, #tpu.memory_space<vmem>>, vector<16xf32>,
        %swap3A_499 = arith.constant 5 : i32
        %swap3A_500 = arith.constant 0 : i32
        %swap3A_501 = tpu.memref_slice %arg11[%scan3A_155, %swap3A_499, %swap3A_500] : memref<4x32x128xf32, #tpu.memory_space<vmem>> -> memref<1x1x128xf32, #tpu.memory_space<vmem>>
        %swap3A_502 = tpu.memref_squeeze %swap3A_501 : memref<1x1x128xf32, #tpu.memory_space<vmem>> -> memref<128xf32, #tpu.memory_space<vmem>>
        %swap3A_503 = arith.constant 48 : index
        %swap3A_504 = tpu.vector_load %swap3A_502[%swap3A_503] {strides = array<i32>} : memref<128xf32, #tpu.memory_space<vmem>>, vector<16xf32>,
        %swap3A_505 = vector.shape_cast %swap3A_504 : vector<16xf32> to vector<16xf32>
        %swap3A_506 = vector.shape_cast %select_n3A_126 : vector<16xf32> to vector<16xf32>
        tpu.vector_store %swap3A_502[%swap3A_503], %swap3A_506 {strides = array<i32>} : memref<128xf32, #tpu.memory_space<vmem>>, vector<16xf32>,
        %swap3A_507 = arith.constant 5 : i32
        %swap3A_508 = arith.constant 0 : i32
        %swap3A_509 = tpu.memref_slice %arg11[%scan3A_155, %swap3A_507, %swap3A_508] : memref<4x32x128xf32, #tpu.memory_space<vmem>> -> memref<1x1x128xf32, #tpu.memory_space<vmem>>
        %swap3A_510 = tpu.memref_squeeze %swap3A_509 : memref<1x1x128xf32, #tpu.memory_space<vmem>> -> memref<128xf32, #tpu.memory_space<vmem>>
        %swap3A_511 = arith.constant 64 : index
        %swap3A_512 = tpu.vector_load %swap3A_510[%swap3A_511] {strides = array<i32>} : memref<128xf32, #tpu.memory_space<vmem>>, vector<16xf32>,
        %swap3A_513 = vector.shape_cast %swap3A_512 : vector<16xf32> to vector<16xf32>
        %swap3A_514 = vector.shape_cast %select_n3A_126 : vector<16xf32> to vector<16xf32>
        tpu.vector_store %swap3A_510[%swap3A_511], %swap3A_514 {strides = array<i32>} : memref<128xf32, #tpu.memory_space<vmem>>, vector<16xf32>,
        %swap3A_515 = arith.constant 5 : i32
        %swap3A_516 = arith.constant 0 : i32
        %swap3A_517 = tpu.memref_slice %arg11[%scan3A_155, %swap3A_515, %swap3A_516] : memref<4x32x128xf32, #tpu.memory_space<vmem>> -> memref<1x1x128xf32, #tpu.memory_space<vmem>>
        %swap3A_518 = tpu.memref_squeeze %swap3A_517 : memref<1x1x128xf32, #tpu.memory_space<vmem>> -> memref<128xf32, #tpu.memory_space<vmem>>
        %swap3A_519 = arith.constant 80 : index
        %swap3A_520 = tpu.vector_load %swap3A_518[%swap3A_519] {strides = array<i32>} : memref<128xf32, #tpu.memory_space<vmem>>, vector<16xf32>,
        %swap3A_521 = vector.shape_cast %swap3A_520 : vector<16xf32> to vector<16xf32>
        %swap3A_522 = vector.shape_cast %select_n3A_126 : vector<16xf32> to vector<16xf32>
        tpu.vector_store %swap3A_518[%swap3A_519], %swap3A_522 {strides = array<i32>} : memref<128xf32, #tpu.memory_space<vmem>>, vector<16xf32>,
        %swap3A_523 = arith.constant 5 : i32
        %swap3A_524 = arith.constant 0 : i32
        %swap3A_525 = tpu.memref_slice %arg11[%scan3A_155, %swap3A_523, %swap3A_524] : memref<4x32x128xf32, #tpu.memory_space<vmem>> -> memref<1x1x128xf32, #tpu.memory_space<vmem>>
        %swap3A_526 = tpu.memref_squeeze %swap3A_525 : memref<1x1x128xf32, #tpu.memory_space<vmem>> -> memref<128xf32, #tpu.memory_space<vmem>>
        %swap3A_527 = arith.constant 96 : index
        %swap3A_528 = tpu.vector_load %swap3A_526[%swap3A_527] {strides = array<i32>} : memref<128xf32, #tpu.memory_space<vmem>>, vector<16xf32>,
        %swap3A_529 = vector.shape_cast %swap3A_528 : vector<16xf32> to vector<16xf32>
        %swap3A_530 = vector.shape_cast %select_n3A_126 : vector<16xf32> to vector<16xf32>
        tpu.vector_store %swap3A_526[%swap3A_527], %swap3A_530 {strides = array<i32>} : memref<128xf32, #tpu.memory_space<vmem>>, vector<16xf32>,
        %swap3A_531 = arith.constant 5 : i32
        %swap3A_532 = arith.constant 0 : i32
        %swap3A_533 = tpu.memref_slice %arg11[%scan3A_155, %swap3A_531, %swap3A_532] : memref<4x32x128xf32, #tpu.memory_space<vmem>> -> memref<1x1x128xf32, #tpu.memory_space<vmem>>
        %swap3A_534 = tpu.memref_squeeze %swap3A_533 : memref<1x1x128xf32, #tpu.memory_space<vmem>> -> memref<128xf32, #tpu.memory_space<vmem>>
        %swap3A_535 = arith.constant 112 : index
        %swap3A_536 = tpu.vector_load %swap3A_534[%swap3A_535] {strides = array<i32>} : memref<128xf32, #tpu.memory_space<vmem>>, vector<16xf32>,
        %swap3A_537 = vector.shape_cast %swap3A_536 : vector<16xf32> to vector<16xf32>
        %swap3A_538 = vector.shape_cast %select_n3A_126 : vector<16xf32> to vector<16xf32>
        tpu.vector_store %swap3A_534[%swap3A_535], %swap3A_538 {strides = array<i32>} : memref<128xf32, #tpu.memory_space<vmem>>, vector<16xf32>,
        %swap3A_539 = arith.constant 6 : i32
        %swap3A_540 = arith.constant 0 : i32
        %swap3A_541 = tpu.memref_slice %arg11[%scan3A_155, %swap3A_539, %swap3A_540] : memref<4x32x128xf32, #tpu.memory_space<vmem>> -> memref<1x1x128xf32, #tpu.memory_space<vmem>>
        %swap3A_542 = tpu.memref_squeeze %swap3A_541 : memref<1x1x128xf32, #tpu.memory_space<vmem>> -> memref<128xf32, #tpu.memory_space<vmem>>
        %swap3A_543 = arith.constant 0 : index
        %swap3A_544 = tpu.vector_load %swap3A_542[%swap3A_543] {strides = array<i32>} : memref<128xf32, #tpu.memory_space<vmem>>, vector<16xf32>,
        %swap3A_545 = vector.shape_cast %swap3A_544 : vector<16xf32> to vector<16xf32>
        %swap3A_546 = vector.shape_cast %select_n3A_126 : vector<16xf32> to vector<16xf32>
        tpu.vector_store %swap3A_542[%swap3A_543], %swap3A_546 {strides = array<i32>} : memref<128xf32, #tpu.memory_space<vmem>>, vector<16xf32>,
        %swap3A_547 = arith.constant 6 : i32
        %swap3A_548 = arith.constant 0 : i32
        %swap3A_549 = tpu.memref_slice %arg11[%scan3A_155, %swap3A_547, %swap3A_548] : memref<4x32x128xf32, #tpu.memory_space<vmem>> -> memref<1x1x128xf32, #tpu.memory_space<vmem>>
        %swap3A_550 = tpu.memref_squeeze %swap3A_549 : memref<1x1x128xf32, #tpu.memory_space<vmem>> -> memref<128xf32, #tpu.memory_space<vmem>>
        %swap3A_551 = arith.constant 16 : index
        %swap3A_552 = tpu.vector_load %swap3A_550[%swap3A_551] {strides = array<i32>} : memref<128xf32, #tpu.memory_space<vmem>>, vector<16xf32>,
        %swap3A_553 = vector.shape_cast %swap3A_552 : vector<16xf32> to vector<16xf32>
        %swap3A_554 = vector.shape_cast %select_n3A_126 : vector<16xf32> to vector<16xf32>
        tpu.vector_store %swap3A_550[%swap3A_551], %swap3A_554 {strides = array<i32>} : memref<128xf32, #tpu.memory_space<vmem>>, vector<16xf32>,
        %swap3A_555 = arith.constant 6 : i32
        %swap3A_556 = arith.constant 0 : i32
        %swap3A_557 = tpu.memref_slice %arg11[%scan3A_155, %swap3A_555, %swap3A_556] : memref<4x32x128xf32, #tpu.memory_space<vmem>> -> memref<1x1x128xf32, #tpu.memory_space<vmem>>
        %swap3A_558 = tpu.memref_squeeze %swap3A_557 : memref<1x1x128xf32, #tpu.memory_space<vmem>> -> memref<128xf32, #tpu.memory_space<vmem>>
        %swap3A_559 = arith.constant 32 : index
        %swap3A_560 = tpu.vector_load %swap3A_558[%swap3A_559] {strides = array<i32>} : memref<128xf32, #tpu.memory_space<vmem>>, vector<16xf32>,
        %swap3A_561 = vector.shape_cast %swap3A_560 : vector<16xf32> to vector<16xf32>
        %swap3A_562 = vector.shape_cast %select_n3A_126 : vector<16xf32> to vector<16xf32>
        tpu.vector_store %swap3A_558[%swap3A_559], %swap3A_562 {strides = array<i32>} : memref<128xf32, #tpu.memory_space<vmem>>, vector<16xf32>,
        %swap3A_563 = arith.constant 6 : i32
        %swap3A_564 = arith.constant 0 : i32
        %swap3A_565 = tpu.memref_slice %arg11[%scan3A_155, %swap3A_563, %swap3A_564] : memref<4x32x128xf32, #tpu.memory_space<vmem>> -> memref<1x1x128xf32, #tpu.memory_space<vmem>>
        %swap3A_566 = tpu.memref_squeeze %swap3A_565 : memref<1x1x128xf32, #tpu.memory_space<vmem>> -> memref<128xf32, #tpu.memory_space<vmem>>
        %swap3A_567 = arith.constant 48 : index
        %swap3A_568 = tpu.vector_load %swap3A_566[%swap3A_567] {strides = array<i32>} : memref<128xf32, #tpu.memory_space<vmem>>, vector<16xf32>,
        %swap3A_569 = vector.shape_cast %swap3A_568 : vector<16xf32> to vector<16xf32>
        %swap3A_570 = vector.shape_cast %select_n3A_126 : vector<16xf32> to vector<16xf32>
        tpu.vector_store %swap3A_566[%swap3A_567], %swap3A_570 {strides = array<i32>} : memref<128xf32, #tpu.memory_space<vmem>>, vector<16xf32>,
        %swap3A_571 = arith.constant 6 : i32
        %swap3A_572 = arith.constant 0 : i32
        %swap3A_573 = tpu.memref_slice %arg11[%scan3A_155, %swap3A_571, %swap3A_572] : memref<4x32x128xf32, #tpu.memory_space<vmem>> -> memref<1x1x128xf32, #tpu.memory_space<vmem>>
        %swap3A_574 = tpu.memref_squeeze %swap3A_573 : memref<1x1x128xf32, #tpu.memory_space<vmem>> -> memref<128xf32, #tpu.memory_space<vmem>>
        %swap3A_575 = arith.constant 64 : index
        %swap3A_576 = tpu.vector_load %swap3A_574[%swap3A_575] {strides = array<i32>} : memref<128xf32, #tpu.memory_space<vmem>>, vector<16xf32>,
        %swap3A_577 = vector.shape_cast %swap3A_576 : vector<16xf32> to vector<16xf32>
        %swap3A_578 = vector.shape_cast %select_n3A_126 : vector<16xf32> to vector<16xf32>
        tpu.vector_store %swap3A_574[%swap3A_575], %swap3A_578 {strides = array<i32>} : memref<128xf32, #tpu.memory_space<vmem>>, vector<16xf32>,
        %swap3A_579 = arith.constant 6 : i32
        %swap3A_580 = arith.constant 0 : i32
        %swap3A_581 = tpu.memref_slice %arg11[%scan3A_155, %swap3A_579, %swap3A_580] : memref<4x32x128xf32, #tpu.memory_space<vmem>> -> memref<1x1x128xf32, #tpu.memory_space<vmem>>
        %swap3A_582 = tpu.memref_squeeze %swap3A_581 : memref<1x1x128xf32, #tpu.memory_space<vmem>> -> memref<128xf32, #tpu.memory_space<vmem>>
        %swap3A_583 = arith.constant 80 : index
        %swap3A_584 = tpu.vector_load %swap3A_582[%swap3A_583] {strides = array<i32>} : memref<128xf32, #tpu.memory_space<vmem>>, vector<16xf32>,
        %swap3A_585 = vector.shape_cast %swap3A_584 : vector<16xf32> to vector<16xf32>
        %swap3A_586 = vector.shape_cast %select_n3A_126 : vector<16xf32> to vector<16xf32>
        tpu.vector_store %swap3A_582[%swap3A_583], %swap3A_586 {strides = array<i32>} : memref<128xf32, #tpu.memory_space<vmem>>, vector<16xf32>,
        %swap3A_587 = arith.constant 6 : i32
        %swap3A_588 = arith.constant 0 : i32
        %swap3A_589 = tpu.memref_slice %arg11[%scan3A_155, %swap3A_587, %swap3A_588] : memref<4x32x128xf32, #tpu.memory_space<vmem>> -> memref<1x1x128xf32, #tpu.memory_space<vmem>>
        %swap3A_590 = tpu.memref_squeeze %swap3A_589 : memref<1x1x128xf32, #tpu.memory_space<vmem>> -> memref<128xf32, #tpu.memory_space<vmem>>
        %swap3A_591 = arith.constant 96 : index
        %swap3A_592 = tpu.vector_load %swap3A_590[%swap3A_591] {strides = array<i32>} : memref<128xf32, #tpu.memory_space<vmem>>, vector<16xf32>,
        %swap3A_593 = vector.shape_cast %swap3A_592 : vector<16xf32> to vector<16xf32>
        %swap3A_594 = vector.shape_cast %select_n3A_126 : vector<16xf32> to vector<16xf32>
        tpu.vector_store %swap3A_590[%swap3A_591], %swap3A_594 {strides = array<i32>} : memref<128xf32, #tpu.memory_space<vmem>>, vector<16xf32>,
        %swap3A_595 = arith.constant 6 : i32
        %swap3A_596 = arith.constant 0 : i32
        %swap3A_597 = tpu.memref_slice %arg11[%scan3A_155, %swap3A_595, %swap3A_596] : memref<4x32x128xf32, #tpu.memory_space<vmem>> -> memref<1x1x128xf32, #tpu.memory_space<vmem>>
        %swap3A_598 = tpu.memref_squeeze %swap3A_597 : memref<1x1x128xf32, #tpu.memory_space<vmem>> -> memref<128xf32, #tpu.memory_space<vmem>>
        %swap3A_599 = arith.constant 112 : index
        %swap3A_600 = tpu.vector_load %swap3A_598[%swap3A_599] {strides = array<i32>} : memref<128xf32, #tpu.memory_space<vmem>>, vector<16xf32>,
        %swap3A_601 = vector.shape_cast %swap3A_600 : vector<16xf32> to vector<16xf32>
        %swap3A_602 = vector.shape_cast %select_n3A_126 : vector<16xf32> to vector<16xf32>
        tpu.vector_store %swap3A_598[%swap3A_599], %swap3A_602 {strides = array<i32>} : memref<128xf32, #tpu.memory_space<vmem>>, vector<16xf32>,
        %swap3A_603 = arith.constant 7 : i32
        %swap3A_604 = arith.constant 0 : i32
        %swap3A_605 = tpu.memref_slice %arg11[%scan3A_155, %swap3A_603, %swap3A_604] : memref<4x32x128xf32, #tpu.memory_space<vmem>> -> memref<1x1x128xf32, #tpu.memory_space<vmem>>
        %swap3A_606 = tpu.memref_squeeze %swap3A_605 : memref<1x1x128xf32, #tpu.memory_space<vmem>> -> memref<128xf32, #tpu.memory_space<vmem>>
        %swap3A_607 = arith.constant 0 : index
        %swap3A_608 = tpu.vector_load %swap3A_606[%swap3A_607] {strides = array<i32>} : memref<128xf32, #tpu.memory_space<vmem>>, vector<16xf32>,
        %swap3A_609 = vector.shape_cast %swap3A_608 : vector<16xf32> to vector<16xf32>
        %swap3A_610 = vector.shape_cast %select_n3A_126 : vector<16xf32> to vector<16xf32>
        tpu.vector_store %swap3A_606[%swap3A_607], %swap3A_610 {strides = array<i32>} : memref<128xf32, #tpu.memory_space<vmem>>, vector<16xf32>,
        %swap3A_611 = arith.constant 7 : i32
        %swap3A_612 = arith.constant 0 : i32
        %swap3A_613 = tpu.memref_slice %arg11[%scan3A_155, %swap3A_611, %swap3A_612] : memref<4x32x128xf32, #tpu.memory_space<vmem>> -> memref<1x1x128xf32, #tpu.memory_space<vmem>>
        %swap3A_614 = tpu.memref_squeeze %swap3A_613 : memref<1x1x128xf32, #tpu.memory_space<vmem>> -> memref<128xf32, #tpu.memory_space<vmem>>
        %swap3A_615 = arith.constant 16 : index
        %swap3A_616 = tpu.vector_load %swap3A_614[%swap3A_615] {strides = array<i32>} : memref<128xf32, #tpu.memory_space<vmem>>, vector<16xf32>,
        %swap3A_617 = vector.shape_cast %swap3A_616 : vector<16xf32> to vector<16xf32>
        %swap3A_618 = vector.shape_cast %select_n3A_126 : vector<16xf32> to vector<16xf32>
        tpu.vector_store %swap3A_614[%swap3A_615], %swap3A_618 {strides = array<i32>} : memref<128xf32, #tpu.memory_space<vmem>>, vector<16xf32>,
        %swap3A_619 = arith.constant 7 : i32
        %swap3A_620 = arith.constant 0 : i32
        %swap3A_621 = tpu.memref_slice %arg11[%scan3A_155, %swap3A_619, %swap3A_620] : memref<4x32x128xf32, #tpu.memory_space<vmem>> -> memref<1x1x128xf32, #tpu.memory_space<vmem>>
        %swap3A_622 = tpu.memref_squeeze %swap3A_621 : memref<1x1x128xf32, #tpu.memory_space<vmem>> -> memref<128xf32, #tpu.memory_space<vmem>>
        %swap3A_623 = arith.constant 32 : index
        %swap3A_624 = tpu.vector_load %swap3A_622[%swap3A_623] {strides = array<i32>} : memref<128xf32, #tpu.memory_space<vmem>>, vector<16xf32>,
        %swap3A_625 = vector.shape_cast %swap3A_624 : vector<16xf32> to vector<16xf32>
        %swap3A_626 = vector.shape_cast %select_n3A_126 : vector<16xf32> to vector<16xf32>
        tpu.vector_store %swap3A_622[%swap3A_623], %swap3A_626 {strides = array<i32>} : memref<128xf32, #tpu.memory_space<vmem>>, vector<16xf32>,
        %swap3A_627 = arith.constant 7 : i32
        %swap3A_628 = arith.constant 0 : i32
        %swap3A_629 = tpu.memref_slice %arg11[%scan3A_155, %swap3A_627, %swap3A_628] : memref<4x32x128xf32, #tpu.memory_space<vmem>> -> memref<1x1x128xf32, #tpu.memory_space<vmem>>
        %swap3A_630 = tpu.memref_squeeze %swap3A_629 : memref<1x1x128xf32, #tpu.memory_space<vmem>> -> memref<128xf32, #tpu.memory_space<vmem>>
        %swap3A_631 = arith.constant 48 : index
        %swap3A_632 = tpu.vector_load %swap3A_630[%swap3A_631] {strides = array<i32>} : memref<128xf32, #tpu.memory_space<vmem>>, vector<16xf32>,
        %swap3A_633 = vector.shape_cast %swap3A_632 : vector<16xf32> to vector<16xf32>
        %swap3A_634 = vector.shape_cast %select_n3A_126 : vector<16xf32> to vector<16xf32>
        tpu.vector_store %swap3A_630[%swap3A_631], %swap3A_634 {strides = array<i32>} : memref<128xf32, #tpu.memory_space<vmem>>, vector<16xf32>,
        %swap3A_635 = arith.constant 7 : i32
        %swap3A_636 = arith.constant 0 : i32
        %swap3A_637 = tpu.memref_slice %arg11[%scan3A_155, %swap3A_635, %swap3A_636] : memref<4x32x128xf32, #tpu.memory_space<vmem>> -> memref<1x1x128xf32, #tpu.memory_space<vmem>>
        %swap3A_638 = tpu.memref_squeeze %swap3A_637 : memref<1x1x128xf32, #tpu.memory_space<vmem>> -> memref<128xf32, #tpu.memory_space<vmem>>
        %swap3A_639 = arith.constant 64 : index
        %swap3A_640 = tpu.vector_load %swap3A_638[%swap3A_639] {strides = array<i32>} : memref<128xf32, #tpu.memory_space<vmem>>, vector<16xf32>,
        %swap3A_641 = vector.shape_cast %swap3A_640 : vector<16xf32> to vector<16xf32>
        %swap3A_642 = vector.shape_cast %select_n3A_126 : vector<16xf32> to vector<16xf32>
        tpu.vector_store %swap3A_638[%swap3A_639], %swap3A_642 {strides = array<i32>} : memref<128xf32, #tpu.memory_space<vmem>>, vector<16xf32>,
        %swap3A_643 = arith.constant 7 : i32
        %swap3A_644 = arith.constant 0 : i32
        %swap3A_645 = tpu.memref_slice %arg11[%scan3A_155, %swap3A_643, %swap3A_644] : memref<4x32x128xf32, #tpu.memory_space<vmem>> -> memref<1x1x128xf32, #tpu.memory_space<vmem>>
        %swap3A_646 = tpu.memref_squeeze %swap3A_645 : memref<1x1x128xf32, #tpu.memory_space<vmem>> -> memref<128xf32, #tpu.memory_space<vmem>>
        %swap3A_647 = arith.constant 80 : index
        %swap3A_648 = tpu.vector_load %swap3A_646[%swap3A_647] {strides = array<i32>} : memref<128xf32, #tpu.memory_space<vmem>>, vector<16xf32>,
        %swap3A_649 = vector.shape_cast %swap3A_648 : vector<16xf32> to vector<16xf32>
        %swap3A_650 = vector.shape_cast %select_n3A_126 : vector<16xf32> to vector<16xf32>
        tpu.vector_store %swap3A_646[%swap3A_647], %swap3A_650 {strides = array<i32>} : memref<128xf32, #tpu.memory_space<vmem>>, vector<16xf32>,
        %swap3A_651 = arith.constant 7 : i32
        %swap3A_652 = arith.constant 0 : i32
        %swap3A_653 = tpu.memref_slice %arg11[%scan3A_155, %swap3A_651, %swap3A_652] : memref<4x32x128xf32, #tpu.memory_space<vmem>> -> memref<1x1x128xf32, #tpu.memory_space<vmem>>
        %swap3A_654 = tpu.memref_squeeze %swap3A_653 : memref<1x1x128xf32, #tpu.memory_space<vmem>> -> memref<128xf32, #tpu.memory_space<vmem>>
        %swap3A_655 = arith.constant 96 : index
        %swap3A_656 = tpu.vector_load %swap3A_654[%swap3A_655] {strides = array<i32>} : memref<128xf32, #tpu.memory_space<vmem>>, vector<16xf32>,
        %swap3A_657 = vector.shape_cast %swap3A_656 : vector<16xf32> to vector<16xf32>
        %swap3A_658 = vector.shape_cast %select_n3A_126 : vector<16xf32> to vector<16xf32>
        tpu.vector_store %swap3A_654[%swap3A_655], %swap3A_658 {strides = array<i32>} : memref<128xf32, #tpu.memory_space<vmem>>, vector<16xf32>,
        %swap3A_659 = arith.constant 7 : i32
        %swap3A_660 = arith.constant 0 : i32
        %swap3A_661 = tpu.memref_slice %arg11[%scan3A_155, %swap3A_659, %swap3A_660] : memref<4x32x128xf32, #tpu.memory_space<vmem>> -> memref<1x1x128xf32, #tpu.memory_space<vmem>>
        %swap3A_662 = tpu.memref_squeeze %swap3A_661 : memref<1x1x128xf32, #tpu.memory_space<vmem>> -> memref<128xf32, #tpu.memory_space<vmem>>
        %swap3A_663 = arith.constant 112 : index
        %swap3A_664 = tpu.vector_load %swap3A_662[%swap3A_663] {strides = array<i32>} : memref<128xf32, #tpu.memory_space<vmem>>, vector<16xf32>,
        %swap3A_665 = vector.shape_cast %swap3A_664 : vector<16xf32> to vector<16xf32>
        %swap3A_666 = vector.shape_cast %select_n3A_126 : vector<16xf32> to vector<16xf32>
        tpu.vector_store %swap3A_662[%swap3A_663], %swap3A_666 {strides = array<i32>} : memref<128xf32, #tpu.memory_space<vmem>>, vector<16xf32>,
        %swap3A_667 = arith.constant 8 : i32
        %swap3A_668 = arith.constant 0 : i32
        %swap3A_669 = tpu.memref_slice %arg11[%scan3A_155, %swap3A_667, %swap3A_668] : memref<4x32x128xf32, #tpu.memory_space<vmem>> -> memref<1x1x128xf32, #tpu.memory_space<vmem>>
        %swap3A_670 = tpu.memref_squeeze %swap3A_669 : memref<1x1x128xf32, #tpu.memory_space<vmem>> -> memref<128xf32, #tpu.memory_space<vmem>>
        %swap3A_671 = arith.constant 0 : index
        %swap3A_672 = tpu.vector_load %swap3A_670[%swap3A_671] {strides = array<i32>} : memref<128xf32, #tpu.memory_space<vmem>>, vector<16xf32>,
        %swap3A_673 = vector.shape_cast %swap3A_672 : vector<16xf32> to vector<16xf32>
        %swap3A_674 = vector.shape_cast %select_n3A_126 : vector<16xf32> to vector<16xf32>
        tpu.vector_store %swap3A_670[%swap3A_671], %swap3A_674 {strides = array<i32>} : memref<128xf32, #tpu.memory_space<vmem>>, vector<16xf32>,
        %swap3A_675 = arith.constant 8 : i32
        %swap3A_676 = arith.constant 0 : i32
        %swap3A_677 = tpu.memref_slice %arg11[%scan3A_155, %swap3A_675, %swap3A_676] : memref<4x32x128xf32, #tpu.memory_space<vmem>> -> memref<1x1x128xf32, #tpu.memory_space<vmem>>
        %swap3A_678 = tpu.memref_squeeze %swap3A_677 : memref<1x1x128xf32, #tpu.memory_space<vmem>> -> memref<128xf32, #tpu.memory_space<vmem>>
        %swap3A_679 = arith.constant 16 : index
        %swap3A_680 = tpu.vector_load %swap3A_678[%swap3A_679] {strides = array<i32>} : memref<128xf32, #tpu.memory_space<vmem>>, vector<16xf32>,
        %swap3A_681 = vector.shape_cast %swap3A_680 : vector<16xf32> to vector<16xf32>
        %swap3A_682 = vector.shape_cast %select_n3A_126 : vector<16xf32> to vector<16xf32>
        tpu.vector_store %swap3A_678[%swap3A_679], %swap3A_682 {strides = array<i32>} : memref<128xf32, #tpu.memory_space<vmem>>, vector<16xf32>,
        %swap3A_683 = arith.constant 8 : i32
        %swap3A_684 = arith.constant 0 : i32
        %swap3A_685 = tpu.memref_slice %arg11[%scan3A_155, %swap3A_683, %swap3A_684] : memref<4x32x128xf32, #tpu.memory_space<vmem>> -> memref<1x1x128xf32, #tpu.memory_space<vmem>>
        %swap3A_686 = tpu.memref_squeeze %swap3A_685 : memref<1x1x128xf32, #tpu.memory_space<vmem>> -> memref<128xf32, #tpu.memory_space<vmem>>
        %swap3A_687 = arith.constant 32 : index
        %swap3A_688 = tpu.vector_load %swap3A_686[%swap3A_687] {strides = array<i32>} : memref<128xf32, #tpu.memory_space<vmem>>, vector<16xf32>,
        %swap3A_689 = vector.shape_cast %swap3A_688 : vector<16xf32> to vector<16xf32>
        %swap3A_690 = vector.shape_cast %select_n3A_126 : vector<16xf32> to vector<16xf32>
        tpu.vector_store %swap3A_686[%swap3A_687], %swap3A_690 {strides = array<i32>} : memref<128xf32, #tpu.memory_space<vmem>>, vector<16xf32>,
        %swap3A_691 = arith.constant 8 : i32
        %swap3A_692 = arith.constant 0 : i32
        %swap3A_693 = tpu.memref_slice %arg11[%scan3A_155, %swap3A_691, %swap3A_692] : memref<4x32x128xf32, #tpu.memory_space<vmem>> -> memref<1x1x128xf32, #tpu.memory_space<vmem>>
        %swap3A_694 = tpu.memref_squeeze %swap3A_693 : memref<1x1x128xf32, #tpu.memory_space<vmem>> -> memref<128xf32, #tpu.memory_space<vmem>>
        %swap3A_695 = arith.constant 48 : index
        %swap3A_696 = tpu.vector_load %swap3A_694[%swap3A_695] {strides = array<i32>} : memref<128xf32, #tpu.memory_space<vmem>>, vector<16xf32>,
        %swap3A_697 = vector.shape_cast %swap3A_696 : vector<16xf32> to vector<16xf32>
        %swap3A_698 = vector.shape_cast %select_n3A_126 : vector<16xf32> to vector<16xf32>
        tpu.vector_store %swap3A_694[%swap3A_695], %swap3A_698 {strides = array<i32>} : memref<128xf32, #tpu.memory_space<vmem>>, vector<16xf32>,
        %swap3A_699 = arith.constant 8 : i32
        %swap3A_700 = arith.constant 0 : i32
        %swap3A_701 = tpu.memref_slice %arg11[%scan3A_155, %swap3A_699, %swap3A_700] : memref<4x32x128xf32, #tpu.memory_space<vmem>> -> memref<1x1x128xf32, #tpu.memory_space<vmem>>
        %swap3A_702 = tpu.memref_squeeze %swap3A_701 : memref<1x1x128xf32, #tpu.memory_space<vmem>> -> memref<128xf32, #tpu.memory_space<vmem>>
        %swap3A_703 = arith.constant 64 : index
        %swap3A_704 = tpu.vector_load %swap3A_702[%swap3A_703] {strides = array<i32>} : memref<128xf32, #tpu.memory_space<vmem>>, vector<16xf32>,
        %swap3A_705 = vector.shape_cast %swap3A_704 : vector<16xf32> to vector<16xf32>
        %swap3A_706 = vector.shape_cast %select_n3A_126 : vector<16xf32> to vector<16xf32>
        tpu.vector_store %swap3A_702[%swap3A_703], %swap3A_706 {strides = array<i32>} : memref<128xf32, #tpu.memory_space<vmem>>, vector<16xf32>,
        %swap3A_707 = arith.constant 8 : i32
        %swap3A_708 = arith.constant 0 : i32
        %swap3A_709 = tpu.memref_slice %arg11[%scan3A_155, %swap3A_707, %swap3A_708] : memref<4x32x128xf32, #tpu.memory_space<vmem>> -> memref<1x1x128xf32, #tpu.memory_space<vmem>>
        %swap3A_710 = tpu.memref_squeeze %swap3A_709 : memref<1x1x128xf32, #tpu.memory_space<vmem>> -> memref<128xf32, #tpu.memory_space<vmem>>
        %swap3A_711 = arith.constant 80 : index
        %swap3A_712 = tpu.vector_load %swap3A_710[%swap3A_711] {strides = array<i32>} : memref<128xf32, #tpu.memory_space<vmem>>, vector<16xf32>,
        %swap3A_713 = vector.shape_cast %swap3A_712 : vector<16xf32> to vector<16xf32>
        %swap3A_714 = vector.shape_cast %select_n3A_126 : vector<16xf32> to vector<16xf32>
        tpu.vector_store %swap3A_710[%swap3A_711], %swap3A_714 {strides = array<i32>} : memref<128xf32, #tpu.memory_space<vmem>>, vector<16xf32>,
        %swap3A_715 = arith.constant 8 : i32
        %swap3A_716 = arith.constant 0 : i32
        %swap3A_717 = tpu.memref_slice %arg11[%scan3A_155, %swap3A_715, %swap3A_716] : memref<4x32x128xf32, #tpu.memory_space<vmem>> -> memref<1x1x128xf32, #tpu.memory_space<vmem>>
        %swap3A_718 = tpu.memref_squeeze %swap3A_717 : memref<1x1x128xf32, #tpu.memory_space<vmem>> -> memref<128xf32, #tpu.memory_space<vmem>>
        %swap3A_719 = arith.constant 96 : index
        %swap3A_720 = tpu.vector_load %swap3A_718[%swap3A_719] {strides = array<i32>} : memref<128xf32, #tpu.memory_space<vmem>>, vector<16xf32>,
        %swap3A_721 = vector.shape_cast %swap3A_720 : vector<16xf32> to vector<16xf32>
        %swap3A_722 = vector.shape_cast %select_n3A_126 : vector<16xf32> to vector<16xf32>
        tpu.vector_store %swap3A_718[%swap3A_719], %swap3A_722 {strides = array<i32>} : memref<128xf32, #tpu.memory_space<vmem>>, vector<16xf32>,
        %swap3A_723 = arith.constant 8 : i32
        %swap3A_724 = arith.constant 0 : i32
        %swap3A_725 = tpu.memref_slice %arg11[%scan3A_155, %swap3A_723, %swap3A_724] : memref<4x32x128xf32, #tpu.memory_space<vmem>> -> memref<1x1x128xf32, #tpu.memory_space<vmem>>
        %swap3A_726 = tpu.memref_squeeze %swap3A_725 : memref<1x1x128xf32, #tpu.memory_space<vmem>> -> memref<128xf32, #tpu.memory_space<vmem>>
        %swap3A_727 = arith.constant 112 : index
        %swap3A_728 = tpu.vector_load %swap3A_726[%swap3A_727] {strides = array<i32>} : memref<128xf32, #tpu.memory_space<vmem>>, vector<16xf32>,
        %swap3A_729 = vector.shape_cast %swap3A_728 : vector<16xf32> to vector<16xf32>
        %swap3A_730 = vector.shape_cast %select_n3A_126 : vector<16xf32> to vector<16xf32>
        tpu.vector_store %swap3A_726[%swap3A_727], %swap3A_730 {strides = array<i32>} : memref<128xf32, #tpu.memory_space<vmem>>, vector<16xf32>,
        %swap3A_731 = arith.constant 9 : i32
        %swap3A_732 = arith.constant 0 : i32
        %swap3A_733 = tpu.memref_slice %arg11[%scan3A_155, %swap3A_731, %swap3A_732] : memref<4x32x128xf32, #tpu.memory_space<vmem>> -> memref<1x1x128xf32, #tpu.memory_space<vmem>>
        %swap3A_734 = tpu.memref_squeeze %swap3A_733 : memref<1x1x128xf32, #tpu.memory_space<vmem>> -> memref<128xf32, #tpu.memory_space<vmem>>
        %swap3A_735 = arith.constant 0 : index
        %swap3A_736 = tpu.vector_load %swap3A_734[%swap3A_735] {strides = array<i32>} : memref<128xf32, #tpu.memory_space<vmem>>, vector<16xf32>,
        %swap3A_737 = vector.shape_cast %swap3A_736 : vector<16xf32> to vector<16xf32>
        %swap3A_738 = vector.shape_cast %select_n3A_126 : vector<16xf32> to vector<16xf32>
        tpu.vector_store %swap3A_734[%swap3A_735], %swap3A_738 {strides = array<i32>} : memref<128xf32, #tpu.memory_space<vmem>>, vector<16xf32>,
        %swap3A_739 = arith.constant 9 : i32
        %swap3A_740 = arith.constant 0 : i32
        %swap3A_741 = tpu.memref_slice %arg11[%scan3A_155, %swap3A_739, %swap3A_740] : memref<4x32x128xf32, #tpu.memory_space<vmem>> -> memref<1x1x128xf32, #tpu.memory_space<vmem>>
        %swap3A_742 = tpu.memref_squeeze %swap3A_741 : memref<1x1x128xf32, #tpu.memory_space<vmem>> -> memref<128xf32, #tpu.memory_space<vmem>>
        %swap3A_743 = arith.constant 16 : index
        %swap3A_744 = tpu.vector_load %swap3A_742[%swap3A_743] {strides = array<i32>} : memref<128xf32, #tpu.memory_space<vmem>>, vector<16xf32>,
        %swap3A_745 = vector.shape_cast %swap3A_744 : vector<16xf32> to vector<16xf32>
        %swap3A_746 = vector.shape_cast %select_n3A_126 : vector<16xf32> to vector<16xf32>
        tpu.vector_store %swap3A_742[%swap3A_743], %swap3A_746 {strides = array<i32>} : memref<128xf32, #tpu.memory_space<vmem>>, vector<16xf32>,
        %swap3A_747 = arith.constant 9 : i32
        %swap3A_748 = arith.constant 0 : i32
        %swap3A_749 = tpu.memref_slice %arg11[%scan3A_155, %swap3A_747, %swap3A_748] : memref<4x32x128xf32, #tpu.memory_space<vmem>> -> memref<1x1x128xf32, #tpu.memory_space<vmem>>
        %swap3A_750 = tpu.memref_squeeze %swap3A_749 : memref<1x1x128xf32, #tpu.memory_space<vmem>> -> memref<128xf32, #tpu.memory_space<vmem>>
        %swap3A_751 = arith.constant 32 : index
        %swap3A_752 = tpu.vector_load %swap3A_750[%swap3A_751] {strides = array<i32>} : memref<128xf32, #tpu.memory_space<vmem>>, vector<16xf32>,
        %swap3A_753 = vector.shape_cast %swap3A_752 : vector<16xf32> to vector<16xf32>
        %swap3A_754 = vector.shape_cast %select_n3A_126 : vector<16xf32> to vector<16xf32>
        tpu.vector_store %swap3A_750[%swap3A_751], %swap3A_754 {strides = array<i32>} : memref<128xf32, #tpu.memory_space<vmem>>, vector<16xf32>,
        %swap3A_755 = arith.constant 9 : i32
        %swap3A_756 = arith.constant 0 : i32
        %swap3A_757 = tpu.memref_slice %arg11[%scan3A_155, %swap3A_755, %swap3A_756] : memref<4x32x128xf32, #tpu.memory_space<vmem>> -> memref<1x1x128xf32, #tpu.memory_space<vmem>>
        %swap3A_758 = tpu.memref_squeeze %swap3A_757 : memref<1x1x128xf32, #tpu.memory_space<vmem>> -> memref<128xf32, #tpu.memory_space<vmem>>
        %swap3A_759 = arith.constant 48 : index
        %swap3A_760 = tpu.vector_load %swap3A_758[%swap3A_759] {strides = array<i32>} : memref<128xf32, #tpu.memory_space<vmem>>, vector<16xf32>,
        %swap3A_761 = vector.shape_cast %swap3A_760 : vector<16xf32> to vector<16xf32>
        %swap3A_762 = vector.shape_cast %select_n3A_126 : vector<16xf32> to vector<16xf32>
        tpu.vector_store %swap3A_758[%swap3A_759], %swap3A_762 {strides = array<i32>} : memref<128xf32, #tpu.memory_space<vmem>>, vector<16xf32>,
        %swap3A_763 = arith.constant 9 : i32
        %swap3A_764 = arith.constant 0 : i32
        %swap3A_765 = tpu.memref_slice %arg11[%scan3A_155, %swap3A_763, %swap3A_764] : memref<4x32x128xf32, #tpu.memory_space<vmem>> -> memref<1x1x128xf32, #tpu.memory_space<vmem>>
        %swap3A_766 = tpu.memref_squeeze %swap3A_765 : memref<1x1x128xf32, #tpu.memory_space<vmem>> -> memref<128xf32, #tpu.memory_space<vmem>>
        %swap3A_767 = arith.constant 64 : index
        %swap3A_768 = tpu.vector_load %swap3A_766[%swap3A_767] {strides = array<i32>} : memref<128xf32, #tpu.memory_space<vmem>>, vector<16xf32>,
        %swap3A_769 = vector.shape_cast %swap3A_768 : vector<16xf32> to vector<16xf32>
        %swap3A_770 = vector.shape_cast %select_n3A_126 : vector<16xf32> to vector<16xf32>
        tpu.vector_store %swap3A_766[%swap3A_767], %swap3A_770 {strides = array<i32>} : memref<128xf32, #tpu.memory_space<vmem>>, vector<16xf32>,
        %swap3A_771 = arith.constant 9 : i32
        %swap3A_772 = arith.constant 0 : i32
        %swap3A_773 = tpu.memref_slice %arg11[%scan3A_155, %swap3A_771, %swap3A_772] : memref<4x32x128xf32, #tpu.memory_space<vmem>> -> memref<1x1x128xf32, #tpu.memory_space<vmem>>
        %swap3A_774 = tpu.memref_squeeze %swap3A_773 : memref<1x1x128xf32, #tpu.memory_space<vmem>> -> memref<128xf32, #tpu.memory_space<vmem>>
        %swap3A_775 = arith.constant 80 : index
        %swap3A_776 = tpu.vector_load %swap3A_774[%swap3A_775] {strides = array<i32>} : memref<128xf32, #tpu.memory_space<vmem>>, vector<16xf32>,
        %swap3A_777 = vector.shape_cast %swap3A_776 : vector<16xf32> to vector<16xf32>
        %swap3A_778 = vector.shape_cast %select_n3A_126 : vector<16xf32> to vector<16xf32>
        tpu.vector_store %swap3A_774[%swap3A_775], %swap3A_778 {strides = array<i32>} : memref<128xf32, #tpu.memory_space<vmem>>, vector<16xf32>,
        %swap3A_779 = arith.constant 9 : i32
        %swap3A_780 = arith.constant 0 : i32
        %swap3A_781 = tpu.memref_slice %arg11[%scan3A_155, %swap3A_779, %swap3A_780] : memref<4x32x128xf32, #tpu.memory_space<vmem>> -> memref<1x1x128xf32, #tpu.memory_space<vmem>>
        %swap3A_782 = tpu.memref_squeeze %swap3A_781 : memref<1x1x128xf32, #tpu.memory_space<vmem>> -> memref<128xf32, #tpu.memory_space<vmem>>
        %swap3A_783 = arith.constant 96 : index
        %swap3A_784 = tpu.vector_load %swap3A_782[%swap3A_783] {strides = array<i32>} : memref<128xf32, #tpu.memory_space<vmem>>, vector<16xf32>,
        %swap3A_785 = vector.shape_cast %swap3A_784 : vector<16xf32> to vector<16xf32>
        %swap3A_786 = vector.shape_cast %select_n3A_126 : vector<16xf32> to vector<16xf32>
        tpu.vector_store %swap3A_782[%swap3A_783], %swap3A_786 {strides = array<i32>} : memref<128xf32, #tpu.memory_space<vmem>>, vector<16xf32>,
        %swap3A_787 = arith.constant 9 : i32
        %swap3A_788 = arith.constant 0 : i32
        %swap3A_789 = tpu.memref_slice %arg11[%scan3A_155, %swap3A_787, %swap3A_788] : memref<4x32x128xf32, #tpu.memory_space<vmem>> -> memref<1x1x128xf32, #tpu.memory_space<vmem>>
        %swap3A_790 = tpu.memref_squeeze %swap3A_789 : memref<1x1x128xf32, #tpu.memory_space<vmem>> -> memref<128xf32, #tpu.memory_space<vmem>>
        %swap3A_791 = arith.constant 112 : index
        %swap3A_792 = tpu.vector_load %swap3A_790[%swap3A_791] {strides = array<i32>} : memref<128xf32, #tpu.memory_space<vmem>>, vector<16xf32>,
        %swap3A_793 = vector.shape_cast %swap3A_792 : vector<16xf32> to vector<16xf32>
        %swap3A_794 = vector.shape_cast %select_n3A_126 : vector<16xf32> to vector<16xf32>
        tpu.vector_store %swap3A_790[%swap3A_791], %swap3A_794 {strides = array<i32>} : memref<128xf32, #tpu.memory_space<vmem>>, vector<16xf32>,
        %swap3A_795 = arith.constant 10 : i32
        %swap3A_796 = arith.constant 0 : i32
        %swap3A_797 = tpu.memref_slice %arg11[%scan3A_155, %swap3A_795, %swap3A_796] : memref<4x32x128xf32, #tpu.memory_space<vmem>> -> memref<1x1x128xf32, #tpu.memory_space<vmem>>
        %swap3A_798 = tpu.memref_squeeze %swap3A_797 : memref<1x1x128xf32, #tpu.memory_space<vmem>> -> memref<128xf32, #tpu.memory_space<vmem>>
        %swap3A_799 = arith.constant 0 : index
        %swap3A_800 = tpu.vector_load %swap3A_798[%swap3A_799] {strides = array<i32>} : memref<128xf32, #tpu.memory_space<vmem>>, vector<16xf32>,
        %swap3A_801 = vector.shape_cast %swap3A_800 : vector<16xf32> to vector<16xf32>
        %swap3A_802 = vector.shape_cast %select_n3A_126 : vector<16xf32> to vector<16xf32>
        tpu.vector_store %swap3A_798[%swap3A_799], %swap3A_802 {strides = array<i32>} : memref<128xf32, #tpu.memory_space<vmem>>, vector<16xf32>,
        %swap3A_803 = arith.constant 10 : i32
        %swap3A_804 = arith.constant 0 : i32
        %swap3A_805 = tpu.memref_slice %arg11[%scan3A_155, %swap3A_803, %swap3A_804] : memref<4x32x128xf32, #tpu.memory_space<vmem>> -> memref<1x1x128xf32, #tpu.memory_space<vmem>>
        %swap3A_806 = tpu.memref_squeeze %swap3A_805 : memref<1x1x128xf32, #tpu.memory_space<vmem>> -> memref<128xf32, #tpu.memory_space<vmem>>
        %swap3A_807 = arith.constant 16 : index
        %swap3A_808 = tpu.vector_load %swap3A_806[%swap3A_807] {strides = array<i32>} : memref<128xf32, #tpu.memory_space<vmem>>, vector<16xf32>,
        %swap3A_809 = vector.shape_cast %swap3A_808 : vector<16xf32> to vector<16xf32>
        %swap3A_810 = vector.shape_cast %select_n3A_126 : vector<16xf32> to vector<16xf32>
        tpu.vector_store %swap3A_806[%swap3A_807], %swap3A_810 {strides = array<i32>} : memref<128xf32, #tpu.memory_space<vmem>>, vector<16xf32>,
        %swap3A_811 = arith.constant 10 : i32
        %swap3A_812 = arith.constant 0 : i32
        %swap3A_813 = tpu.memref_slice %arg11[%scan3A_155, %swap3A_811, %swap3A_812] : memref<4x32x128xf32, #tpu.memory_space<vmem>> -> memref<1x1x128xf32, #tpu.memory_space<vmem>>
        %swap3A_814 = tpu.memref_squeeze %swap3A_813 : memref<1x1x128xf32, #tpu.memory_space<vmem>> -> memref<128xf32, #tpu.memory_space<vmem>>
        %swap3A_815 = arith.constant 32 : index
        %swap3A_816 = tpu.vector_load %swap3A_814[%swap3A_815] {strides = array<i32>} : memref<128xf32, #tpu.memory_space<vmem>>, vector<16xf32>,
        %swap3A_817 = vector.shape_cast %swap3A_816 : vector<16xf32> to vector<16xf32>
        %swap3A_818 = vector.shape_cast %select_n3A_126 : vector<16xf32> to vector<16xf32>
        tpu.vector_store %swap3A_814[%swap3A_815], %swap3A_818 {strides = array<i32>} : memref<128xf32, #tpu.memory_space<vmem>>, vector<16xf32>,
        %swap3A_819 = arith.constant 10 : i32
        %swap3A_820 = arith.constant 0 : i32
        %swap3A_821 = tpu.memref_slice %arg11[%scan3A_155, %swap3A_819, %swap3A_820] : memref<4x32x128xf32, #tpu.memory_space<vmem>> -> memref<1x1x128xf32, #tpu.memory_space<vmem>>
        %swap3A_822 = tpu.memref_squeeze %swap3A_821 : memref<1x1x128xf32, #tpu.memory_space<vmem>> -> memref<128xf32, #tpu.memory_space<vmem>>
        %swap3A_823 = arith.constant 48 : index
        %swap3A_824 = tpu.vector_load %swap3A_822[%swap3A_823] {strides = array<i32>} : memref<128xf32, #tpu.memory_space<vmem>>, vector<16xf32>,
        %swap3A_825 = vector.shape_cast %swap3A_824 : vector<16xf32> to vector<16xf32>
        %swap3A_826 = vector.shape_cast %select_n3A_126 : vector<16xf32> to vector<16xf32>
        tpu.vector_store %swap3A_822[%swap3A_823], %swap3A_826 {strides = array<i32>} : memref<128xf32, #tpu.memory_space<vmem>>, vector<16xf32>,
        %swap3A_827 = arith.constant 10 : i32
        %swap3A_828 = arith.constant 0 : i32
        %swap3A_829 = tpu.memref_slice %arg11[%scan3A_155, %swap3A_827, %swap3A_828] : memref<4x32x128xf32, #tpu.memory_space<vmem>> -> memref<1x1x128xf32, #tpu.memory_space<vmem>>
        %swap3A_830 = tpu.memref_squeeze %swap3A_829 : memref<1x1x128xf32, #tpu.memory_space<vmem>> -> memref<128xf32, #tpu.memory_space<vmem>>
        %swap3A_831 = arith.constant 64 : index
        %swap3A_832 = tpu.vector_load %swap3A_830[%swap3A_831] {strides = array<i32>} : memref<128xf32, #tpu.memory_space<vmem>>, vector<16xf32>,
        %swap3A_833 = vector.shape_cast %swap3A_832 : vector<16xf32> to vector<16xf32>
        %swap3A_834 = vector.shape_cast %select_n3A_126 : vector<16xf32> to vector<16xf32>
        tpu.vector_store %swap3A_830[%swap3A_831], %swap3A_834 {strides = array<i32>} : memref<128xf32, #tpu.memory_space<vmem>>, vector<16xf32>,
        %swap3A_835 = arith.constant 10 : i32
        %swap3A_836 = arith.constant 0 : i32
        %swap3A_837 = tpu.memref_slice %arg11[%scan3A_155, %swap3A_835, %swap3A_836] : memref<4x32x128xf32, #tpu.memory_space<vmem>> -> memref<1x1x128xf32, #tpu.memory_space<vmem>>
        %swap3A_838 = tpu.memref_squeeze %swap3A_837 : memref<1x1x128xf32, #tpu.memory_space<vmem>> -> memref<128xf32, #tpu.memory_space<vmem>>
        %swap3A_839 = arith.constant 80 : index
        %swap3A_840 = tpu.vector_load %swap3A_838[%swap3A_839] {strides = array<i32>} : memref<128xf32, #tpu.memory_space<vmem>>, vector<16xf32>,
        %swap3A_841 = vector.shape_cast %swap3A_840 : vector<16xf32> to vector<16xf32>
        %swap3A_842 = vector.shape_cast %select_n3A_126 : vector<16xf32> to vector<16xf32>
        tpu.vector_store %swap3A_838[%swap3A_839], %swap3A_842 {strides = array<i32>} : memref<128xf32, #tpu.memory_space<vmem>>, vector<16xf32>,
        %swap3A_843 = arith.constant 10 : i32
        %swap3A_844 = arith.constant 0 : i32
        %swap3A_845 = tpu.memref_slice %arg11[%scan3A_155, %swap3A_843, %swap3A_844] : memref<4x32x128xf32, #tpu.memory_space<vmem>> -> memref<1x1x128xf32, #tpu.memory_space<vmem>>
        %swap3A_846 = tpu.memref_squeeze %swap3A_845 : memref<1x1x128xf32, #tpu.memory_space<vmem>> -> memref<128xf32, #tpu.memory_space<vmem>>
        %swap3A_847 = arith.constant 96 : index
        %swap3A_848 = tpu.vector_load %swap3A_846[%swap3A_847] {strides = array<i32>} : memref<128xf32, #tpu.memory_space<vmem>>, vector<16xf32>,
        %swap3A_849 = vector.shape_cast %swap3A_848 : vector<16xf32> to vector<16xf32>
        %swap3A_850 = vector.shape_cast %select_n3A_126 : vector<16xf32> to vector<16xf32>
        tpu.vector_store %swap3A_846[%swap3A_847], %swap3A_850 {strides = array<i32>} : memref<128xf32, #tpu.memory_space<vmem>>, vector<16xf32>,
        %swap3A_851 = arith.constant 10 : i32
        %swap3A_852 = arith.constant 0 : i32
        %swap3A_853 = tpu.memref_slice %arg11[%scan3A_155, %swap3A_851, %swap3A_852] : memref<4x32x128xf32, #tpu.memory_space<vmem>> -> memref<1x1x128xf32, #tpu.memory_space<vmem>>
        %swap3A_854 = tpu.memref_squeeze %swap3A_853 : memref<1x1x128xf32, #tpu.memory_space<vmem>> -> memref<128xf32, #tpu.memory_space<vmem>>
        %swap3A_855 = arith.constant 112 : index
        %swap3A_856 = tpu.vector_load %swap3A_854[%swap3A_855] {strides = array<i32>} : memref<128xf32, #tpu.memory_space<vmem>>, vector<16xf32>,
        %swap3A_857 = vector.shape_cast %swap3A_856 : vector<16xf32> to vector<16xf32>
        %swap3A_858 = vector.shape_cast %select_n3A_126 : vector<16xf32> to vector<16xf32>
        tpu.vector_store %swap3A_854[%swap3A_855], %swap3A_858 {strides = array<i32>} : memref<128xf32, #tpu.memory_space<vmem>>, vector<16xf32>,
        %swap3A_859 = arith.constant 11 : i32
        %swap3A_860 = arith.constant 0 : i32
        %swap3A_861 = tpu.memref_slice %arg11[%scan3A_155, %swap3A_859, %swap3A_860] : memref<4x32x128xf32, #tpu.memory_space<vmem>> -> memref<1x1x128xf32, #tpu.memory_space<vmem>>
        %swap3A_862 = tpu.memref_squeeze %swap3A_861 : memref<1x1x128xf32, #tpu.memory_space<vmem>> -> memref<128xf32, #tpu.memory_space<vmem>>
        %swap3A_863 = arith.constant 0 : index
        %swap3A_864 = tpu.vector_load %swap3A_862[%swap3A_863] {strides = array<i32>} : memref<128xf32, #tpu.memory_space<vmem>>, vector<16xf32>,
        %swap3A_865 = vector.shape_cast %swap3A_864 : vector<16xf32> to vector<16xf32>
        %swap3A_866 = vector.shape_cast %select_n3A_126 : vector<16xf32> to vector<16xf32>
        tpu.vector_store %swap3A_862[%swap3A_863], %swap3A_866 {strides = array<i32>} : memref<128xf32, #tpu.memory_space<vmem>>, vector<16xf32>,
        %swap3A_867 = arith.constant 11 : i32
        %swap3A_868 = arith.constant 0 : i32
        %swap3A_869 = tpu.memref_slice %arg11[%scan3A_155, %swap3A_867, %swap3A_868] : memref<4x32x128xf32, #tpu.memory_space<vmem>> -> memref<1x1x128xf32, #tpu.memory_space<vmem>>
        %swap3A_870 = tpu.memref_squeeze %swap3A_869 : memref<1x1x128xf32, #tpu.memory_space<vmem>> -> memref<128xf32, #tpu.memory_space<vmem>>
        %swap3A_871 = arith.constant 16 : index
        %swap3A_872 = tpu.vector_load %swap3A_870[%swap3A_871] {strides = array<i32>} : memref<128xf32, #tpu.memory_space<vmem>>, vector<16xf32>,
        %swap3A_873 = vector.shape_cast %swap3A_872 : vector<16xf32> to vector<16xf32>
        %swap3A_874 = vector.shape_cast %select_n3A_126 : vector<16xf32> to vector<16xf32>
        tpu.vector_store %swap3A_870[%swap3A_871], %swap3A_874 {strides = array<i32>} : memref<128xf32, #tpu.memory_space<vmem>>, vector<16xf32>,
        %swap3A_875 = arith.constant 11 : i32
        %swap3A_876 = arith.constant 0 : i32
        %swap3A_877 = tpu.memref_slice %arg11[%scan3A_155, %swap3A_875, %swap3A_876] : memref<4x32x128xf32, #tpu.memory_space<vmem>> -> memref<1x1x128xf32, #tpu.memory_space<vmem>>
        %swap3A_878 = tpu.memref_squeeze %swap3A_877 : memref<1x1x128xf32, #tpu.memory_space<vmem>> -> memref<128xf32, #tpu.memory_space<vmem>>
        %swap3A_879 = arith.constant 32 : index
        %swap3A_880 = tpu.vector_load %swap3A_878[%swap3A_879] {strides = array<i32>} : memref<128xf32, #tpu.memory_space<vmem>>, vector<16xf32>,
        %swap3A_881 = vector.shape_cast %swap3A_880 : vector<16xf32> to vector<16xf32>
        %swap3A_882 = vector.shape_cast %select_n3A_126 : vector<16xf32> to vector<16xf32>
        tpu.vector_store %swap3A_878[%swap3A_879], %swap3A_882 {strides = array<i32>} : memref<128xf32, #tpu.memory_space<vmem>>, vector<16xf32>,
        %swap3A_883 = arith.constant 11 : i32
        %swap3A_884 = arith.constant 0 : i32
        %swap3A_885 = tpu.memref_slice %arg11[%scan3A_155, %swap3A_883, %swap3A_884] : memref<4x32x128xf32, #tpu.memory_space<vmem>> -> memref<1x1x128xf32, #tpu.memory_space<vmem>>
        %swap3A_886 = tpu.memref_squeeze %swap3A_885 : memref<1x1x128xf32, #tpu.memory_space<vmem>> -> memref<128xf32, #tpu.memory_space<vmem>>
        %swap3A_887 = arith.constant 48 : index
        %swap3A_888 = tpu.vector_load %swap3A_886[%swap3A_887] {strides = array<i32>} : memref<128xf32, #tpu.memory_space<vmem>>, vector<16xf32>,
        %swap3A_889 = vector.shape_cast %swap3A_888 : vector<16xf32> to vector<16xf32>
        %swap3A_890 = vector.shape_cast %select_n3A_126 : vector<16xf32> to vector<16xf32>
        tpu.vector_store %swap3A_886[%swap3A_887], %swap3A_890 {strides = array<i32>} : memref<128xf32, #tpu.memory_space<vmem>>, vector<16xf32>,
        %swap3A_891 = arith.constant 11 : i32
        %swap3A_892 = arith.constant 0 : i32
        %swap3A_893 = tpu.memref_slice %arg11[%scan3A_155, %swap3A_891, %swap3A_892] : memref<4x32x128xf32, #tpu.memory_space<vmem>> -> memref<1x1x128xf32, #tpu.memory_space<vmem>>
        %swap3A_894 = tpu.memref_squeeze %swap3A_893 : memref<1x1x128xf32, #tpu.memory_space<vmem>> -> memref<128xf32, #tpu.memory_space<vmem>>
        %swap3A_895 = arith.constant 64 : index
        %swap3A_896 = tpu.vector_load %swap3A_894[%swap3A_895] {strides = array<i32>} : memref<128xf32, #tpu.memory_space<vmem>>, vector<16xf32>,
        %swap3A_897 = vector.shape_cast %swap3A_896 : vector<16xf32> to vector<16xf32>
        %swap3A_898 = vector.shape_cast %select_n3A_126 : vector<16xf32> to vector<16xf32>
        tpu.vector_store %swap3A_894[%swap3A_895], %swap3A_898 {strides = array<i32>} : memref<128xf32, #tpu.memory_space<vmem>>, vector<16xf32>,
        %swap3A_899 = arith.constant 11 : i32
        %swap3A_900 = arith.constant 0 : i32
        %swap3A_901 = tpu.memref_slice %arg11[%scan3A_155, %swap3A_899, %swap3A_900] : memref<4x32x128xf32, #tpu.memory_space<vmem>> -> memref<1x1x128xf32, #tpu.memory_space<vmem>>
        %swap3A_902 = tpu.memref_squeeze %swap3A_901 : memref<1x1x128xf32, #tpu.memory_space<vmem>> -> memref<128xf32, #tpu.memory_space<vmem>>
        %swap3A_903 = arith.constant 80 : index
        %swap3A_904 = tpu.vector_load %swap3A_902[%swap3A_903] {strides = array<i32>} : memref<128xf32, #tpu.memory_space<vmem>>, vector<16xf32>,
        %swap3A_905 = vector.shape_cast %swap3A_904 : vector<16xf32> to vector<16xf32>
        %swap3A_906 = vector.shape_cast %select_n3A_126 : vector<16xf32> to vector<16xf32>
        tpu.vector_store %swap3A_902[%swap3A_903], %swap3A_906 {strides = array<i32>} : memref<128xf32, #tpu.memory_space<vmem>>, vector<16xf32>,
        %swap3A_907 = arith.constant 11 : i32
        %swap3A_908 = arith.constant 0 : i32
        %swap3A_909 = tpu.memref_slice %arg11[%scan3A_155, %swap3A_907, %swap3A_908] : memref<4x32x128xf32, #tpu.memory_space<vmem>> -> memref<1x1x128xf32, #tpu.memory_space<vmem>>
        %swap3A_910 = tpu.memref_squeeze %swap3A_909 : memref<1x1x128xf32, #tpu.memory_space<vmem>> -> memref<128xf32, #tpu.memory_space<vmem>>
        %swap3A_911 = arith.constant 96 : index
        %swap3A_912 = tpu.vector_load %swap3A_910[%swap3A_911] {strides = array<i32>} : memref<128xf32, #tpu.memory_space<vmem>>, vector<16xf32>,
        %swap3A_913 = vector.shape_cast %swap3A_912 : vector<16xf32> to vector<16xf32>
        %swap3A_914 = vector.shape_cast %select_n3A_126 : vector<16xf32> to vector<16xf32>
        tpu.vector_store %swap3A_910[%swap3A_911], %swap3A_914 {strides = array<i32>} : memref<128xf32, #tpu.memory_space<vmem>>, vector<16xf32>,
        %swap3A_915 = arith.constant 11 : i32
        %swap3A_916 = arith.constant 0 : i32
        %swap3A_917 = tpu.memref_slice %arg11[%scan3A_155, %swap3A_915, %swap3A_916] : memref<4x32x128xf32, #tpu.memory_space<vmem>> -> memref<1x1x128xf32, #tpu.memory_space<vmem>>
        %swap3A_918 = tpu.memref_squeeze %swap3A_917 : memref<1x1x128xf32, #tpu.memory_space<vmem>> -> memref<128xf32, #tpu.memory_space<vmem>>
        %swap3A_919 = arith.constant 112 : index
        %swap3A_920 = tpu.vector_load %swap3A_918[%swap3A_919] {strides = array<i32>} : memref<128xf32, #tpu.memory_space<vmem>>, vector<16xf32>,
        %swap3A_921 = vector.shape_cast %swap3A_920 : vector<16xf32> to vector<16xf32>
        %swap3A_922 = vector.shape_cast %select_n3A_126 : vector<16xf32> to vector<16xf32>
        tpu.vector_store %swap3A_918[%swap3A_919], %swap3A_922 {strides = array<i32>} : memref<128xf32, #tpu.memory_space<vmem>>, vector<16xf32>,
        %swap3A_923 = arith.constant 12 : i32
        %swap3A_924 = arith.constant 0 : i32
        %swap3A_925 = tpu.memref_slice %arg11[%scan3A_155, %swap3A_923, %swap3A_924] : memref<4x32x128xf32, #tpu.memory_space<vmem>> -> memref<1x1x128xf32, #tpu.memory_space<vmem>>
        %swap3A_926 = tpu.memref_squeeze %swap3A_925 : memref<1x1x128xf32, #tpu.memory_space<vmem>> -> memref<128xf32, #tpu.memory_space<vmem>>
        %swap3A_927 = arith.constant 0 : index
        %swap3A_928 = tpu.vector_load %swap3A_926[%swap3A_927] {strides = array<i32>} : memref<128xf32, #tpu.memory_space<vmem>>, vector<16xf32>,
        %swap3A_929 = vector.shape_cast %swap3A_928 : vector<16xf32> to vector<16xf32>
        %swap3A_930 = vector.shape_cast %select_n3A_126 : vector<16xf32> to vector<16xf32>
        tpu.vector_store %swap3A_926[%swap3A_927], %swap3A_930 {strides = array<i32>} : memref<128xf32, #tpu.memory_space<vmem>>, vector<16xf32>,
        %swap3A_931 = arith.constant 12 : i32
        %swap3A_932 = arith.constant 0 : i32
        %swap3A_933 = tpu.memref_slice %arg11[%scan3A_155, %swap3A_931, %swap3A_932] : memref<4x32x128xf32, #tpu.memory_space<vmem>> -> memref<1x1x128xf32, #tpu.memory_space<vmem>>
        %swap3A_934 = tpu.memref_squeeze %swap3A_933 : memref<1x1x128xf32, #tpu.memory_space<vmem>> -> memref<128xf32, #tpu.memory_space<vmem>>
        %swap3A_935 = arith.constant 16 : index
        %swap3A_936 = tpu.vector_load %swap3A_934[%swap3A_935] {strides = array<i32>} : memref<128xf32, #tpu.memory_space<vmem>>, vector<16xf32>,
        %swap3A_937 = vector.shape_cast %swap3A_936 : vector<16xf32> to vector<16xf32>
        %swap3A_938 = vector.shape_cast %select_n3A_126 : vector<16xf32> to vector<16xf32>
        tpu.vector_store %swap3A_934[%swap3A_935], %swap3A_938 {strides = array<i32>} : memref<128xf32, #tpu.memory_space<vmem>>, vector<16xf32>,
        %swap3A_939 = arith.constant 12 : i32
        %swap3A_940 = arith.constant 0 : i32
        %swap3A_941 = tpu.memref_slice %arg11[%scan3A_155, %swap3A_939, %swap3A_940] : memref<4x32x128xf32, #tpu.memory_space<vmem>> -> memref<1x1x128xf32, #tpu.memory_space<vmem>>
        %swap3A_942 = tpu.memref_squeeze %swap3A_941 : memref<1x1x128xf32, #tpu.memory_space<vmem>> -> memref<128xf32, #tpu.memory_space<vmem>>
        %swap3A_943 = arith.constant 32 : index
        %swap3A_944 = tpu.vector_load %swap3A_942[%swap3A_943] {strides = array<i32>} : memref<128xf32, #tpu.memory_space<vmem>>, vector<16xf32>,
        %swap3A_945 = vector.shape_cast %swap3A_944 : vector<16xf32> to vector<16xf32>
        %swap3A_946 = vector.shape_cast %select_n3A_126 : vector<16xf32> to vector<16xf32>
        tpu.vector_store %swap3A_942[%swap3A_943], %swap3A_946 {strides = array<i32>} : memref<128xf32, #tpu.memory_space<vmem>>, vector<16xf32>,
        %swap3A_947 = arith.constant 12 : i32
        %swap3A_948 = arith.constant 0 : i32
        %swap3A_949 = tpu.memref_slice %arg11[%scan3A_155, %swap3A_947, %swap3A_948] : memref<4x32x128xf32, #tpu.memory_space<vmem>> -> memref<1x1x128xf32, #tpu.memory_space<vmem>>
        %swap3A_950 = tpu.memref_squeeze %swap3A_949 : memref<1x1x128xf32, #tpu.memory_space<vmem>> -> memref<128xf32, #tpu.memory_space<vmem>>
        %swap3A_951 = arith.constant 48 : index
        %swap3A_952 = tpu.vector_load %swap3A_950[%swap3A_951] {strides = array<i32>} : memref<128xf32, #tpu.memory_space<vmem>>, vector<16xf32>,
        %swap3A_953 = vector.shape_cast %swap3A_952 : vector<16xf32> to vector<16xf32>
        %swap3A_954 = vector.shape_cast %select_n3A_126 : vector<16xf32> to vector<16xf32>
        tpu.vector_store %swap3A_950[%swap3A_951], %swap3A_954 {strides = array<i32>} : memref<128xf32, #tpu.memory_space<vmem>>, vector<16xf32>,
        %swap3A_955 = arith.constant 12 : i32
        %swap3A_956 = arith.constant 0 : i32
        %swap3A_957 = tpu.memref_slice %arg11[%scan3A_155, %swap3A_955, %swap3A_956] : memref<4x32x128xf32, #tpu.memory_space<vmem>> -> memref<1x1x128xf32, #tpu.memory_space<vmem>>
        %swap3A_958 = tpu.memref_squeeze %swap3A_957 : memref<1x1x128xf32, #tpu.memory_space<vmem>> -> memref<128xf32, #tpu.memory_space<vmem>>
        %swap3A_959 = arith.constant 64 : index
        %swap3A_960 = tpu.vector_load %swap3A_958[%swap3A_959] {strides = array<i32>} : memref<128xf32, #tpu.memory_space<vmem>>, vector<16xf32>,
        %swap3A_961 = vector.shape_cast %swap3A_960 : vector<16xf32> to vector<16xf32>
        %swap3A_962 = vector.shape_cast %select_n3A_126 : vector<16xf32> to vector<16xf32>
        tpu.vector_store %swap3A_958[%swap3A_959], %swap3A_962 {strides = array<i32>} : memref<128xf32, #tpu.memory_space<vmem>>, vector<16xf32>,
        %swap3A_963 = arith.constant 12 : i32
        %swap3A_964 = arith.constant 0 : i32
        %swap3A_965 = tpu.memref_slice %arg11[%scan3A_155, %swap3A_963, %swap3A_964] : memref<4x32x128xf32, #tpu.memory_space<vmem>> -> memref<1x1x128xf32, #tpu.memory_space<vmem>>
        %swap3A_966 = tpu.memref_squeeze %swap3A_965 : memref<1x1x128xf32, #tpu.memory_space<vmem>> -> memref<128xf32, #tpu.memory_space<vmem>>
        %swap3A_967 = arith.constant 80 : index
        %swap3A_968 = tpu.vector_load %swap3A_966[%swap3A_967] {strides = array<i32>} : memref<128xf32, #tpu.memory_space<vmem>>, vector<16xf32>,
        %swap3A_969 = vector.shape_cast %swap3A_968 : vector<16xf32> to vector<16xf32>
        %swap3A_970 = vector.shape_cast %select_n3A_126 : vector<16xf32> to vector<16xf32>
        tpu.vector_store %swap3A_966[%swap3A_967], %swap3A_970 {strides = array<i32>} : memref<128xf32, #tpu.memory_space<vmem>>, vector<16xf32>,
        %swap3A_971 = arith.constant 12 : i32
        %swap3A_972 = arith.constant 0 : i32
        %swap3A_973 = tpu.memref_slice %arg11[%scan3A_155, %swap3A_971, %swap3A_972] : memref<4x32x128xf32, #tpu.memory_space<vmem>> -> memref<1x1x128xf32, #tpu.memory_space<vmem>>
        %swap3A_974 = tpu.memref_squeeze %swap3A_973 : memref<1x1x128xf32, #tpu.memory_space<vmem>> -> memref<128xf32, #tpu.memory_space<vmem>>
        %swap3A_975 = arith.constant 96 : index
        %swap3A_976 = tpu.vector_load %swap3A_974[%swap3A_975] {strides = array<i32>} : memref<128xf32, #tpu.memory_space<vmem>>, vector<16xf32>,
        %swap3A_977 = vector.shape_cast %swap3A_976 : vector<16xf32> to vector<16xf32>
        %swap3A_978 = vector.shape_cast %select_n3A_126 : vector<16xf32> to vector<16xf32>
        tpu.vector_store %swap3A_974[%swap3A_975], %swap3A_978 {strides = array<i32>} : memref<128xf32, #tpu.memory_space<vmem>>, vector<16xf32>,
        %swap3A_979 = arith.constant 12 : i32
        %swap3A_980 = arith.constant 0 : i32
        %swap3A_981 = tpu.memref_slice %arg11[%scan3A_155, %swap3A_979, %swap3A_980] : memref<4x32x128xf32, #tpu.memory_space<vmem>> -> memref<1x1x128xf32, #tpu.memory_space<vmem>>
        %swap3A_982 = tpu.memref_squeeze %swap3A_981 : memref<1x1x128xf32, #tpu.memory_space<vmem>> -> memref<128xf32, #tpu.memory_space<vmem>>
        %swap3A_983 = arith.constant 112 : index
        %swap3A_984 = tpu.vector_load %swap3A_982[%swap3A_983] {strides = array<i32>} : memref<128xf32, #tpu.memory_space<vmem>>, vector<16xf32>,
        %swap3A_985 = vector.shape_cast %swap3A_984 : vector<16xf32> to vector<16xf32>
        %swap3A_986 = vector.shape_cast %select_n3A_126 : vector<16xf32> to vector<16xf32>
        tpu.vector_store %swap3A_982[%swap3A_983], %swap3A_986 {strides = array<i32>} : memref<128xf32, #tpu.memory_space<vmem>>, vector<16xf32>,
        %swap3A_987 = arith.constant 13 : i32
        %swap3A_988 = arith.constant 0 : i32
        %swap3A_989 = tpu.memref_slice %arg11[%scan3A_155, %swap3A_987, %swap3A_988] : memref<4x32x128xf32, #tpu.memory_space<vmem>> -> memref<1x1x128xf32, #tpu.memory_space<vmem>>
        %swap3A_990 = tpu.memref_squeeze %swap3A_989 : memref<1x1x128xf32, #tpu.memory_space<vmem>> -> memref<128xf32, #tpu.memory_space<vmem>>
        %swap3A_991 = arith.constant 0 : index
        %swap3A_992 = tpu.vector_load %swap3A_990[%swap3A_991] {strides = array<i32>} : memref<128xf32, #tpu.memory_space<vmem>>, vector<16xf32>,
        %swap3A_993 = vector.shape_cast %swap3A_992 : vector<16xf32> to vector<16xf32>
        %swap3A_994 = vector.shape_cast %select_n3A_126 : vector<16xf32> to vector<16xf32>
        tpu.vector_store %swap3A_990[%swap3A_991], %swap3A_994 {strides = array<i32>} : memref<128xf32, #tpu.memory_space<vmem>>, vector<16xf32>,
        %swap3A_995 = arith.constant 13 : i32
        %swap3A_996 = arith.constant 0 : i32
        %swap3A_997 = tpu.memref_slice %arg11[%scan3A_155, %swap3A_995, %swap3A_996] : memref<4x32x128xf32, #tpu.memory_space<vmem>> -> memref<1x1x128xf32, #tpu.memory_space<vmem>>
        %swap3A_998 = tpu.memref_squeeze %swap3A_997 : memref<1x1x128xf32, #tpu.memory_space<vmem>> -> memref<128xf32, #tpu.memory_space<vmem>>
        %swap3A_999 = arith.constant 16 : index
        %swap3A_1000 = tpu.vector_load %swap3A_998[%swap3A_999] {strides = array<i32>} : memref<128xf32, #tpu.memory_space<vmem>>, vector<16xf32>,
        %swap3A_1001 = vector.shape_cast %swap3A_1000 : vector<16xf32> to vector<16xf32>
        %swap3A_1002 = vector.shape_cast %select_n3A_126 : vector<16xf32> to vector<16xf32>
        tpu.vector_store %swap3A_998[%swap3A_999], %swap3A_1002 {strides = array<i32>} : memref<128xf32, #tpu.memory_space<vmem>>, vector<16xf32>,
        %swap3A_1003 = arith.constant 13 : i32
        %swap3A_1004 = arith.constant 0 : i32
        %swap3A_1005 = tpu.memref_slice %arg11[%scan3A_155, %swap3A_1003, %swap3A_1004] : memref<4x32x128xf32, #tpu.memory_space<vmem>> -> memref<1x1x128xf32, #tpu.memory_space<vmem>>
        %swap3A_1006 = tpu.memref_squeeze %swap3A_1005 : memref<1x1x128xf32, #tpu.memory_space<vmem>> -> memref<128xf32, #tpu.memory_space<vmem>>
        %swap3A_1007 = arith.constant 32 : index
        %swap3A_1008 = tpu.vector_load %swap3A_1006[%swap3A_1007] {strides = array<i32>} : memref<128xf32, #tpu.memory_space<vmem>>, vector<16xf32>,
        %swap3A_1009 = vector.shape_cast %swap3A_1008 : vector<16xf32> to vector<16xf32>
        %swap3A_1010 = vector.shape_cast %select_n3A_126 : vector<16xf32> to vector<16xf32>
        tpu.vector_store %swap3A_1006[%swap3A_1007], %swap3A_1010 {strides = array<i32>} : memref<128xf32, #tpu.memory_space<vmem>>, vector<16xf32>,
        %swap3A_1011 = arith.constant 13 : i32
        %swap3A_1012 = arith.constant 0 : i32
        %swap3A_1013 = tpu.memref_slice %arg11[%scan3A_155, %swap3A_1011, %swap3A_1012] : memref<4x32x128xf32, #tpu.memory_space<vmem>> -> memref<1x1x128xf32, #tpu.memory_space<vmem>>
        %swap3A_1014 = tpu.memref_squeeze %swap3A_1013 : memref<1x1x128xf32, #tpu.memory_space<vmem>> -> memref<128xf32, #tpu.memory_space<vmem>>
        %swap3A_1015 = arith.constant 48 : index
        %swap3A_1016 = tpu.vector_load %swap3A_1014[%swap3A_1015] {strides = array<i32>} : memref<128xf32, #tpu.memory_space<vmem>>, vector<16xf32>,
        %swap3A_1017 = vector.shape_cast %swap3A_1016 : vector<16xf32> to vector<16xf32>
        %swap3A_1018 = vector.shape_cast %select_n3A_126 : vector<16xf32> to vector<16xf32>
        tpu.vector_store %swap3A_1014[%swap3A_1015], %swap3A_1018 {strides = array<i32>} : memref<128xf32, #tpu.memory_space<vmem>>, vector<16xf32>,
        %swap3A_1019 = arith.constant 13 : i32
        %swap3A_1020 = arith.constant 0 : i32
        %swap3A_1021 = tpu.memref_slice %arg11[%scan3A_155, %swap3A_1019, %swap3A_1020] : memref<4x32x128xf32, #tpu.memory_space<vmem>> -> memref<1x1x128xf32, #tpu.memory_space<vmem>>
        %swap3A_1022 = tpu.memref_squeeze %swap3A_1021 : memref<1x1x128xf32, #tpu.memory_space<vmem>> -> memref<128xf32, #tpu.memory_space<vmem>>
        %swap3A_1023 = arith.constant 64 : index
        %swap3A_1024 = tpu.vector_load %swap3A_1022[%swap3A_1023] {strides = array<i32>} : memref<128xf32, #tpu.memory_space<vmem>>, vector<16xf32>,
        %swap3A_1025 = vector.shape_cast %swap3A_1024 : vector<16xf32> to vector<16xf32>
        %swap3A_1026 = vector.shape_cast %select_n3A_126 : vector<16xf32> to vector<16xf32>
        tpu.vector_store %swap3A_1022[%swap3A_1023], %swap3A_1026 {strides = array<i32>} : memref<128xf32, #tpu.memory_space<vmem>>, vector<16xf32>,
        %swap3A_1027 = arith.constant 13 : i32
        %swap3A_1028 = arith.constant 0 : i32
        %swap3A_1029 = tpu.memref_slice %arg11[%scan3A_155, %swap3A_1027, %swap3A_1028] : memref<4x32x128xf32, #tpu.memory_space<vmem>> -> memref<1x1x128xf32, #tpu.memory_space<vmem>>
        %swap3A_1030 = tpu.memref_squeeze %swap3A_1029 : memref<1x1x128xf32, #tpu.memory_space<vmem>> -> memref<128xf32, #tpu.memory_space<vmem>>
        %swap3A_1031 = arith.constant 80 : index
        %swap3A_1032 = tpu.vector_load %swap3A_1030[%swap3A_1031] {strides = array<i32>} : memref<128xf32, #tpu.memory_space<vmem>>, vector<16xf32>,
        %swap3A_1033 = vector.shape_cast %swap3A_1032 : vector<16xf32> to vector<16xf32>
        %swap3A_1034 = vector.shape_cast %select_n3A_126 : vector<16xf32> to vector<16xf32>
        tpu.vector_store %swap3A_1030[%swap3A_1031], %swap3A_1034 {strides = array<i32>} : memref<128xf32, #tpu.memory_space<vmem>>, vector<16xf32>,
        %swap3A_1035 = arith.constant 13 : i32
        %swap3A_1036 = arith.constant 0 : i32
        %swap3A_1037 = tpu.memref_slice %arg11[%scan3A_155, %swap3A_1035, %swap3A_1036] : memref<4x32x128xf32, #tpu.memory_space<vmem>> -> memref<1x1x128xf32, #tpu.memory_space<vmem>>
        %swap3A_1038 = tpu.memref_squeeze %swap3A_1037 : memref<1x1x128xf32, #tpu.memory_space<vmem>> -> memref<128xf32, #tpu.memory_space<vmem>>
        %swap3A_1039 = arith.constant 96 : index
        %swap3A_1040 = tpu.vector_load %swap3A_1038[%swap3A_1039] {strides = array<i32>} : memref<128xf32, #tpu.memory_space<vmem>>, vector<16xf32>,
        %swap3A_1041 = vector.shape_cast %swap3A_1040 : vector<16xf32> to vector<16xf32>
        %swap3A_1042 = vector.shape_cast %select_n3A_126 : vector<16xf32> to vector<16xf32>
        tpu.vector_store %swap3A_1038[%swap3A_1039], %swap3A_1042 {strides = array<i32>} : memref<128xf32, #tpu.memory_space<vmem>>, vector<16xf32>,
        %swap3A_1043 = arith.constant 13 : i32
        %swap3A_1044 = arith.constant 0 : i32
        %swap3A_1045 = tpu.memref_slice %arg11[%scan3A_155, %swap3A_1043, %swap3A_1044] : memref<4x32x128xf32, #tpu.memory_space<vmem>> -> memref<1x1x128xf32, #tpu.memory_space<vmem>>
        %swap3A_1046 = tpu.memref_squeeze %swap3A_1045 : memref<1x1x128xf32, #tpu.memory_space<vmem>> -> memref<128xf32, #tpu.memory_space<vmem>>
        %swap3A_1047 = arith.constant 112 : index
        %swap3A_1048 = tpu.vector_load %swap3A_1046[%swap3A_1047] {strides = array<i32>} : memref<128xf32, #tpu.memory_space<vmem>>, vector<16xf32>,
        %swap3A_1049 = vector.shape_cast %swap3A_1048 : vector<16xf32> to vector<16xf32>
        %swap3A_1050 = vector.shape_cast %select_n3A_126 : vector<16xf32> to vector<16xf32>
        tpu.vector_store %swap3A_1046[%swap3A_1047], %swap3A_1050 {strides = array<i32>} : memref<128xf32, #tpu.memory_space<vmem>>, vector<16xf32>,
        %swap3A_1051 = arith.constant 14 : i32
        %swap3A_1052 = arith.constant 0 : i32
        %swap3A_1053 = tpu.memref_slice %arg11[%scan3A_155, %swap3A_1051, %swap3A_1052] : memref<4x32x128xf32, #tpu.memory_space<vmem>> -> memref<1x1x128xf32, #tpu.memory_space<vmem>>
        %swap3A_1054 = tpu.memref_squeeze %swap3A_1053 : memref<1x1x128xf32, #tpu.memory_space<vmem>> -> memref<128xf32, #tpu.memory_space<vmem>>
        %swap3A_1055 = arith.constant 0 : index
        %swap3A_1056 = tpu.vector_load %swap3A_1054[%swap3A_1055] {strides = array<i32>} : memref<128xf32, #tpu.memory_space<vmem>>, vector<16xf32>,
        %swap3A_1057 = vector.shape_cast %swap3A_1056 : vector<16xf32> to vector<16xf32>
        %swap3A_1058 = vector.shape_cast %select_n3A_126 : vector<16xf32> to vector<16xf32>
        tpu.vector_store %swap3A_1054[%swap3A_1055], %swap3A_1058 {strides = array<i32>} : memref<128xf32, #tpu.memory_space<vmem>>, vector<16xf32>,
        %swap3A_1059 = arith.constant 14 : i32
        %swap3A_1060 = arith.constant 0 : i32
        %swap3A_1061 = tpu.memref_slice %arg11[%scan3A_155, %swap3A_1059, %swap3A_1060] : memref<4x32x128xf32, #tpu.memory_space<vmem>> -> memref<1x1x128xf32, #tpu.memory_space<vmem>>
        %swap3A_1062 = tpu.memref_squeeze %swap3A_1061 : memref<1x1x128xf32, #tpu.memory_space<vmem>> -> memref<128xf32, #tpu.memory_space<vmem>>
        %swap3A_1063 = arith.constant 16 : index
        %swap3A_1064 = tpu.vector_load %swap3A_1062[%swap3A_1063] {strides = array<i32>} : memref<128xf32, #tpu.memory_space<vmem>>, vector<16xf32>,
        %swap3A_1065 = vector.shape_cast %swap3A_1064 : vector<16xf32> to vector<16xf32>
        %swap3A_1066 = vector.shape_cast %select_n3A_126 : vector<16xf32> to vector<16xf32>
        tpu.vector_store %swap3A_1062[%swap3A_1063], %swap3A_1066 {strides = array<i32>} : memref<128xf32, #tpu.memory_space<vmem>>, vector<16xf32>,
        %swap3A_1067 = arith.constant 14 : i32
        %swap3A_1068 = arith.constant 0 : i32
        %swap3A_1069 = tpu.memref_slice %arg11[%scan3A_155, %swap3A_1067, %swap3A_1068] : memref<4x32x128xf32, #tpu.memory_space<vmem>> -> memref<1x1x128xf32, #tpu.memory_space<vmem>>
        %swap3A_1070 = tpu.memref_squeeze %swap3A_1069 : memref<1x1x128xf32, #tpu.memory_space<vmem>> -> memref<128xf32, #tpu.memory_space<vmem>>
        %swap3A_1071 = arith.constant 32 : index
        %swap3A_1072 = tpu.vector_load %swap3A_1070[%swap3A_1071] {strides = array<i32>} : memref<128xf32, #tpu.memory_space<vmem>>, vector<16xf32>,
        %swap3A_1073 = vector.shape_cast %swap3A_1072 : vector<16xf32> to vector<16xf32>
        %swap3A_1074 = vector.shape_cast %select_n3A_126 : vector<16xf32> to vector<16xf32>
        tpu.vector_store %swap3A_1070[%swap3A_1071], %swap3A_1074 {strides = array<i32>} : memref<128xf32, #tpu.memory_space<vmem>>, vector<16xf32>,
        %swap3A_1075 = arith.constant 14 : i32
        %swap3A_1076 = arith.constant 0 : i32
        %swap3A_1077 = tpu.memref_slice %arg11[%scan3A_155, %swap3A_1075, %swap3A_1076] : memref<4x32x128xf32, #tpu.memory_space<vmem>> -> memref<1x1x128xf32, #tpu.memory_space<vmem>>
        %swap3A_1078 = tpu.memref_squeeze %swap3A_1077 : memref<1x1x128xf32, #tpu.memory_space<vmem>> -> memref<128xf32, #tpu.memory_space<vmem>>
        %swap3A_1079 = arith.constant 48 : index
        %swap3A_1080 = tpu.vector_load %swap3A_1078[%swap3A_1079] {strides = array<i32>} : memref<128xf32, #tpu.memory_space<vmem>>, vector<16xf32>,
        %swap3A_1081 = vector.shape_cast %swap3A_1080 : vector<16xf32> to vector<16xf32>
        %swap3A_1082 = vector.shape_cast %select_n3A_126 : vector<16xf32> to vector<16xf32>
        tpu.vector_store %swap3A_1078[%swap3A_1079], %swap3A_1082 {strides = array<i32>} : memref<128xf32, #tpu.memory_space<vmem>>, vector<16xf32>,
        %swap3A_1083 = arith.constant 14 : i32
        %swap3A_1084 = arith.constant 0 : i32
        %swap3A_1085 = tpu.memref_slice %arg11[%scan3A_155, %swap3A_1083, %swap3A_1084] : memref<4x32x128xf32, #tpu.memory_space<vmem>> -> memref<1x1x128xf32, #tpu.memory_space<vmem>>
        %swap3A_1086 = tpu.memref_squeeze %swap3A_1085 : memref<1x1x128xf32, #tpu.memory_space<vmem>> -> memref<128xf32, #tpu.memory_space<vmem>>
        %swap3A_1087 = arith.constant 64 : index
        %swap3A_1088 = tpu.vector_load %swap3A_1086[%swap3A_1087] {strides = array<i32>} : memref<128xf32, #tpu.memory_space<vmem>>, vector<16xf32>,
        %swap3A_1089 = vector.shape_cast %swap3A_1088 : vector<16xf32> to vector<16xf32>
        %swap3A_1090 = vector.shape_cast %select_n3A_126 : vector<16xf32> to vector<16xf32>
        tpu.vector_store %swap3A_1086[%swap3A_1087], %swap3A_1090 {strides = array<i32>} : memref<128xf32, #tpu.memory_space<vmem>>, vector<16xf32>,
        %swap3A_1091 = arith.constant 14 : i32
        %swap3A_1092 = arith.constant 0 : i32
        %swap3A_1093 = tpu.memref_slice %arg11[%scan3A_155, %swap3A_1091, %swap3A_1092] : memref<4x32x128xf32, #tpu.memory_space<vmem>> -> memref<1x1x128xf32, #tpu.memory_space<vmem>>
        %swap3A_1094 = tpu.memref_squeeze %swap3A_1093 : memref<1x1x128xf32, #tpu.memory_space<vmem>> -> memref<128xf32, #tpu.memory_space<vmem>>
        %swap3A_1095 = arith.constant 80 : index
        %swap3A_1096 = tpu.vector_load %swap3A_1094[%swap3A_1095] {strides = array<i32>} : memref<128xf32, #tpu.memory_space<vmem>>, vector<16xf32>,
        %swap3A_1097 = vector.shape_cast %swap3A_1096 : vector<16xf32> to vector<16xf32>
        %swap3A_1098 = vector.shape_cast %select_n3A_126 : vector<16xf32> to vector<16xf32>
        tpu.vector_store %swap3A_1094[%swap3A_1095], %swap3A_1098 {strides = array<i32>} : memref<128xf32, #tpu.memory_space<vmem>>, vector<16xf32>,
        %swap3A_1099 = arith.constant 14 : i32
        %swap3A_1100 = arith.constant 0 : i32
        %swap3A_1101 = tpu.memref_slice %arg11[%scan3A_155, %swap3A_1099, %swap3A_1100] : memref<4x32x128xf32, #tpu.memory_space<vmem>> -> memref<1x1x128xf32, #tpu.memory_space<vmem>>
        %swap3A_1102 = tpu.memref_squeeze %swap3A_1101 : memref<1x1x128xf32, #tpu.memory_space<vmem>> -> memref<128xf32, #tpu.memory_space<vmem>>
        %swap3A_1103 = arith.constant 96 : index
        %swap3A_1104 = tpu.vector_load %swap3A_1102[%swap3A_1103] {strides = array<i32>} : memref<128xf32, #tpu.memory_space<vmem>>, vector<16xf32>,
        %swap3A_1105 = vector.shape_cast %swap3A_1104 : vector<16xf32> to vector<16xf32>
        %swap3A_1106 = vector.shape_cast %select_n3A_126 : vector<16xf32> to vector<16xf32>
        tpu.vector_store %swap3A_1102[%swap3A_1103], %swap3A_1106 {strides = array<i32>} : memref<128xf32, #tpu.memory_space<vmem>>, vector<16xf32>,
        %swap3A_1107 = arith.constant 14 : i32
        %swap3A_1108 = arith.constant 0 : i32
        %swap3A_1109 = tpu.memref_slice %arg11[%scan3A_155, %swap3A_1107, %swap3A_1108] : memref<4x32x128xf32, #tpu.memory_space<vmem>> -> memref<1x1x128xf32, #tpu.memory_space<vmem>>
        %swap3A_1110 = tpu.memref_squeeze %swap3A_1109 : memref<1x1x128xf32, #tpu.memory_space<vmem>> -> memref<128xf32, #tpu.memory_space<vmem>>
        %swap3A_1111 = arith.constant 112 : index
        %swap3A_1112 = tpu.vector_load %swap3A_1110[%swap3A_1111] {strides = array<i32>} : memref<128xf32, #tpu.memory_space<vmem>>, vector<16xf32>,
        %swap3A_1113 = vector.shape_cast %swap3A_1112 : vector<16xf32> to vector<16xf32>
        %swap3A_1114 = vector.shape_cast %select_n3A_126 : vector<16xf32> to vector<16xf32>
        tpu.vector_store %swap3A_1110[%swap3A_1111], %swap3A_1114 {strides = array<i32>} : memref<128xf32, #tpu.memory_space<vmem>>, vector<16xf32>,
        %swap3A_1115 = arith.constant 15 : i32
        %swap3A_1116 = arith.constant 0 : i32
        %swap3A_1117 = tpu.memref_slice %arg11[%scan3A_155, %swap3A_1115, %swap3A_1116] : memref<4x32x128xf32, #tpu.memory_space<vmem>> -> memref<1x1x128xf32, #tpu.memory_space<vmem>>
        %swap3A_1118 = tpu.memref_squeeze %swap3A_1117 : memref<1x1x128xf32, #tpu.memory_space<vmem>> -> memref<128xf32, #tpu.memory_space<vmem>>
        %swap3A_1119 = arith.constant 0 : index
        %swap3A_1120 = tpu.vector_load %swap3A_1118[%swap3A_1119] {strides = array<i32>} : memref<128xf32, #tpu.memory_space<vmem>>, vector<16xf32>,
        %swap3A_1121 = vector.shape_cast %swap3A_1120 : vector<16xf32> to vector<16xf32>
        %swap3A_1122 = vector.shape_cast %select_n3A_126 : vector<16xf32> to vector<16xf32>
        tpu.vector_store %swap3A_1118[%swap3A_1119], %swap3A_1122 {strides = array<i32>} : memref<128xf32, #tpu.memory_space<vmem>>, vector<16xf32>,
        %swap3A_1123 = arith.constant 15 : i32
        %swap3A_1124 = arith.constant 0 : i32
        %swap3A_1125 = tpu.memref_slice %arg11[%scan3A_155, %swap3A_1123, %swap3A_1124] : memref<4x32x128xf32, #tpu.memory_space<vmem>> -> memref<1x1x128xf32, #tpu.memory_space<vmem>>
        %swap3A_1126 = tpu.memref_squeeze %swap3A_1125 : memref<1x1x128xf32, #tpu.memory_space<vmem>> -> memref<128xf32, #tpu.memory_space<vmem>>
        %swap3A_1127 = arith.constant 16 : index
        %swap3A_1128 = tpu.vector_load %swap3A_1126[%swap3A_1127] {strides = array<i32>} : memref<128xf32, #tpu.memory_space<vmem>>, vector<16xf32>,
        %swap3A_1129 = vector.shape_cast %swap3A_1128 : vector<16xf32> to vector<16xf32>
        %swap3A_1130 = vector.shape_cast %select_n3A_126 : vector<16xf32> to vector<16xf32>
        tpu.vector_store %swap3A_1126[%swap3A_1127], %swap3A_1130 {strides = array<i32>} : memref<128xf32, #tpu.memory_space<vmem>>, vector<16xf32>,
        %swap3A_1131 = arith.constant 15 : i32
        %swap3A_1132 = arith.constant 0 : i32
        %swap3A_1133 = tpu.memref_slice %arg11[%scan3A_155, %swap3A_1131, %swap3A_1132] : memref<4x32x128xf32, #tpu.memory_space<vmem>> -> memref<1x1x128xf32, #tpu.memory_space<vmem>>
        %swap3A_1134 = tpu.memref_squeeze %swap3A_1133 : memref<1x1x128xf32, #tpu.memory_space<vmem>> -> memref<128xf32, #tpu.memory_space<vmem>>
        %swap3A_1135 = arith.constant 32 : index
        %swap3A_1136 = tpu.vector_load %swap3A_1134[%swap3A_1135] {strides = array<i32>} : memref<128xf32, #tpu.memory_space<vmem>>, vector<16xf32>,
        %swap3A_1137 = vector.shape_cast %swap3A_1136 : vector<16xf32> to vector<16xf32>
        %swap3A_1138 = vector.shape_cast %select_n3A_126 : vector<16xf32> to vector<16xf32>
        tpu.vector_store %swap3A_1134[%swap3A_1135], %swap3A_1138 {strides = array<i32>} : memref<128xf32, #tpu.memory_space<vmem>>, vector<16xf32>,
        %swap3A_1139 = arith.constant 15 : i32
        %swap3A_1140 = arith.constant 0 : i32
        %swap3A_1141 = tpu.memref_slice %arg11[%scan3A_155, %swap3A_1139, %swap3A_1140] : memref<4x32x128xf32, #tpu.memory_space<vmem>> -> memref<1x1x128xf32, #tpu.memory_space<vmem>>
        %swap3A_1142 = tpu.memref_squeeze %swap3A_1141 : memref<1x1x128xf32, #tpu.memory_space<vmem>> -> memref<128xf32, #tpu.memory_space<vmem>>
        %swap3A_1143 = arith.constant 48 : index
        %swap3A_1144 = tpu.vector_load %swap3A_1142[%swap3A_1143] {strides = array<i32>} : memref<128xf32, #tpu.memory_space<vmem>>, vector<16xf32>,
        %swap3A_1145 = vector.shape_cast %swap3A_1144 : vector<16xf32> to vector<16xf32>
        %swap3A_1146 = vector.shape_cast %select_n3A_126 : vector<16xf32> to vector<16xf32>
        tpu.vector_store %swap3A_1142[%swap3A_1143], %swap3A_1146 {strides = array<i32>} : memref<128xf32, #tpu.memory_space<vmem>>, vector<16xf32>,
        %swap3A_1147 = arith.constant 15 : i32
        %swap3A_1148 = arith.constant 0 : i32
        %swap3A_1149 = tpu.memref_slice %arg11[%scan3A_155, %swap3A_1147, %swap3A_1148] : memref<4x32x128xf32, #tpu.memory_space<vmem>> -> memref<1x1x128xf32, #tpu.memory_space<vmem>>
        %swap3A_1150 = tpu.memref_squeeze %swap3A_1149 : memref<1x1x128xf32, #tpu.memory_space<vmem>> -> memref<128xf32, #tpu.memory_space<vmem>>
        %swap3A_1151 = arith.constant 64 : index
        %swap3A_1152 = tpu.vector_load %swap3A_1150[%swap3A_1151] {strides = array<i32>} : memref<128xf32, #tpu.memory_space<vmem>>, vector<16xf32>,
        %swap3A_1153 = vector.shape_cast %swap3A_1152 : vector<16xf32> to vector<16xf32>
        %swap3A_1154 = vector.shape_cast %select_n3A_126 : vector<16xf32> to vector<16xf32>
        tpu.vector_store %swap3A_1150[%swap3A_1151], %swap3A_1154 {strides = array<i32>} : memref<128xf32, #tpu.memory_space<vmem>>, vector<16xf32>,
        %swap3A_1155 = arith.constant 15 : i32
        %swap3A_1156 = arith.constant 0 : i32
        %swap3A_1157 = tpu.memref_slice %arg11[%scan3A_155, %swap3A_1155, %swap3A_1156] : memref<4x32x128xf32, #tpu.memory_space<vmem>> -> memref<1x1x128xf32, #tpu.memory_space<vmem>>
        %swap3A_1158 = tpu.memref_squeeze %swap3A_1157 : memref<1x1x128xf32, #tpu.memory_space<vmem>> -> memref<128xf32, #tpu.memory_space<vmem>>
        %swap3A_1159 = arith.constant 80 : index
        %swap3A_1160 = tpu.vector_load %swap3A_1158[%swap3A_1159] {strides = array<i32>} : memref<128xf32, #tpu.memory_space<vmem>>, vector<16xf32>,
        %swap3A_1161 = vector.shape_cast %swap3A_1160 : vector<16xf32> to vector<16xf32>
        %swap3A_1162 = vector.shape_cast %select_n3A_126 : vector<16xf32> to vector<16xf32>
        tpu.vector_store %swap3A_1158[%swap3A_1159], %swap3A_1162 {strides = array<i32>} : memref<128xf32, #tpu.memory_space<vmem>>, vector<16xf32>,
        %swap3A_1163 = arith.constant 15 : i32
        %swap3A_1164 = arith.constant 0 : i32
        %swap3A_1165 = tpu.memref_slice %arg11[%scan3A_155, %swap3A_1163, %swap3A_1164] : memref<4x32x128xf32, #tpu.memory_space<vmem>> -> memref<1x1x128xf32, #tpu.memory_space<vmem>>
        %swap3A_1166 = tpu.memref_squeeze %swap3A_1165 : memref<1x1x128xf32, #tpu.memory_space<vmem>> -> memref<128xf32, #tpu.memory_space<vmem>>
        %swap3A_1167 = arith.constant 96 : index
        %swap3A_1168 = tpu.vector_load %swap3A_1166[%swap3A_1167] {strides = array<i32>} : memref<128xf32, #tpu.memory_space<vmem>>, vector<16xf32>,
        %swap3A_1169 = vector.shape_cast %swap3A_1168 : vector<16xf32> to vector<16xf32>
        %swap3A_1170 = vector.shape_cast %select_n3A_126 : vector<16xf32> to vector<16xf32>
        tpu.vector_store %swap3A_1166[%swap3A_1167], %swap3A_1170 {strides = array<i32>} : memref<128xf32, #tpu.memory_space<vmem>>, vector<16xf32>,
        %swap3A_1171 = arith.constant 15 : i32
        %swap3A_1172 = arith.constant 0 : i32
        %swap3A_1173 = tpu.memref_slice %arg11[%scan3A_155, %swap3A_1171, %swap3A_1172] : memref<4x32x128xf32, #tpu.memory_space<vmem>> -> memref<1x1x128xf32, #tpu.memory_space<vmem>>
        %swap3A_1174 = tpu.memref_squeeze %swap3A_1173 : memref<1x1x128xf32, #tpu.memory_space<vmem>> -> memref<128xf32, #tpu.memory_space<vmem>>
        %swap3A_1175 = arith.constant 112 : index
        %swap3A_1176 = tpu.vector_load %swap3A_1174[%swap3A_1175] {strides = array<i32>} : memref<128xf32, #tpu.memory_space<vmem>>, vector<16xf32>,
        %swap3A_1177 = vector.shape_cast %swap3A_1176 : vector<16xf32> to vector<16xf32>
        %swap3A_1178 = vector.shape_cast %select_n3A_126 : vector<16xf32> to vector<16xf32>
        tpu.vector_store %swap3A_1174[%swap3A_1175], %swap3A_1178 {strides = array<i32>} : memref<128xf32, #tpu.memory_space<vmem>>, vector<16xf32>,
        %swap3A_1179 = arith.constant 16 : i32
        %swap3A_1180 = arith.constant 0 : i32
        %swap3A_1181 = tpu.memref_slice %arg11[%scan3A_155, %swap3A_1179, %swap3A_1180] : memref<4x32x128xf32, #tpu.memory_space<vmem>> -> memref<1x1x128xf32, #tpu.memory_space<vmem>>
        %swap3A_1182 = tpu.memref_squeeze %swap3A_1181 : memref<1x1x128xf32, #tpu.memory_space<vmem>> -> memref<128xf32, #tpu.memory_space<vmem>>
        %swap3A_1183 = arith.constant 0 : index
        %swap3A_1184 = tpu.vector_load %swap3A_1182[%swap3A_1183] {strides = array<i32>} : memref<128xf32, #tpu.memory_space<vmem>>, vector<16xf32>,
        %swap3A_1185 = vector.shape_cast %swap3A_1184 : vector<16xf32> to vector<16xf32>
        %swap3A_1186 = vector.shape_cast %select_n3A_126 : vector<16xf32> to vector<16xf32>
        tpu.vector_store %swap3A_1182[%swap3A_1183], %swap3A_1186 {strides = array<i32>} : memref<128xf32, #tpu.memory_space<vmem>>, vector<16xf32>,
        %swap3A_1187 = arith.constant 16 : i32
        %swap3A_1188 = arith.constant 0 : i32
        %swap3A_1189 = tpu.memref_slice %arg11[%scan3A_155, %swap3A_1187, %swap3A_1188] : memref<4x32x128xf32, #tpu.memory_space<vmem>> -> memref<1x1x128xf32, #tpu.memory_space<vmem>>
        %swap3A_1190 = tpu.memref_squeeze %swap3A_1189 : memref<1x1x128xf32, #tpu.memory_space<vmem>> -> memref<128xf32, #tpu.memory_space<vmem>>
        %swap3A_1191 = arith.constant 16 : index
        %swap3A_1192 = tpu.vector_load %swap3A_1190[%swap3A_1191] {strides = array<i32>} : memref<128xf32, #tpu.memory_space<vmem>>, vector<16xf32>,
        %swap3A_1193 = vector.shape_cast %swap3A_1192 : vector<16xf32> to vector<16xf32>
        %swap3A_1194 = vector.shape_cast %select_n3A_126 : vector<16xf32> to vector<16xf32>
        tpu.vector_store %swap3A_1190[%swap3A_1191], %swap3A_1194 {strides = array<i32>} : memref<128xf32, #tpu.memory_space<vmem>>, vector<16xf32>,
        %swap3A_1195 = arith.constant 16 : i32
        %swap3A_1196 = arith.constant 0 : i32
        %swap3A_1197 = tpu.memref_slice %arg11[%scan3A_155, %swap3A_1195, %swap3A_1196] : memref<4x32x128xf32, #tpu.memory_space<vmem>> -> memref<1x1x128xf32, #tpu.memory_space<vmem>>
        %swap3A_1198 = tpu.memref_squeeze %swap3A_1197 : memref<1x1x128xf32, #tpu.memory_space<vmem>> -> memref<128xf32, #tpu.memory_space<vmem>>
        %swap3A_1199 = arith.constant 32 : index
        %swap3A_1200 = tpu.vector_load %swap3A_1198[%swap3A_1199] {strides = array<i32>} : memref<128xf32, #tpu.memory_space<vmem>>, vector<16xf32>,
        %swap3A_1201 = vector.shape_cast %swap3A_1200 : vector<16xf32> to vector<16xf32>
        %swap3A_1202 = vector.shape_cast %select_n3A_126 : vector<16xf32> to vector<16xf32>
        tpu.vector_store %swap3A_1198[%swap3A_1199], %swap3A_1202 {strides = array<i32>} : memref<128xf32, #tpu.memory_space<vmem>>, vector<16xf32>,
        %swap3A_1203 = arith.constant 16 : i32
        %swap3A_1204 = arith.constant 0 : i32
        %swap3A_1205 = tpu.memref_slice %arg11[%scan3A_155, %swap3A_1203, %swap3A_1204] : memref<4x32x128xf32, #tpu.memory_space<vmem>> -> memref<1x1x128xf32, #tpu.memory_space<vmem>>
        %swap3A_1206 = tpu.memref_squeeze %swap3A_1205 : memref<1x1x128xf32, #tpu.memory_space<vmem>> -> memref<128xf32, #tpu.memory_space<vmem>>
        %swap3A_1207 = arith.constant 48 : index
        %swap3A_1208 = tpu.vector_load %swap3A_1206[%swap3A_1207] {strides = array<i32>} : memref<128xf32, #tpu.memory_space<vmem>>, vector<16xf32>,
        %swap3A_1209 = vector.shape_cast %swap3A_1208 : vector<16xf32> to vector<16xf32>
        %swap3A_1210 = vector.shape_cast %select_n3A_126 : vector<16xf32> to vector<16xf32>
        tpu.vector_store %swap3A_1206[%swap3A_1207], %swap3A_1210 {strides = array<i32>} : memref<128xf32, #tpu.memory_space<vmem>>, vector<16xf32>,
        %swap3A_1211 = arith.constant 16 : i32
        %swap3A_1212 = arith.constant 0 : i32
        %swap3A_1213 = tpu.memref_slice %arg11[%scan3A_155, %swap3A_1211, %swap3A_1212] : memref<4x32x128xf32, #tpu.memory_space<vmem>> -> memref<1x1x128xf32, #tpu.memory_space<vmem>>
        %swap3A_1214 = tpu.memref_squeeze %swap3A_1213 : memref<1x1x128xf32, #tpu.memory_space<vmem>> -> memref<128xf32, #tpu.memory_space<vmem>>
        %swap3A_1215 = arith.constant 64 : index
        %swap3A_1216 = tpu.vector_load %swap3A_1214[%swap3A_1215] {strides = array<i32>} : memref<128xf32, #tpu.memory_space<vmem>>, vector<16xf32>,
        %swap3A_1217 = vector.shape_cast %swap3A_1216 : vector<16xf32> to vector<16xf32>
        %swap3A_1218 = vector.shape_cast %select_n3A_126 : vector<16xf32> to vector<16xf32>
        tpu.vector_store %swap3A_1214[%swap3A_1215], %swap3A_1218 {strides = array<i32>} : memref<128xf32, #tpu.memory_space<vmem>>, vector<16xf32>,
        %swap3A_1219 = arith.constant 16 : i32
        %swap3A_1220 = arith.constant 0 : i32
        %swap3A_1221 = tpu.memref_slice %arg11[%scan3A_155, %swap3A_1219, %swap3A_1220] : memref<4x32x128xf32, #tpu.memory_space<vmem>> -> memref<1x1x128xf32, #tpu.memory_space<vmem>>
        %swap3A_1222 = tpu.memref_squeeze %swap3A_1221 : memref<1x1x128xf32, #tpu.memory_space<vmem>> -> memref<128xf32, #tpu.memory_space<vmem>>
        %swap3A_1223 = arith.constant 80 : index
        %swap3A_1224 = tpu.vector_load %swap3A_1222[%swap3A_1223] {strides = array<i32>} : memref<128xf32, #tpu.memory_space<vmem>>, vector<16xf32>,
        %swap3A_1225 = vector.shape_cast %swap3A_1224 : vector<16xf32> to vector<16xf32>
        %swap3A_1226 = vector.shape_cast %select_n3A_126 : vector<16xf32> to vector<16xf32>
        tpu.vector_store %swap3A_1222[%swap3A_1223], %swap3A_1226 {strides = array<i32>} : memref<128xf32, #tpu.memory_space<vmem>>, vector<16xf32>,
        %swap3A_1227 = arith.constant 16 : i32
        %swap3A_1228 = arith.constant 0 : i32
        %swap3A_1229 = tpu.memref_slice %arg11[%scan3A_155, %swap3A_1227, %swap3A_1228] : memref<4x32x128xf32, #tpu.memory_space<vmem>> -> memref<1x1x128xf32, #tpu.memory_space<vmem>>
        %swap3A_1230 = tpu.memref_squeeze %swap3A_1229 : memref<1x1x128xf32, #tpu.memory_space<vmem>> -> memref<128xf32, #tpu.memory_space<vmem>>
        %swap3A_1231 = arith.constant 96 : index
        %swap3A_1232 = tpu.vector_load %swap3A_1230[%swap3A_1231] {strides = array<i32>} : memref<128xf32, #tpu.memory_space<vmem>>, vector<16xf32>,
        %swap3A_1233 = vector.shape_cast %swap3A_1232 : vector<16xf32> to vector<16xf32>
        %swap3A_1234 = vector.shape_cast %select_n3A_126 : vector<16xf32> to vector<16xf32>
        tpu.vector_store %swap3A_1230[%swap3A_1231], %swap3A_1234 {strides = array<i32>} : memref<128xf32, #tpu.memory_space<vmem>>, vector<16xf32>,
        %swap3A_1235 = arith.constant 16 : i32
        %swap3A_1236 = arith.constant 0 : i32
        %swap3A_1237 = tpu.memref_slice %arg11[%scan3A_155, %swap3A_1235, %swap3A_1236] : memref<4x32x128xf32, #tpu.memory_space<vmem>> -> memref<1x1x128xf32, #tpu.memory_space<vmem>>
        %swap3A_1238 = tpu.memref_squeeze %swap3A_1237 : memref<1x1x128xf32, #tpu.memory_space<vmem>> -> memref<128xf32, #tpu.memory_space<vmem>>
        %swap3A_1239 = arith.constant 112 : index
        %swap3A_1240 = tpu.vector_load %swap3A_1238[%swap3A_1239] {strides = array<i32>} : memref<128xf32, #tpu.memory_space<vmem>>, vector<16xf32>,
        %swap3A_1241 = vector.shape_cast %swap3A_1240 : vector<16xf32> to vector<16xf32>
        %swap3A_1242 = vector.shape_cast %select_n3A_126 : vector<16xf32> to vector<16xf32>
        tpu.vector_store %swap3A_1238[%swap3A_1239], %swap3A_1242 {strides = array<i32>} : memref<128xf32, #tpu.memory_space<vmem>>, vector<16xf32>,
        %swap3A_1243 = arith.constant 17 : i32
        %swap3A_1244 = arith.constant 0 : i32
        %swap3A_1245 = tpu.memref_slice %arg11[%scan3A_155, %swap3A_1243, %swap3A_1244] : memref<4x32x128xf32, #tpu.memory_space<vmem>> -> memref<1x1x128xf32, #tpu.memory_space<vmem>>
        %swap3A_1246 = tpu.memref_squeeze %swap3A_1245 : memref<1x1x128xf32, #tpu.memory_space<vmem>> -> memref<128xf32, #tpu.memory_space<vmem>>
        %swap3A_1247 = arith.constant 0 : index
        %swap3A_1248 = tpu.vector_load %swap3A_1246[%swap3A_1247] {strides = array<i32>} : memref<128xf32, #tpu.memory_space<vmem>>, vector<16xf32>,
        %swap3A_1249 = vector.shape_cast %swap3A_1248 : vector<16xf32> to vector<16xf32>
        %swap3A_1250 = vector.shape_cast %select_n3A_126 : vector<16xf32> to vector<16xf32>
        tpu.vector_store %swap3A_1246[%swap3A_1247], %swap3A_1250 {strides = array<i32>} : memref<128xf32, #tpu.memory_space<vmem>>, vector<16xf32>,
        %swap3A_1251 = arith.constant 17 : i32
        %swap3A_1252 = arith.constant 0 : i32
        %swap3A_1253 = tpu.memref_slice %arg11[%scan3A_155, %swap3A_1251, %swap3A_1252] : memref<4x32x128xf32, #tpu.memory_space<vmem>> -> memref<1x1x128xf32, #tpu.memory_space<vmem>>
        %swap3A_1254 = tpu.memref_squeeze %swap3A_1253 : memref<1x1x128xf32, #tpu.memory_space<vmem>> -> memref<128xf32, #tpu.memory_space<vmem>>
        %swap3A_1255 = arith.constant 16 : index
        %swap3A_1256 = tpu.vector_load %swap3A_1254[%swap3A_1255] {strides = array<i32>} : memref<128xf32, #tpu.memory_space<vmem>>, vector<16xf32>,
        %swap3A_1257 = vector.shape_cast %swap3A_1256 : vector<16xf32> to vector<16xf32>
        %swap3A_1258 = vector.shape_cast %select_n3A_126 : vector<16xf32> to vector<16xf32>
        tpu.vector_store %swap3A_1254[%swap3A_1255], %swap3A_1258 {strides = array<i32>} : memref<128xf32, #tpu.memory_space<vmem>>, vector<16xf32>,
        %swap3A_1259 = arith.constant 17 : i32
        %swap3A_1260 = arith.constant 0 : i32
        %swap3A_1261 = tpu.memref_slice %arg11[%scan3A_155, %swap3A_1259, %swap3A_1260] : memref<4x32x128xf32, #tpu.memory_space<vmem>> -> memref<1x1x128xf32, #tpu.memory_space<vmem>>
        %swap3A_1262 = tpu.memref_squeeze %swap3A_1261 : memref<1x1x128xf32, #tpu.memory_space<vmem>> -> memref<128xf32, #tpu.memory_space<vmem>>
        %swap3A_1263 = arith.constant 32 : index
        %swap3A_1264 = tpu.vector_load %swap3A_1262[%swap3A_1263] {strides = array<i32>} : memref<128xf32, #tpu.memory_space<vmem>>, vector<16xf32>,
        %swap3A_1265 = vector.shape_cast %swap3A_1264 : vector<16xf32> to vector<16xf32>
        %swap3A_1266 = vector.shape_cast %select_n3A_126 : vector<16xf32> to vector<16xf32>
        tpu.vector_store %swap3A_1262[%swap3A_1263], %swap3A_1266 {strides = array<i32>} : memref<128xf32, #tpu.memory_space<vmem>>, vector<16xf32>,
        %swap3A_1267 = arith.constant 17 : i32
        %swap3A_1268 = arith.constant 0 : i32
        %swap3A_1269 = tpu.memref_slice %arg11[%scan3A_155, %swap3A_1267, %swap3A_1268] : memref<4x32x128xf32, #tpu.memory_space<vmem>> -> memref<1x1x128xf32, #tpu.memory_space<vmem>>
        %swap3A_1270 = tpu.memref_squeeze %swap3A_1269 : memref<1x1x128xf32, #tpu.memory_space<vmem>> -> memref<128xf32, #tpu.memory_space<vmem>>
        %swap3A_1271 = arith.constant 48 : index
        %swap3A_1272 = tpu.vector_load %swap3A_1270[%swap3A_1271] {strides = array<i32>} : memref<128xf32, #tpu.memory_space<vmem>>, vector<16xf32>,
        %swap3A_1273 = vector.shape_cast %swap3A_1272 : vector<16xf32> to vector<16xf32>
        %swap3A_1274 = vector.shape_cast %select_n3A_126 : vector<16xf32> to vector<16xf32>
        tpu.vector_store %swap3A_1270[%swap3A_1271], %swap3A_1274 {strides = array<i32>} : memref<128xf32, #tpu.memory_space<vmem>>, vector<16xf32>,
        %swap3A_1275 = arith.constant 17 : i32
        %swap3A_1276 = arith.constant 0 : i32
        %swap3A_1277 = tpu.memref_slice %arg11[%scan3A_155, %swap3A_1275, %swap3A_1276] : memref<4x32x128xf32, #tpu.memory_space<vmem>> -> memref<1x1x128xf32, #tpu.memory_space<vmem>>
        %swap3A_1278 = tpu.memref_squeeze %swap3A_1277 : memref<1x1x128xf32, #tpu.memory_space<vmem>> -> memref<128xf32, #tpu.memory_space<vmem>>
        %swap3A_1279 = arith.constant 64 : index
        %swap3A_1280 = tpu.vector_load %swap3A_1278[%swap3A_1279] {strides = array<i32>} : memref<128xf32, #tpu.memory_space<vmem>>, vector<16xf32>,
        %swap3A_1281 = vector.shape_cast %swap3A_1280 : vector<16xf32> to vector<16xf32>
        %swap3A_1282 = vector.shape_cast %select_n3A_126 : vector<16xf32> to vector<16xf32>
        tpu.vector_store %swap3A_1278[%swap3A_1279], %swap3A_1282 {strides = array<i32>} : memref<128xf32, #tpu.memory_space<vmem>>, vector<16xf32>,
        %swap3A_1283 = arith.constant 17 : i32
        %swap3A_1284 = arith.constant 0 : i32
        %swap3A_1285 = tpu.memref_slice %arg11[%scan3A_155, %swap3A_1283, %swap3A_1284] : memref<4x32x128xf32, #tpu.memory_space<vmem>> -> memref<1x1x128xf32, #tpu.memory_space<vmem>>
        %swap3A_1286 = tpu.memref_squeeze %swap3A_1285 : memref<1x1x128xf32, #tpu.memory_space<vmem>> -> memref<128xf32, #tpu.memory_space<vmem>>
        %swap3A_1287 = arith.constant 80 : index
        %swap3A_1288 = tpu.vector_load %swap3A_1286[%swap3A_1287] {strides = array<i32>} : memref<128xf32, #tpu.memory_space<vmem>>, vector<16xf32>,
        %swap3A_1289 = vector.shape_cast %swap3A_1288 : vector<16xf32> to vector<16xf32>
        %swap3A_1290 = vector.shape_cast %select_n3A_126 : vector<16xf32> to vector<16xf32>
        tpu.vector_store %swap3A_1286[%swap3A_1287], %swap3A_1290 {strides = array<i32>} : memref<128xf32, #tpu.memory_space<vmem>>, vector<16xf32>,
        %swap3A_1291 = arith.constant 17 : i32
        %swap3A_1292 = arith.constant 0 : i32
        %swap3A_1293 = tpu.memref_slice %arg11[%scan3A_155, %swap3A_1291, %swap3A_1292] : memref<4x32x128xf32, #tpu.memory_space<vmem>> -> memref<1x1x128xf32, #tpu.memory_space<vmem>>
        %swap3A_1294 = tpu.memref_squeeze %swap3A_1293 : memref<1x1x128xf32, #tpu.memory_space<vmem>> -> memref<128xf32, #tpu.memory_space<vmem>>
        %swap3A_1295 = arith.constant 96 : index
        %swap3A_1296 = tpu.vector_load %swap3A_1294[%swap3A_1295] {strides = array<i32>} : memref<128xf32, #tpu.memory_space<vmem>>, vector<16xf32>,
        %swap3A_1297 = vector.shape_cast %swap3A_1296 : vector<16xf32> to vector<16xf32>
        %swap3A_1298 = vector.shape_cast %select_n3A_126 : vector<16xf32> to vector<16xf32>
        tpu.vector_store %swap3A_1294[%swap3A_1295], %swap3A_1298 {strides = array<i32>} : memref<128xf32, #tpu.memory_space<vmem>>, vector<16xf32>,
        %swap3A_1299 = arith.constant 17 : i32
        %swap3A_1300 = arith.constant 0 : i32
        %swap3A_1301 = tpu.memref_slice %arg11[%scan3A_155, %swap3A_1299, %swap3A_1300] : memref<4x32x128xf32, #tpu.memory_space<vmem>> -> memref<1x1x128xf32, #tpu.memory_space<vmem>>
        %swap3A_1302 = tpu.memref_squeeze %swap3A_1301 : memref<1x1x128xf32, #tpu.memory_space<vmem>> -> memref<128xf32, #tpu.memory_space<vmem>>
        %swap3A_1303 = arith.constant 112 : index
        %swap3A_1304 = tpu.vector_load %swap3A_1302[%swap3A_1303] {strides = array<i32>} : memref<128xf32, #tpu.memory_space<vmem>>, vector<16xf32>,
        %swap3A_1305 = vector.shape_cast %swap3A_1304 : vector<16xf32> to vector<16xf32>
        %swap3A_1306 = vector.shape_cast %select_n3A_126 : vector<16xf32> to vector<16xf32>
        tpu.vector_store %swap3A_1302[%swap3A_1303], %swap3A_1306 {strides = array<i32>} : memref<128xf32, #tpu.memory_space<vmem>>, vector<16xf32>,
        %swap3A_1307 = arith.constant 18 : i32
        %swap3A_1308 = arith.constant 0 : i32
        %swap3A_1309 = tpu.memref_slice %arg11[%scan3A_155, %swap3A_1307, %swap3A_1308] : memref<4x32x128xf32, #tpu.memory_space<vmem>> -> memref<1x1x128xf32, #tpu.memory_space<vmem>>
        %swap3A_1310 = tpu.memref_squeeze %swap3A_1309 : memref<1x1x128xf32, #tpu.memory_space<vmem>> -> memref<128xf32, #tpu.memory_space<vmem>>
        %swap3A_1311 = arith.constant 0 : index
        %swap3A_1312 = tpu.vector_load %swap3A_1310[%swap3A_1311] {strides = array<i32>} : memref<128xf32, #tpu.memory_space<vmem>>, vector<16xf32>,
        %swap3A_1313 = vector.shape_cast %swap3A_1312 : vector<16xf32> to vector<16xf32>
        %swap3A_1314 = vector.shape_cast %select_n3A_126 : vector<16xf32> to vector<16xf32>
        tpu.vector_store %swap3A_1310[%swap3A_1311], %swap3A_1314 {strides = array<i32>} : memref<128xf32, #tpu.memory_space<vmem>>, vector<16xf32>,
        %swap3A_1315 = arith.constant 18 : i32
        %swap3A_1316 = arith.constant 0 : i32
        %swap3A_1317 = tpu.memref_slice %arg11[%scan3A_155, %swap3A_1315, %swap3A_1316] : memref<4x32x128xf32, #tpu.memory_space<vmem>> -> memref<1x1x128xf32, #tpu.memory_space<vmem>>
        %swap3A_1318 = tpu.memref_squeeze %swap3A_1317 : memref<1x1x128xf32, #tpu.memory_space<vmem>> -> memref<128xf32, #tpu.memory_space<vmem>>
        %swap3A_1319 = arith.constant 16 : index
        %swap3A_1320 = tpu.vector_load %swap3A_1318[%swap3A_1319] {strides = array<i32>} : memref<128xf32, #tpu.memory_space<vmem>>, vector<16xf32>,
        %swap3A_1321 = vector.shape_cast %swap3A_1320 : vector<16xf32> to vector<16xf32>
        %swap3A_1322 = vector.shape_cast %select_n3A_126 : vector<16xf32> to vector<16xf32>
        tpu.vector_store %swap3A_1318[%swap3A_1319], %swap3A_1322 {strides = array<i32>} : memref<128xf32, #tpu.memory_space<vmem>>, vector<16xf32>,
        %swap3A_1323 = arith.constant 18 : i32
        %swap3A_1324 = arith.constant 0 : i32
        %swap3A_1325 = tpu.memref_slice %arg11[%scan3A_155, %swap3A_1323, %swap3A_1324] : memref<4x32x128xf32, #tpu.memory_space<vmem>> -> memref<1x1x128xf32, #tpu.memory_space<vmem>>
        %swap3A_1326 = tpu.memref_squeeze %swap3A_1325 : memref<1x1x128xf32, #tpu.memory_space<vmem>> -> memref<128xf32, #tpu.memory_space<vmem>>
        %swap3A_1327 = arith.constant 32 : index
        %swap3A_1328 = tpu.vector_load %swap3A_1326[%swap3A_1327] {strides = array<i32>} : memref<128xf32, #tpu.memory_space<vmem>>, vector<16xf32>,
        %swap3A_1329 = vector.shape_cast %swap3A_1328 : vector<16xf32> to vector<16xf32>
        %swap3A_1330 = vector.shape_cast %select_n3A_126 : vector<16xf32> to vector<16xf32>
        tpu.vector_store %swap3A_1326[%swap3A_1327], %swap3A_1330 {strides = array<i32>} : memref<128xf32, #tpu.memory_space<vmem>>, vector<16xf32>,
        %swap3A_1331 = arith.constant 18 : i32
        %swap3A_1332 = arith.constant 0 : i32
        %swap3A_1333 = tpu.memref_slice %arg11[%scan3A_155, %swap3A_1331, %swap3A_1332] : memref<4x32x128xf32, #tpu.memory_space<vmem>> -> memref<1x1x128xf32, #tpu.memory_space<vmem>>
        %swap3A_1334 = tpu.memref_squeeze %swap3A_1333 : memref<1x1x128xf32, #tpu.memory_space<vmem>> -> memref<128xf32, #tpu.memory_space<vmem>>
        %swap3A_1335 = arith.constant 48 : index
        %swap3A_1336 = tpu.vector_load %swap3A_1334[%swap3A_1335] {strides = array<i32>} : memref<128xf32, #tpu.memory_space<vmem>>, vector<16xf32>,
        %swap3A_1337 = vector.shape_cast %swap3A_1336 : vector<16xf32> to vector<16xf32>
        %swap3A_1338 = vector.shape_cast %select_n3A_126 : vector<16xf32> to vector<16xf32>
        tpu.vector_store %swap3A_1334[%swap3A_1335], %swap3A_1338 {strides = array<i32>} : memref<128xf32, #tpu.memory_space<vmem>>, vector<16xf32>,
        %swap3A_1339 = arith.constant 18 : i32
        %swap3A_1340 = arith.constant 0 : i32
        %swap3A_1341 = tpu.memref_slice %arg11[%scan3A_155, %swap3A_1339, %swap3A_1340] : memref<4x32x128xf32, #tpu.memory_space<vmem>> -> memref<1x1x128xf32, #tpu.memory_space<vmem>>
        %swap3A_1342 = tpu.memref_squeeze %swap3A_1341 : memref<1x1x128xf32, #tpu.memory_space<vmem>> -> memref<128xf32, #tpu.memory_space<vmem>>
        %swap3A_1343 = arith.constant 64 : index
        %swap3A_1344 = tpu.vector_load %swap3A_1342[%swap3A_1343] {strides = array<i32>} : memref<128xf32, #tpu.memory_space<vmem>>, vector<16xf32>,
        %swap3A_1345 = vector.shape_cast %swap3A_1344 : vector<16xf32> to vector<16xf32>
        %swap3A_1346 = vector.shape_cast %select_n3A_126 : vector<16xf32> to vector<16xf32>
        tpu.vector_store %swap3A_1342[%swap3A_1343], %swap3A_1346 {strides = array<i32>} : memref<128xf32, #tpu.memory_space<vmem>>, vector<16xf32>,
        %swap3A_1347 = arith.constant 18 : i32
        %swap3A_1348 = arith.constant 0 : i32
        %swap3A_1349 = tpu.memref_slice %arg11[%scan3A_155, %swap3A_1347, %swap3A_1348] : memref<4x32x128xf32, #tpu.memory_space<vmem>> -> memref<1x1x128xf32, #tpu.memory_space<vmem>>
        %swap3A_1350 = tpu.memref_squeeze %swap3A_1349 : memref<1x1x128xf32, #tpu.memory_space<vmem>> -> memref<128xf32, #tpu.memory_space<vmem>>
        %swap3A_1351 = arith.constant 80 : index
        %swap3A_1352 = tpu.vector_load %swap3A_1350[%swap3A_1351] {strides = array<i32>} : memref<128xf32, #tpu.memory_space<vmem>>, vector<16xf32>,
        %swap3A_1353 = vector.shape_cast %swap3A_1352 : vector<16xf32> to vector<16xf32>
        %swap3A_1354 = vector.shape_cast %select_n3A_126 : vector<16xf32> to vector<16xf32>
        tpu.vector_store %swap3A_1350[%swap3A_1351], %swap3A_1354 {strides = array<i32>} : memref<128xf32, #tpu.memory_space<vmem>>, vector<16xf32>,
        %swap3A_1355 = arith.constant 18 : i32
        %swap3A_1356 = arith.constant 0 : i32
        %swap3A_1357 = tpu.memref_slice %arg11[%scan3A_155, %swap3A_1355, %swap3A_1356] : memref<4x32x128xf32, #tpu.memory_space<vmem>> -> memref<1x1x128xf32, #tpu.memory_space<vmem>>
        %swap3A_1358 = tpu.memref_squeeze %swap3A_1357 : memref<1x1x128xf32, #tpu.memory_space<vmem>> -> memref<128xf32, #tpu.memory_space<vmem>>
        %swap3A_1359 = arith.constant 96 : index
        %swap3A_1360 = tpu.vector_load %swap3A_1358[%swap3A_1359] {strides = array<i32>} : memref<128xf32, #tpu.memory_space<vmem>>, vector<16xf32>,
        %swap3A_1361 = vector.shape_cast %swap3A_1360 : vector<16xf32> to vector<16xf32>
        %swap3A_1362 = vector.shape_cast %select_n3A_126 : vector<16xf32> to vector<16xf32>
        tpu.vector_store %swap3A_1358[%swap3A_1359], %swap3A_1362 {strides = array<i32>} : memref<128xf32, #tpu.memory_space<vmem>>, vector<16xf32>,
        %swap3A_1363 = arith.constant 18 : i32
        %swap3A_1364 = arith.constant 0 : i32
        %swap3A_1365 = tpu.memref_slice %arg11[%scan3A_155, %swap3A_1363, %swap3A_1364] : memref<4x32x128xf32, #tpu.memory_space<vmem>> -> memref<1x1x128xf32, #tpu.memory_space<vmem>>
        %swap3A_1366 = tpu.memref_squeeze %swap3A_1365 : memref<1x1x128xf32, #tpu.memory_space<vmem>> -> memref<128xf32, #tpu.memory_space<vmem>>
        %swap3A_1367 = arith.constant 112 : index
        %swap3A_1368 = tpu.vector_load %swap3A_1366[%swap3A_1367] {strides = array<i32>} : memref<128xf32, #tpu.memory_space<vmem>>, vector<16xf32>,
        %swap3A_1369 = vector.shape_cast %swap3A_1368 : vector<16xf32> to vector<16xf32>
        %swap3A_1370 = vector.shape_cast %select_n3A_126 : vector<16xf32> to vector<16xf32>
        tpu.vector_store %swap3A_1366[%swap3A_1367], %swap3A_1370 {strides = array<i32>} : memref<128xf32, #tpu.memory_space<vmem>>, vector<16xf32>,
        %swap3A_1371 = arith.constant 19 : i32
        %swap3A_1372 = arith.constant 0 : i32
        %swap3A_1373 = tpu.memref_slice %arg11[%scan3A_155, %swap3A_1371, %swap3A_1372] : memref<4x32x128xf32, #tpu.memory_space<vmem>> -> memref<1x1x128xf32, #tpu.memory_space<vmem>>
        %swap3A_1374 = tpu.memref_squeeze %swap3A_1373 : memref<1x1x128xf32, #tpu.memory_space<vmem>> -> memref<128xf32, #tpu.memory_space<vmem>>
        %swap3A_1375 = arith.constant 0 : index
        %swap3A_1376 = tpu.vector_load %swap3A_1374[%swap3A_1375] {strides = array<i32>} : memref<128xf32, #tpu.memory_space<vmem>>, vector<16xf32>,
        %swap3A_1377 = vector.shape_cast %swap3A_1376 : vector<16xf32> to vector<16xf32>
        %swap3A_1378 = vector.shape_cast %select_n3A_126 : vector<16xf32> to vector<16xf32>
        tpu.vector_store %swap3A_1374[%swap3A_1375], %swap3A_1378 {strides = array<i32>} : memref<128xf32, #tpu.memory_space<vmem>>, vector<16xf32>,
        %swap3A_1379 = arith.constant 19 : i32
        %swap3A_1380 = arith.constant 0 : i32
        %swap3A_1381 = tpu.memref_slice %arg11[%scan3A_155, %swap3A_1379, %swap3A_1380] : memref<4x32x128xf32, #tpu.memory_space<vmem>> -> memref<1x1x128xf32, #tpu.memory_space<vmem>>
        %swap3A_1382 = tpu.memref_squeeze %swap3A_1381 : memref<1x1x128xf32, #tpu.memory_space<vmem>> -> memref<128xf32, #tpu.memory_space<vmem>>
        %swap3A_1383 = arith.constant 16 : index
        %swap3A_1384 = tpu.vector_load %swap3A_1382[%swap3A_1383] {strides = array<i32>} : memref<128xf32, #tpu.memory_space<vmem>>, vector<16xf32>,
        %swap3A_1385 = vector.shape_cast %swap3A_1384 : vector<16xf32> to vector<16xf32>
        %swap3A_1386 = vector.shape_cast %select_n3A_126 : vector<16xf32> to vector<16xf32>
        tpu.vector_store %swap3A_1382[%swap3A_1383], %swap3A_1386 {strides = array<i32>} : memref<128xf32, #tpu.memory_space<vmem>>, vector<16xf32>,
        %swap3A_1387 = arith.constant 19 : i32
        %swap3A_1388 = arith.constant 0 : i32
        %swap3A_1389 = tpu.memref_slice %arg11[%scan3A_155, %swap3A_1387, %swap3A_1388] : memref<4x32x128xf32, #tpu.memory_space<vmem>> -> memref<1x1x128xf32, #tpu.memory_space<vmem>>
        %swap3A_1390 = tpu.memref_squeeze %swap3A_1389 : memref<1x1x128xf32, #tpu.memory_space<vmem>> -> memref<128xf32, #tpu.memory_space<vmem>>
        %swap3A_1391 = arith.constant 32 : index
        %swap3A_1392 = tpu.vector_load %swap3A_1390[%swap3A_1391] {strides = array<i32>} : memref<128xf32, #tpu.memory_space<vmem>>, vector<16xf32>,
        %swap3A_1393 = vector.shape_cast %swap3A_1392 : vector<16xf32> to vector<16xf32>
        %swap3A_1394 = vector.shape_cast %select_n3A_126 : vector<16xf32> to vector<16xf32>
        tpu.vector_store %swap3A_1390[%swap3A_1391], %swap3A_1394 {strides = array<i32>} : memref<128xf32, #tpu.memory_space<vmem>>, vector<16xf32>,
        %swap3A_1395 = arith.constant 19 : i32
        %swap3A_1396 = arith.constant 0 : i32
        %swap3A_1397 = tpu.memref_slice %arg11[%scan3A_155, %swap3A_1395, %swap3A_1396] : memref<4x32x128xf32, #tpu.memory_space<vmem>> -> memref<1x1x128xf32, #tpu.memory_space<vmem>>
        %swap3A_1398 = tpu.memref_squeeze %swap3A_1397 : memref<1x1x128xf32, #tpu.memory_space<vmem>> -> memref<128xf32, #tpu.memory_space<vmem>>
        %swap3A_1399 = arith.constant 48 : index
        %swap3A_1400 = tpu.vector_load %swap3A_1398[%swap3A_1399] {strides = array<i32>} : memref<128xf32, #tpu.memory_space<vmem>>, vector<16xf32>,
        %swap3A_1401 = vector.shape_cast %swap3A_1400 : vector<16xf32> to vector<16xf32>
        %swap3A_1402 = vector.shape_cast %select_n3A_126 : vector<16xf32> to vector<16xf32>
        tpu.vector_store %swap3A_1398[%swap3A_1399], %swap3A_1402 {strides = array<i32>} : memref<128xf32, #tpu.memory_space<vmem>>, vector<16xf32>,
        %swap3A_1403 = arith.constant 19 : i32
        %swap3A_1404 = arith.constant 0 : i32
        %swap3A_1405 = tpu.memref_slice %arg11[%scan3A_155, %swap3A_1403, %swap3A_1404] : memref<4x32x128xf32, #tpu.memory_space<vmem>> -> memref<1x1x128xf32, #tpu.memory_space<vmem>>
        %swap3A_1406 = tpu.memref_squeeze %swap3A_1405 : memref<1x1x128xf32, #tpu.memory_space<vmem>> -> memref<128xf32, #tpu.memory_space<vmem>>
        %swap3A_1407 = arith.constant 64 : index
        %swap3A_1408 = tpu.vector_load %swap3A_1406[%swap3A_1407] {strides = array<i32>} : memref<128xf32, #tpu.memory_space<vmem>>, vector<16xf32>,
        %swap3A_1409 = vector.shape_cast %swap3A_1408 : vector<16xf32> to vector<16xf32>
        %swap3A_1410 = vector.shape_cast %select_n3A_126 : vector<16xf32> to vector<16xf32>
        tpu.vector_store %swap3A_1406[%swap3A_1407], %swap3A_1410 {strides = array<i32>} : memref<128xf32, #tpu.memory_space<vmem>>, vector<16xf32>,
        %swap3A_1411 = arith.constant 19 : i32
        %swap3A_1412 = arith.constant 0 : i32
        %swap3A_1413 = tpu.memref_slice %arg11[%scan3A_155, %swap3A_1411, %swap3A_1412] : memref<4x32x128xf32, #tpu.memory_space<vmem>> -> memref<1x1x128xf32, #tpu.memory_space<vmem>>
        %swap3A_1414 = tpu.memref_squeeze %swap3A_1413 : memref<1x1x128xf32, #tpu.memory_space<vmem>> -> memref<128xf32, #tpu.memory_space<vmem>>
        %swap3A_1415 = arith.constant 80 : index
        %swap3A_1416 = tpu.vector_load %swap3A_1414[%swap3A_1415] {strides = array<i32>} : memref<128xf32, #tpu.memory_space<vmem>>, vector<16xf32>,
        %swap3A_1417 = vector.shape_cast %swap3A_1416 : vector<16xf32> to vector<16xf32>
        %swap3A_1418 = vector.shape_cast %select_n3A_126 : vector<16xf32> to vector<16xf32>
        tpu.vector_store %swap3A_1414[%swap3A_1415], %swap3A_1418 {strides = array<i32>} : memref<128xf32, #tpu.memory_space<vmem>>, vector<16xf32>,
        %swap3A_1419 = arith.constant 19 : i32
        %swap3A_1420 = arith.constant 0 : i32
        %swap3A_1421 = tpu.memref_slice %arg11[%scan3A_155, %swap3A_1419, %swap3A_1420] : memref<4x32x128xf32, #tpu.memory_space<vmem>> -> memref<1x1x128xf32, #tpu.memory_space<vmem>>
        %swap3A_1422 = tpu.memref_squeeze %swap3A_1421 : memref<1x1x128xf32, #tpu.memory_space<vmem>> -> memref<128xf32, #tpu.memory_space<vmem>>
        %swap3A_1423 = arith.constant 96 : index
        %swap3A_1424 = tpu.vector_load %swap3A_1422[%swap3A_1423] {strides = array<i32>} : memref<128xf32, #tpu.memory_space<vmem>>, vector<16xf32>,
        %swap3A_1425 = vector.shape_cast %swap3A_1424 : vector<16xf32> to vector<16xf32>
        %swap3A_1426 = vector.shape_cast %select_n3A_126 : vector<16xf32> to vector<16xf32>
        tpu.vector_store %swap3A_1422[%swap3A_1423], %swap3A_1426 {strides = array<i32>} : memref<128xf32, #tpu.memory_space<vmem>>, vector<16xf32>,
        %swap3A_1427 = arith.constant 19 : i32
        %swap3A_1428 = arith.constant 0 : i32
        %swap3A_1429 = tpu.memref_slice %arg11[%scan3A_155, %swap3A_1427, %swap3A_1428] : memref<4x32x128xf32, #tpu.memory_space<vmem>> -> memref<1x1x128xf32, #tpu.memory_space<vmem>>
        %swap3A_1430 = tpu.memref_squeeze %swap3A_1429 : memref<1x1x128xf32, #tpu.memory_space<vmem>> -> memref<128xf32, #tpu.memory_space<vmem>>
        %swap3A_1431 = arith.constant 112 : index
        %swap3A_1432 = tpu.vector_load %swap3A_1430[%swap3A_1431] {strides = array<i32>} : memref<128xf32, #tpu.memory_space<vmem>>, vector<16xf32>,
        %swap3A_1433 = vector.shape_cast %swap3A_1432 : vector<16xf32> to vector<16xf32>
        %swap3A_1434 = vector.shape_cast %select_n3A_126 : vector<16xf32> to vector<16xf32>
        tpu.vector_store %swap3A_1430[%swap3A_1431], %swap3A_1434 {strides = array<i32>} : memref<128xf32, #tpu.memory_space<vmem>>, vector<16xf32>,
        %swap3A_1435 = arith.constant 20 : i32
        %swap3A_1436 = arith.constant 0 : i32
        %swap3A_1437 = tpu.memref_slice %arg11[%scan3A_155, %swap3A_1435, %swap3A_1436] : memref<4x32x128xf32, #tpu.memory_space<vmem>> -> memref<1x1x128xf32, #tpu.memory_space<vmem>>
        %swap3A_1438 = tpu.memref_squeeze %swap3A_1437 : memref<1x1x128xf32, #tpu.memory_space<vmem>> -> memref<128xf32, #tpu.memory_space<vmem>>
        %swap3A_1439 = arith.constant 0 : index
        %swap3A_1440 = tpu.vector_load %swap3A_1438[%swap3A_1439] {strides = array<i32>} : memref<128xf32, #tpu.memory_space<vmem>>, vector<16xf32>,
        %swap3A_1441 = vector.shape_cast %swap3A_1440 : vector<16xf32> to vector<16xf32>
        %swap3A_1442 = vector.shape_cast %select_n3A_126 : vector<16xf32> to vector<16xf32>
        tpu.vector_store %swap3A_1438[%swap3A_1439], %swap3A_1442 {strides = array<i32>} : memref<128xf32, #tpu.memory_space<vmem>>, vector<16xf32>,
        %swap3A_1443 = arith.constant 20 : i32
        %swap3A_1444 = arith.constant 0 : i32
        %swap3A_1445 = tpu.memref_slice %arg11[%scan3A_155, %swap3A_1443, %swap3A_1444] : memref<4x32x128xf32, #tpu.memory_space<vmem>> -> memref<1x1x128xf32, #tpu.memory_space<vmem>>
        %swap3A_1446 = tpu.memref_squeeze %swap3A_1445 : memref<1x1x128xf32, #tpu.memory_space<vmem>> -> memref<128xf32, #tpu.memory_space<vmem>>
        %swap3A_1447 = arith.constant 16 : index
        %swap3A_1448 = tpu.vector_load %swap3A_1446[%swap3A_1447] {strides = array<i32>} : memref<128xf32, #tpu.memory_space<vmem>>, vector<16xf32>,
        %swap3A_1449 = vector.shape_cast %swap3A_1448 : vector<16xf32> to vector<16xf32>
        %swap3A_1450 = vector.shape_cast %select_n3A_126 : vector<16xf32> to vector<16xf32>
        tpu.vector_store %swap3A_1446[%swap3A_1447], %swap3A_1450 {strides = array<i32>} : memref<128xf32, #tpu.memory_space<vmem>>, vector<16xf32>,
        %swap3A_1451 = arith.constant 20 : i32
        %swap3A_1452 = arith.constant 0 : i32
        %swap3A_1453 = tpu.memref_slice %arg11[%scan3A_155, %swap3A_1451, %swap3A_1452] : memref<4x32x128xf32, #tpu.memory_space<vmem>> -> memref<1x1x128xf32, #tpu.memory_space<vmem>>
        %swap3A_1454 = tpu.memref_squeeze %swap3A_1453 : memref<1x1x128xf32, #tpu.memory_space<vmem>> -> memref<128xf32, #tpu.memory_space<vmem>>
        %swap3A_1455 = arith.constant 32 : index
        %swap3A_1456 = tpu.vector_load %swap3A_1454[%swap3A_1455] {strides = array<i32>} : memref<128xf32, #tpu.memory_space<vmem>>, vector<16xf32>,
        %swap3A_1457 = vector.shape_cast %swap3A_1456 : vector<16xf32> to vector<16xf32>
        %swap3A_1458 = vector.shape_cast %select_n3A_126 : vector<16xf32> to vector<16xf32>
        tpu.vector_store %swap3A_1454[%swap3A_1455], %swap3A_1458 {strides = array<i32>} : memref<128xf32, #tpu.memory_space<vmem>>, vector<16xf32>,
        %swap3A_1459 = arith.constant 20 : i32
        %swap3A_1460 = arith.constant 0 : i32
        %swap3A_1461 = tpu.memref_slice %arg11[%scan3A_155, %swap3A_1459, %swap3A_1460] : memref<4x32x128xf32, #tpu.memory_space<vmem>> -> memref<1x1x128xf32, #tpu.memory_space<vmem>>
        %swap3A_1462 = tpu.memref_squeeze %swap3A_1461 : memref<1x1x128xf32, #tpu.memory_space<vmem>> -> memref<128xf32, #tpu.memory_space<vmem>>
        %swap3A_1463 = arith.constant 48 : index
        %swap3A_1464 = tpu.vector_load %swap3A_1462[%swap3A_1463] {strides = array<i32>} : memref<128xf32, #tpu.memory_space<vmem>>, vector<16xf32>,
        %swap3A_1465 = vector.shape_cast %swap3A_1464 : vector<16xf32> to vector<16xf32>
        %swap3A_1466 = vector.shape_cast %select_n3A_126 : vector<16xf32> to vector<16xf32>
        tpu.vector_store %swap3A_1462[%swap3A_1463], %swap3A_1466 {strides = array<i32>} : memref<128xf32, #tpu.memory_space<vmem>>, vector<16xf32>,
        %swap3A_1467 = arith.constant 20 : i32
        %swap3A_1468 = arith.constant 0 : i32
        %swap3A_1469 = tpu.memref_slice %arg11[%scan3A_155, %swap3A_1467, %swap3A_1468] : memref<4x32x128xf32, #tpu.memory_space<vmem>> -> memref<1x1x128xf32, #tpu.memory_space<vmem>>
        %swap3A_1470 = tpu.memref_squeeze %swap3A_1469 : memref<1x1x128xf32, #tpu.memory_space<vmem>> -> memref<128xf32, #tpu.memory_space<vmem>>
        %swap3A_1471 = arith.constant 64 : index
        %swap3A_1472 = tpu.vector_load %swap3A_1470[%swap3A_1471] {strides = array<i32>} : memref<128xf32, #tpu.memory_space<vmem>>, vector<16xf32>,
        %swap3A_1473 = vector.shape_cast %swap3A_1472 : vector<16xf32> to vector<16xf32>
        %swap3A_1474 = vector.shape_cast %select_n3A_126 : vector<16xf32> to vector<16xf32>
        tpu.vector_store %swap3A_1470[%swap3A_1471], %swap3A_1474 {strides = array<i32>} : memref<128xf32, #tpu.memory_space<vmem>>, vector<16xf32>,
        %swap3A_1475 = arith.constant 20 : i32
        %swap3A_1476 = arith.constant 0 : i32
        %swap3A_1477 = tpu.memref_slice %arg11[%scan3A_155, %swap3A_1475, %swap3A_1476] : memref<4x32x128xf32, #tpu.memory_space<vmem>> -> memref<1x1x128xf32, #tpu.memory_space<vmem>>
        %swap3A_1478 = tpu.memref_squeeze %swap3A_1477 : memref<1x1x128xf32, #tpu.memory_space<vmem>> -> memref<128xf32, #tpu.memory_space<vmem>>
        %swap3A_1479 = arith.constant 80 : index
        %swap3A_1480 = tpu.vector_load %swap3A_1478[%swap3A_1479] {strides = array<i32>} : memref<128xf32, #tpu.memory_space<vmem>>, vector<16xf32>,
        %swap3A_1481 = vector.shape_cast %swap3A_1480 : vector<16xf32> to vector<16xf32>
        %swap3A_1482 = vector.shape_cast %select_n3A_126 : vector<16xf32> to vector<16xf32>
        tpu.vector_store %swap3A_1478[%swap3A_1479], %swap3A_1482 {strides = array<i32>} : memref<128xf32, #tpu.memory_space<vmem>>, vector<16xf32>,
        %swap3A_1483 = arith.constant 20 : i32
        %swap3A_1484 = arith.constant 0 : i32
        %swap3A_1485 = tpu.memref_slice %arg11[%scan3A_155, %swap3A_1483, %swap3A_1484] : memref<4x32x128xf32, #tpu.memory_space<vmem>> -> memref<1x1x128xf32, #tpu.memory_space<vmem>>
        %swap3A_1486 = tpu.memref_squeeze %swap3A_1485 : memref<1x1x128xf32, #tpu.memory_space<vmem>> -> memref<128xf32, #tpu.memory_space<vmem>>
        %swap3A_1487 = arith.constant 96 : index
        %swap3A_1488 = tpu.vector_load %swap3A_1486[%swap3A_1487] {strides = array<i32>} : memref<128xf32, #tpu.memory_space<vmem>>, vector<16xf32>,
        %swap3A_1489 = vector.shape_cast %swap3A_1488 : vector<16xf32> to vector<16xf32>
        %swap3A_1490 = vector.shape_cast %select_n3A_126 : vector<16xf32> to vector<16xf32>
        tpu.vector_store %swap3A_1486[%swap3A_1487], %swap3A_1490 {strides = array<i32>} : memref<128xf32, #tpu.memory_space<vmem>>, vector<16xf32>,
        %swap3A_1491 = arith.constant 20 : i32
        %swap3A_1492 = arith.constant 0 : i32
        %swap3A_1493 = tpu.memref_slice %arg11[%scan3A_155, %swap3A_1491, %swap3A_1492] : memref<4x32x128xf32, #tpu.memory_space<vmem>> -> memref<1x1x128xf32, #tpu.memory_space<vmem>>
        %swap3A_1494 = tpu.memref_squeeze %swap3A_1493 : memref<1x1x128xf32, #tpu.memory_space<vmem>> -> memref<128xf32, #tpu.memory_space<vmem>>
        %swap3A_1495 = arith.constant 112 : index
        %swap3A_1496 = tpu.vector_load %swap3A_1494[%swap3A_1495] {strides = array<i32>} : memref<128xf32, #tpu.memory_space<vmem>>, vector<16xf32>,
        %swap3A_1497 = vector.shape_cast %swap3A_1496 : vector<16xf32> to vector<16xf32>
        %swap3A_1498 = vector.shape_cast %select_n3A_126 : vector<16xf32> to vector<16xf32>
        tpu.vector_store %swap3A_1494[%swap3A_1495], %swap3A_1498 {strides = array<i32>} : memref<128xf32, #tpu.memory_space<vmem>>, vector<16xf32>,
        %swap3A_1499 = arith.constant 21 : i32
        %swap3A_1500 = arith.constant 0 : i32
        %swap3A_1501 = tpu.memref_slice %arg11[%scan3A_155, %swap3A_1499, %swap3A_1500] : memref<4x32x128xf32, #tpu.memory_space<vmem>> -> memref<1x1x128xf32, #tpu.memory_space<vmem>>
        %swap3A_1502 = tpu.memref_squeeze %swap3A_1501 : memref<1x1x128xf32, #tpu.memory_space<vmem>> -> memref<128xf32, #tpu.memory_space<vmem>>
        %swap3A_1503 = arith.constant 0 : index
        %swap3A_1504 = tpu.vector_load %swap3A_1502[%swap3A_1503] {strides = array<i32>} : memref<128xf32, #tpu.memory_space<vmem>>, vector<16xf32>,
        %swap3A_1505 = vector.shape_cast %swap3A_1504 : vector<16xf32> to vector<16xf32>
        %swap3A_1506 = vector.shape_cast %select_n3A_126 : vector<16xf32> to vector<16xf32>
        tpu.vector_store %swap3A_1502[%swap3A_1503], %swap3A_1506 {strides = array<i32>} : memref<128xf32, #tpu.memory_space<vmem>>, vector<16xf32>,
        %swap3A_1507 = arith.constant 21 : i32
        %swap3A_1508 = arith.constant 0 : i32
        %swap3A_1509 = tpu.memref_slice %arg11[%scan3A_155, %swap3A_1507, %swap3A_1508] : memref<4x32x128xf32, #tpu.memory_space<vmem>> -> memref<1x1x128xf32, #tpu.memory_space<vmem>>
        %swap3A_1510 = tpu.memref_squeeze %swap3A_1509 : memref<1x1x128xf32, #tpu.memory_space<vmem>> -> memref<128xf32, #tpu.memory_space<vmem>>
        %swap3A_1511 = arith.constant 16 : index
        %swap3A_1512 = tpu.vector_load %swap3A_1510[%swap3A_1511] {strides = array<i32>} : memref<128xf32, #tpu.memory_space<vmem>>, vector<16xf32>,
        %swap3A_1513 = vector.shape_cast %swap3A_1512 : vector<16xf32> to vector<16xf32>
        %swap3A_1514 = vector.shape_cast %select_n3A_126 : vector<16xf32> to vector<16xf32>
        tpu.vector_store %swap3A_1510[%swap3A_1511], %swap3A_1514 {strides = array<i32>} : memref<128xf32, #tpu.memory_space<vmem>>, vector<16xf32>,
        %swap3A_1515 = arith.constant 21 : i32
        %swap3A_1516 = arith.constant 0 : i32
        %swap3A_1517 = tpu.memref_slice %arg11[%scan3A_155, %swap3A_1515, %swap3A_1516] : memref<4x32x128xf32, #tpu.memory_space<vmem>> -> memref<1x1x128xf32, #tpu.memory_space<vmem>>
        %swap3A_1518 = tpu.memref_squeeze %swap3A_1517 : memref<1x1x128xf32, #tpu.memory_space<vmem>> -> memref<128xf32, #tpu.memory_space<vmem>>
        %swap3A_1519 = arith.constant 32 : index
        %swap3A_1520 = tpu.vector_load %swap3A_1518[%swap3A_1519] {strides = array<i32>} : memref<128xf32, #tpu.memory_space<vmem>>, vector<16xf32>,
        %swap3A_1521 = vector.shape_cast %swap3A_1520 : vector<16xf32> to vector<16xf32>
        %swap3A_1522 = vector.shape_cast %select_n3A_126 : vector<16xf32> to vector<16xf32>
        tpu.vector_store %swap3A_1518[%swap3A_1519], %swap3A_1522 {strides = array<i32>} : memref<128xf32, #tpu.memory_space<vmem>>, vector<16xf32>,
        %swap3A_1523 = arith.constant 21 : i32
        %swap3A_1524 = arith.constant 0 : i32
        %swap3A_1525 = tpu.memref_slice %arg11[%scan3A_155, %swap3A_1523, %swap3A_1524] : memref<4x32x128xf32, #tpu.memory_space<vmem>> -> memref<1x1x128xf32, #tpu.memory_space<vmem>>
        %swap3A_1526 = tpu.memref_squeeze %swap3A_1525 : memref<1x1x128xf32, #tpu.memory_space<vmem>> -> memref<128xf32, #tpu.memory_space<vmem>>
        %swap3A_1527 = arith.constant 48 : index
        %swap3A_1528 = tpu.vector_load %swap3A_1526[%swap3A_1527] {strides = array<i32>} : memref<128xf32, #tpu.memory_space<vmem>>, vector<16xf32>,
        %swap3A_1529 = vector.shape_cast %swap3A_1528 : vector<16xf32> to vector<16xf32>
        %swap3A_1530 = vector.shape_cast %select_n3A_126 : vector<16xf32> to vector<16xf32>
        tpu.vector_store %swap3A_1526[%swap3A_1527], %swap3A_1530 {strides = array<i32>} : memref<128xf32, #tpu.memory_space<vmem>>, vector<16xf32>,
        %swap3A_1531 = arith.constant 21 : i32
        %swap3A_1532 = arith.constant 0 : i32
        %swap3A_1533 = tpu.memref_slice %arg11[%scan3A_155, %swap3A_1531, %swap3A_1532] : memref<4x32x128xf32, #tpu.memory_space<vmem>> -> memref<1x1x128xf32, #tpu.memory_space<vmem>>
        %swap3A_1534 = tpu.memref_squeeze %swap3A_1533 : memref<1x1x128xf32, #tpu.memory_space<vmem>> -> memref<128xf32, #tpu.memory_space<vmem>>
        %swap3A_1535 = arith.constant 64 : index
        %swap3A_1536 = tpu.vector_load %swap3A_1534[%swap3A_1535] {strides = array<i32>} : memref<128xf32, #tpu.memory_space<vmem>>, vector<16xf32>,
        %swap3A_1537 = vector.shape_cast %swap3A_1536 : vector<16xf32> to vector<16xf32>
        %swap3A_1538 = vector.shape_cast %select_n3A_126 : vector<16xf32> to vector<16xf32>
        tpu.vector_store %swap3A_1534[%swap3A_1535], %swap3A_1538 {strides = array<i32>} : memref<128xf32, #tpu.memory_space<vmem>>, vector<16xf32>,
        %swap3A_1539 = arith.constant 21 : i32
        %swap3A_1540 = arith.constant 0 : i32
        %swap3A_1541 = tpu.memref_slice %arg11[%scan3A_155, %swap3A_1539, %swap3A_1540] : memref<4x32x128xf32, #tpu.memory_space<vmem>> -> memref<1x1x128xf32, #tpu.memory_space<vmem>>
        %swap3A_1542 = tpu.memref_squeeze %swap3A_1541 : memref<1x1x128xf32, #tpu.memory_space<vmem>> -> memref<128xf32, #tpu.memory_space<vmem>>
        %swap3A_1543 = arith.constant 80 : index
        %swap3A_1544 = tpu.vector_load %swap3A_1542[%swap3A_1543] {strides = array<i32>} : memref<128xf32, #tpu.memory_space<vmem>>, vector<16xf32>,
        %swap3A_1545 = vector.shape_cast %swap3A_1544 : vector<16xf32> to vector<16xf32>
        %swap3A_1546 = vector.shape_cast %select_n3A_126 : vector<16xf32> to vector<16xf32>
        tpu.vector_store %swap3A_1542[%swap3A_1543], %swap3A_1546 {strides = array<i32>} : memref<128xf32, #tpu.memory_space<vmem>>, vector<16xf32>,
        %swap3A_1547 = arith.constant 21 : i32
        %swap3A_1548 = arith.constant 0 : i32
        %swap3A_1549 = tpu.memref_slice %arg11[%scan3A_155, %swap3A_1547, %swap3A_1548] : memref<4x32x128xf32, #tpu.memory_space<vmem>> -> memref<1x1x128xf32, #tpu.memory_space<vmem>>
        %swap3A_1550 = tpu.memref_squeeze %swap3A_1549 : memref<1x1x128xf32, #tpu.memory_space<vmem>> -> memref<128xf32, #tpu.memory_space<vmem>>
        %swap3A_1551 = arith.constant 96 : index
        %swap3A_1552 = tpu.vector_load %swap3A_1550[%swap3A_1551] {strides = array<i32>} : memref<128xf32, #tpu.memory_space<vmem>>, vector<16xf32>,
        %swap3A_1553 = vector.shape_cast %swap3A_1552 : vector<16xf32> to vector<16xf32>
        %swap3A_1554 = vector.shape_cast %select_n3A_126 : vector<16xf32> to vector<16xf32>
        tpu.vector_store %swap3A_1550[%swap3A_1551], %swap3A_1554 {strides = array<i32>} : memref<128xf32, #tpu.memory_space<vmem>>, vector<16xf32>,
        %swap3A_1555 = arith.constant 21 : i32
        %swap3A_1556 = arith.constant 0 : i32
        %swap3A_1557 = tpu.memref_slice %arg11[%scan3A_155, %swap3A_1555, %swap3A_1556] : memref<4x32x128xf32, #tpu.memory_space<vmem>> -> memref<1x1x128xf32, #tpu.memory_space<vmem>>
        %swap3A_1558 = tpu.memref_squeeze %swap3A_1557 : memref<1x1x128xf32, #tpu.memory_space<vmem>> -> memref<128xf32, #tpu.memory_space<vmem>>
        %swap3A_1559 = arith.constant 112 : index
        %swap3A_1560 = tpu.vector_load %swap3A_1558[%swap3A_1559] {strides = array<i32>} : memref<128xf32, #tpu.memory_space<vmem>>, vector<16xf32>,
        %swap3A_1561 = vector.shape_cast %swap3A_1560 : vector<16xf32> to vector<16xf32>
        %swap3A_1562 = vector.shape_cast %select_n3A_126 : vector<16xf32> to vector<16xf32>
        tpu.vector_store %swap3A_1558[%swap3A_1559], %swap3A_1562 {strides = array<i32>} : memref<128xf32, #tpu.memory_space<vmem>>, vector<16xf32>,
        %swap3A_1563 = arith.constant 22 : i32
        %swap3A_1564 = arith.constant 0 : i32
        %swap3A_1565 = tpu.memref_slice %arg11[%scan3A_155, %swap3A_1563, %swap3A_1564] : memref<4x32x128xf32, #tpu.memory_space<vmem>> -> memref<1x1x128xf32, #tpu.memory_space<vmem>>
        %swap3A_1566 = tpu.memref_squeeze %swap3A_1565 : memref<1x1x128xf32, #tpu.memory_space<vmem>> -> memref<128xf32, #tpu.memory_space<vmem>>
        %swap3A_1567 = arith.constant 0 : index
        %swap3A_1568 = tpu.vector_load %swap3A_1566[%swap3A_1567] {strides = array<i32>} : memref<128xf32, #tpu.memory_space<vmem>>, vector<16xf32>,
        %swap3A_1569 = vector.shape_cast %swap3A_1568 : vector<16xf32> to vector<16xf32>
        %swap3A_1570 = vector.shape_cast %select_n3A_126 : vector<16xf32> to vector<16xf32>
        tpu.vector_store %swap3A_1566[%swap3A_1567], %swap3A_1570 {strides = array<i32>} : memref<128xf32, #tpu.memory_space<vmem>>, vector<16xf32>,
        %swap3A_1571 = arith.constant 22 : i32
        %swap3A_1572 = arith.constant 0 : i32
        %swap3A_1573 = tpu.memref_slice %arg11[%scan3A_155, %swap3A_1571, %swap3A_1572] : memref<4x32x128xf32, #tpu.memory_space<vmem>> -> memref<1x1x128xf32, #tpu.memory_space<vmem>>
        %swap3A_1574 = tpu.memref_squeeze %swap3A_1573 : memref<1x1x128xf32, #tpu.memory_space<vmem>> -> memref<128xf32, #tpu.memory_space<vmem>>
        %swap3A_1575 = arith.constant 16 : index
        %swap3A_1576 = tpu.vector_load %swap3A_1574[%swap3A_1575] {strides = array<i32>} : memref<128xf32, #tpu.memory_space<vmem>>, vector<16xf32>,
        %swap3A_1577 = vector.shape_cast %swap3A_1576 : vector<16xf32> to vector<16xf32>
        %swap3A_1578 = vector.shape_cast %select_n3A_126 : vector<16xf32> to vector<16xf32>
        tpu.vector_store %swap3A_1574[%swap3A_1575], %swap3A_1578 {strides = array<i32>} : memref<128xf32, #tpu.memory_space<vmem>>, vector<16xf32>,
        %swap3A_1579 = arith.constant 22 : i32
        %swap3A_1580 = arith.constant 0 : i32
        %swap3A_1581 = tpu.memref_slice %arg11[%scan3A_155, %swap3A_1579, %swap3A_1580] : memref<4x32x128xf32, #tpu.memory_space<vmem>> -> memref<1x1x128xf32, #tpu.memory_space<vmem>>
        %swap3A_1582 = tpu.memref_squeeze %swap3A_1581 : memref<1x1x128xf32, #tpu.memory_space<vmem>> -> memref<128xf32, #tpu.memory_space<vmem>>
        %swap3A_1583 = arith.constant 32 : index
        %swap3A_1584 = tpu.vector_load %swap3A_1582[%swap3A_1583] {strides = array<i32>} : memref<128xf32, #tpu.memory_space<vmem>>, vector<16xf32>,
        %swap3A_1585 = vector.shape_cast %swap3A_1584 : vector<16xf32> to vector<16xf32>
        %swap3A_1586 = vector.shape_cast %select_n3A_126 : vector<16xf32> to vector<16xf32>
        tpu.vector_store %swap3A_1582[%swap3A_1583], %swap3A_1586 {strides = array<i32>} : memref<128xf32, #tpu.memory_space<vmem>>, vector<16xf32>,
        %swap3A_1587 = arith.constant 22 : i32
        %swap3A_1588 = arith.constant 0 : i32
        %swap3A_1589 = tpu.memref_slice %arg11[%scan3A_155, %swap3A_1587, %swap3A_1588] : memref<4x32x128xf32, #tpu.memory_space<vmem>> -> memref<1x1x128xf32, #tpu.memory_space<vmem>>
        %swap3A_1590 = tpu.memref_squeeze %swap3A_1589 : memref<1x1x128xf32, #tpu.memory_space<vmem>> -> memref<128xf32, #tpu.memory_space<vmem>>
        %swap3A_1591 = arith.constant 48 : index
        %swap3A_1592 = tpu.vector_load %swap3A_1590[%swap3A_1591] {strides = array<i32>} : memref<128xf32, #tpu.memory_space<vmem>>, vector<16xf32>,
        %swap3A_1593 = vector.shape_cast %swap3A_1592 : vector<16xf32> to vector<16xf32>
        %swap3A_1594 = vector.shape_cast %select_n3A_126 : vector<16xf32> to vector<16xf32>
        tpu.vector_store %swap3A_1590[%swap3A_1591], %swap3A_1594 {strides = array<i32>} : memref<128xf32, #tpu.memory_space<vmem>>, vector<16xf32>,
        %swap3A_1595 = arith.constant 22 : i32
        %swap3A_1596 = arith.constant 0 : i32
        %swap3A_1597 = tpu.memref_slice %arg11[%scan3A_155, %swap3A_1595, %swap3A_1596] : memref<4x32x128xf32, #tpu.memory_space<vmem>> -> memref<1x1x128xf32, #tpu.memory_space<vmem>>
        %swap3A_1598 = tpu.memref_squeeze %swap3A_1597 : memref<1x1x128xf32, #tpu.memory_space<vmem>> -> memref<128xf32, #tpu.memory_space<vmem>>
        %swap3A_1599 = arith.constant 64 : index
        %swap3A_1600 = tpu.vector_load %swap3A_1598[%swap3A_1599] {strides = array<i32>} : memref<128xf32, #tpu.memory_space<vmem>>, vector<16xf32>,
        %swap3A_1601 = vector.shape_cast %swap3A_1600 : vector<16xf32> to vector<16xf32>
        %swap3A_1602 = vector.shape_cast %select_n3A_126 : vector<16xf32> to vector<16xf32>
        tpu.vector_store %swap3A_1598[%swap3A_1599], %swap3A_1602 {strides = array<i32>} : memref<128xf32, #tpu.memory_space<vmem>>, vector<16xf32>,
        %swap3A_1603 = arith.constant 22 : i32
        %swap3A_1604 = arith.constant 0 : i32
        %swap3A_1605 = tpu.memref_slice %arg11[%scan3A_155, %swap3A_1603, %swap3A_1604] : memref<4x32x128xf32, #tpu.memory_space<vmem>> -> memref<1x1x128xf32, #tpu.memory_space<vmem>>
        %swap3A_1606 = tpu.memref_squeeze %swap3A_1605 : memref<1x1x128xf32, #tpu.memory_space<vmem>> -> memref<128xf32, #tpu.memory_space<vmem>>
        %swap3A_1607 = arith.constant 80 : index
        %swap3A_1608 = tpu.vector_load %swap3A_1606[%swap3A_1607] {strides = array<i32>} : memref<128xf32, #tpu.memory_space<vmem>>, vector<16xf32>,
        %swap3A_1609 = vector.shape_cast %swap3A_1608 : vector<16xf32> to vector<16xf32>
        %swap3A_1610 = vector.shape_cast %select_n3A_126 : vector<16xf32> to vector<16xf32>
        tpu.vector_store %swap3A_1606[%swap3A_1607], %swap3A_1610 {strides = array<i32>} : memref<128xf32, #tpu.memory_space<vmem>>, vector<16xf32>,
        %swap3A_1611 = arith.constant 22 : i32
        %swap3A_1612 = arith.constant 0 : i32
        %swap3A_1613 = tpu.memref_slice %arg11[%scan3A_155, %swap3A_1611, %swap3A_1612] : memref<4x32x128xf32, #tpu.memory_space<vmem>> -> memref<1x1x128xf32, #tpu.memory_space<vmem>>
        %swap3A_1614 = tpu.memref_squeeze %swap3A_1613 : memref<1x1x128xf32, #tpu.memory_space<vmem>> -> memref<128xf32, #tpu.memory_space<vmem>>
        %swap3A_1615 = arith.constant 96 : index
        %swap3A_1616 = tpu.vector_load %swap3A_1614[%swap3A_1615] {strides = array<i32>} : memref<128xf32, #tpu.memory_space<vmem>>, vector<16xf32>,
        %swap3A_1617 = vector.shape_cast %swap3A_1616 : vector<16xf32> to vector<16xf32>
        %swap3A_1618 = vector.shape_cast %select_n3A_126 : vector<16xf32> to vector<16xf32>
        tpu.vector_store %swap3A_1614[%swap3A_1615], %swap3A_1618 {strides = array<i32>} : memref<128xf32, #tpu.memory_space<vmem>>, vector<16xf32>,
        %swap3A_1619 = arith.constant 22 : i32
        %swap3A_1620 = arith.constant 0 : i32
        %swap3A_1621 = tpu.memref_slice %arg11[%scan3A_155, %swap3A_1619, %swap3A_1620] : memref<4x32x128xf32, #tpu.memory_space<vmem>> -> memref<1x1x128xf32, #tpu.memory_space<vmem>>
        %swap3A_1622 = tpu.memref_squeeze %swap3A_1621 : memref<1x1x128xf32, #tpu.memory_space<vmem>> -> memref<128xf32, #tpu.memory_space<vmem>>
        %swap3A_1623 = arith.constant 112 : index
        %swap3A_1624 = tpu.vector_load %swap3A_1622[%swap3A_1623] {strides = array<i32>} : memref<128xf32, #tpu.memory_space<vmem>>, vector<16xf32>,
        %swap3A_1625 = vector.shape_cast %swap3A_1624 : vector<16xf32> to vector<16xf32>
        %swap3A_1626 = vector.shape_cast %select_n3A_126 : vector<16xf32> to vector<16xf32>
        tpu.vector_store %swap3A_1622[%swap3A_1623], %swap3A_1626 {strides = array<i32>} : memref<128xf32, #tpu.memory_space<vmem>>, vector<16xf32>,
        %swap3A_1627 = arith.constant 23 : i32
        %swap3A_1628 = arith.constant 0 : i32
        %swap3A_1629 = tpu.memref_slice %arg11[%scan3A_155, %swap3A_1627, %swap3A_1628] : memref<4x32x128xf32, #tpu.memory_space<vmem>> -> memref<1x1x128xf32, #tpu.memory_space<vmem>>
        %swap3A_1630 = tpu.memref_squeeze %swap3A_1629 : memref<1x1x128xf32, #tpu.memory_space<vmem>> -> memref<128xf32, #tpu.memory_space<vmem>>
        %swap3A_1631 = arith.constant 0 : index
        %swap3A_1632 = tpu.vector_load %swap3A_1630[%swap3A_1631] {strides = array<i32>} : memref<128xf32, #tpu.memory_space<vmem>>, vector<16xf32>,
        %swap3A_1633 = vector.shape_cast %swap3A_1632 : vector<16xf32> to vector<16xf32>
        %swap3A_1634 = vector.shape_cast %select_n3A_126 : vector<16xf32> to vector<16xf32>
        tpu.vector_store %swap3A_1630[%swap3A_1631], %swap3A_1634 {strides = array<i32>} : memref<128xf32, #tpu.memory_space<vmem>>, vector<16xf32>,
        %swap3A_1635 = arith.constant 23 : i32
        %swap3A_1636 = arith.constant 0 : i32
        %swap3A_1637 = tpu.memref_slice %arg11[%scan3A_155, %swap3A_1635, %swap3A_1636] : memref<4x32x128xf32, #tpu.memory_space<vmem>> -> memref<1x1x128xf32, #tpu.memory_space<vmem>>
        %swap3A_1638 = tpu.memref_squeeze %swap3A_1637 : memref<1x1x128xf32, #tpu.memory_space<vmem>> -> memref<128xf32, #tpu.memory_space<vmem>>
        %swap3A_1639 = arith.constant 16 : index
        %swap3A_1640 = tpu.vector_load %swap3A_1638[%swap3A_1639] {strides = array<i32>} : memref<128xf32, #tpu.memory_space<vmem>>, vector<16xf32>,
        %swap3A_1641 = vector.shape_cast %swap3A_1640 : vector<16xf32> to vector<16xf32>
        %swap3A_1642 = vector.shape_cast %select_n3A_126 : vector<16xf32> to vector<16xf32>
        tpu.vector_store %swap3A_1638[%swap3A_1639], %swap3A_1642 {strides = array<i32>} : memref<128xf32, #tpu.memory_space<vmem>>, vector<16xf32>,
        %swap3A_1643 = arith.constant 23 : i32
        %swap3A_1644 = arith.constant 0 : i32
        %swap3A_1645 = tpu.memref_slice %arg11[%scan3A_155, %swap3A_1643, %swap3A_1644] : memref<4x32x128xf32, #tpu.memory_space<vmem>> -> memref<1x1x128xf32, #tpu.memory_space<vmem>>
        %swap3A_1646 = tpu.memref_squeeze %swap3A_1645 : memref<1x1x128xf32, #tpu.memory_space<vmem>> -> memref<128xf32, #tpu.memory_space<vmem>>
        %swap3A_1647 = arith.constant 32 : index
        %swap3A_1648 = tpu.vector_load %swap3A_1646[%swap3A_1647] {strides = array<i32>} : memref<128xf32, #tpu.memory_space<vmem>>, vector<16xf32>,
        %swap3A_1649 = vector.shape_cast %swap3A_1648 : vector<16xf32> to vector<16xf32>
        %swap3A_1650 = vector.shape_cast %select_n3A_126 : vector<16xf32> to vector<16xf32>
        tpu.vector_store %swap3A_1646[%swap3A_1647], %swap3A_1650 {strides = array<i32>} : memref<128xf32, #tpu.memory_space<vmem>>, vector<16xf32>,
        %swap3A_1651 = arith.constant 23 : i32
        %swap3A_1652 = arith.constant 0 : i32
        %swap3A_1653 = tpu.memref_slice %arg11[%scan3A_155, %swap3A_1651, %swap3A_1652] : memref<4x32x128xf32, #tpu.memory_space<vmem>> -> memref<1x1x128xf32, #tpu.memory_space<vmem>>
        %swap3A_1654 = tpu.memref_squeeze %swap3A_1653 : memref<1x1x128xf32, #tpu.memory_space<vmem>> -> memref<128xf32, #tpu.memory_space<vmem>>
        %swap3A_1655 = arith.constant 48 : index
        %swap3A_1656 = tpu.vector_load %swap3A_1654[%swap3A_1655] {strides = array<i32>} : memref<128xf32, #tpu.memory_space<vmem>>, vector<16xf32>,
        %swap3A_1657 = vector.shape_cast %swap3A_1656 : vector<16xf32> to vector<16xf32>
        %swap3A_1658 = vector.shape_cast %select_n3A_126 : vector<16xf32> to vector<16xf32>
        tpu.vector_store %swap3A_1654[%swap3A_1655], %swap3A_1658 {strides = array<i32>} : memref<128xf32, #tpu.memory_space<vmem>>, vector<16xf32>,
        %swap3A_1659 = arith.constant 23 : i32
        %swap3A_1660 = arith.constant 0 : i32
        %swap3A_1661 = tpu.memref_slice %arg11[%scan3A_155, %swap3A_1659, %swap3A_1660] : memref<4x32x128xf32, #tpu.memory_space<vmem>> -> memref<1x1x128xf32, #tpu.memory_space<vmem>>
        %swap3A_1662 = tpu.memref_squeeze %swap3A_1661 : memref<1x1x128xf32, #tpu.memory_space<vmem>> -> memref<128xf32, #tpu.memory_space<vmem>>
        %swap3A_1663 = arith.constant 64 : index
        %swap3A_1664 = tpu.vector_load %swap3A_1662[%swap3A_1663] {strides = array<i32>} : memref<128xf32, #tpu.memory_space<vmem>>, vector<16xf32>,
        %swap3A_1665 = vector.shape_cast %swap3A_1664 : vector<16xf32> to vector<16xf32>
        %swap3A_1666 = vector.shape_cast %select_n3A_126 : vector<16xf32> to vector<16xf32>
        tpu.vector_store %swap3A_1662[%swap3A_1663], %swap3A_1666 {strides = array<i32>} : memref<128xf32, #tpu.memory_space<vmem>>, vector<16xf32>,
        %swap3A_1667 = arith.constant 23 : i32
        %swap3A_1668 = arith.constant 0 : i32
        %swap3A_1669 = tpu.memref_slice %arg11[%scan3A_155, %swap3A_1667, %swap3A_1668] : memref<4x32x128xf32, #tpu.memory_space<vmem>> -> memref<1x1x128xf32, #tpu.memory_space<vmem>>
        %swap3A_1670 = tpu.memref_squeeze %swap3A_1669 : memref<1x1x128xf32, #tpu.memory_space<vmem>> -> memref<128xf32, #tpu.memory_space<vmem>>
        %swap3A_1671 = arith.constant 80 : index
        %swap3A_1672 = tpu.vector_load %swap3A_1670[%swap3A_1671] {strides = array<i32>} : memref<128xf32, #tpu.memory_space<vmem>>, vector<16xf32>,
        %swap3A_1673 = vector.shape_cast %swap3A_1672 : vector<16xf32> to vector<16xf32>
        %swap3A_1674 = vector.shape_cast %select_n3A_126 : vector<16xf32> to vector<16xf32>
        tpu.vector_store %swap3A_1670[%swap3A_1671], %swap3A_1674 {strides = array<i32>} : memref<128xf32, #tpu.memory_space<vmem>>, vector<16xf32>,
        %swap3A_1675 = arith.constant 23 : i32
        %swap3A_1676 = arith.constant 0 : i32
        %swap3A_1677 = tpu.memref_slice %arg11[%scan3A_155, %swap3A_1675, %swap3A_1676] : memref<4x32x128xf32, #tpu.memory_space<vmem>> -> memref<1x1x128xf32, #tpu.memory_space<vmem>>
        %swap3A_1678 = tpu.memref_squeeze %swap3A_1677 : memref<1x1x128xf32, #tpu.memory_space<vmem>> -> memref<128xf32, #tpu.memory_space<vmem>>
        %swap3A_1679 = arith.constant 96 : index
        %swap3A_1680 = tpu.vector_load %swap3A_1678[%swap3A_1679] {strides = array<i32>} : memref<128xf32, #tpu.memory_space<vmem>>, vector<16xf32>,
        %swap3A_1681 = vector.shape_cast %swap3A_1680 : vector<16xf32> to vector<16xf32>
        %swap3A_1682 = vector.shape_cast %select_n3A_126 : vector<16xf32> to vector<16xf32>
        tpu.vector_store %swap3A_1678[%swap3A_1679], %swap3A_1682 {strides = array<i32>} : memref<128xf32, #tpu.memory_space<vmem>>, vector<16xf32>,
        %swap3A_1683 = arith.constant 23 : i32
        %swap3A_1684 = arith.constant 0 : i32
        %swap3A_1685 = tpu.memref_slice %arg11[%scan3A_155, %swap3A_1683, %swap3A_1684] : memref<4x32x128xf32, #tpu.memory_space<vmem>> -> memref<1x1x128xf32, #tpu.memory_space<vmem>>
        %swap3A_1686 = tpu.memref_squeeze %swap3A_1685 : memref<1x1x128xf32, #tpu.memory_space<vmem>> -> memref<128xf32, #tpu.memory_space<vmem>>
        %swap3A_1687 = arith.constant 112 : index
        %swap3A_1688 = tpu.vector_load %swap3A_1686[%swap3A_1687] {strides = array<i32>} : memref<128xf32, #tpu.memory_space<vmem>>, vector<16xf32>,
        %swap3A_1689 = vector.shape_cast %swap3A_1688 : vector<16xf32> to vector<16xf32>
        %swap3A_1690 = vector.shape_cast %select_n3A_126 : vector<16xf32> to vector<16xf32>
        tpu.vector_store %swap3A_1686[%swap3A_1687], %swap3A_1690 {strides = array<i32>} : memref<128xf32, #tpu.memory_space<vmem>>, vector<16xf32>,
        %swap3A_1691 = arith.constant 24 : i32
        %swap3A_1692 = arith.constant 0 : i32
        %swap3A_1693 = tpu.memref_slice %arg11[%scan3A_155, %swap3A_1691, %swap3A_1692] : memref<4x32x128xf32, #tpu.memory_space<vmem>> -> memref<1x1x128xf32, #tpu.memory_space<vmem>>
        %swap3A_1694 = tpu.memref_squeeze %swap3A_1693 : memref<1x1x128xf32, #tpu.memory_space<vmem>> -> memref<128xf32, #tpu.memory_space<vmem>>
        %swap3A_1695 = arith.constant 0 : index
        %swap3A_1696 = tpu.vector_load %swap3A_1694[%swap3A_1695] {strides = array<i32>} : memref<128xf32, #tpu.memory_space<vmem>>, vector<16xf32>,
        %swap3A_1697 = vector.shape_cast %swap3A_1696 : vector<16xf32> to vector<16xf32>
        %swap3A_1698 = vector.shape_cast %select_n3A_126 : vector<16xf32> to vector<16xf32>
        tpu.vector_store %swap3A_1694[%swap3A_1695], %swap3A_1698 {strides = array<i32>} : memref<128xf32, #tpu.memory_space<vmem>>, vector<16xf32>,
        %swap3A_1699 = arith.constant 24 : i32
        %swap3A_1700 = arith.constant 0 : i32
        %swap3A_1701 = tpu.memref_slice %arg11[%scan3A_155, %swap3A_1699, %swap3A_1700] : memref<4x32x128xf32, #tpu.memory_space<vmem>> -> memref<1x1x128xf32, #tpu.memory_space<vmem>>
        %swap3A_1702 = tpu.memref_squeeze %swap3A_1701 : memref<1x1x128xf32, #tpu.memory_space<vmem>> -> memref<128xf32, #tpu.memory_space<vmem>>
        %swap3A_1703 = arith.constant 16 : index
        %swap3A_1704 = tpu.vector_load %swap3A_1702[%swap3A_1703] {strides = array<i32>} : memref<128xf32, #tpu.memory_space<vmem>>, vector<16xf32>,
        %swap3A_1705 = vector.shape_cast %swap3A_1704 : vector<16xf32> to vector<16xf32>
        %swap3A_1706 = vector.shape_cast %select_n3A_126 : vector<16xf32> to vector<16xf32>
        tpu.vector_store %swap3A_1702[%swap3A_1703], %swap3A_1706 {strides = array<i32>} : memref<128xf32, #tpu.memory_space<vmem>>, vector<16xf32>,
        %swap3A_1707 = arith.constant 24 : i32
        %swap3A_1708 = arith.constant 0 : i32
        %swap3A_1709 = tpu.memref_slice %arg11[%scan3A_155, %swap3A_1707, %swap3A_1708] : memref<4x32x128xf32, #tpu.memory_space<vmem>> -> memref<1x1x128xf32, #tpu.memory_space<vmem>>
        %swap3A_1710 = tpu.memref_squeeze %swap3A_1709 : memref<1x1x128xf32, #tpu.memory_space<vmem>> -> memref<128xf32, #tpu.memory_space<vmem>>
        %swap3A_1711 = arith.constant 32 : index
        %swap3A_1712 = tpu.vector_load %swap3A_1710[%swap3A_1711] {strides = array<i32>} : memref<128xf32, #tpu.memory_space<vmem>>, vector<16xf32>,
        %swap3A_1713 = vector.shape_cast %swap3A_1712 : vector<16xf32> to vector<16xf32>
        %swap3A_1714 = vector.shape_cast %select_n3A_126 : vector<16xf32> to vector<16xf32>
        tpu.vector_store %swap3A_1710[%swap3A_1711], %swap3A_1714 {strides = array<i32>} : memref<128xf32, #tpu.memory_space<vmem>>, vector<16xf32>,
        %swap3A_1715 = arith.constant 24 : i32
        %swap3A_1716 = arith.constant 0 : i32
        %swap3A_1717 = tpu.memref_slice %arg11[%scan3A_155, %swap3A_1715, %swap3A_1716] : memref<4x32x128xf32, #tpu.memory_space<vmem>> -> memref<1x1x128xf32, #tpu.memory_space<vmem>>
        %swap3A_1718 = tpu.memref_squeeze %swap3A_1717 : memref<1x1x128xf32, #tpu.memory_space<vmem>> -> memref<128xf32, #tpu.memory_space<vmem>>
        %swap3A_1719 = arith.constant 48 : index
        %swap3A_1720 = tpu.vector_load %swap3A_1718[%swap3A_1719] {strides = array<i32>} : memref<128xf32, #tpu.memory_space<vmem>>, vector<16xf32>,
        %swap3A_1721 = vector.shape_cast %swap3A_1720 : vector<16xf32> to vector<16xf32>
        %swap3A_1722 = vector.shape_cast %select_n3A_126 : vector<16xf32> to vector<16xf32>
        tpu.vector_store %swap3A_1718[%swap3A_1719], %swap3A_1722 {strides = array<i32>} : memref<128xf32, #tpu.memory_space<vmem>>, vector<16xf32>,
        %swap3A_1723 = arith.constant 24 : i32
        %swap3A_1724 = arith.constant 0 : i32
        %swap3A_1725 = tpu.memref_slice %arg11[%scan3A_155, %swap3A_1723, %swap3A_1724] : memref<4x32x128xf32, #tpu.memory_space<vmem>> -> memref<1x1x128xf32, #tpu.memory_space<vmem>>
        %swap3A_1726 = tpu.memref_squeeze %swap3A_1725 : memref<1x1x128xf32, #tpu.memory_space<vmem>> -> memref<128xf32, #tpu.memory_space<vmem>>
        %swap3A_1727 = arith.constant 64 : index
        %swap3A_1728 = tpu.vector_load %swap3A_1726[%swap3A_1727] {strides = array<i32>} : memref<128xf32, #tpu.memory_space<vmem>>, vector<16xf32>,
        %swap3A_1729 = vector.shape_cast %swap3A_1728 : vector<16xf32> to vector<16xf32>
        %swap3A_1730 = vector.shape_cast %select_n3A_126 : vector<16xf32> to vector<16xf32>
        tpu.vector_store %swap3A_1726[%swap3A_1727], %swap3A_1730 {strides = array<i32>} : memref<128xf32, #tpu.memory_space<vmem>>, vector<16xf32>,
        %swap3A_1731 = arith.constant 24 : i32
        %swap3A_1732 = arith.constant 0 : i32
        %swap3A_1733 = tpu.memref_slice %arg11[%scan3A_155, %swap3A_1731, %swap3A_1732] : memref<4x32x128xf32, #tpu.memory_space<vmem>> -> memref<1x1x128xf32, #tpu.memory_space<vmem>>
        %swap3A_1734 = tpu.memref_squeeze %swap3A_1733 : memref<1x1x128xf32, #tpu.memory_space<vmem>> -> memref<128xf32, #tpu.memory_space<vmem>>
        %swap3A_1735 = arith.constant 80 : index
        %swap3A_1736 = tpu.vector_load %swap3A_1734[%swap3A_1735] {strides = array<i32>} : memref<128xf32, #tpu.memory_space<vmem>>, vector<16xf32>,
        %swap3A_1737 = vector.shape_cast %swap3A_1736 : vector<16xf32> to vector<16xf32>
        %swap3A_1738 = vector.shape_cast %select_n3A_126 : vector<16xf32> to vector<16xf32>
        tpu.vector_store %swap3A_1734[%swap3A_1735], %swap3A_1738 {strides = array<i32>} : memref<128xf32, #tpu.memory_space<vmem>>, vector<16xf32>,
        %swap3A_1739 = arith.constant 24 : i32
        %swap3A_1740 = arith.constant 0 : i32
        %swap3A_1741 = tpu.memref_slice %arg11[%scan3A_155, %swap3A_1739, %swap3A_1740] : memref<4x32x128xf32, #tpu.memory_space<vmem>> -> memref<1x1x128xf32, #tpu.memory_space<vmem>>
        %swap3A_1742 = tpu.memref_squeeze %swap3A_1741 : memref<1x1x128xf32, #tpu.memory_space<vmem>> -> memref<128xf32, #tpu.memory_space<vmem>>
        %swap3A_1743 = arith.constant 96 : index
        %swap3A_1744 = tpu.vector_load %swap3A_1742[%swap3A_1743] {strides = array<i32>} : memref<128xf32, #tpu.memory_space<vmem>>, vector<16xf32>,
        %swap3A_1745 = vector.shape_cast %swap3A_1744 : vector<16xf32> to vector<16xf32>
        %swap3A_1746 = vector.shape_cast %select_n3A_126 : vector<16xf32> to vector<16xf32>
        tpu.vector_store %swap3A_1742[%swap3A_1743], %swap3A_1746 {strides = array<i32>} : memref<128xf32, #tpu.memory_space<vmem>>, vector<16xf32>,
        %swap3A_1747 = arith.constant 24 : i32
        %swap3A_1748 = arith.constant 0 : i32
        %swap3A_1749 = tpu.memref_slice %arg11[%scan3A_155, %swap3A_1747, %swap3A_1748] : memref<4x32x128xf32, #tpu.memory_space<vmem>> -> memref<1x1x128xf32, #tpu.memory_space<vmem>>
        %swap3A_1750 = tpu.memref_squeeze %swap3A_1749 : memref<1x1x128xf32, #tpu.memory_space<vmem>> -> memref<128xf32, #tpu.memory_space<vmem>>
        %swap3A_1751 = arith.constant 112 : index
        %swap3A_1752 = tpu.vector_load %swap3A_1750[%swap3A_1751] {strides = array<i32>} : memref<128xf32, #tpu.memory_space<vmem>>, vector<16xf32>,
        %swap3A_1753 = vector.shape_cast %swap3A_1752 : vector<16xf32> to vector<16xf32>
        %swap3A_1754 = vector.shape_cast %select_n3A_126 : vector<16xf32> to vector<16xf32>
        tpu.vector_store %swap3A_1750[%swap3A_1751], %swap3A_1754 {strides = array<i32>} : memref<128xf32, #tpu.memory_space<vmem>>, vector<16xf32>,
        %swap3A_1755 = arith.constant 25 : i32
        %swap3A_1756 = arith.constant 0 : i32
        %swap3A_1757 = tpu.memref_slice %arg11[%scan3A_155, %swap3A_1755, %swap3A_1756] : memref<4x32x128xf32, #tpu.memory_space<vmem>> -> memref<1x1x128xf32, #tpu.memory_space<vmem>>
        %swap3A_1758 = tpu.memref_squeeze %swap3A_1757 : memref<1x1x128xf32, #tpu.memory_space<vmem>> -> memref<128xf32, #tpu.memory_space<vmem>>
        %swap3A_1759 = arith.constant 0 : index
        %swap3A_1760 = tpu.vector_load %swap3A_1758[%swap3A_1759] {strides = array<i32>} : memref<128xf32, #tpu.memory_space<vmem>>, vector<16xf32>,
        %swap3A_1761 = vector.shape_cast %swap3A_1760 : vector<16xf32> to vector<16xf32>
        %swap3A_1762 = vector.shape_cast %select_n3A_126 : vector<16xf32> to vector<16xf32>
        tpu.vector_store %swap3A_1758[%swap3A_1759], %swap3A_1762 {strides = array<i32>} : memref<128xf32, #tpu.memory_space<vmem>>, vector<16xf32>,
        %swap3A_1763 = arith.constant 25 : i32
        %swap3A_1764 = arith.constant 0 : i32
        %swap3A_1765 = tpu.memref_slice %arg11[%scan3A_155, %swap3A_1763, %swap3A_1764] : memref<4x32x128xf32, #tpu.memory_space<vmem>> -> memref<1x1x128xf32, #tpu.memory_space<vmem>>
        %swap3A_1766 = tpu.memref_squeeze %swap3A_1765 : memref<1x1x128xf32, #tpu.memory_space<vmem>> -> memref<128xf32, #tpu.memory_space<vmem>>
        %swap3A_1767 = arith.constant 16 : index
        %swap3A_1768 = tpu.vector_load %swap3A_1766[%swap3A_1767] {strides = array<i32>} : memref<128xf32, #tpu.memory_space<vmem>>, vector<16xf32>,
        %swap3A_1769 = vector.shape_cast %swap3A_1768 : vector<16xf32> to vector<16xf32>
        %swap3A_1770 = vector.shape_cast %select_n3A_126 : vector<16xf32> to vector<16xf32>
        tpu.vector_store %swap3A_1766[%swap3A_1767], %swap3A_1770 {strides = array<i32>} : memref<128xf32, #tpu.memory_space<vmem>>, vector<16xf32>,
        %swap3A_1771 = arith.constant 25 : i32
        %swap3A_1772 = arith.constant 0 : i32
        %swap3A_1773 = tpu.memref_slice %arg11[%scan3A_155, %swap3A_1771, %swap3A_1772] : memref<4x32x128xf32, #tpu.memory_space<vmem>> -> memref<1x1x128xf32, #tpu.memory_space<vmem>>
        %swap3A_1774 = tpu.memref_squeeze %swap3A_1773 : memref<1x1x128xf32, #tpu.memory_space<vmem>> -> memref<128xf32, #tpu.memory_space<vmem>>
        %swap3A_1775 = arith.constant 32 : index
        %swap3A_1776 = tpu.vector_load %swap3A_1774[%swap3A_1775] {strides = array<i32>} : memref<128xf32, #tpu.memory_space<vmem>>, vector<16xf32>,
        %swap3A_1777 = vector.shape_cast %swap3A_1776 : vector<16xf32> to vector<16xf32>
        %swap3A_1778 = vector.shape_cast %select_n3A_126 : vector<16xf32> to vector<16xf32>
        tpu.vector_store %swap3A_1774[%swap3A_1775], %swap3A_1778 {strides = array<i32>} : memref<128xf32, #tpu.memory_space<vmem>>, vector<16xf32>,
        %swap3A_1779 = arith.constant 25 : i32
        %swap3A_1780 = arith.constant 0 : i32
        %swap3A_1781 = tpu.memref_slice %arg11[%scan3A_155, %swap3A_1779, %swap3A_1780] : memref<4x32x128xf32, #tpu.memory_space<vmem>> -> memref<1x1x128xf32, #tpu.memory_space<vmem>>
        %swap3A_1782 = tpu.memref_squeeze %swap3A_1781 : memref<1x1x128xf32, #tpu.memory_space<vmem>> -> memref<128xf32, #tpu.memory_space<vmem>>
        %swap3A_1783 = arith.constant 48 : index
        %swap3A_1784 = tpu.vector_load %swap3A_1782[%swap3A_1783] {strides = array<i32>} : memref<128xf32, #tpu.memory_space<vmem>>, vector<16xf32>,
        %swap3A_1785 = vector.shape_cast %swap3A_1784 : vector<16xf32> to vector<16xf32>
        %swap3A_1786 = vector.shape_cast %select_n3A_126 : vector<16xf32> to vector<16xf32>
        tpu.vector_store %swap3A_1782[%swap3A_1783], %swap3A_1786 {strides = array<i32>} : memref<128xf32, #tpu.memory_space<vmem>>, vector<16xf32>,
        %swap3A_1787 = arith.constant 25 : i32
        %swap3A_1788 = arith.constant 0 : i32
        %swap3A_1789 = tpu.memref_slice %arg11[%scan3A_155, %swap3A_1787, %swap3A_1788] : memref<4x32x128xf32, #tpu.memory_space<vmem>> -> memref<1x1x128xf32, #tpu.memory_space<vmem>>
        %swap3A_1790 = tpu.memref_squeeze %swap3A_1789 : memref<1x1x128xf32, #tpu.memory_space<vmem>> -> memref<128xf32, #tpu.memory_space<vmem>>
        %swap3A_1791 = arith.constant 64 : index
        %swap3A_1792 = tpu.vector_load %swap3A_1790[%swap3A_1791] {strides = array<i32>} : memref<128xf32, #tpu.memory_space<vmem>>, vector<16xf32>,
        %swap3A_1793 = vector.shape_cast %swap3A_1792 : vector<16xf32> to vector<16xf32>
        %swap3A_1794 = vector.shape_cast %select_n3A_126 : vector<16xf32> to vector<16xf32>
        tpu.vector_store %swap3A_1790[%swap3A_1791], %swap3A_1794 {strides = array<i32>} : memref<128xf32, #tpu.memory_space<vmem>>, vector<16xf32>,
        %swap3A_1795 = arith.constant 25 : i32
        %swap3A_1796 = arith.constant 0 : i32
        %swap3A_1797 = tpu.memref_slice %arg11[%scan3A_155, %swap3A_1795, %swap3A_1796] : memref<4x32x128xf32, #tpu.memory_space<vmem>> -> memref<1x1x128xf32, #tpu.memory_space<vmem>>
        %swap3A_1798 = tpu.memref_squeeze %swap3A_1797 : memref<1x1x128xf32, #tpu.memory_space<vmem>> -> memref<128xf32, #tpu.memory_space<vmem>>
        %swap3A_1799 = arith.constant 80 : index
        %swap3A_1800 = tpu.vector_load %swap3A_1798[%swap3A_1799] {strides = array<i32>} : memref<128xf32, #tpu.memory_space<vmem>>, vector<16xf32>,
        %swap3A_1801 = vector.shape_cast %swap3A_1800 : vector<16xf32> to vector<16xf32>
        %swap3A_1802 = vector.shape_cast %select_n3A_126 : vector<16xf32> to vector<16xf32>
        tpu.vector_store %swap3A_1798[%swap3A_1799], %swap3A_1802 {strides = array<i32>} : memref<128xf32, #tpu.memory_space<vmem>>, vector<16xf32>,
        %swap3A_1803 = arith.constant 25 : i32
        %swap3A_1804 = arith.constant 0 : i32
        %swap3A_1805 = tpu.memref_slice %arg11[%scan3A_155, %swap3A_1803, %swap3A_1804] : memref<4x32x128xf32, #tpu.memory_space<vmem>> -> memref<1x1x128xf32, #tpu.memory_space<vmem>>
        %swap3A_1806 = tpu.memref_squeeze %swap3A_1805 : memref<1x1x128xf32, #tpu.memory_space<vmem>> -> memref<128xf32, #tpu.memory_space<vmem>>
        %swap3A_1807 = arith.constant 96 : index
        %swap3A_1808 = tpu.vector_load %swap3A_1806[%swap3A_1807] {strides = array<i32>} : memref<128xf32, #tpu.memory_space<vmem>>, vector<16xf32>,
        %swap3A_1809 = vector.shape_cast %swap3A_1808 : vector<16xf32> to vector<16xf32>
        %swap3A_1810 = vector.shape_cast %select_n3A_126 : vector<16xf32> to vector<16xf32>
        tpu.vector_store %swap3A_1806[%swap3A_1807], %swap3A_1810 {strides = array<i32>} : memref<128xf32, #tpu.memory_space<vmem>>, vector<16xf32>,
        %swap3A_1811 = arith.constant 25 : i32
        %swap3A_1812 = arith.constant 0 : i32
        %swap3A_1813 = tpu.memref_slice %arg11[%scan3A_155, %swap3A_1811, %swap3A_1812] : memref<4x32x128xf32, #tpu.memory_space<vmem>> -> memref<1x1x128xf32, #tpu.memory_space<vmem>>
        %swap3A_1814 = tpu.memref_squeeze %swap3A_1813 : memref<1x1x128xf32, #tpu.memory_space<vmem>> -> memref<128xf32, #tpu.memory_space<vmem>>
        %swap3A_1815 = arith.constant 112 : index
        %swap3A_1816 = tpu.vector_load %swap3A_1814[%swap3A_1815] {strides = array<i32>} : memref<128xf32, #tpu.memory_space<vmem>>, vector<16xf32>,
        %swap3A_1817 = vector.shape_cast %swap3A_1816 : vector<16xf32> to vector<16xf32>
        %swap3A_1818 = vector.shape_cast %select_n3A_126 : vector<16xf32> to vector<16xf32>
        tpu.vector_store %swap3A_1814[%swap3A_1815], %swap3A_1818 {strides = array<i32>} : memref<128xf32, #tpu.memory_space<vmem>>, vector<16xf32>,
        %swap3A_1819 = arith.constant 26 : i32
        %swap3A_1820 = arith.constant 0 : i32
        %swap3A_1821 = tpu.memref_slice %arg11[%scan3A_155, %swap3A_1819, %swap3A_1820] : memref<4x32x128xf32, #tpu.memory_space<vmem>> -> memref<1x1x128xf32, #tpu.memory_space<vmem>>
        %swap3A_1822 = tpu.memref_squeeze %swap3A_1821 : memref<1x1x128xf32, #tpu.memory_space<vmem>> -> memref<128xf32, #tpu.memory_space<vmem>>
        %swap3A_1823 = arith.constant 0 : index
        %swap3A_1824 = tpu.vector_load %swap3A_1822[%swap3A_1823] {strides = array<i32>} : memref<128xf32, #tpu.memory_space<vmem>>, vector<16xf32>,
        %swap3A_1825 = vector.shape_cast %swap3A_1824 : vector<16xf32> to vector<16xf32>
        %swap3A_1826 = vector.shape_cast %select_n3A_126 : vector<16xf32> to vector<16xf32>
        tpu.vector_store %swap3A_1822[%swap3A_1823], %swap3A_1826 {strides = array<i32>} : memref<128xf32, #tpu.memory_space<vmem>>, vector<16xf32>,
        %swap3A_1827 = arith.constant 26 : i32
        %swap3A_1828 = arith.constant 0 : i32
        %swap3A_1829 = tpu.memref_slice %arg11[%scan3A_155, %swap3A_1827, %swap3A_1828] : memref<4x32x128xf32, #tpu.memory_space<vmem>> -> memref<1x1x128xf32, #tpu.memory_space<vmem>>
        %swap3A_1830 = tpu.memref_squeeze %swap3A_1829 : memref<1x1x128xf32, #tpu.memory_space<vmem>> -> memref<128xf32, #tpu.memory_space<vmem>>
        %swap3A_1831 = arith.constant 16 : index
        %swap3A_1832 = tpu.vector_load %swap3A_1830[%swap3A_1831] {strides = array<i32>} : memref<128xf32, #tpu.memory_space<vmem>>, vector<16xf32>,
        %swap3A_1833 = vector.shape_cast %swap3A_1832 : vector<16xf32> to vector<16xf32>
        %swap3A_1834 = vector.shape_cast %select_n3A_126 : vector<16xf32> to vector<16xf32>
        tpu.vector_store %swap3A_1830[%swap3A_1831], %swap3A_1834 {strides = array<i32>} : memref<128xf32, #tpu.memory_space<vmem>>, vector<16xf32>,
        %swap3A_1835 = arith.constant 26 : i32
        %swap3A_1836 = arith.constant 0 : i32
        %swap3A_1837 = tpu.memref_slice %arg11[%scan3A_155, %swap3A_1835, %swap3A_1836] : memref<4x32x128xf32, #tpu.memory_space<vmem>> -> memref<1x1x128xf32, #tpu.memory_space<vmem>>
        %swap3A_1838 = tpu.memref_squeeze %swap3A_1837 : memref<1x1x128xf32, #tpu.memory_space<vmem>> -> memref<128xf32, #tpu.memory_space<vmem>>
        %swap3A_1839 = arith.constant 32 : index
        %swap3A_1840 = tpu.vector_load %swap3A_1838[%swap3A_1839] {strides = array<i32>} : memref<128xf32, #tpu.memory_space<vmem>>, vector<16xf32>,
        %swap3A_1841 = vector.shape_cast %swap3A_1840 : vector<16xf32> to vector<16xf32>
        %swap3A_1842 = vector.shape_cast %select_n3A_126 : vector<16xf32> to vector<16xf32>
        tpu.vector_store %swap3A_1838[%swap3A_1839], %swap3A_1842 {strides = array<i32>} : memref<128xf32, #tpu.memory_space<vmem>>, vector<16xf32>,
        %swap3A_1843 = arith.constant 26 : i32
        %swap3A_1844 = arith.constant 0 : i32
        %swap3A_1845 = tpu.memref_slice %arg11[%scan3A_155, %swap3A_1843, %swap3A_1844] : memref<4x32x128xf32, #tpu.memory_space<vmem>> -> memref<1x1x128xf32, #tpu.memory_space<vmem>>
        %swap3A_1846 = tpu.memref_squeeze %swap3A_1845 : memref<1x1x128xf32, #tpu.memory_space<vmem>> -> memref<128xf32, #tpu.memory_space<vmem>>
        %swap3A_1847 = arith.constant 48 : index
        %swap3A_1848 = tpu.vector_load %swap3A_1846[%swap3A_1847] {strides = array<i32>} : memref<128xf32, #tpu.memory_space<vmem>>, vector<16xf32>,
        %swap3A_1849 = vector.shape_cast %swap3A_1848 : vector<16xf32> to vector<16xf32>
        %swap3A_1850 = vector.shape_cast %select_n3A_126 : vector<16xf32> to vector<16xf32>
        tpu.vector_store %swap3A_1846[%swap3A_1847], %swap3A_1850 {strides = array<i32>} : memref<128xf32, #tpu.memory_space<vmem>>, vector<16xf32>,
        %swap3A_1851 = arith.constant 26 : i32
        %swap3A_1852 = arith.constant 0 : i32
        %swap3A_1853 = tpu.memref_slice %arg11[%scan3A_155, %swap3A_1851, %swap3A_1852] : memref<4x32x128xf32, #tpu.memory_space<vmem>> -> memref<1x1x128xf32, #tpu.memory_space<vmem>>
        %swap3A_1854 = tpu.memref_squeeze %swap3A_1853 : memref<1x1x128xf32, #tpu.memory_space<vmem>> -> memref<128xf32, #tpu.memory_space<vmem>>
        %swap3A_1855 = arith.constant 64 : index
        %swap3A_1856 = tpu.vector_load %swap3A_1854[%swap3A_1855] {strides = array<i32>} : memref<128xf32, #tpu.memory_space<vmem>>, vector<16xf32>,
        %swap3A_1857 = vector.shape_cast %swap3A_1856 : vector<16xf32> to vector<16xf32>
        %swap3A_1858 = vector.shape_cast %select_n3A_126 : vector<16xf32> to vector<16xf32>
        tpu.vector_store %swap3A_1854[%swap3A_1855], %swap3A_1858 {strides = array<i32>} : memref<128xf32, #tpu.memory_space<vmem>>, vector<16xf32>,
        %swap3A_1859 = arith.constant 26 : i32
        %swap3A_1860 = arith.constant 0 : i32
        %swap3A_1861 = tpu.memref_slice %arg11[%scan3A_155, %swap3A_1859, %swap3A_1860] : memref<4x32x128xf32, #tpu.memory_space<vmem>> -> memref<1x1x128xf32, #tpu.memory_space<vmem>>
        %swap3A_1862 = tpu.memref_squeeze %swap3A_1861 : memref<1x1x128xf32, #tpu.memory_space<vmem>> -> memref<128xf32, #tpu.memory_space<vmem>>
        %swap3A_1863 = arith.constant 80 : index
        %swap3A_1864 = tpu.vector_load %swap3A_1862[%swap3A_1863] {strides = array<i32>} : memref<128xf32, #tpu.memory_space<vmem>>, vector<16xf32>,
        %swap3A_1865 = vector.shape_cast %swap3A_1864 : vector<16xf32> to vector<16xf32>
        %swap3A_1866 = vector.shape_cast %select_n3A_126 : vector<16xf32> to vector<16xf32>
        tpu.vector_store %swap3A_1862[%swap3A_1863], %swap3A_1866 {strides = array<i32>} : memref<128xf32, #tpu.memory_space<vmem>>, vector<16xf32>,
        %swap3A_1867 = arith.constant 26 : i32
        %swap3A_1868 = arith.constant 0 : i32
        %swap3A_1869 = tpu.memref_slice %arg11[%scan3A_155, %swap3A_1867, %swap3A_1868] : memref<4x32x128xf32, #tpu.memory_space<vmem>> -> memref<1x1x128xf32, #tpu.memory_space<vmem>>
        %swap3A_1870 = tpu.memref_squeeze %swap3A_1869 : memref<1x1x128xf32, #tpu.memory_space<vmem>> -> memref<128xf32, #tpu.memory_space<vmem>>
        %swap3A_1871 = arith.constant 96 : index
        %swap3A_1872 = tpu.vector_load %swap3A_1870[%swap3A_1871] {strides = array<i32>} : memref<128xf32, #tpu.memory_space<vmem>>, vector<16xf32>,
        %swap3A_1873 = vector.shape_cast %swap3A_1872 : vector<16xf32> to vector<16xf32>
        %swap3A_1874 = vector.shape_cast %select_n3A_126 : vector<16xf32> to vector<16xf32>
        tpu.vector_store %swap3A_1870[%swap3A_1871], %swap3A_1874 {strides = array<i32>} : memref<128xf32, #tpu.memory_space<vmem>>, vector<16xf32>,
        %swap3A_1875 = arith.constant 26 : i32
        %swap3A_1876 = arith.constant 0 : i32
        %swap3A_1877 = tpu.memref_slice %arg11[%scan3A_155, %swap3A_1875, %swap3A_1876] : memref<4x32x128xf32, #tpu.memory_space<vmem>> -> memref<1x1x128xf32, #tpu.memory_space<vmem>>
        %swap3A_1878 = tpu.memref_squeeze %swap3A_1877 : memref<1x1x128xf32, #tpu.memory_space<vmem>> -> memref<128xf32, #tpu.memory_space<vmem>>
        %swap3A_1879 = arith.constant 112 : index
        %swap3A_1880 = tpu.vector_load %swap3A_1878[%swap3A_1879] {strides = array<i32>} : memref<128xf32, #tpu.memory_space<vmem>>, vector<16xf32>,
        %swap3A_1881 = vector.shape_cast %swap3A_1880 : vector<16xf32> to vector<16xf32>
        %swap3A_1882 = vector.shape_cast %select_n3A_126 : vector<16xf32> to vector<16xf32>
        tpu.vector_store %swap3A_1878[%swap3A_1879], %swap3A_1882 {strides = array<i32>} : memref<128xf32, #tpu.memory_space<vmem>>, vector<16xf32>,
        %swap3A_1883 = arith.constant 27 : i32
        %swap3A_1884 = arith.constant 0 : i32
        %swap3A_1885 = tpu.memref_slice %arg11[%scan3A_155, %swap3A_1883, %swap3A_1884] : memref<4x32x128xf32, #tpu.memory_space<vmem>> -> memref<1x1x128xf32, #tpu.memory_space<vmem>>
        %swap3A_1886 = tpu.memref_squeeze %swap3A_1885 : memref<1x1x128xf32, #tpu.memory_space<vmem>> -> memref<128xf32, #tpu.memory_space<vmem>>
        %swap3A_1887 = arith.constant 0 : index
        %swap3A_1888 = tpu.vector_load %swap3A_1886[%swap3A_1887] {strides = array<i32>} : memref<128xf32, #tpu.memory_space<vmem>>, vector<16xf32>,
        %swap3A_1889 = vector.shape_cast %swap3A_1888 : vector<16xf32> to vector<16xf32>
        %swap3A_1890 = vector.shape_cast %select_n3A_126 : vector<16xf32> to vector<16xf32>
        tpu.vector_store %swap3A_1886[%swap3A_1887], %swap3A_1890 {strides = array<i32>} : memref<128xf32, #tpu.memory_space<vmem>>, vector<16xf32>,
        %swap3A_1891 = arith.constant 27 : i32
        %swap3A_1892 = arith.constant 0 : i32
        %swap3A_1893 = tpu.memref_slice %arg11[%scan3A_155, %swap3A_1891, %swap3A_1892] : memref<4x32x128xf32, #tpu.memory_space<vmem>> -> memref<1x1x128xf32, #tpu.memory_space<vmem>>
        %swap3A_1894 = tpu.memref_squeeze %swap3A_1893 : memref<1x1x128xf32, #tpu.memory_space<vmem>> -> memref<128xf32, #tpu.memory_space<vmem>>
        %swap3A_1895 = arith.constant 16 : index
        %swap3A_1896 = tpu.vector_load %swap3A_1894[%swap3A_1895] {strides = array<i32>} : memref<128xf32, #tpu.memory_space<vmem>>, vector<16xf32>,
        %swap3A_1897 = vector.shape_cast %swap3A_1896 : vector<16xf32> to vector<16xf32>
        %swap3A_1898 = vector.shape_cast %select_n3A_126 : vector<16xf32> to vector<16xf32>
        tpu.vector_store %swap3A_1894[%swap3A_1895], %swap3A_1898 {strides = array<i32>} : memref<128xf32, #tpu.memory_space<vmem>>, vector<16xf32>,
        %swap3A_1899 = arith.constant 27 : i32
        %swap3A_1900 = arith.constant 0 : i32
        %swap3A_1901 = tpu.memref_slice %arg11[%scan3A_155, %swap3A_1899, %swap3A_1900] : memref<4x32x128xf32, #tpu.memory_space<vmem>> -> memref<1x1x128xf32, #tpu.memory_space<vmem>>
        %swap3A_1902 = tpu.memref_squeeze %swap3A_1901 : memref<1x1x128xf32, #tpu.memory_space<vmem>> -> memref<128xf32, #tpu.memory_space<vmem>>
        %swap3A_1903 = arith.constant 32 : index
        %swap3A_1904 = tpu.vector_load %swap3A_1902[%swap3A_1903] {strides = array<i32>} : memref<128xf32, #tpu.memory_space<vmem>>, vector<16xf32>,
        %swap3A_1905 = vector.shape_cast %swap3A_1904 : vector<16xf32> to vector<16xf32>
        %swap3A_1906 = vector.shape_cast %select_n3A_126 : vector<16xf32> to vector<16xf32>
        tpu.vector_store %swap3A_1902[%swap3A_1903], %swap3A_1906 {strides = array<i32>} : memref<128xf32, #tpu.memory_space<vmem>>, vector<16xf32>,
        %swap3A_1907 = arith.constant 27 : i32
        %swap3A_1908 = arith.constant 0 : i32
        %swap3A_1909 = tpu.memref_slice %arg11[%scan3A_155, %swap3A_1907, %swap3A_1908] : memref<4x32x128xf32, #tpu.memory_space<vmem>> -> memref<1x1x128xf32, #tpu.memory_space<vmem>>
        %swap3A_1910 = tpu.memref_squeeze %swap3A_1909 : memref<1x1x128xf32, #tpu.memory_space<vmem>> -> memref<128xf32, #tpu.memory_space<vmem>>
        %swap3A_1911 = arith.constant 48 : index
        %swap3A_1912 = tpu.vector_load %swap3A_1910[%swap3A_1911] {strides = array<i32>} : memref<128xf32, #tpu.memory_space<vmem>>, vector<16xf32>,
        %swap3A_1913 = vector.shape_cast %swap3A_1912 : vector<16xf32> to vector<16xf32>
        %swap3A_1914 = vector.shape_cast %select_n3A_126 : vector<16xf32> to vector<16xf32>
        tpu.vector_store %swap3A_1910[%swap3A_1911], %swap3A_1914 {strides = array<i32>} : memref<128xf32, #tpu.memory_space<vmem>>, vector<16xf32>,
        %swap3A_1915 = arith.constant 27 : i32
        %swap3A_1916 = arith.constant 0 : i32
        %swap3A_1917 = tpu.memref_slice %arg11[%scan3A_155, %swap3A_1915, %swap3A_1916] : memref<4x32x128xf32, #tpu.memory_space<vmem>> -> memref<1x1x128xf32, #tpu.memory_space<vmem>>
        %swap3A_1918 = tpu.memref_squeeze %swap3A_1917 : memref<1x1x128xf32, #tpu.memory_space<vmem>> -> memref<128xf32, #tpu.memory_space<vmem>>
        %swap3A_1919 = arith.constant 64 : index
        %swap3A_1920 = tpu.vector_load %swap3A_1918[%swap3A_1919] {strides = array<i32>} : memref<128xf32, #tpu.memory_space<vmem>>, vector<16xf32>,
        %swap3A_1921 = vector.shape_cast %swap3A_1920 : vector<16xf32> to vector<16xf32>
        %swap3A_1922 = vector.shape_cast %select_n3A_126 : vector<16xf32> to vector<16xf32>
        tpu.vector_store %swap3A_1918[%swap3A_1919], %swap3A_1922 {strides = array<i32>} : memref<128xf32, #tpu.memory_space<vmem>>, vector<16xf32>,
        %swap3A_1923 = arith.constant 27 : i32
        %swap3A_1924 = arith.constant 0 : i32
        %swap3A_1925 = tpu.memref_slice %arg11[%scan3A_155, %swap3A_1923, %swap3A_1924] : memref<4x32x128xf32, #tpu.memory_space<vmem>> -> memref<1x1x128xf32, #tpu.memory_space<vmem>>
        %swap3A_1926 = tpu.memref_squeeze %swap3A_1925 : memref<1x1x128xf32, #tpu.memory_space<vmem>> -> memref<128xf32, #tpu.memory_space<vmem>>
        %swap3A_1927 = arith.constant 80 : index
        %swap3A_1928 = tpu.vector_load %swap3A_1926[%swap3A_1927] {strides = array<i32>} : memref<128xf32, #tpu.memory_space<vmem>>, vector<16xf32>,
        %swap3A_1929 = vector.shape_cast %swap3A_1928 : vector<16xf32> to vector<16xf32>
        %swap3A_1930 = vector.shape_cast %select_n3A_126 : vector<16xf32> to vector<16xf32>
        tpu.vector_store %swap3A_1926[%swap3A_1927], %swap3A_1930 {strides = array<i32>} : memref<128xf32, #tpu.memory_space<vmem>>, vector<16xf32>,
        %swap3A_1931 = arith.constant 27 : i32
        %swap3A_1932 = arith.constant 0 : i32
        %swap3A_1933 = tpu.memref_slice %arg11[%scan3A_155, %swap3A_1931, %swap3A_1932] : memref<4x32x128xf32, #tpu.memory_space<vmem>> -> memref<1x1x128xf32, #tpu.memory_space<vmem>>
        %swap3A_1934 = tpu.memref_squeeze %swap3A_1933 : memref<1x1x128xf32, #tpu.memory_space<vmem>> -> memref<128xf32, #tpu.memory_space<vmem>>
        %swap3A_1935 = arith.constant 96 : index
        %swap3A_1936 = tpu.vector_load %swap3A_1934[%swap3A_1935] {strides = array<i32>} : memref<128xf32, #tpu.memory_space<vmem>>, vector<16xf32>,
        %swap3A_1937 = vector.shape_cast %swap3A_1936 : vector<16xf32> to vector<16xf32>
        %swap3A_1938 = vector.shape_cast %select_n3A_126 : vector<16xf32> to vector<16xf32>
        tpu.vector_store %swap3A_1934[%swap3A_1935], %swap3A_1938 {strides = array<i32>} : memref<128xf32, #tpu.memory_space<vmem>>, vector<16xf32>,
        %swap3A_1939 = arith.constant 27 : i32
        %swap3A_1940 = arith.constant 0 : i32
        %swap3A_1941 = tpu.memref_slice %arg11[%scan3A_155, %swap3A_1939, %swap3A_1940] : memref<4x32x128xf32, #tpu.memory_space<vmem>> -> memref<1x1x128xf32, #tpu.memory_space<vmem>>
        %swap3A_1942 = tpu.memref_squeeze %swap3A_1941 : memref<1x1x128xf32, #tpu.memory_space<vmem>> -> memref<128xf32, #tpu.memory_space<vmem>>
        %swap3A_1943 = arith.constant 112 : index
        %swap3A_1944 = tpu.vector_load %swap3A_1942[%swap3A_1943] {strides = array<i32>} : memref<128xf32, #tpu.memory_space<vmem>>, vector<16xf32>,
        %swap3A_1945 = vector.shape_cast %swap3A_1944 : vector<16xf32> to vector<16xf32>
        %swap3A_1946 = vector.shape_cast %select_n3A_126 : vector<16xf32> to vector<16xf32>
        tpu.vector_store %swap3A_1942[%swap3A_1943], %swap3A_1946 {strides = array<i32>} : memref<128xf32, #tpu.memory_space<vmem>>, vector<16xf32>,
        %swap3A_1947 = arith.constant 28 : i32
        %swap3A_1948 = arith.constant 0 : i32
        %swap3A_1949 = tpu.memref_slice %arg11[%scan3A_155, %swap3A_1947, %swap3A_1948] : memref<4x32x128xf32, #tpu.memory_space<vmem>> -> memref<1x1x128xf32, #tpu.memory_space<vmem>>
        %swap3A_1950 = tpu.memref_squeeze %swap3A_1949 : memref<1x1x128xf32, #tpu.memory_space<vmem>> -> memref<128xf32, #tpu.memory_space<vmem>>
        %swap3A_1951 = arith.constant 0 : index
        %swap3A_1952 = tpu.vector_load %swap3A_1950[%swap3A_1951] {strides = array<i32>} : memref<128xf32, #tpu.memory_space<vmem>>, vector<16xf32>,
        %swap3A_1953 = vector.shape_cast %swap3A_1952 : vector<16xf32> to vector<16xf32>
        %swap3A_1954 = vector.shape_cast %select_n3A_126 : vector<16xf32> to vector<16xf32>
        tpu.vector_store %swap3A_1950[%swap3A_1951], %swap3A_1954 {strides = array<i32>} : memref<128xf32, #tpu.memory_space<vmem>>, vector<16xf32>,
        %swap3A_1955 = arith.constant 28 : i32
        %swap3A_1956 = arith.constant 0 : i32
        %swap3A_1957 = tpu.memref_slice %arg11[%scan3A_155, %swap3A_1955, %swap3A_1956] : memref<4x32x128xf32, #tpu.memory_space<vmem>> -> memref<1x1x128xf32, #tpu.memory_space<vmem>>
        %swap3A_1958 = tpu.memref_squeeze %swap3A_1957 : memref<1x1x128xf32, #tpu.memory_space<vmem>> -> memref<128xf32, #tpu.memory_space<vmem>>
        %swap3A_1959 = arith.constant 16 : index
        %swap3A_1960 = tpu.vector_load %swap3A_1958[%swap3A_1959] {strides = array<i32>} : memref<128xf32, #tpu.memory_space<vmem>>, vector<16xf32>,
        %swap3A_1961 = vector.shape_cast %swap3A_1960 : vector<16xf32> to vector<16xf32>
        %swap3A_1962 = vector.shape_cast %select_n3A_126 : vector<16xf32> to vector<16xf32>
        tpu.vector_store %swap3A_1958[%swap3A_1959], %swap3A_1962 {strides = array<i32>} : memref<128xf32, #tpu.memory_space<vmem>>, vector<16xf32>,
        %swap3A_1963 = arith.constant 28 : i32
        %swap3A_1964 = arith.constant 0 : i32
        %swap3A_1965 = tpu.memref_slice %arg11[%scan3A_155, %swap3A_1963, %swap3A_1964] : memref<4x32x128xf32, #tpu.memory_space<vmem>> -> memref<1x1x128xf32, #tpu.memory_space<vmem>>
        %swap3A_1966 = tpu.memref_squeeze %swap3A_1965 : memref<1x1x128xf32, #tpu.memory_space<vmem>> -> memref<128xf32, #tpu.memory_space<vmem>>
        %swap3A_1967 = arith.constant 32 : index
        %swap3A_1968 = tpu.vector_load %swap3A_1966[%swap3A_1967] {strides = array<i32>} : memref<128xf32, #tpu.memory_space<vmem>>, vector<16xf32>,
        %swap3A_1969 = vector.shape_cast %swap3A_1968 : vector<16xf32> to vector<16xf32>
        %swap3A_1970 = vector.shape_cast %select_n3A_126 : vector<16xf32> to vector<16xf32>
        tpu.vector_store %swap3A_1966[%swap3A_1967], %swap3A_1970 {strides = array<i32>} : memref<128xf32, #tpu.memory_space<vmem>>, vector<16xf32>,
        %swap3A_1971 = arith.constant 28 : i32
        %swap3A_1972 = arith.constant 0 : i32
        %swap3A_1973 = tpu.memref_slice %arg11[%scan3A_155, %swap3A_1971, %swap3A_1972] : memref<4x32x128xf32, #tpu.memory_space<vmem>> -> memref<1x1x128xf32, #tpu.memory_space<vmem>>
        %swap3A_1974 = tpu.memref_squeeze %swap3A_1973 : memref<1x1x128xf32, #tpu.memory_space<vmem>> -> memref<128xf32, #tpu.memory_space<vmem>>
        %swap3A_1975 = arith.constant 48 : index
        %swap3A_1976 = tpu.vector_load %swap3A_1974[%swap3A_1975] {strides = array<i32>} : memref<128xf32, #tpu.memory_space<vmem>>, vector<16xf32>,
        %swap3A_1977 = vector.shape_cast %swap3A_1976 : vector<16xf32> to vector<16xf32>
        %swap3A_1978 = vector.shape_cast %select_n3A_126 : vector<16xf32> to vector<16xf32>
        tpu.vector_store %swap3A_1974[%swap3A_1975], %swap3A_1978 {strides = array<i32>} : memref<128xf32, #tpu.memory_space<vmem>>, vector<16xf32>,
        %swap3A_1979 = arith.constant 28 : i32
        %swap3A_1980 = arith.constant 0 : i32
        %swap3A_1981 = tpu.memref_slice %arg11[%scan3A_155, %swap3A_1979, %swap3A_1980] : memref<4x32x128xf32, #tpu.memory_space<vmem>> -> memref<1x1x128xf32, #tpu.memory_space<vmem>>
        %swap3A_1982 = tpu.memref_squeeze %swap3A_1981 : memref<1x1x128xf32, #tpu.memory_space<vmem>> -> memref<128xf32, #tpu.memory_space<vmem>>
        %swap3A_1983 = arith.constant 64 : index
        %swap3A_1984 = tpu.vector_load %swap3A_1982[%swap3A_1983] {strides = array<i32>} : memref<128xf32, #tpu.memory_space<vmem>>, vector<16xf32>,
        %swap3A_1985 = vector.shape_cast %swap3A_1984 : vector<16xf32> to vector<16xf32>
        %swap3A_1986 = vector.shape_cast %select_n3A_126 : vector<16xf32> to vector<16xf32>
        tpu.vector_store %swap3A_1982[%swap3A_1983], %swap3A_1986 {strides = array<i32>} : memref<128xf32, #tpu.memory_space<vmem>>, vector<16xf32>,
        %swap3A_1987 = arith.constant 28 : i32
        %swap3A_1988 = arith.constant 0 : i32
        %swap3A_1989 = tpu.memref_slice %arg11[%scan3A_155, %swap3A_1987, %swap3A_1988] : memref<4x32x128xf32, #tpu.memory_space<vmem>> -> memref<1x1x128xf32, #tpu.memory_space<vmem>>
        %swap3A_1990 = tpu.memref_squeeze %swap3A_1989 : memref<1x1x128xf32, #tpu.memory_space<vmem>> -> memref<128xf32, #tpu.memory_space<vmem>>
        %swap3A_1991 = arith.constant 80 : index
        %swap3A_1992 = tpu.vector_load %swap3A_1990[%swap3A_1991] {strides = array<i32>} : memref<128xf32, #tpu.memory_space<vmem>>, vector<16xf32>,
        %swap3A_1993 = vector.shape_cast %swap3A_1992 : vector<16xf32> to vector<16xf32>
        %swap3A_1994 = vector.shape_cast %select_n3A_126 : vector<16xf32> to vector<16xf32>
        tpu.vector_store %swap3A_1990[%swap3A_1991], %swap3A_1994 {strides = array<i32>} : memref<128xf32, #tpu.memory_space<vmem>>, vector<16xf32>,
        %swap3A_1995 = arith.constant 28 : i32
        %swap3A_1996 = arith.constant 0 : i32
        %swap3A_1997 = tpu.memref_slice %arg11[%scan3A_155, %swap3A_1995, %swap3A_1996] : memref<4x32x128xf32, #tpu.memory_space<vmem>> -> memref<1x1x128xf32, #tpu.memory_space<vmem>>
        %swap3A_1998 = tpu.memref_squeeze %swap3A_1997 : memref<1x1x128xf32, #tpu.memory_space<vmem>> -> memref<128xf32, #tpu.memory_space<vmem>>
        %swap3A_1999 = arith.constant 96 : index
        %swap3A_2000 = tpu.vector_load %swap3A_1998[%swap3A_1999] {strides = array<i32>} : memref<128xf32, #tpu.memory_space<vmem>>, vector<16xf32>,
        %swap3A_2001 = vector.shape_cast %swap3A_2000 : vector<16xf32> to vector<16xf32>
        %swap3A_2002 = vector.shape_cast %select_n3A_126 : vector<16xf32> to vector<16xf32>
        tpu.vector_store %swap3A_1998[%swap3A_1999], %swap3A_2002 {strides = array<i32>} : memref<128xf32, #tpu.memory_space<vmem>>, vector<16xf32>,
        %swap3A_2003 = arith.constant 28 : i32
        %swap3A_2004 = arith.constant 0 : i32
        %swap3A_2005 = tpu.memref_slice %arg11[%scan3A_155, %swap3A_2003, %swap3A_2004] : memref<4x32x128xf32, #tpu.memory_space<vmem>> -> memref<1x1x128xf32, #tpu.memory_space<vmem>>
        %swap3A_2006 = tpu.memref_squeeze %swap3A_2005 : memref<1x1x128xf32, #tpu.memory_space<vmem>> -> memref<128xf32, #tpu.memory_space<vmem>>
        %swap3A_2007 = arith.constant 112 : index
        %swap3A_2008 = tpu.vector_load %swap3A_2006[%swap3A_2007] {strides = array<i32>} : memref<128xf32, #tpu.memory_space<vmem>>, vector<16xf32>,
        %swap3A_2009 = vector.shape_cast %swap3A_2008 : vector<16xf32> to vector<16xf32>
        %swap3A_2010 = vector.shape_cast %select_n3A_126 : vector<16xf32> to vector<16xf32>
        tpu.vector_store %swap3A_2006[%swap3A_2007], %swap3A_2010 {strides = array<i32>} : memref<128xf32, #tpu.memory_space<vmem>>, vector<16xf32>,
        %swap3A_2011 = arith.constant 29 : i32
        %swap3A_2012 = arith.constant 0 : i32
        %swap3A_2013 = tpu.memref_slice %arg11[%scan3A_155, %swap3A_2011, %swap3A_2012] : memref<4x32x128xf32, #tpu.memory_space<vmem>> -> memref<1x1x128xf32, #tpu.memory_space<vmem>>
        %swap3A_2014 = tpu.memref_squeeze %swap3A_2013 : memref<1x1x128xf32, #tpu.memory_space<vmem>> -> memref<128xf32, #tpu.memory_space<vmem>>
        %swap3A_2015 = arith.constant 0 : index
        %swap3A_2016 = tpu.vector_load %swap3A_2014[%swap3A_2015] {strides = array<i32>} : memref<128xf32, #tpu.memory_space<vmem>>, vector<16xf32>,
        %swap3A_2017 = vector.shape_cast %swap3A_2016 : vector<16xf32> to vector<16xf32>
        %swap3A_2018 = vector.shape_cast %select_n3A_126 : vector<16xf32> to vector<16xf32>
        tpu.vector_store %swap3A_2014[%swap3A_2015], %swap3A_2018 {strides = array<i32>} : memref<128xf32, #tpu.memory_space<vmem>>, vector<16xf32>,
        %swap3A_2019 = arith.constant 29 : i32
        %swap3A_2020 = arith.constant 0 : i32
        %swap3A_2021 = tpu.memref_slice %arg11[%scan3A_155, %swap3A_2019, %swap3A_2020] : memref<4x32x128xf32, #tpu.memory_space<vmem>> -> memref<1x1x128xf32, #tpu.memory_space<vmem>>
        %swap3A_2022 = tpu.memref_squeeze %swap3A_2021 : memref<1x1x128xf32, #tpu.memory_space<vmem>> -> memref<128xf32, #tpu.memory_space<vmem>>
        %swap3A_2023 = arith.constant 16 : index
        %swap3A_2024 = tpu.vector_load %swap3A_2022[%swap3A_2023] {strides = array<i32>} : memref<128xf32, #tpu.memory_space<vmem>>, vector<16xf32>,
        %swap3A_2025 = vector.shape_cast %swap3A_2024 : vector<16xf32> to vector<16xf32>
        %swap3A_2026 = vector.shape_cast %select_n3A_126 : vector<16xf32> to vector<16xf32>
        tpu.vector_store %swap3A_2022[%swap3A_2023], %swap3A_2026 {strides = array<i32>} : memref<128xf32, #tpu.memory_space<vmem>>, vector<16xf32>,
        %swap3A_2027 = arith.constant 29 : i32
        %swap3A_2028 = arith.constant 0 : i32
        %swap3A_2029 = tpu.memref_slice %arg11[%scan3A_155, %swap3A_2027, %swap3A_2028] : memref<4x32x128xf32, #tpu.memory_space<vmem>> -> memref<1x1x128xf32, #tpu.memory_space<vmem>>
        %swap3A_2030 = tpu.memref_squeeze %swap3A_2029 : memref<1x1x128xf32, #tpu.memory_space<vmem>> -> memref<128xf32, #tpu.memory_space<vmem>>
        %swap3A_2031 = arith.constant 32 : index
        %swap3A_2032 = tpu.vector_load %swap3A_2030[%swap3A_2031] {strides = array<i32>} : memref<128xf32, #tpu.memory_space<vmem>>, vector<16xf32>,
        %swap3A_2033 = vector.shape_cast %swap3A_2032 : vector<16xf32> to vector<16xf32>
        %swap3A_2034 = vector.shape_cast %select_n3A_126 : vector<16xf32> to vector<16xf32>
        tpu.vector_store %swap3A_2030[%swap3A_2031], %swap3A_2034 {strides = array<i32>} : memref<128xf32, #tpu.memory_space<vmem>>, vector<16xf32>,
        %swap3A_2035 = arith.constant 29 : i32
        %swap3A_2036 = arith.constant 0 : i32
        %swap3A_2037 = tpu.memref_slice %arg11[%scan3A_155, %swap3A_2035, %swap3A_2036] : memref<4x32x128xf32, #tpu.memory_space<vmem>> -> memref<1x1x128xf32, #tpu.memory_space<vmem>>
        %swap3A_2038 = tpu.memref_squeeze %swap3A_2037 : memref<1x1x128xf32, #tpu.memory_space<vmem>> -> memref<128xf32, #tpu.memory_space<vmem>>
        %swap3A_2039 = arith.constant 48 : index
        %swap3A_2040 = tpu.vector_load %swap3A_2038[%swap3A_2039] {strides = array<i32>} : memref<128xf32, #tpu.memory_space<vmem>>, vector<16xf32>,
        %swap3A_2041 = vector.shape_cast %swap3A_2040 : vector<16xf32> to vector<16xf32>
        %swap3A_2042 = vector.shape_cast %select_n3A_126 : vector<16xf32> to vector<16xf32>
        tpu.vector_store %swap3A_2038[%swap3A_2039], %swap3A_2042 {strides = array<i32>} : memref<128xf32, #tpu.memory_space<vmem>>, vector<16xf32>,
        %swap3A_2043 = arith.constant 29 : i32
        %swap3A_2044 = arith.constant 0 : i32
        %swap3A_2045 = tpu.memref_slice %arg11[%scan3A_155, %swap3A_2043, %swap3A_2044] : memref<4x32x128xf32, #tpu.memory_space<vmem>> -> memref<1x1x128xf32, #tpu.memory_space<vmem>>
        %swap3A_2046 = tpu.memref_squeeze %swap3A_2045 : memref<1x1x128xf32, #tpu.memory_space<vmem>> -> memref<128xf32, #tpu.memory_space<vmem>>
        %swap3A_2047 = arith.constant 64 : index
        %swap3A_2048 = tpu.vector_load %swap3A_2046[%swap3A_2047] {strides = array<i32>} : memref<128xf32, #tpu.memory_space<vmem>>, vector<16xf32>,
        %swap3A_2049 = vector.shape_cast %swap3A_2048 : vector<16xf32> to vector<16xf32>
        %swap3A_2050 = vector.shape_cast %select_n3A_126 : vector<16xf32> to vector<16xf32>
        tpu.vector_store %swap3A_2046[%swap3A_2047], %swap3A_2050 {strides = array<i32>} : memref<128xf32, #tpu.memory_space<vmem>>, vector<16xf32>,
        %swap3A_2051 = arith.constant 29 : i32
        %swap3A_2052 = arith.constant 0 : i32
        %swap3A_2053 = tpu.memref_slice %arg11[%scan3A_155, %swap3A_2051, %swap3A_2052] : memref<4x32x128xf32, #tpu.memory_space<vmem>> -> memref<1x1x128xf32, #tpu.memory_space<vmem>>
        %swap3A_2054 = tpu.memref_squeeze %swap3A_2053 : memref<1x1x128xf32, #tpu.memory_space<vmem>> -> memref<128xf32, #tpu.memory_space<vmem>>
        %swap3A_2055 = arith.constant 80 : index
        %swap3A_2056 = tpu.vector_load %swap3A_2054[%swap3A_2055] {strides = array<i32>} : memref<128xf32, #tpu.memory_space<vmem>>, vector<16xf32>,
        %swap3A_2057 = vector.shape_cast %swap3A_2056 : vector<16xf32> to vector<16xf32>
        %swap3A_2058 = vector.shape_cast %select_n3A_126 : vector<16xf32> to vector<16xf32>
        tpu.vector_store %swap3A_2054[%swap3A_2055], %swap3A_2058 {strides = array<i32>} : memref<128xf32, #tpu.memory_space<vmem>>, vector<16xf32>,
        %swap3A_2059 = arith.constant 29 : i32
        %swap3A_2060 = arith.constant 0 : i32
        %swap3A_2061 = tpu.memref_slice %arg11[%scan3A_155, %swap3A_2059, %swap3A_2060] : memref<4x32x128xf32, #tpu.memory_space<vmem>> -> memref<1x1x128xf32, #tpu.memory_space<vmem>>
        %swap3A_2062 = tpu.memref_squeeze %swap3A_2061 : memref<1x1x128xf32, #tpu.memory_space<vmem>> -> memref<128xf32, #tpu.memory_space<vmem>>
        %swap3A_2063 = arith.constant 96 : index
        %swap3A_2064 = tpu.vector_load %swap3A_2062[%swap3A_2063] {strides = array<i32>} : memref<128xf32, #tpu.memory_space<vmem>>, vector<16xf32>,
        %swap3A_2065 = vector.shape_cast %swap3A_2064 : vector<16xf32> to vector<16xf32>
        %swap3A_2066 = vector.shape_cast %select_n3A_126 : vector<16xf32> to vector<16xf32>
        tpu.vector_store %swap3A_2062[%swap3A_2063], %swap3A_2066 {strides = array<i32>} : memref<128xf32, #tpu.memory_space<vmem>>, vector<16xf32>,
        %swap3A_2067 = arith.constant 29 : i32
        %swap3A_2068 = arith.constant 0 : i32
        %swap3A_2069 = tpu.memref_slice %arg11[%scan3A_155, %swap3A_2067, %swap3A_2068] : memref<4x32x128xf32, #tpu.memory_space<vmem>> -> memref<1x1x128xf32, #tpu.memory_space<vmem>>
        %swap3A_2070 = tpu.memref_squeeze %swap3A_2069 : memref<1x1x128xf32, #tpu.memory_space<vmem>> -> memref<128xf32, #tpu.memory_space<vmem>>
        %swap3A_2071 = arith.constant 112 : index
        %swap3A_2072 = tpu.vector_load %swap3A_2070[%swap3A_2071] {strides = array<i32>} : memref<128xf32, #tpu.memory_space<vmem>>, vector<16xf32>,
        %swap3A_2073 = vector.shape_cast %swap3A_2072 : vector<16xf32> to vector<16xf32>
        %swap3A_2074 = vector.shape_cast %select_n3A_126 : vector<16xf32> to vector<16xf32>
        tpu.vector_store %swap3A_2070[%swap3A_2071], %swap3A_2074 {strides = array<i32>} : memref<128xf32, #tpu.memory_space<vmem>>, vector<16xf32>,
        %swap3A_2075 = arith.constant 30 : i32
        %swap3A_2076 = arith.constant 0 : i32
        %swap3A_2077 = tpu.memref_slice %arg11[%scan3A_155, %swap3A_2075, %swap3A_2076] : memref<4x32x128xf32, #tpu.memory_space<vmem>> -> memref<1x1x128xf32, #tpu.memory_space<vmem>>
        %swap3A_2078 = tpu.memref_squeeze %swap3A_2077 : memref<1x1x128xf32, #tpu.memory_space<vmem>> -> memref<128xf32, #tpu.memory_space<vmem>>
        %swap3A_2079 = arith.constant 0 : index
        %swap3A_2080 = tpu.vector_load %swap3A_2078[%swap3A_2079] {strides = array<i32>} : memref<128xf32, #tpu.memory_space<vmem>>, vector<16xf32>,
        %swap3A_2081 = vector.shape_cast %swap3A_2080 : vector<16xf32> to vector<16xf32>
        %swap3A_2082 = vector.shape_cast %select_n3A_126 : vector<16xf32> to vector<16xf32>
        tpu.vector_store %swap3A_2078[%swap3A_2079], %swap3A_2082 {strides = array<i32>} : memref<128xf32, #tpu.memory_space<vmem>>, vector<16xf32>,
        %swap3A_2083 = arith.constant 30 : i32
        %swap3A_2084 = arith.constant 0 : i32
        %swap3A_2085 = tpu.memref_slice %arg11[%scan3A_155, %swap3A_2083, %swap3A_2084] : memref<4x32x128xf32, #tpu.memory_space<vmem>> -> memref<1x1x128xf32, #tpu.memory_space<vmem>>
        %swap3A_2086 = tpu.memref_squeeze %swap3A_2085 : memref<1x1x128xf32, #tpu.memory_space<vmem>> -> memref<128xf32, #tpu.memory_space<vmem>>
        %swap3A_2087 = arith.constant 16 : index
        %swap3A_2088 = tpu.vector_load %swap3A_2086[%swap3A_2087] {strides = array<i32>} : memref<128xf32, #tpu.memory_space<vmem>>, vector<16xf32>,
        %swap3A_2089 = vector.shape_cast %swap3A_2088 : vector<16xf32> to vector<16xf32>
        %swap3A_2090 = vector.shape_cast %select_n3A_126 : vector<16xf32> to vector<16xf32>
        tpu.vector_store %swap3A_2086[%swap3A_2087], %swap3A_2090 {strides = array<i32>} : memref<128xf32, #tpu.memory_space<vmem>>, vector<16xf32>,
        %swap3A_2091 = arith.constant 30 : i32
        %swap3A_2092 = arith.constant 0 : i32
        %swap3A_2093 = tpu.memref_slice %arg11[%scan3A_155, %swap3A_2091, %swap3A_2092] : memref<4x32x128xf32, #tpu.memory_space<vmem>> -> memref<1x1x128xf32, #tpu.memory_space<vmem>>
        %swap3A_2094 = tpu.memref_squeeze %swap3A_2093 : memref<1x1x128xf32, #tpu.memory_space<vmem>> -> memref<128xf32, #tpu.memory_space<vmem>>
        %swap3A_2095 = arith.constant 32 : index
        %swap3A_2096 = tpu.vector_load %swap3A_2094[%swap3A_2095] {strides = array<i32>} : memref<128xf32, #tpu.memory_space<vmem>>, vector<16xf32>,
        %swap3A_2097 = vector.shape_cast %swap3A_2096 : vector<16xf32> to vector<16xf32>
        %swap3A_2098 = vector.shape_cast %select_n3A_126 : vector<16xf32> to vector<16xf32>
        tpu.vector_store %swap3A_2094[%swap3A_2095], %swap3A_2098 {strides = array<i32>} : memref<128xf32, #tpu.memory_space<vmem>>, vector<16xf32>,
        %swap3A_2099 = arith.constant 30 : i32
        %swap3A_2100 = arith.constant 0 : i32
        %swap3A_2101 = tpu.memref_slice %arg11[%scan3A_155, %swap3A_2099, %swap3A_2100] : memref<4x32x128xf32, #tpu.memory_space<vmem>> -> memref<1x1x128xf32, #tpu.memory_space<vmem>>
        %swap3A_2102 = tpu.memref_squeeze %swap3A_2101 : memref<1x1x128xf32, #tpu.memory_space<vmem>> -> memref<128xf32, #tpu.memory_space<vmem>>
        %swap3A_2103 = arith.constant 48 : index
        %swap3A_2104 = tpu.vector_load %swap3A_2102[%swap3A_2103] {strides = array<i32>} : memref<128xf32, #tpu.memory_space<vmem>>, vector<16xf32>,
        %swap3A_2105 = vector.shape_cast %swap3A_2104 : vector<16xf32> to vector<16xf32>
        %swap3A_2106 = vector.shape_cast %select_n3A_126 : vector<16xf32> to vector<16xf32>
        tpu.vector_store %swap3A_2102[%swap3A_2103], %swap3A_2106 {strides = array<i32>} : memref<128xf32, #tpu.memory_space<vmem>>, vector<16xf32>,
        %swap3A_2107 = arith.constant 30 : i32
        %swap3A_2108 = arith.constant 0 : i32
        %swap3A_2109 = tpu.memref_slice %arg11[%scan3A_155, %swap3A_2107, %swap3A_2108] : memref<4x32x128xf32, #tpu.memory_space<vmem>> -> memref<1x1x128xf32, #tpu.memory_space<vmem>>
        %swap3A_2110 = tpu.memref_squeeze %swap3A_2109 : memref<1x1x128xf32, #tpu.memory_space<vmem>> -> memref<128xf32, #tpu.memory_space<vmem>>
        %swap3A_2111 = arith.constant 64 : index
        %swap3A_2112 = tpu.vector_load %swap3A_2110[%swap3A_2111] {strides = array<i32>} : memref<128xf32, #tpu.memory_space<vmem>>, vector<16xf32>,
        %swap3A_2113 = vector.shape_cast %swap3A_2112 : vector<16xf32> to vector<16xf32>
        %swap3A_2114 = vector.shape_cast %select_n3A_126 : vector<16xf32> to vector<16xf32>
        tpu.vector_store %swap3A_2110[%swap3A_2111], %swap3A_2114 {strides = array<i32>} : memref<128xf32, #tpu.memory_space<vmem>>, vector<16xf32>,
        %swap3A_2115 = arith.constant 30 : i32
        %swap3A_2116 = arith.constant 0 : i32
        %swap3A_2117 = tpu.memref_slice %arg11[%scan3A_155, %swap3A_2115, %swap3A_2116] : memref<4x32x128xf32, #tpu.memory_space<vmem>> -> memref<1x1x128xf32, #tpu.memory_space<vmem>>
        %swap3A_2118 = tpu.memref_squeeze %swap3A_2117 : memref<1x1x128xf32, #tpu.memory_space<vmem>> -> memref<128xf32, #tpu.memory_space<vmem>>
        %swap3A_2119 = arith.constant 80 : index
        %swap3A_2120 = tpu.vector_load %swap3A_2118[%swap3A_2119] {strides = array<i32>} : memref<128xf32, #tpu.memory_space<vmem>>, vector<16xf32>,
        %swap3A_2121 = vector.shape_cast %swap3A_2120 : vector<16xf32> to vector<16xf32>
        %swap3A_2122 = vector.shape_cast %select_n3A_126 : vector<16xf32> to vector<16xf32>
        tpu.vector_store %swap3A_2118[%swap3A_2119], %swap3A_2122 {strides = array<i32>} : memref<128xf32, #tpu.memory_space<vmem>>, vector<16xf32>,
        %swap3A_2123 = arith.constant 30 : i32
        %swap3A_2124 = arith.constant 0 : i32
        %swap3A_2125 = tpu.memref_slice %arg11[%scan3A_155, %swap3A_2123, %swap3A_2124] : memref<4x32x128xf32, #tpu.memory_space<vmem>> -> memref<1x1x128xf32, #tpu.memory_space<vmem>>
        %swap3A_2126 = tpu.memref_squeeze %swap3A_2125 : memref<1x1x128xf32, #tpu.memory_space<vmem>> -> memref<128xf32, #tpu.memory_space<vmem>>
        %swap3A_2127 = arith.constant 96 : index
        %swap3A_2128 = tpu.vector_load %swap3A_2126[%swap3A_2127] {strides = array<i32>} : memref<128xf32, #tpu.memory_space<vmem>>, vector<16xf32>,
        %swap3A_2129 = vector.shape_cast %swap3A_2128 : vector<16xf32> to vector<16xf32>
        %swap3A_2130 = vector.shape_cast %select_n3A_126 : vector<16xf32> to vector<16xf32>
        tpu.vector_store %swap3A_2126[%swap3A_2127], %swap3A_2130 {strides = array<i32>} : memref<128xf32, #tpu.memory_space<vmem>>, vector<16xf32>,
        %swap3A_2131 = arith.constant 30 : i32
        %swap3A_2132 = arith.constant 0 : i32
        %swap3A_2133 = tpu.memref_slice %arg11[%scan3A_155, %swap3A_2131, %swap3A_2132] : memref<4x32x128xf32, #tpu.memory_space<vmem>> -> memref<1x1x128xf32, #tpu.memory_space<vmem>>
        %swap3A_2134 = tpu.memref_squeeze %swap3A_2133 : memref<1x1x128xf32, #tpu.memory_space<vmem>> -> memref<128xf32, #tpu.memory_space<vmem>>
        %swap3A_2135 = arith.constant 112 : index
        %swap3A_2136 = tpu.vector_load %swap3A_2134[%swap3A_2135] {strides = array<i32>} : memref<128xf32, #tpu.memory_space<vmem>>, vector<16xf32>,
        %swap3A_2137 = vector.shape_cast %swap3A_2136 : vector<16xf32> to vector<16xf32>
        %swap3A_2138 = vector.shape_cast %select_n3A_126 : vector<16xf32> to vector<16xf32>
        tpu.vector_store %swap3A_2134[%swap3A_2135], %swap3A_2138 {strides = array<i32>} : memref<128xf32, #tpu.memory_space<vmem>>, vector<16xf32>,
        %swap3A_2139 = arith.constant 31 : i32
        %swap3A_2140 = arith.constant 0 : i32
        %swap3A_2141 = tpu.memref_slice %arg11[%scan3A_155, %swap3A_2139, %swap3A_2140] : memref<4x32x128xf32, #tpu.memory_space<vmem>> -> memref<1x1x128xf32, #tpu.memory_space<vmem>>
        %swap3A_2142 = tpu.memref_squeeze %swap3A_2141 : memref<1x1x128xf32, #tpu.memory_space<vmem>> -> memref<128xf32, #tpu.memory_space<vmem>>
        %swap3A_2143 = arith.constant 0 : index
        %swap3A_2144 = tpu.vector_load %swap3A_2142[%swap3A_2143] {strides = array<i32>} : memref<128xf32, #tpu.memory_space<vmem>>, vector<16xf32>,
        %swap3A_2145 = vector.shape_cast %swap3A_2144 : vector<16xf32> to vector<16xf32>
        %swap3A_2146 = vector.shape_cast %select_n3A_126 : vector<16xf32> to vector<16xf32>
        tpu.vector_store %swap3A_2142[%swap3A_2143], %swap3A_2146 {strides = array<i32>} : memref<128xf32, #tpu.memory_space<vmem>>, vector<16xf32>,
        %swap3A_2147 = arith.constant 31 : i32
        %swap3A_2148 = arith.constant 0 : i32
        %swap3A_2149 = tpu.memref_slice %arg11[%scan3A_155, %swap3A_2147, %swap3A_2148] : memref<4x32x128xf32, #tpu.memory_space<vmem>> -> memref<1x1x128xf32, #tpu.memory_space<vmem>>
        %swap3A_2150 = tpu.memref_squeeze %swap3A_2149 : memref<1x1x128xf32, #tpu.memory_space<vmem>> -> memref<128xf32, #tpu.memory_space<vmem>>
        %swap3A_2151 = arith.constant 16 : index
        %swap3A_2152 = tpu.vector_load %swap3A_2150[%swap3A_2151] {strides = array<i32>} : memref<128xf32, #tpu.memory_space<vmem>>, vector<16xf32>,
        %swap3A_2153 = vector.shape_cast %swap3A_2152 : vector<16xf32> to vector<16xf32>
        %swap3A_2154 = vector.shape_cast %select_n3A_126 : vector<16xf32> to vector<16xf32>
        tpu.vector_store %swap3A_2150[%swap3A_2151], %swap3A_2154 {strides = array<i32>} : memref<128xf32, #tpu.memory_space<vmem>>, vector<16xf32>,
        %swap3A_2155 = arith.constant 31 : i32
        %swap3A_2156 = arith.constant 0 : i32
        %swap3A_2157 = tpu.memref_slice %arg11[%scan3A_155, %swap3A_2155, %swap3A_2156] : memref<4x32x128xf32, #tpu.memory_space<vmem>> -> memref<1x1x128xf32, #tpu.memory_space<vmem>>
        %swap3A_2158 = tpu.memref_squeeze %swap3A_2157 : memref<1x1x128xf32, #tpu.memory_space<vmem>> -> memref<128xf32, #tpu.memory_space<vmem>>
        %swap3A_2159 = arith.constant 32 : index
        %swap3A_2160 = tpu.vector_load %swap3A_2158[%swap3A_2159] {strides = array<i32>} : memref<128xf32, #tpu.memory_space<vmem>>, vector<16xf32>,
        %swap3A_2161 = vector.shape_cast %swap3A_2160 : vector<16xf32> to vector<16xf32>
        %swap3A_2162 = vector.shape_cast %select_n3A_126 : vector<16xf32> to vector<16xf32>
        tpu.vector_store %swap3A_2158[%swap3A_2159], %swap3A_2162 {strides = array<i32>} : memref<128xf32, #tpu.memory_space<vmem>>, vector<16xf32>,
        %swap3A_2163 = arith.constant 31 : i32
        %swap3A_2164 = arith.constant 0 : i32
        %swap3A_2165 = tpu.memref_slice %arg11[%scan3A_155, %swap3A_2163, %swap3A_2164] : memref<4x32x128xf32, #tpu.memory_space<vmem>> -> memref<1x1x128xf32, #tpu.memory_space<vmem>>
        %swap3A_2166 = tpu.memref_squeeze %swap3A_2165 : memref<1x1x128xf32, #tpu.memory_space<vmem>> -> memref<128xf32, #tpu.memory_space<vmem>>
        %swap3A_2167 = arith.constant 48 : index
        %swap3A_2168 = tpu.vector_load %swap3A_2166[%swap3A_2167] {strides = array<i32>} : memref<128xf32, #tpu.memory_space<vmem>>, vector<16xf32>,
        %swap3A_2169 = vector.shape_cast %swap3A_2168 : vector<16xf32> to vector<16xf32>
        %swap3A_2170 = vector.shape_cast %select_n3A_126 : vector<16xf32> to vector<16xf32>
        tpu.vector_store %swap3A_2166[%swap3A_2167], %swap3A_2170 {strides = array<i32>} : memref<128xf32, #tpu.memory_space<vmem>>, vector<16xf32>,
        %swap3A_2171 = arith.constant 31 : i32
        %swap3A_2172 = arith.constant 0 : i32
        %swap3A_2173 = tpu.memref_slice %arg11[%scan3A_155, %swap3A_2171, %swap3A_2172] : memref<4x32x128xf32, #tpu.memory_space<vmem>> -> memref<1x1x128xf32, #tpu.memory_space<vmem>>
        %swap3A_2174 = tpu.memref_squeeze %swap3A_2173 : memref<1x1x128xf32, #tpu.memory_space<vmem>> -> memref<128xf32, #tpu.memory_space<vmem>>
        %swap3A_2175 = arith.constant 64 : index
        %swap3A_2176 = tpu.vector_load %swap3A_2174[%swap3A_2175] {strides = array<i32>} : memref<128xf32, #tpu.memory_space<vmem>>, vector<16xf32>,
        %swap3A_2177 = vector.shape_cast %swap3A_2176 : vector<16xf32> to vector<16xf32>
        %swap3A_2178 = vector.shape_cast %select_n3A_126 : vector<16xf32> to vector<16xf32>
        tpu.vector_store %swap3A_2174[%swap3A_2175], %swap3A_2178 {strides = array<i32>} : memref<128xf32, #tpu.memory_space<vmem>>, vector<16xf32>,
        %swap3A_2179 = arith.constant 31 : i32
        %swap3A_2180 = arith.constant 0 : i32
        %swap3A_2181 = tpu.memref_slice %arg11[%scan3A_155, %swap3A_2179, %swap3A_2180] : memref<4x32x128xf32, #tpu.memory_space<vmem>> -> memref<1x1x128xf32, #tpu.memory_space<vmem>>
        %swap3A_2182 = tpu.memref_squeeze %swap3A_2181 : memref<1x1x128xf32, #tpu.memory_space<vmem>> -> memref<128xf32, #tpu.memory_space<vmem>>
        %swap3A_2183 = arith.constant 80 : index
        %swap3A_2184 = tpu.vector_load %swap3A_2182[%swap3A_2183] {strides = array<i32>} : memref<128xf32, #tpu.memory_space<vmem>>, vector<16xf32>,
        %swap3A_2185 = vector.shape_cast %swap3A_2184 : vector<16xf32> to vector<16xf32>
        %swap3A_2186 = vector.shape_cast %select_n3A_126 : vector<16xf32> to vector<16xf32>
        tpu.vector_store %swap3A_2182[%swap3A_2183], %swap3A_2186 {strides = array<i32>} : memref<128xf32, #tpu.memory_space<vmem>>, vector<16xf32>,
        %swap3A_2187 = arith.constant 31 : i32
        %swap3A_2188 = arith.constant 0 : i32
        %swap3A_2189 = tpu.memref_slice %arg11[%scan3A_155, %swap3A_2187, %swap3A_2188] : memref<4x32x128xf32, #tpu.memory_space<vmem>> -> memref<1x1x128xf32, #tpu.memory_space<vmem>>
        %swap3A_2190 = tpu.memref_squeeze %swap3A_2189 : memref<1x1x128xf32, #tpu.memory_space<vmem>> -> memref<128xf32, #tpu.memory_space<vmem>>
        %swap3A_2191 = arith.constant 96 : index
        %swap3A_2192 = tpu.vector_load %swap3A_2190[%swap3A_2191] {strides = array<i32>} : memref<128xf32, #tpu.memory_space<vmem>>, vector<16xf32>,
        %swap3A_2193 = vector.shape_cast %swap3A_2192 : vector<16xf32> to vector<16xf32>
        %swap3A_2194 = vector.shape_cast %select_n3A_126 : vector<16xf32> to vector<16xf32>
        tpu.vector_store %swap3A_2190[%swap3A_2191], %swap3A_2194 {strides = array<i32>} : memref<128xf32, #tpu.memory_space<vmem>>, vector<16xf32>,
        %swap3A_2195 = arith.constant 31 : i32
        %swap3A_2196 = arith.constant 0 : i32
        %swap3A_2197 = tpu.memref_slice %arg11[%scan3A_155, %swap3A_2195, %swap3A_2196] : memref<4x32x128xf32, #tpu.memory_space<vmem>> -> memref<1x1x128xf32, #tpu.memory_space<vmem>>
        %swap3A_2198 = tpu.memref_squeeze %swap3A_2197 : memref<1x1x128xf32, #tpu.memory_space<vmem>> -> memref<128xf32, #tpu.memory_space<vmem>>
        %swap3A_2199 = arith.constant 112 : index
        %swap3A_2200 = tpu.vector_load %swap3A_2198[%swap3A_2199] {strides = array<i32>} : memref<128xf32, #tpu.memory_space<vmem>>, vector<16xf32>,
        %swap3A_2201 = vector.shape_cast %swap3A_2200 : vector<16xf32> to vector<16xf32>
        %swap3A_2202 = vector.shape_cast %select_n3A_126 : vector<16xf32> to vector<16xf32>
        tpu.vector_store %swap3A_2198[%swap3A_2199], %swap3A_2202 {strides = array<i32>} : memref<128xf32, #tpu.memory_space<vmem>>, vector<16xf32>,
      }
      %scan3A_154 = arith.constant 4 : i32
    } else {
    }
    %dma_wait3A = arith.constant 0 : i32
    %dma_wait3A_128 = arith.constant 0 : i32
    %dma_wait3A_129 = tpu.memref_slice %arg3[%add3A, %dma_wait3A, %dma_wait3A_128] : memref<32x39x8xi32, #tpu.memory_space<hbm>> -> memref<1x39x8xi32, #tpu.memory_space<hbm>>
    %dma_wait3A_130 = tpu.memref_squeeze %dma_wait3A_129 : memref<1x39x8xi32, #tpu.memory_space<hbm>> -> memref<39x8xi32, #tpu.memory_space<hbm>>
    %dma_wait3A_131 = arith.constant 0 : i32
    %dma_wait3A_132 = arith.constant 0 : i32
    %dma_wait3A_133 = tpu.memref_slice %arg3[%add3A, %dma_wait3A_131, %dma_wait3A_132] : memref<32x39x8xi32, #tpu.memory_space<hbm>> -> memref<1x39x8xi32, #tpu.memory_space<hbm>>
    %dma_wait3A_134 = tpu.memref_squeeze %dma_wait3A_133 : memref<1x39x8xi32, #tpu.memory_space<hbm>> -> memref<39x8xi32, #tpu.memory_space<hbm>>
    tpu.wait_dma2 semaphore(%arg19 : memref<!tpu.dma_semaphore, #tpu.memory_space<semaphore_mem>>) src(%dma_wait3A_134 : memref<39x8xi32, #tpu.memory_space<hbm>>) dst(%arg6 : memref<39x8xi32, #tpu.memory_space<vmem>>)
    %dma_wait3A_135 = arith.constant 0 : i32
    %dma_wait3A_136 = arith.constant 0 : i32
    %dma_wait3A_137 = tpu.memref_slice %arg4[%add3A, %dma_wait3A_135, %dma_wait3A_136] : memref<32x64x4xi32, #tpu.memory_space<hbm>> -> memref<1x64x4xi32, #tpu.memory_space<hbm>>
    %dma_wait3A_138 = tpu.memref_squeeze %dma_wait3A_137 : memref<1x64x4xi32, #tpu.memory_space<hbm>> -> memref<64x4xi32, #tpu.memory_space<hbm>>
    %dma_wait3A_139 = arith.constant 0 : i32
    %dma_wait3A_140 = arith.constant 0 : i32
    %dma_wait3A_141 = tpu.memref_slice %arg4[%add3A, %dma_wait3A_139, %dma_wait3A_140] : memref<32x64x4xi32, #tpu.memory_space<hbm>> -> memref<1x64x4xi32, #tpu.memory_space<hbm>>
    %dma_wait3A_142 = tpu.memref_squeeze %dma_wait3A_141 : memref<1x64x4xi32, #tpu.memory_space<hbm>> -> memref<64x4xi32, #tpu.memory_space<hbm>>
    tpu.wait_dma2 semaphore(%arg19 : memref<!tpu.dma_semaphore, #tpu.memory_space<semaphore_mem>>) src(%dma_wait3A_142 : memref<64x4xi32, #tpu.memory_space<hbm>>) dst(%arg7 : memref<64x4xi32, #tpu.memory_space<vmem>>)
    %convert_element_type3A_143 = arith.extui %lt3A_1 : i1 to i32
    %cond3A_144 = arith.constant 0 : i32
    %cond3A_145 = arith.cmpi ne, %convert_element_type3A_143, %cond3A_144 : i32
    scf.if %cond3A_145 {
      %scan3A = arith.constant 0 : i32
      %scan3A_150 = arith.constant 0 : i32
      %scan3A_151 = arith.constant 64 : i32
      %scan3A_152 = arith.addi %scan3A_150, %scan3A_151 : i32
      %scan3A_153 = arith.constant 1 : i32
      scf.for %scan3A_191 = %scan3A_150 to %scan3A_152 step %scan3A_153  : i32 {
        %dma_start3A_192 = arith.constant 0 : i32
        %dma_start3A_193 = tpu.memref_slice %arg7[%scan3A_191, %dma_start3A_192] : memref<64x4xi32, #tpu.memory_space<vmem>> -> memref<1x4xi32, #tpu.memory_space<vmem>>
        %dma_start3A_194 = tpu.memref_squeeze %dma_start3A_193 : memref<1x4xi32, #tpu.memory_space<vmem>> -> memref<4xi32, #tpu.memory_space<vmem>>
        %dma_start3A_195 = arith.constant 0 : i32
        %dma_start3A_196 = arith.constant 0 : i32
        %dma_start3A_197 = arith.constant 0 : i32
        %dma_start3A_198 = tpu.memref_slice %arg5[%dma_start3A_195, %dma_start3A_196, %dma_start3A_197] : memref<12288x32x128xf32, #tpu.memory_space<hbm>> -> memref<12288x32x128xf32, #tpu.memory_space<hbm>>
        tpu.enqueue_indirect_dma source(%arg11 : memref<4x32x128xf32, #tpu.memory_space<vmem>>) target(%dma_start3A_198 : memref<12288x32x128xf32, #tpu.memory_space<hbm>>) offsets(%dma_start3A_194 : memref<4xi32, #tpu.memory_space<vmem>>) semaphore(%arg18 : memref<!tpu.dma_semaphore, #tpu.memory_space<semaphore_mem>>)
      }
      %scan3A_154 = arith.constant 64 : i32
      %dma_start3A_155 = arith.constant 0 : i32
      %dma_start3A_156 = arith.constant 0 : i32
      %dma_start3A_157 = tpu.memref_slice %arg6[%dma_start3A_155, %dma_start3A_156] : memref<39x8xi32, #tpu.memory_space<vmem>> -> memref<1x8xi32, #tpu.memory_space<vmem>>
      %dma_start3A_158 = tpu.memref_squeeze %dma_start3A_157 : memref<1x8xi32, #tpu.memory_space<vmem>> -> memref<8xi32, #tpu.memory_space<vmem>>
      %dma_start3A_159 = arith.constant 0 : i32
      %dma_start3A_160 = arith.constant 0 : i32
      %dma_start3A_161 = arith.constant 0 : i32
      %dma_start3A_162 = tpu.memref_slice %arg2[%dma_start3A_159, %dma_start3A_160, %dma_start3A_161] : memref<12288x32x128xf32, #tpu.memory_space<hbm>> -> memref<12288x32x128xf32, #tpu.memory_space<hbm>>
      tpu.enqueue_indirect_dma source(%dma_start3A_162 : memref<12288x32x128xf32, #tpu.memory_space<hbm>>) target(%arg8 : memref<8x32x128xf32, #tpu.memory_space<vmem>>) offsets(%dma_start3A_158 : memref<8xi32, #tpu.memory_space<vmem>>) semaphore(%arg12 : memref<!tpu.dma_semaphore, #tpu.memory_space<semaphore_mem>>)
      %scan3A_163 = arith.constant 0 : i32
      %scan3A_164 = arith.constant 0 : i32
      %scan3A_165 = arith.constant 19 : i32
      %scan3A_166 = arith.addi %scan3A_164, %scan3A_165 : i32
      %scan3A_167 = arith.constant 1 : i32
      scf.for %scan3A_191 = %scan3A_164 to %scan3A_166 step %scan3A_167  : i32 {
        %jit3A_192 = arith.constant 3 : i32
        %eq3A_193 = arith.constant 0 : i32
        %eq3A_194 = arith.cmpi eq, %jit3A_192, %eq3A_193 : i32
        %jit3A_195 = arith.constant 1 : i32
        %select_n3A_196 = arith.select %eq3A_194, %jit3A_195, %jit3A_192 : i32
        %rem3A_197 = arith.remsi %scan3A_191, %select_n3A_196 : i32
        %ne3A_198 = arith.constant 0 : i32
        %ne3A_199 = arith.cmpi ne, %rem3A_197, %ne3A_198 : i32
        %lt3A_200 = arith.constant 0 : i32
        %lt3A_201 = arith.cmpi slt, %rem3A_197, %lt3A_200 : i32
        %lt3A_202 = arith.constant 0 : i32
        %lt3A_203 = arith.cmpi slt, %select_n3A_196, %lt3A_202 : i32
        %ne3A_204 = arith.xori %lt3A_201, %lt3A_203 : i1
        %and3A_205 = arith.andi %ne3A_204, %ne3A_199 : i1
        %add3A_206 = arith.addi %rem3A_197, %select_n3A_196 : i32
        %select_n3A_207 = arith.select %and3A_205, %add3A_206, %rem3A_197 : i32
        %eq3A_208 = arith.constant 0 : i32
        %eq3A_209 = arith.cmpi eq, %select_n3A_207, %eq3A_208 : i32
        %convert_element_type3A_210 = arith.extui %eq3A_209 : i1 to i32
        %cond3A_211 = arith.constant 0 : i32
        %cond3A_212 = arith.cmpi ne, %convert_element_type3A_210, %cond3A_211 : i32
        scf.if %cond3A_212 {
          %dma_wait3A_255 = arith.constant 0 : i32
          %dma_wait3A_256 = tpu.memref_slice %arg6[%scan3A_191, %dma_wait3A_255] : memref<39x8xi32, #tpu.memory_space<vmem>> -> memref<1x8xi32, #tpu.memory_space<vmem>>
          %dma_wait3A_257 = tpu.memref_squeeze %dma_wait3A_256 : memref<1x8xi32, #tpu.memory_space<vmem>> -> memref<8xi32, #tpu.memory_space<vmem>>
          %dma_wait3A_258 = arith.constant 0 : i32
          %dma_wait3A_259 = arith.constant 0 : i32
          %dma_wait3A_260 = arith.constant 0 : i32
          %dma_wait3A_261 = tpu.memref_slice %arg2[%dma_wait3A_258, %dma_wait3A_259, %dma_wait3A_260] : memref<12288x32x128xf32, #tpu.memory_space<hbm>> -> memref<12288x32x128xf32, #tpu.memory_space<hbm>>
          tpu.wait_indirect_dma semaphore(%arg12 : memref<!tpu.dma_semaphore, #tpu.memory_space<semaphore_mem>>) src(%dma_wait3A_261 : memref<12288x32x128xf32, #tpu.memory_space<hbm>>) dst(%arg8 : memref<8x32x128xf32, #tpu.memory_space<vmem>>)
          %dma_start3A_262 = arith.constant 0 : i32
          %dma_start3A_263 = tpu.memref_slice %arg6[%scan3A_191, %dma_start3A_262] : memref<39x8xi32, #tpu.memory_space<vmem>> -> memref<1x8xi32, #tpu.memory_space<vmem>>
          %dma_start3A_264 = tpu.memref_squeeze %dma_start3A_263 : memref<1x8xi32, #tpu.memory_space<vmem>> -> memref<8xi32, #tpu.memory_space<vmem>>
          %dma_start3A_265 = arith.constant 0 : i32
          %dma_start3A_266 = arith.constant 0 : i32
          %dma_start3A_267 = arith.constant 0 : i32
          %dma_start3A_268 = tpu.memref_slice %arg5[%dma_start3A_265, %dma_start3A_266, %dma_start3A_267] : memref<12288x32x128xf32, #tpu.memory_space<hbm>> -> memref<12288x32x128xf32, #tpu.memory_space<hbm>>
          tpu.enqueue_indirect_dma source(%arg8 : memref<8x32x128xf32, #tpu.memory_space<vmem>>) target(%dma_start3A_268 : memref<12288x32x128xf32, #tpu.memory_space<hbm>>) offsets(%dma_start3A_264 : memref<8xi32, #tpu.memory_space<vmem>>) semaphore(%arg15 : memref<!tpu.dma_semaphore, #tpu.memory_space<semaphore_mem>>)
          %add3A_269 = arith.constant 1 : i32
          %add3A_270 = arith.addi %scan3A_191, %add3A_269 : i32
          %lt3A_271 = arith.constant 19 : i32
          %lt3A_272 = arith.cmpi slt, %add3A_270, %lt3A_271 : i32
          %convert_element_type3A_273 = arith.extui %lt3A_272 : i1 to i32
          %cond3A_274 = arith.constant 0 : i32
          %cond3A_275 = arith.cmpi ne, %convert_element_type3A_273, %cond3A_274 : i32
          scf.if %cond3A_275 {
            %ge3A = arith.constant 2 : i32
            %ge3A_276 = arith.cmpi sge, %scan3A_191, %ge3A : i32
            %convert_element_type3A_277 = arith.extui %ge3A_276 : i1 to i32
            %cond3A_278 = arith.constant 0 : i32
            %cond3A_279 = arith.cmpi ne, %convert_element_type3A_277, %cond3A_278 : i32
            scf.if %cond3A_279 {
              %dma_wait3A_289 = arith.constant 0 : i32
              %dma_wait3A_290 = arith.constant 0 : i32
              %dma_wait3A_291 = tpu.memref_slice %arg6[%dma_wait3A_289, %dma_wait3A_290] : memref<39x8xi32, #tpu.memory_space<vmem>> -> memref<1x8xi32, #tpu.memory_space<vmem>>
              %dma_wait3A_292 = tpu.memref_squeeze %dma_wait3A_291 : memref<1x8xi32, #tpu.memory_space<vmem>> -> memref<8xi32, #tpu.memory_space<vmem>>
              %dma_wait3A_293 = arith.constant 0 : i32
              %dma_wait3A_294 = arith.constant 0 : i32
              %dma_wait3A_295 = arith.constant 0 : i32
              %dma_wait3A_296 = tpu.memref_slice %arg5[%dma_wait3A_293, %dma_wait3A_294, %dma_wait3A_295] : memref<12288x32x128xf32, #tpu.memory_space<hbm>> -> memref<12288x32x128xf32, #tpu.memory_space<hbm>>
              tpu.wait_indirect_dma semaphore(%arg16 : memref<!tpu.dma_semaphore, #tpu.memory_space<semaphore_mem>>) src(%arg9 : memref<8x32x128xf32, #tpu.memory_space<vmem>>) dst(%dma_wait3A_296 : memref<12288x32x128xf32, #tpu.memory_space<hbm>>)
            } else {
            }
            %add3A_280 = arith.constant 1 : i32
            %add3A_281 = arith.addi %scan3A_191, %add3A_280 : i32
            %dma_start3A_282 = arith.constant 0 : i32
            %dma_start3A_283 = tpu.memref_slice %arg6[%add3A_281, %dma_start3A_282] : memref<39x8xi32, #tpu.memory_space<vmem>> -> memref<1x8xi32, #tpu.memory_space<vmem>>
            %dma_start3A_284 = tpu.memref_squeeze %dma_start3A_283 : memref<1x8xi32, #tpu.memory_space<vmem>> -> memref<8xi32, #tpu.memory_space<vmem>>
            %dma_start3A_285 = arith.constant 0 : i32
            %dma_start3A_286 = arith.constant 0 : i32
            %dma_start3A_287 = arith.constant 0 : i32
            %dma_start3A_288 = tpu.memref_slice %arg2[%dma_start3A_285, %dma_start3A_286, %dma_start3A_287] : memref<12288x32x128xf32, #tpu.memory_space<hbm>> -> memref<12288x32x128xf32, #tpu.memory_space<hbm>>
            tpu.enqueue_indirect_dma source(%dma_start3A_288 : memref<12288x32x128xf32, #tpu.memory_space<hbm>>) target(%arg9 : memref<8x32x128xf32, #tpu.memory_space<vmem>>) offsets(%dma_start3A_284 : memref<8xi32, #tpu.memory_space<vmem>>) semaphore(%arg13 : memref<!tpu.dma_semaphore, #tpu.memory_space<semaphore_mem>>)
          } else {
          }
        } else {
        }
        %jit3A_213 = arith.constant 3 : i32
        %eq3A_214 = arith.constant 0 : i32
        %eq3A_215 = arith.cmpi eq, %jit3A_213, %eq3A_214 : i32
        %jit3A_216 = arith.constant 1 : i32
        %select_n3A_217 = arith.select %eq3A_215, %jit3A_216, %jit3A_213 : i32
        %rem3A_218 = arith.remsi %scan3A_191, %select_n3A_217 : i32
        %ne3A_219 = arith.constant 0 : i32
        %ne3A_220 = arith.cmpi ne, %rem3A_218, %ne3A_219 : i32
        %lt3A_221 = arith.constant 0 : i32
        %lt3A_222 = arith.cmpi slt, %rem3A_218, %lt3A_221 : i32
        %lt3A_223 = arith.constant 0 : i32
        %lt3A_224 = arith.cmpi slt, %select_n3A_217, %lt3A_223 : i32
        %ne3A_225 = arith.xori %lt3A_222, %lt3A_224 : i1
        %and3A_226 = arith.andi %ne3A_225, %ne3A_220 : i1
        %add3A_227 = arith.addi %rem3A_218, %select_n3A_217 : i32
        %select_n3A_228 = arith.select %and3A_226, %add3A_227, %rem3A_218 : i32
        %eq3A_229 = arith.constant 1 : i32
        %eq3A_230 = arith.cmpi eq, %select_n3A_228, %eq3A_229 : i32
        %convert_element_type3A_231 = arith.extui %eq3A_230 : i1 to i32
        %cond3A_232 = arith.constant 0 : i32
        %cond3A_233 = arith.cmpi ne, %convert_element_type3A_231, %cond3A_232 : i32
        scf.if %cond3A_233 {
          %dma_wait3A_255 = arith.constant 0 : i32
          %dma_wait3A_256 = tpu.memref_slice %arg6[%scan3A_191, %dma_wait3A_255] : memref<39x8xi32, #tpu.memory_space<vmem>> -> memref<1x8xi32, #tpu.memory_space<vmem>>
          %dma_wait3A_257 = tpu.memref_squeeze %dma_wait3A_256 : memref<1x8xi32, #tpu.memory_space<vmem>> -> memref<8xi32, #tpu.memory_space<vmem>>
          %dma_wait3A_258 = arith.constant 0 : i32
          %dma_wait3A_259 = arith.constant 0 : i32
          %dma_wait3A_260 = arith.constant 0 : i32
          %dma_wait3A_261 = tpu.memref_slice %arg2[%dma_wait3A_258, %dma_wait3A_259, %dma_wait3A_260] : memref<12288x32x128xf32, #tpu.memory_space<hbm>> -> memref<12288x32x128xf32, #tpu.memory_space<hbm>>
          tpu.wait_indirect_dma semaphore(%arg13 : memref<!tpu.dma_semaphore, #tpu.memory_space<semaphore_mem>>) src(%dma_wait3A_261 : memref<12288x32x128xf32, #tpu.memory_space<hbm>>) dst(%arg9 : memref<8x32x128xf32, #tpu.memory_space<vmem>>)
          %dma_start3A_262 = arith.constant 0 : i32
          %dma_start3A_263 = tpu.memref_slice %arg6[%scan3A_191, %dma_start3A_262] : memref<39x8xi32, #tpu.memory_space<vmem>> -> memref<1x8xi32, #tpu.memory_space<vmem>>
          %dma_start3A_264 = tpu.memref_squeeze %dma_start3A_263 : memref<1x8xi32, #tpu.memory_space<vmem>> -> memref<8xi32, #tpu.memory_space<vmem>>
          %dma_start3A_265 = arith.constant 0 : i32
          %dma_start3A_266 = arith.constant 0 : i32
          %dma_start3A_267 = arith.constant 0 : i32
          %dma_start3A_268 = tpu.memref_slice %arg5[%dma_start3A_265, %dma_start3A_266, %dma_start3A_267] : memref<12288x32x128xf32, #tpu.memory_space<hbm>> -> memref<12288x32x128xf32, #tpu.memory_space<hbm>>
          tpu.enqueue_indirect_dma source(%arg9 : memref<8x32x128xf32, #tpu.memory_space<vmem>>) target(%dma_start3A_268 : memref<12288x32x128xf32, #tpu.memory_space<hbm>>) offsets(%dma_start3A_264 : memref<8xi32, #tpu.memory_space<vmem>>) semaphore(%arg16 : memref<!tpu.dma_semaphore, #tpu.memory_space<semaphore_mem>>)
          %add3A_269 = arith.constant 1 : i32
          %add3A_270 = arith.addi %scan3A_191, %add3A_269 : i32
          %lt3A_271 = arith.constant 19 : i32
          %lt3A_272 = arith.cmpi slt, %add3A_270, %lt3A_271 : i32
          %convert_element_type3A_273 = arith.extui %lt3A_272 : i1 to i32
          %cond3A_274 = arith.constant 0 : i32
          %cond3A_275 = arith.cmpi ne, %convert_element_type3A_273, %cond3A_274 : i32
          scf.if %cond3A_275 {
            %ge3A = arith.constant 2 : i32
            %ge3A_276 = arith.cmpi sge, %scan3A_191, %ge3A : i32
            %convert_element_type3A_277 = arith.extui %ge3A_276 : i1 to i32
            %cond3A_278 = arith.constant 0 : i32
            %cond3A_279 = arith.cmpi ne, %convert_element_type3A_277, %cond3A_278 : i32
            scf.if %cond3A_279 {
              %dma_wait3A_289 = arith.constant 0 : i32
              %dma_wait3A_290 = arith.constant 0 : i32
              %dma_wait3A_291 = tpu.memref_slice %arg6[%dma_wait3A_289, %dma_wait3A_290] : memref<39x8xi32, #tpu.memory_space<vmem>> -> memref<1x8xi32, #tpu.memory_space<vmem>>
              %dma_wait3A_292 = tpu.memref_squeeze %dma_wait3A_291 : memref<1x8xi32, #tpu.memory_space<vmem>> -> memref<8xi32, #tpu.memory_space<vmem>>
              %dma_wait3A_293 = arith.constant 0 : i32
              %dma_wait3A_294 = arith.constant 0 : i32
              %dma_wait3A_295 = arith.constant 0 : i32
              %dma_wait3A_296 = tpu.memref_slice %arg5[%dma_wait3A_293, %dma_wait3A_294, %dma_wait3A_295] : memref<12288x32x128xf32, #tpu.memory_space<hbm>> -> memref<12288x32x128xf32, #tpu.memory_space<hbm>>
              tpu.wait_indirect_dma semaphore(%arg17 : memref<!tpu.dma_semaphore, #tpu.memory_space<semaphore_mem>>) src(%arg10 : memref<8x32x128xf32, #tpu.memory_space<vmem>>) dst(%dma_wait3A_296 : memref<12288x32x128xf32, #tpu.memory_space<hbm>>)
            } else {
            }
            %add3A_280 = arith.constant 1 : i32
            %add3A_281 = arith.addi %scan3A_191, %add3A_280 : i32
            %dma_start3A_282 = arith.constant 0 : i32
            %dma_start3A_283 = tpu.memref_slice %arg6[%add3A_281, %dma_start3A_282] : memref<39x8xi32, #tpu.memory_space<vmem>> -> memref<1x8xi32, #tpu.memory_space<vmem>>
            %dma_start3A_284 = tpu.memref_squeeze %dma_start3A_283 : memref<1x8xi32, #tpu.memory_space<vmem>> -> memref<8xi32, #tpu.memory_space<vmem>>
            %dma_start3A_285 = arith.constant 0 : i32
            %dma_start3A_286 = arith.constant 0 : i32
            %dma_start3A_287 = arith.constant 0 : i32
            %dma_start3A_288 = tpu.memref_slice %arg2[%dma_start3A_285, %dma_start3A_286, %dma_start3A_287] : memref<12288x32x128xf32, #tpu.memory_space<hbm>> -> memref<12288x32x128xf32, #tpu.memory_space<hbm>>
            tpu.enqueue_indirect_dma source(%dma_start3A_288 : memref<12288x32x128xf32, #tpu.memory_space<hbm>>) target(%arg10 : memref<8x32x128xf32, #tpu.memory_space<vmem>>) offsets(%dma_start3A_284 : memref<8xi32, #tpu.memory_space<vmem>>) semaphore(%arg14 : memref<!tpu.dma_semaphore, #tpu.memory_space<semaphore_mem>>)
          } else {
          }
        } else {
        }
        %jit3A_234 = arith.constant 3 : i32
        %eq3A_235 = arith.constant 0 : i32
        %eq3A_236 = arith.cmpi eq, %jit3A_234, %eq3A_235 : i32
        %jit3A_237 = arith.constant 1 : i32
        %select_n3A_238 = arith.select %eq3A_236, %jit3A_237, %jit3A_234 : i32
        %rem3A_239 = arith.remsi %scan3A_191, %select_n3A_238 : i32
        %ne3A_240 = arith.constant 0 : i32
        %ne3A_241 = arith.cmpi ne, %rem3A_239, %ne3A_240 : i32
        %lt3A_242 = arith.constant 0 : i32
        %lt3A_243 = arith.cmpi slt, %rem3A_239, %lt3A_242 : i32
        %lt3A_244 = arith.constant 0 : i32
        %lt3A_245 = arith.cmpi slt, %select_n3A_238, %lt3A_244 : i32
        %ne3A_246 = arith.xori %lt3A_243, %lt3A_245 : i1
        %and3A_247 = arith.andi %ne3A_246, %ne3A_241 : i1
        %add3A_248 = arith.addi %rem3A_239, %select_n3A_238 : i32
        %select_n3A_249 = arith.select %and3A_247, %add3A_248, %rem3A_239 : i32
        %eq3A_250 = arith.constant 2 : i32
        %eq3A_251 = arith.cmpi eq, %select_n3A_249, %eq3A_250 : i32
        %convert_element_type3A_252 = arith.extui %eq3A_251 : i1 to i32
        %cond3A_253 = arith.constant 0 : i32
        %cond3A_254 = arith.cmpi ne, %convert_element_type3A_252, %cond3A_253 : i32
        scf.if %cond3A_254 {
          %dma_wait3A_255 = arith.constant 0 : i32
          %dma_wait3A_256 = tpu.memref_slice %arg6[%scan3A_191, %dma_wait3A_255] : memref<39x8xi32, #tpu.memory_space<vmem>> -> memref<1x8xi32, #tpu.memory_space<vmem>>
          %dma_wait3A_257 = tpu.memref_squeeze %dma_wait3A_256 : memref<1x8xi32, #tpu.memory_space<vmem>> -> memref<8xi32, #tpu.memory_space<vmem>>
          %dma_wait3A_258 = arith.constant 0 : i32
          %dma_wait3A_259 = arith.constant 0 : i32
          %dma_wait3A_260 = arith.constant 0 : i32
          %dma_wait3A_261 = tpu.memref_slice %arg2[%dma_wait3A_258, %dma_wait3A_259, %dma_wait3A_260] : memref<12288x32x128xf32, #tpu.memory_space<hbm>> -> memref<12288x32x128xf32, #tpu.memory_space<hbm>>
          tpu.wait_indirect_dma semaphore(%arg14 : memref<!tpu.dma_semaphore, #tpu.memory_space<semaphore_mem>>) src(%dma_wait3A_261 : memref<12288x32x128xf32, #tpu.memory_space<hbm>>) dst(%arg10 : memref<8x32x128xf32, #tpu.memory_space<vmem>>)
          %dma_start3A_262 = arith.constant 0 : i32
          %dma_start3A_263 = tpu.memref_slice %arg6[%scan3A_191, %dma_start3A_262] : memref<39x8xi32, #tpu.memory_space<vmem>> -> memref<1x8xi32, #tpu.memory_space<vmem>>
          %dma_start3A_264 = tpu.memref_squeeze %dma_start3A_263 : memref<1x8xi32, #tpu.memory_space<vmem>> -> memref<8xi32, #tpu.memory_space<vmem>>
          %dma_start3A_265 = arith.constant 0 : i32
          %dma_start3A_266 = arith.constant 0 : i32
          %dma_start3A_267 = arith.constant 0 : i32
          %dma_start3A_268 = tpu.memref_slice %arg5[%dma_start3A_265, %dma_start3A_266, %dma_start3A_267] : memref<12288x32x128xf32, #tpu.memory_space<hbm>> -> memref<12288x32x128xf32, #tpu.memory_space<hbm>>
          tpu.enqueue_indirect_dma source(%arg10 : memref<8x32x128xf32, #tpu.memory_space<vmem>>) target(%dma_start3A_268 : memref<12288x32x128xf32, #tpu.memory_space<hbm>>) offsets(%dma_start3A_264 : memref<8xi32, #tpu.memory_space<vmem>>) semaphore(%arg17 : memref<!tpu.dma_semaphore, #tpu.memory_space<semaphore_mem>>)
          %add3A_269 = arith.constant 1 : i32
          %add3A_270 = arith.addi %scan3A_191, %add3A_269 : i32
          %lt3A_271 = arith.constant 19 : i32
          %lt3A_272 = arith.cmpi slt, %add3A_270, %lt3A_271 : i32
          %convert_element_type3A_273 = arith.extui %lt3A_272 : i1 to i32
          %cond3A_274 = arith.constant 0 : i32
          %cond3A_275 = arith.cmpi ne, %convert_element_type3A_273, %cond3A_274 : i32
          scf.if %cond3A_275 {
            %ge3A = arith.constant 2 : i32
            %ge3A_276 = arith.cmpi sge, %scan3A_191, %ge3A : i32
            %convert_element_type3A_277 = arith.extui %ge3A_276 : i1 to i32
            %cond3A_278 = arith.constant 0 : i32
            %cond3A_279 = arith.cmpi ne, %convert_element_type3A_277, %cond3A_278 : i32
            scf.if %cond3A_279 {
              %dma_wait3A_289 = arith.constant 0 : i32
              %dma_wait3A_290 = arith.constant 0 : i32
              %dma_wait3A_291 = tpu.memref_slice %arg6[%dma_wait3A_289, %dma_wait3A_290] : memref<39x8xi32, #tpu.memory_space<vmem>> -> memref<1x8xi32, #tpu.memory_space<vmem>>
              %dma_wait3A_292 = tpu.memref_squeeze %dma_wait3A_291 : memref<1x8xi32, #tpu.memory_space<vmem>> -> memref<8xi32, #tpu.memory_space<vmem>>
              %dma_wait3A_293 = arith.constant 0 : i32
              %dma_wait3A_294 = arith.constant 0 : i32
              %dma_wait3A_295 = arith.constant 0 : i32
              %dma_wait3A_296 = tpu.memref_slice %arg5[%dma_wait3A_293, %dma_wait3A_294, %dma_wait3A_295] : memref<12288x32x128xf32, #tpu.memory_space<hbm>> -> memref<12288x32x128xf32, #tpu.memory_space<hbm>>
              tpu.wait_indirect_dma semaphore(%arg15 : memref<!tpu.dma_semaphore, #tpu.memory_space<semaphore_mem>>) src(%arg8 : memref<8x32x128xf32, #tpu.memory_space<vmem>>) dst(%dma_wait3A_296 : memref<12288x32x128xf32, #tpu.memory_space<hbm>>)
            } else {
            }
            %add3A_280 = arith.constant 1 : i32
            %add3A_281 = arith.addi %scan3A_191, %add3A_280 : i32
            %dma_start3A_282 = arith.constant 0 : i32
            %dma_start3A_283 = tpu.memref_slice %arg6[%add3A_281, %dma_start3A_282] : memref<39x8xi32, #tpu.memory_space<vmem>> -> memref<1x8xi32, #tpu.memory_space<vmem>>
            %dma_start3A_284 = tpu.memref_squeeze %dma_start3A_283 : memref<1x8xi32, #tpu.memory_space<vmem>> -> memref<8xi32, #tpu.memory_space<vmem>>
            %dma_start3A_285 = arith.constant 0 : i32
            %dma_start3A_286 = arith.constant 0 : i32
            %dma_start3A_287 = arith.constant 0 : i32
            %dma_start3A_288 = tpu.memref_slice %arg2[%dma_start3A_285, %dma_start3A_286, %dma_start3A_287] : memref<12288x32x128xf32, #tpu.memory_space<hbm>> -> memref<12288x32x128xf32, #tpu.memory_space<hbm>>
            tpu.enqueue_indirect_dma source(%dma_start3A_288 : memref<12288x32x128xf32, #tpu.memory_space<hbm>>) target(%arg8 : memref<8x32x128xf32, #tpu.memory_space<vmem>>) offsets(%dma_start3A_284 : memref<8xi32, #tpu.memory_space<vmem>>) semaphore(%arg12 : memref<!tpu.dma_semaphore, #tpu.memory_space<semaphore_mem>>)
          } else {
          }
        } else {
        }
      }
      %scan3A_168 = arith.constant 19 : i32
      %dma_wait3A_169 = arith.constant 0 : i32
      %dma_wait3A_170 = arith.constant 0 : i32
      %dma_wait3A_171 = tpu.memref_slice %arg6[%dma_wait3A_169, %dma_wait3A_170] : memref<39x8xi32, #tpu.memory_space<vmem>> -> memref<1x8xi32, #tpu.memory_space<vmem>>
      %dma_wait3A_172 = tpu.memref_squeeze %dma_wait3A_171 : memref<1x8xi32, #tpu.memory_space<vmem>> -> memref<8xi32, #tpu.memory_space<vmem>>
      %dma_wait3A_173 = arith.constant 0 : i32
      %dma_wait3A_174 = arith.constant 0 : i32
      %dma_wait3A_175 = arith.constant 0 : i32
      %dma_wait3A_176 = tpu.memref_slice %arg5[%dma_wait3A_173, %dma_wait3A_174, %dma_wait3A_175] : memref<12288x32x128xf32, #tpu.memory_space<hbm>> -> memref<12288x32x128xf32, #tpu.memory_space<hbm>>
      tpu.wait_indirect_dma semaphore(%arg17 : memref<!tpu.dma_semaphore, #tpu.memory_space<semaphore_mem>>) src(%arg10 : memref<8x32x128xf32, #tpu.memory_space<vmem>>) dst(%dma_wait3A_176 : memref<12288x32x128xf32, #tpu.memory_space<hbm>>)
      %dma_wait3A_177 = arith.constant 0 : i32
      %dma_wait3A_178 = arith.constant 0 : i32
      %dma_wait3A_179 = tpu.memref_slice %arg6[%dma_wait3A_177, %dma_wait3A_178] : memref<39x8xi32, #tpu.memory_space<vmem>> -> memref<1x8xi32, #tpu.memory_space<vmem>>
      %dma_wait3A_180 = tpu.memref_squeeze %dma_wait3A_179 : memref<1x8xi32, #tpu.memory_space<vmem>> -> memref<8xi32, #tpu.memory_space<vmem>>
      %dma_wait3A_181 = arith.constant 0 : i32
      %dma_wait3A_182 = arith.constant 0 : i32
      %dma_wait3A_183 = arith.constant 0 : i32
      %dma_wait3A_184 = tpu.memref_slice %arg5[%dma_wait3A_181, %dma_wait3A_182, %dma_wait3A_183] : memref<12288x32x128xf32, #tpu.memory_space<hbm>> -> memref<12288x32x128xf32, #tpu.memory_space<hbm>>
      tpu.wait_indirect_dma semaphore(%arg15 : memref<!tpu.dma_semaphore, #tpu.memory_space<semaphore_mem>>) src(%arg8 : memref<8x32x128xf32, #tpu.memory_space<vmem>>) dst(%dma_wait3A_184 : memref<12288x32x128xf32, #tpu.memory_space<hbm>>)
      %scan3A_185 = arith.constant 0 : i32
      %scan3A_186 = arith.constant 0 : i32
      %scan3A_187 = arith.constant 64 : i32
      %scan3A_188 = arith.addi %scan3A_186, %scan3A_187 : i32
      %scan3A_189 = arith.constant 1 : i32
      scf.for %scan3A_191 = %scan3A_186 to %scan3A_188 step %scan3A_189  : i32 {
        %dma_wait3A_192 = arith.constant 0 : i32
        %dma_wait3A_193 = arith.constant 0 : i32
        %dma_wait3A_194 = tpu.memref_slice %arg7[%dma_wait3A_192, %dma_wait3A_193] : memref<64x4xi32, #tpu.memory_space<vmem>> -> memref<1x4xi32, #tpu.memory_space<vmem>>
        %dma_wait3A_195 = tpu.memref_squeeze %dma_wait3A_194 : memref<1x4xi32, #tpu.memory_space<vmem>> -> memref<4xi32, #tpu.memory_space<vmem>>
        %dma_wait3A_196 = arith.constant 0 : i32
        %dma_wait3A_197 = arith.constant 0 : i32
        %dma_wait3A_198 = arith.constant 0 : i32
        %dma_wait3A_199 = tpu.memref_slice %arg5[%dma_wait3A_196, %dma_wait3A_197, %dma_wait3A_198] : memref<12288x32x128xf32, #tpu.memory_space<hbm>> -> memref<12288x32x128xf32, #tpu.memory_space<hbm>>
        tpu.wait_indirect_dma semaphore(%arg18 : memref<!tpu.dma_semaphore, #tpu.memory_space<semaphore_mem>>) src(%arg11 : memref<4x32x128xf32, #tpu.memory_space<vmem>>) dst(%dma_wait3A_199 : memref<12288x32x128xf32, #tpu.memory_space<hbm>>)
      }
      %scan3A_190 = arith.constant 64 : i32
    } else {
    }
    %not3A = arith.constant true
    %not3A_146 = arith.xori %lt3A_1, %not3A : i1
    %convert_element_type3A_147 = arith.extui %not3A_146 : i1 to i32
    %cond3A_148 = arith.constant 0 : i32
    %cond3A_149 = arith.cmpi ne, %convert_element_type3A_147, %cond3A_148 : i32
    scf.if %cond3A_149 {
      %dma_start3A_150 = arith.constant 0 : i32
      %dma_start3A_151 = arith.constant 0 : i32
      %dma_start3A_152 = tpu.memref_slice %arg6[%dma_start3A_150, %dma_start3A_151] : memref<39x8xi32, #tpu.memory_space<vmem>> -> memref<1x8xi32, #tpu.memory_space<vmem>>
      %dma_start3A_153 = tpu.memref_squeeze %dma_start3A_152 : memref<1x8xi32, #tpu.memory_space<vmem>> -> memref<8xi32, #tpu.memory_space<vmem>>
      %dma_start3A_154 = arith.constant 0 : i32
      %dma_start3A_155 = arith.constant 0 : i32
      %dma_start3A_156 = arith.constant 0 : i32
      %dma_start3A_157 = tpu.memref_slice %arg2[%dma_start3A_154, %dma_start3A_155, %dma_start3A_156] : memref<12288x32x128xf32, #tpu.memory_space<hbm>> -> memref<12288x32x128xf32, #tpu.memory_space<hbm>>
      tpu.enqueue_indirect_dma source(%dma_start3A_157 : memref<12288x32x128xf32, #tpu.memory_space<hbm>>) target(%arg8 : memref<8x32x128xf32, #tpu.memory_space<vmem>>) offsets(%dma_start3A_153 : memref<8xi32, #tpu.memory_space<vmem>>) semaphore(%arg12 : memref<!tpu.dma_semaphore, #tpu.memory_space<semaphore_mem>>)
      %scan3A = arith.constant 0 : i32
      %scan3A_158 = arith.constant 0 : i32
      %scan3A_159 = arith.constant 39 : i32
      %scan3A_160 = arith.addi %scan3A_158, %scan3A_159 : i32
      %scan3A_161 = arith.constant 1 : i32
      scf.for %scan3A_179 = %scan3A_158 to %scan3A_160 step %scan3A_161  : i32 {
        %jit3A_180 = arith.constant 3 : i32
        %eq3A_181 = arith.constant 0 : i32
        %eq3A_182 = arith.cmpi eq, %jit3A_180, %eq3A_181 : i32
        %jit3A_183 = arith.constant 1 : i32
        %select_n3A_184 = arith.select %eq3A_182, %jit3A_183, %jit3A_180 : i32
        %rem3A_185 = arith.remsi %scan3A_179, %select_n3A_184 : i32
        %ne3A_186 = arith.constant 0 : i32
        %ne3A_187 = arith.cmpi ne, %rem3A_185, %ne3A_186 : i32
        %lt3A_188 = arith.constant 0 : i32
        %lt3A_189 = arith.cmpi slt, %rem3A_185, %lt3A_188 : i32
        %lt3A_190 = arith.constant 0 : i32
        %lt3A_191 = arith.cmpi slt, %select_n3A_184, %lt3A_190 : i32
        %ne3A_192 = arith.xori %lt3A_189, %lt3A_191 : i1
        %and3A_193 = arith.andi %ne3A_192, %ne3A_187 : i1
        %add3A_194 = arith.addi %rem3A_185, %select_n3A_184 : i32
        %select_n3A_195 = arith.select %and3A_193, %add3A_194, %rem3A_185 : i32
        %eq3A_196 = arith.constant 0 : i32
        %eq3A_197 = arith.cmpi eq, %select_n3A_195, %eq3A_196 : i32
        %convert_element_type3A_198 = arith.extui %eq3A_197 : i1 to i32
        %cond3A_199 = arith.constant 0 : i32
        %cond3A_200 = arith.cmpi ne, %convert_element_type3A_198, %cond3A_199 : i32
        scf.if %cond3A_200 {
          %dma_wait3A_243 = arith.constant 0 : i32
          %dma_wait3A_244 = tpu.memref_slice %arg6[%scan3A_179, %dma_wait3A_243] : memref<39x8xi32, #tpu.memory_space<vmem>> -> memref<1x8xi32, #tpu.memory_space<vmem>>
          %dma_wait3A_245 = tpu.memref_squeeze %dma_wait3A_244 : memref<1x8xi32, #tpu.memory_space<vmem>> -> memref<8xi32, #tpu.memory_space<vmem>>
          %dma_wait3A_246 = arith.constant 0 : i32
          %dma_wait3A_247 = arith.constant 0 : i32
          %dma_wait3A_248 = arith.constant 0 : i32
          %dma_wait3A_249 = tpu.memref_slice %arg2[%dma_wait3A_246, %dma_wait3A_247, %dma_wait3A_248] : memref<12288x32x128xf32, #tpu.memory_space<hbm>> -> memref<12288x32x128xf32, #tpu.memory_space<hbm>>
          tpu.wait_indirect_dma semaphore(%arg12 : memref<!tpu.dma_semaphore, #tpu.memory_space<semaphore_mem>>) src(%dma_wait3A_249 : memref<12288x32x128xf32, #tpu.memory_space<hbm>>) dst(%arg8 : memref<8x32x128xf32, #tpu.memory_space<vmem>>)
          %dma_start3A_250 = arith.constant 0 : i32
          %dma_start3A_251 = tpu.memref_slice %arg6[%scan3A_179, %dma_start3A_250] : memref<39x8xi32, #tpu.memory_space<vmem>> -> memref<1x8xi32, #tpu.memory_space<vmem>>
          %dma_start3A_252 = tpu.memref_squeeze %dma_start3A_251 : memref<1x8xi32, #tpu.memory_space<vmem>> -> memref<8xi32, #tpu.memory_space<vmem>>
          %dma_start3A_253 = arith.constant 0 : i32
          %dma_start3A_254 = arith.constant 0 : i32
          %dma_start3A_255 = arith.constant 0 : i32
          %dma_start3A_256 = tpu.memref_slice %arg5[%dma_start3A_253, %dma_start3A_254, %dma_start3A_255] : memref<12288x32x128xf32, #tpu.memory_space<hbm>> -> memref<12288x32x128xf32, #tpu.memory_space<hbm>>
          tpu.enqueue_indirect_dma source(%arg8 : memref<8x32x128xf32, #tpu.memory_space<vmem>>) target(%dma_start3A_256 : memref<12288x32x128xf32, #tpu.memory_space<hbm>>) offsets(%dma_start3A_252 : memref<8xi32, #tpu.memory_space<vmem>>) semaphore(%arg15 : memref<!tpu.dma_semaphore, #tpu.memory_space<semaphore_mem>>)
          %add3A_257 = arith.constant 1 : i32
          %add3A_258 = arith.addi %scan3A_179, %add3A_257 : i32
          %lt3A_259 = arith.constant 39 : i32
          %lt3A_260 = arith.cmpi slt, %add3A_258, %lt3A_259 : i32
          %convert_element_type3A_261 = arith.extui %lt3A_260 : i1 to i32
          %cond3A_262 = arith.constant 0 : i32
          %cond3A_263 = arith.cmpi ne, %convert_element_type3A_261, %cond3A_262 : i32
          scf.if %cond3A_263 {
            %ge3A = arith.constant 2 : i32
            %ge3A_264 = arith.cmpi sge, %scan3A_179, %ge3A : i32
            %convert_element_type3A_265 = arith.extui %ge3A_264 : i1 to i32
            %cond3A_266 = arith.constant 0 : i32
            %cond3A_267 = arith.cmpi ne, %convert_element_type3A_265, %cond3A_266 : i32
            scf.if %cond3A_267 {
              %dma_wait3A_277 = arith.constant 0 : i32
              %dma_wait3A_278 = arith.constant 0 : i32
              %dma_wait3A_279 = tpu.memref_slice %arg6[%dma_wait3A_277, %dma_wait3A_278] : memref<39x8xi32, #tpu.memory_space<vmem>> -> memref<1x8xi32, #tpu.memory_space<vmem>>
              %dma_wait3A_280 = tpu.memref_squeeze %dma_wait3A_279 : memref<1x8xi32, #tpu.memory_space<vmem>> -> memref<8xi32, #tpu.memory_space<vmem>>
              %dma_wait3A_281 = arith.constant 0 : i32
              %dma_wait3A_282 = arith.constant 0 : i32
              %dma_wait3A_283 = arith.constant 0 : i32
              %dma_wait3A_284 = tpu.memref_slice %arg5[%dma_wait3A_281, %dma_wait3A_282, %dma_wait3A_283] : memref<12288x32x128xf32, #tpu.memory_space<hbm>> -> memref<12288x32x128xf32, #tpu.memory_space<hbm>>
              tpu.wait_indirect_dma semaphore(%arg16 : memref<!tpu.dma_semaphore, #tpu.memory_space<semaphore_mem>>) src(%arg9 : memref<8x32x128xf32, #tpu.memory_space<vmem>>) dst(%dma_wait3A_284 : memref<12288x32x128xf32, #tpu.memory_space<hbm>>)
            } else {
            }
            %add3A_268 = arith.constant 1 : i32
            %add3A_269 = arith.addi %scan3A_179, %add3A_268 : i32
            %dma_start3A_270 = arith.constant 0 : i32
            %dma_start3A_271 = tpu.memref_slice %arg6[%add3A_269, %dma_start3A_270] : memref<39x8xi32, #tpu.memory_space<vmem>> -> memref<1x8xi32, #tpu.memory_space<vmem>>
            %dma_start3A_272 = tpu.memref_squeeze %dma_start3A_271 : memref<1x8xi32, #tpu.memory_space<vmem>> -> memref<8xi32, #tpu.memory_space<vmem>>
            %dma_start3A_273 = arith.constant 0 : i32
            %dma_start3A_274 = arith.constant 0 : i32
            %dma_start3A_275 = arith.constant 0 : i32
            %dma_start3A_276 = tpu.memref_slice %arg2[%dma_start3A_273, %dma_start3A_274, %dma_start3A_275] : memref<12288x32x128xf32, #tpu.memory_space<hbm>> -> memref<12288x32x128xf32, #tpu.memory_space<hbm>>
            tpu.enqueue_indirect_dma source(%dma_start3A_276 : memref<12288x32x128xf32, #tpu.memory_space<hbm>>) target(%arg9 : memref<8x32x128xf32, #tpu.memory_space<vmem>>) offsets(%dma_start3A_272 : memref<8xi32, #tpu.memory_space<vmem>>) semaphore(%arg13 : memref<!tpu.dma_semaphore, #tpu.memory_space<semaphore_mem>>)
          } else {
          }
        } else {
        }
        %jit3A_201 = arith.constant 3 : i32
        %eq3A_202 = arith.constant 0 : i32
        %eq3A_203 = arith.cmpi eq, %jit3A_201, %eq3A_202 : i32
        %jit3A_204 = arith.constant 1 : i32
        %select_n3A_205 = arith.select %eq3A_203, %jit3A_204, %jit3A_201 : i32
        %rem3A_206 = arith.remsi %scan3A_179, %select_n3A_205 : i32
        %ne3A_207 = arith.constant 0 : i32
        %ne3A_208 = arith.cmpi ne, %rem3A_206, %ne3A_207 : i32
        %lt3A_209 = arith.constant 0 : i32
        %lt3A_210 = arith.cmpi slt, %rem3A_206, %lt3A_209 : i32
        %lt3A_211 = arith.constant 0 : i32
        %lt3A_212 = arith.cmpi slt, %select_n3A_205, %lt3A_211 : i32
        %ne3A_213 = arith.xori %lt3A_210, %lt3A_212 : i1
        %and3A_214 = arith.andi %ne3A_213, %ne3A_208 : i1
        %add3A_215 = arith.addi %rem3A_206, %select_n3A_205 : i32
        %select_n3A_216 = arith.select %and3A_214, %add3A_215, %rem3A_206 : i32
        %eq3A_217 = arith.constant 1 : i32
        %eq3A_218 = arith.cmpi eq, %select_n3A_216, %eq3A_217 : i32
        %convert_element_type3A_219 = arith.extui %eq3A_218 : i1 to i32
        %cond3A_220 = arith.constant 0 : i32
        %cond3A_221 = arith.cmpi ne, %convert_element_type3A_219, %cond3A_220 : i32
        scf.if %cond3A_221 {
          %dma_wait3A_243 = arith.constant 0 : i32
          %dma_wait3A_244 = tpu.memref_slice %arg6[%scan3A_179, %dma_wait3A_243] : memref<39x8xi32, #tpu.memory_space<vmem>> -> memref<1x8xi32, #tpu.memory_space<vmem>>
          %dma_wait3A_245 = tpu.memref_squeeze %dma_wait3A_244 : memref<1x8xi32, #tpu.memory_space<vmem>> -> memref<8xi32, #tpu.memory_space<vmem>>
          %dma_wait3A_246 = arith.constant 0 : i32
          %dma_wait3A_247 = arith.constant 0 : i32
          %dma_wait3A_248 = arith.constant 0 : i32
          %dma_wait3A_249 = tpu.memref_slice %arg2[%dma_wait3A_246, %dma_wait3A_247, %dma_wait3A_248] : memref<12288x32x128xf32, #tpu.memory_space<hbm>> -> memref<12288x32x128xf32, #tpu.memory_space<hbm>>
          tpu.wait_indirect_dma semaphore(%arg13 : memref<!tpu.dma_semaphore, #tpu.memory_space<semaphore_mem>>) src(%dma_wait3A_249 : memref<12288x32x128xf32, #tpu.memory_space<hbm>>) dst(%arg9 : memref<8x32x128xf32, #tpu.memory_space<vmem>>)
          %dma_start3A_250 = arith.constant 0 : i32
          %dma_start3A_251 = tpu.memref_slice %arg6[%scan3A_179, %dma_start3A_250] : memref<39x8xi32, #tpu.memory_space<vmem>> -> memref<1x8xi32, #tpu.memory_space<vmem>>
          %dma_start3A_252 = tpu.memref_squeeze %dma_start3A_251 : memref<1x8xi32, #tpu.memory_space<vmem>> -> memref<8xi32, #tpu.memory_space<vmem>>
          %dma_start3A_253 = arith.constant 0 : i32
          %dma_start3A_254 = arith.constant 0 : i32
          %dma_start3A_255 = arith.constant 0 : i32
          %dma_start3A_256 = tpu.memref_slice %arg5[%dma_start3A_253, %dma_start3A_254, %dma_start3A_255] : memref<12288x32x128xf32, #tpu.memory_space<hbm>> -> memref<12288x32x128xf32, #tpu.memory_space<hbm>>
          tpu.enqueue_indirect_dma source(%arg9 : memref<8x32x128xf32, #tpu.memory_space<vmem>>) target(%dma_start3A_256 : memref<12288x32x128xf32, #tpu.memory_space<hbm>>) offsets(%dma_start3A_252 : memref<8xi32, #tpu.memory_space<vmem>>) semaphore(%arg16 : memref<!tpu.dma_semaphore, #tpu.memory_space<semaphore_mem>>)
          %add3A_257 = arith.constant 1 : i32
          %add3A_258 = arith.addi %scan3A_179, %add3A_257 : i32
          %lt3A_259 = arith.constant 39 : i32
          %lt3A_260 = arith.cmpi slt, %add3A_258, %lt3A_259 : i32
          %convert_element_type3A_261 = arith.extui %lt3A_260 : i1 to i32
          %cond3A_262 = arith.constant 0 : i32
          %cond3A_263 = arith.cmpi ne, %convert_element_type3A_261, %cond3A_262 : i32
          scf.if %cond3A_263 {
            %ge3A = arith.constant 2 : i32
            %ge3A_264 = arith.cmpi sge, %scan3A_179, %ge3A : i32
            %convert_element_type3A_265 = arith.extui %ge3A_264 : i1 to i32
            %cond3A_266 = arith.constant 0 : i32
            %cond3A_267 = arith.cmpi ne, %convert_element_type3A_265, %cond3A_266 : i32
            scf.if %cond3A_267 {
              %dma_wait3A_277 = arith.constant 0 : i32
              %dma_wait3A_278 = arith.constant 0 : i32
              %dma_wait3A_279 = tpu.memref_slice %arg6[%dma_wait3A_277, %dma_wait3A_278] : memref<39x8xi32, #tpu.memory_space<vmem>> -> memref<1x8xi32, #tpu.memory_space<vmem>>
              %dma_wait3A_280 = tpu.memref_squeeze %dma_wait3A_279 : memref<1x8xi32, #tpu.memory_space<vmem>> -> memref<8xi32, #tpu.memory_space<vmem>>
              %dma_wait3A_281 = arith.constant 0 : i32
              %dma_wait3A_282 = arith.constant 0 : i32
              %dma_wait3A_283 = arith.constant 0 : i32
              %dma_wait3A_284 = tpu.memref_slice %arg5[%dma_wait3A_281, %dma_wait3A_282, %dma_wait3A_283] : memref<12288x32x128xf32, #tpu.memory_space<hbm>> -> memref<12288x32x128xf32, #tpu.memory_space<hbm>>
              tpu.wait_indirect_dma semaphore(%arg17 : memref<!tpu.dma_semaphore, #tpu.memory_space<semaphore_mem>>) src(%arg10 : memref<8x32x128xf32, #tpu.memory_space<vmem>>) dst(%dma_wait3A_284 : memref<12288x32x128xf32, #tpu.memory_space<hbm>>)
            } else {
            }
            %add3A_268 = arith.constant 1 : i32
            %add3A_269 = arith.addi %scan3A_179, %add3A_268 : i32
            %dma_start3A_270 = arith.constant 0 : i32
            %dma_start3A_271 = tpu.memref_slice %arg6[%add3A_269, %dma_start3A_270] : memref<39x8xi32, #tpu.memory_space<vmem>> -> memref<1x8xi32, #tpu.memory_space<vmem>>
            %dma_start3A_272 = tpu.memref_squeeze %dma_start3A_271 : memref<1x8xi32, #tpu.memory_space<vmem>> -> memref<8xi32, #tpu.memory_space<vmem>>
            %dma_start3A_273 = arith.constant 0 : i32
            %dma_start3A_274 = arith.constant 0 : i32
            %dma_start3A_275 = arith.constant 0 : i32
            %dma_start3A_276 = tpu.memref_slice %arg2[%dma_start3A_273, %dma_start3A_274, %dma_start3A_275] : memref<12288x32x128xf32, #tpu.memory_space<hbm>> -> memref<12288x32x128xf32, #tpu.memory_space<hbm>>
            tpu.enqueue_indirect_dma source(%dma_start3A_276 : memref<12288x32x128xf32, #tpu.memory_space<hbm>>) target(%arg10 : memref<8x32x128xf32, #tpu.memory_space<vmem>>) offsets(%dma_start3A_272 : memref<8xi32, #tpu.memory_space<vmem>>) semaphore(%arg14 : memref<!tpu.dma_semaphore, #tpu.memory_space<semaphore_mem>>)
          } else {
          }
        } else {
        }
        %jit3A_222 = arith.constant 3 : i32
        %eq3A_223 = arith.constant 0 : i32
        %eq3A_224 = arith.cmpi eq, %jit3A_222, %eq3A_223 : i32
        %jit3A_225 = arith.constant 1 : i32
        %select_n3A_226 = arith.select %eq3A_224, %jit3A_225, %jit3A_222 : i32
        %rem3A_227 = arith.remsi %scan3A_179, %select_n3A_226 : i32
        %ne3A_228 = arith.constant 0 : i32
        %ne3A_229 = arith.cmpi ne, %rem3A_227, %ne3A_228 : i32
        %lt3A_230 = arith.constant 0 : i32
        %lt3A_231 = arith.cmpi slt, %rem3A_227, %lt3A_230 : i32
        %lt3A_232 = arith.constant 0 : i32
        %lt3A_233 = arith.cmpi slt, %select_n3A_226, %lt3A_232 : i32
        %ne3A_234 = arith.xori %lt3A_231, %lt3A_233 : i1
        %and3A_235 = arith.andi %ne3A_234, %ne3A_229 : i1
        %add3A_236 = arith.addi %rem3A_227, %select_n3A_226 : i32
        %select_n3A_237 = arith.select %and3A_235, %add3A_236, %rem3A_227 : i32
        %eq3A_238 = arith.constant 2 : i32
        %eq3A_239 = arith.cmpi eq, %select_n3A_237, %eq3A_238 : i32
        %convert_element_type3A_240 = arith.extui %eq3A_239 : i1 to i32
        %cond3A_241 = arith.constant 0 : i32
        %cond3A_242 = arith.cmpi ne, %convert_element_type3A_240, %cond3A_241 : i32
        scf.if %cond3A_242 {
          %dma_wait3A_243 = arith.constant 0 : i32
          %dma_wait3A_244 = tpu.memref_slice %arg6[%scan3A_179, %dma_wait3A_243] : memref<39x8xi32, #tpu.memory_space<vmem>> -> memref<1x8xi32, #tpu.memory_space<vmem>>
          %dma_wait3A_245 = tpu.memref_squeeze %dma_wait3A_244 : memref<1x8xi32, #tpu.memory_space<vmem>> -> memref<8xi32, #tpu.memory_space<vmem>>
          %dma_wait3A_246 = arith.constant 0 : i32
          %dma_wait3A_247 = arith.constant 0 : i32
          %dma_wait3A_248 = arith.constant 0 : i32
          %dma_wait3A_249 = tpu.memref_slice %arg2[%dma_wait3A_246, %dma_wait3A_247, %dma_wait3A_248] : memref<12288x32x128xf32, #tpu.memory_space<hbm>> -> memref<12288x32x128xf32, #tpu.memory_space<hbm>>
          tpu.wait_indirect_dma semaphore(%arg14 : memref<!tpu.dma_semaphore, #tpu.memory_space<semaphore_mem>>) src(%dma_wait3A_249 : memref<12288x32x128xf32, #tpu.memory_space<hbm>>) dst(%arg10 : memref<8x32x128xf32, #tpu.memory_space<vmem>>)
          %dma_start3A_250 = arith.constant 0 : i32
          %dma_start3A_251 = tpu.memref_slice %arg6[%scan3A_179, %dma_start3A_250] : memref<39x8xi32, #tpu.memory_space<vmem>> -> memref<1x8xi32, #tpu.memory_space<vmem>>
          %dma_start3A_252 = tpu.memref_squeeze %dma_start3A_251 : memref<1x8xi32, #tpu.memory_space<vmem>> -> memref<8xi32, #tpu.memory_space<vmem>>
          %dma_start3A_253 = arith.constant 0 : i32
          %dma_start3A_254 = arith.constant 0 : i32
          %dma_start3A_255 = arith.constant 0 : i32
          %dma_start3A_256 = tpu.memref_slice %arg5[%dma_start3A_253, %dma_start3A_254, %dma_start3A_255] : memref<12288x32x128xf32, #tpu.memory_space<hbm>> -> memref<12288x32x128xf32, #tpu.memory_space<hbm>>
          tpu.enqueue_indirect_dma source(%arg10 : memref<8x32x128xf32, #tpu.memory_space<vmem>>) target(%dma_start3A_256 : memref<12288x32x128xf32, #tpu.memory_space<hbm>>) offsets(%dma_start3A_252 : memref<8xi32, #tpu.memory_space<vmem>>) semaphore(%arg17 : memref<!tpu.dma_semaphore, #tpu.memory_space<semaphore_mem>>)
          %add3A_257 = arith.constant 1 : i32
          %add3A_258 = arith.addi %scan3A_179, %add3A_257 : i32
          %lt3A_259 = arith.constant 39 : i32
          %lt3A_260 = arith.cmpi slt, %add3A_258, %lt3A_259 : i32
          %convert_element_type3A_261 = arith.extui %lt3A_260 : i1 to i32
          %cond3A_262 = arith.constant 0 : i32
          %cond3A_263 = arith.cmpi ne, %convert_element_type3A_261, %cond3A_262 : i32
          scf.if %cond3A_263 {
            %ge3A = arith.constant 2 : i32
            %ge3A_264 = arith.cmpi sge, %scan3A_179, %ge3A : i32
            %convert_element_type3A_265 = arith.extui %ge3A_264 : i1 to i32
            %cond3A_266 = arith.constant 0 : i32
            %cond3A_267 = arith.cmpi ne, %convert_element_type3A_265, %cond3A_266 : i32
            scf.if %cond3A_267 {
              %dma_wait3A_277 = arith.constant 0 : i32
              %dma_wait3A_278 = arith.constant 0 : i32
              %dma_wait3A_279 = tpu.memref_slice %arg6[%dma_wait3A_277, %dma_wait3A_278] : memref<39x8xi32, #tpu.memory_space<vmem>> -> memref<1x8xi32, #tpu.memory_space<vmem>>
              %dma_wait3A_280 = tpu.memref_squeeze %dma_wait3A_279 : memref<1x8xi32, #tpu.memory_space<vmem>> -> memref<8xi32, #tpu.memory_space<vmem>>
              %dma_wait3A_281 = arith.constant 0 : i32
              %dma_wait3A_282 = arith.constant 0 : i32
              %dma_wait3A_283 = arith.constant 0 : i32
              %dma_wait3A_284 = tpu.memref_slice %arg5[%dma_wait3A_281, %dma_wait3A_282, %dma_wait3A_283] : memref<12288x32x128xf32, #tpu.memory_space<hbm>> -> memref<12288x32x128xf32, #tpu.memory_space<hbm>>
              tpu.wait_indirect_dma semaphore(%arg15 : memref<!tpu.dma_semaphore, #tpu.memory_space<semaphore_mem>>) src(%arg8 : memref<8x32x128xf32, #tpu.memory_space<vmem>>) dst(%dma_wait3A_284 : memref<12288x32x128xf32, #tpu.memory_space<hbm>>)
            } else {
            }
            %add3A_268 = arith.constant 1 : i32
            %add3A_269 = arith.addi %scan3A_179, %add3A_268 : i32
            %dma_start3A_270 = arith.constant 0 : i32
            %dma_start3A_271 = tpu.memref_slice %arg6[%add3A_269, %dma_start3A_270] : memref<39x8xi32, #tpu.memory_space<vmem>> -> memref<1x8xi32, #tpu.memory_space<vmem>>
            %dma_start3A_272 = tpu.memref_squeeze %dma_start3A_271 : memref<1x8xi32, #tpu.memory_space<vmem>> -> memref<8xi32, #tpu.memory_space<vmem>>
            %dma_start3A_273 = arith.constant 0 : i32
            %dma_start3A_274 = arith.constant 0 : i32
            %dma_start3A_275 = arith.constant 0 : i32
            %dma_start3A_276 = tpu.memref_slice %arg2[%dma_start3A_273, %dma_start3A_274, %dma_start3A_275] : memref<12288x32x128xf32, #tpu.memory_space<hbm>> -> memref<12288x32x128xf32, #tpu.memory_space<hbm>>
            tpu.enqueue_indirect_dma source(%dma_start3A_276 : memref<12288x32x128xf32, #tpu.memory_space<hbm>>) target(%arg8 : memref<8x32x128xf32, #tpu.memory_space<vmem>>) offsets(%dma_start3A_272 : memref<8xi32, #tpu.memory_space<vmem>>) semaphore(%arg12 : memref<!tpu.dma_semaphore, #tpu.memory_space<semaphore_mem>>)
          } else {
          }
        } else {
        }
      }
      %scan3A_162 = arith.constant 39 : i32
      %dma_wait3A_163 = arith.constant 0 : i32
      %dma_wait3A_164 = arith.constant 0 : i32
      %dma_wait3A_165 = tpu.memref_slice %arg6[%dma_wait3A_163, %dma_wait3A_164] : memref<39x8xi32, #tpu.memory_space<vmem>> -> memref<1x8xi32, #tpu.memory_space<vmem>>
      %dma_wait3A_166 = tpu.memref_squeeze %dma_wait3A_165 : memref<1x8xi32, #tpu.memory_space<vmem>> -> memref<8xi32, #tpu.memory_space<vmem>>
      %dma_wait3A_167 = arith.constant 0 : i32
      %dma_wait3A_168 = arith.constant 0 : i32
      %dma_wait3A_169 = arith.constant 0 : i32
      %dma_wait3A_170 = tpu.memref_slice %arg5[%dma_wait3A_167, %dma_wait3A_168, %dma_wait3A_169] : memref<12288x32x128xf32, #tpu.memory_space<hbm>> -> memref<12288x32x128xf32, #tpu.memory_space<hbm>>
      tpu.wait_indirect_dma semaphore(%arg16 : memref<!tpu.dma_semaphore, #tpu.memory_space<semaphore_mem>>) src(%arg9 : memref<8x32x128xf32, #tpu.memory_space<vmem>>) dst(%dma_wait3A_170 : memref<12288x32x128xf32, #tpu.memory_space<hbm>>)
      %dma_wait3A_171 = arith.constant 0 : i32
      %dma_wait3A_172 = arith.constant 0 : i32
      %dma_wait3A_173 = tpu.memref_slice %arg6[%dma_wait3A_171, %dma_wait3A_172] : memref<39x8xi32, #tpu.memory_space<vmem>> -> memref<1x8xi32, #tpu.memory_space<vmem>>
      %dma_wait3A_174 = tpu.memref_squeeze %dma_wait3A_173 : memref<1x8xi32, #tpu.memory_space<vmem>> -> memref<8xi32, #tpu.memory_space<vmem>>
      %dma_wait3A_175 = arith.constant 0 : i32
      %dma_wait3A_176 = arith.constant 0 : i32
      %dma_wait3A_177 = arith.constant 0 : i32
      %dma_wait3A_178 = tpu.memref_slice %arg5[%dma_wait3A_175, %dma_wait3A_176, %dma_wait3A_177] : memref<12288x32x128xf32, #tpu.memory_space<hbm>> -> memref<12288x32x128xf32, #tpu.memory_space<hbm>>
      tpu.wait_indirect_dma semaphore(%arg17 : memref<!tpu.dma_semaphore, #tpu.memory_space<semaphore_mem>>) src(%arg10 : memref<8x32x128xf32, #tpu.memory_space<vmem>>) dst(%dma_wait3A_178 : memref<12288x32x128xf32, #tpu.memory_space<hbm>>)
    } else {
    }
    return
  }
}

module attributes {stable_mosaic.version = 14 : i64} {
  func.func @_h_body(%arg0: memref<4x128x4096xf32, #tpu.memory_space<vmem>>) attributes {dimension_semantics = [], scalar_prefetch = 0 : i64, scratch_operands = 0 : i64, tpu.core_type = #tpu.core_type<tc>} {
    %mul3A = arith.constant 1.000000e+00 : f32
    %mul3A_0 = arith.constant 2.000000e+00 : f32
    %mul3A_1 = arith.mulf %mul3A, %mul3A_0 : f32
    %mul3A_2 = arith.constant 1.000000e+00 : f32
    %mul3A_3 = arith.constant 4.000000e+00 : f32
    %mul3A_4 = arith.mulf %mul3A_2, %mul3A_3 : f32
    %mul3A_5 = arith.constant 1.000000e+00 : f32
    %mul3A_6 = arith.mulf %mul3A_5, %mul3A_1 : f32
    %mul3A_7 = arith.mulf %mul3A_6, %mul3A_4 : f32
    %add3A = arith.constant 1.000000e+00 : f32
    %add3A_8 = arith.addf %add3A, %mul3A_7 : f32
    %mul3A_9 = arith.constant 2.000000e+00 : f32
    %mul3A_10 = arith.mulf %add3A_8, %mul3A_9 : f32
    %mul3A_11 = arith.constant 4.000000e+00 : f32
    %mul3A_12 = arith.mulf %add3A_8, %mul3A_11 : f32
    %mul3A_13 = arith.mulf %add3A_8, %mul3A_10 : f32
    %mul3A_14 = arith.mulf %mul3A_13, %mul3A_12 : f32
    %add3A_15 = arith.addf %add3A_8, %mul3A_14 : f32
    %mul3A_16 = arith.constant 2.000000e+00 : f32
    %mul3A_17 = arith.mulf %add3A_15, %mul3A_16 : f32
    %mul3A_18 = arith.constant 4.000000e+00 : f32
    %mul3A_19 = arith.mulf %add3A_15, %mul3A_18 : f32
    %mul3A_20 = arith.mulf %add3A_15, %mul3A_17 : f32
    %mul3A_21 = arith.mulf %mul3A_20, %mul3A_19 : f32
    %add3A_22 = arith.addf %add3A_15, %mul3A_21 : f32
    %mul3A_23 = arith.constant 2.000000e+00 : f32
    %mul3A_24 = arith.mulf %add3A_22, %mul3A_23 : f32
    %mul3A_25 = arith.constant 4.000000e+00 : f32
    %mul3A_26 = arith.mulf %add3A_22, %mul3A_25 : f32
    %mul3A_27 = arith.mulf %add3A_22, %mul3A_24 : f32
    %mul3A_28 = arith.mulf %mul3A_27, %mul3A_26 : f32
    %add3A_29 = arith.addf %add3A_22, %mul3A_28 : f32
    %mul3A_30 = arith.constant 2.000000e+00 : f32
    %mul3A_31 = arith.mulf %add3A_29, %mul3A_30 : f32
    %mul3A_32 = arith.constant 4.000000e+00 : f32
    %mul3A_33 = arith.mulf %add3A_29, %mul3A_32 : f32
    %mul3A_34 = arith.mulf %add3A_29, %mul3A_31 : f32
    %mul3A_35 = arith.mulf %mul3A_34, %mul3A_33 : f32
    %add3A_36 = arith.addf %add3A_29, %mul3A_35 : f32
    %mul3A_37 = arith.constant 2.000000e+00 : f32
    %mul3A_38 = arith.mulf %add3A_36, %mul3A_37 : f32
    %mul3A_39 = arith.constant 4.000000e+00 : f32
    %mul3A_40 = arith.mulf %add3A_36, %mul3A_39 : f32
    %mul3A_41 = arith.mulf %add3A_36, %mul3A_38 : f32
    %mul3A_42 = arith.mulf %mul3A_41, %mul3A_40 : f32
    %add3A_43 = arith.addf %add3A_36, %mul3A_42 : f32
    %broadcast_in_dim3A = vector.broadcast %add3A_43 : f32 to vector<4x128x4096xf32>
    %swap3A = arith.constant 0 : index
    %swap3A_44 = arith.constant 0 : index
    %swap3A_45 = arith.constant 0 : index
    %swap3A_46 = vector.load %arg0[%swap3A, %swap3A_44, %swap3A_45] : memref<4x128x4096xf32, #tpu.memory_space<vmem>>, vector<4x128x4096xf32>
    tpu.vector_store %arg0[%swap3A, %swap3A_44, %swap3A_45], %broadcast_in_dim3A {strides = array<i32>} : memref<4x128x4096xf32, #tpu.memory_space<vmem>>, vector<4x128x4096xf32>,
    return
  }
}

</mosaic_0001>

<sc_bundles>
// kernel: kernel.4.cloned.1.call-start
scs
__scs_entry_jumppad:
0x0: {  	(pc) =	sbr.rel $0x88, $3  }
0x1: {  	(tag) =	ssettag $0x0;
	lr =	simm.s32 $0x1  }
0x2: {  	[smem:$0x3F9F] =	sst lr;
	_ =	strace $0xD0000000  }
0x3: {  	_ = 	snop  }
0x4: {  	_ = 	snop  }
0x5: {  	_ = 	snop  }
0x6: {  	_ = 	snop  }
0x7: {  	_ = 	snop  }
__scs_overlays_trampoline_lowered:
0x8: {  	[smem:$0x3FAE] =	sst s0  }
0x9: {  	[smem:$0x3FAF] =	sst s1  }
0xa: {  	[smem:$0x3FB0] =	sst s2  }
0xb: {  	[smem:$0x3FB1] =	sst s3  }
0xc: {  	[smem:$0x3FB2] =	sst s4  }
0xd: {  	[smem:$0x3FB3] =	sst s5  }
0xe: {  	[smem:$0x3FB4] =	sst s6  }
0xf: {  	[smem:$0x3FB5] =	sst s7  }
0x10: {  	[smem:$0x3FB6] =	sst s8  }
0x11: {  	[smem:$0x3FB7] =	sst s9;
	s0 =	simm.s32 @!p0 $0x0  }
0x12: {  	s1 =	sld [smem:$0x3F9D];
	s0 =	simm.s32 @p0 $0x1  }
0x13: {  	[smem:$0x3FB8] =	sst s0;
	s0 =	simm.s32 @!p1 $0x0  }
0x14: {  	s2 =	sld [smem:$0x3F9C];
	s0 =	simm.s32 @p1 $0x1  }
0x15: {  	[smem:$0x3FB9] =	sst s0;
	s0 =	simm.s32 @!p2 $0x0  }
0x16: {  	s3 =	sld [smem:$0x3FDB];
	s0 =	simm.s32 @p2 $0x1  }
0x17: {  	s4 =	simm.s32 $0x1BF5;
	[smem:$0x3FBB] =	sst s0  }
0x18: {  	s0 =	sld [smem:$0x3F9E];
	_ =	swait.ge [sflag:s4], $0x0  }
0x19: {  	s7 =	sld [smem:$0x3F9F]  }
0x1a: {  	s8 =	sadd.s32 $0xFFFFE003, lr  }
0x1b: {  	s9 =	sadd.s32 $0xFFFFFEF7, lr;
	s5 =	simm.s32 $0xFFFFFFFF;
	p2 =	slt.u32 s8, $0xFFFFF086  }
0x1c: {  	p1 =	slt.u32 s9, $0xF7A;
	s5 =	simm.s32 @!p2 $0x0  }
0x1d: {  	s5 =	simm.s32 @p1 $0x1;
	p0 =	seq.s32 s7, s2  }
0x1e: {  	s7 =	smul.u32 @!p0 $0xF7A, s2;
	p2 =	seq.s32 @!p0 s5, $0x0  }
0x1f: {  	s9 =	smul.u32 $0xF7A, s1;
	s8 =	simm.s32 @!p0 $0x1BF5;
	p2 =	por !p2, p0  }
0x20: {  	[sflag:s8] =	ssyncset.s32 @!p0 $0xFFFFF086;
	s6 =	sadd.s32 @!p0 s3, s7;
	s7 =	simm.s32 @!p0 $0x108  }
0x21: {  	s3 =	sadd.s32 s3, s9;
	s6 =	sadd.s32 @!p0 $0x88, s6;
	s7 =	simm.s32 @p2 $0x1082  }
0x22: {  	[simem:s7], [sflag:s8] =	dma.local @!p0 [hbm:s6], $0xF7A  }
0x23: {  	s9 =	sor.u32 $0xD0000000, s2;
	s6 =	simm.s32 $0x108;
	_ =	swait.ge @!p0 [sflag:s8], $0x0  }
0x24: {  	s3 =	sadd.s32 $0x88, s3;
	s6 =	simm.s32 @!p1 $0x1082;
	[sflag:s4] =	ssyncset.s32 $0xFFFFF086  }
0x25: {  	[simem:s6], [sflag:s4] =	dma.local [hbm:s3], $0xF7A  }
0x26: {  	[smem:$0x3F9F] =	sst s1;
	(tag) =	ssettag s2;
	_ =	strace s9  }
0x27: {  	s1 =	sld [smem:$0x3FAF]  }
0x28: {  	s2 =	sld [smem:$0x3FB0]  }
0x29: {  	s4 =	sld [smem:$0x3FB2]  }
0x2a: {  	p0 =	seq.s32 s5, $0x0;
	s5 =	sld [smem:$0x3FB3]  }
0x2b: {  	s6 =	sld [smem:$0x3FB4]  }
0x2c: {  	s7 =	sld [smem:$0x3FB5]  }
0x2d: {  	s3 =	simm.s32 $0x108;
	s8 =	sld [smem:$0x3FB6]  }
0x2e: {  	s3 =	simm.s32 @!p0 $0x1082;
	s9 =	sld [smem:$0x3FB7]  }
0x2f: {  	lr =	sadd.s32 s0, s3;
	s0 =	sld [smem:$0x3FAE]  }
0x30: {  	s3 =	sld [smem:$0x3FB1]  }
0x31: {  	[smem:$0x3FBA] =	sst s10  }
0x32: {  	s10 =	sld [smem:$0x3FB8];
	_ =	sdelay $0x3  }
0x33: {  	p0 =	seq.s32 s10, $0x1;
	s10 =	sld [smem:$0x3FBA];
	_ =	sdelay $0x3  }
0x34: {  	[smem:$0x3FBA] =	sst s10  }
0x35: {  	s10 =	sld [smem:$0x3FB9];
	_ =	sdelay $0x3  }
0x36: {  	p1 =	seq.s32 s10, $0x1;
	s10 =	sld [smem:$0x3FBA];
	_ =	sdelay $0x3  }
0x37: {  	[smem:$0x3FBA] =	sst s10  }
0x38: {  	s10 =	sld [smem:$0x3FBB]  }
0x39: {  	_ = 	snop;
	(pc) =	sbr.ind lr, $3  }
0x3a: {  	_ = 	snop  }
0x3b: {  	_ = 	snop  }
0x3c: {  	p2 =	seq.s32 s10, $0x1;
	s10 =	sld [smem:$0x3FBA]  }
0x3d: {  	_ =	shalt  }
0x3e: {  	_ =	shalt  }
0x3f: {  	_ =	shalt  }
0x40: {  	_ =	shalt  }
0x41: {  	_ =	shalt  }
0x42: {  	_ =	shalt  }
0x43: {  	_ =	shalt  }
0x44: {  	_ =	shalt  }
0x45: {  	_ =	shalt  }
0x46: {  	_ =	shalt  }
0x47: {  	_ =	shalt  }
0x48: {  	_ =	shalt  }
0x49: {  	_ =	shalt  }
0x4a: {  	_ =	shalt  }
0x4b: {  	_ =	shalt  }
0x4c: {  	_ =	shalt  }
0x4d: {  	_ =	shalt  }
0x4e: {  	_ =	shalt  }
0x4f: {  	_ =	shalt  }
0x50: {  	_ =	shalt  }
0x51: {  	_ =	shalt  }
0x52: {  	_ =	shalt  }
0x53: {  	_ =	shalt  }
0x54: {  	_ =	shalt  }
0x55: {  	_ =	shalt  }
0x56: {  	_ =	shalt  }
0x57: {  	_ =	shalt  }
0x58: {  	_ =	shalt  }
0x59: {  	_ =	shalt  }
0x5a: {  	_ =	shalt  }
0x5b: {  	_ =	shalt  }
0x5c: {  	_ =	shalt  }
0x5d: {  	_ =	shalt  }
0x5e: {  	_ =	shalt  }
0x5f: {  	_ =	shalt  }
0x60: {  	_ =	shalt  }
0x61: {  	_ =	shalt  }
0x62: {  	_ =	shalt  }
0x63: {  	_ =	shalt  }
0x64: {  	_ =	shalt  }
0x65: {  	_ =	shalt  }
0x66: {  	_ =	shalt  }
0x67: {  	_ =	shalt  }
0x68: {  	_ =	shalt  }
0x69: {  	_ =	shalt  }
0x6a: {  	_ =	shalt  }
0x6b: {  	_ =	shalt  }
0x6c: {  	_ =	shalt  }
0x6d: {  	_ =	shalt  }
0x6e: {  	_ =	shalt  }
0x6f: {  	_ =	shalt  }
0x70: {  	_ =	shalt  }
0x71: {  	_ =	shalt  }
0x72: {  	_ =	shalt  }
0x73: {  	_ =	shalt  }
0x74: {  	_ =	shalt  }
0x75: {  	_ =	shalt  }
0x76: {  	_ =	shalt  }
0x77: {  	_ =	shalt  }
0x78: {  	_ =	shalt  }
0x79: {  	_ =	shalt  }
0x7a: {  	_ =	shalt  }
0x7b: {  	_ =	shalt  }
0x7c: {  	_ =	shalt  }
0x7d: {  	_ =	shalt  }
0x7e: {  	_ =	shalt  }
0x7f: {  	_ =	shalt  }
0x80: {  	_ =	shalt  }
0x81: {  	_ =	shalt  }
0x82: {  	_ =	shalt  }
0x83: {  	_ =	shalt  }
0x84: {  	_ =	shalt  }
0x85: {  	_ =	shalt  }
0x86: {  	_ =	shalt  }
0x87: {  	_ =	shalt  }
.Lfunc_end0:
.L_simem_size_0:
called_computation_lowered:
.L_overlay_start_0:
0x88: {  	s2 =	sld [smem:$0x3FD9]  }
0x89: {  	s3 =	sld [smem:$0x3FFE];
	_ =	sdelay $0x1  }
0x8a: {  	s1 =	srdreg.scid  }
0x8b: {  	s0 =	sand.u32 $0x1, s1  }
0x8c: {  	s14 =	sshll.u32 s0, $0xA;
	s2 =	sadd.s32 s3, s2  }
0x8d: {  	s2 =	sadd.s32 s2, s14  }
0x8e: {  	[smem:$0x3FC6] =	sst s2  }
0x8f: {  	_ = 	snop  }
0x90: {  	s2 =	sld [smem:$0x3FD0];
	_ =	sdelay $0x2  }
0x91: {  	s4 =	simm.s32 $0xA;
	s5 =	simm.s32 $0x10;
	s15 =	sld [smem:$0x3FC8]  }
0x92: {  	[smem:s5], [sflag:s4] =	dma.local [hbm:s2], $0x1  }
0x93: {  	_ =	swait.eq [sflag:s4], $0x1  }
0x94: {  	[sflag:s4] =	ssyncset.done $0x0  }
0x95: {  	[sflag:s4] =	ssyncadd.s32 $0xFFFFFFFF  }
0x96: {  	s16 =	sld [smem:$0x11];
	(tm) =	ssettm $0x1  }
0x97: {  	s17 =	sld [smem:$0x3FFB];
	_ =	sdelay $0x3  }
0x98: {  	_ =	strace s17  }
0x99: {  	s4 =	sld [smem:$0x3FFC];
	_ =	sdelay $0x3  }
0x9a: {  	_ =	strace s4  }
0x9b: {  	s4 =	sld [smem:$0x3FFD];
	_ =	sdelay $0x3  }
0x9c: {  	_ =	strace s4  }
0x9d: {  	_ =	strace $0x8FFFFFFF  }
0x9e: {  	s18 =	sld [smem:$0x3FDB];
	_ =	sdelay $0x1  }
0x9f: {  	s19 =	simm.s32 $_scs_section_size  }
0xa0: {  	s6 =	simm.s32 $_size__tile_overlayer_lowered;
	s7 =	simm.s32 $_tile_overlayer_lowered  }
0xa1: {  	s22 =	simm.s32 $0x1BFF;
	s21 =	sshll.u32 s7, $0x1;
	s4 =	sadd.s32 s19, s18  }
0xa2: {  	s8 =	simm.s32 $0x0;
	s20 =	sshll.u32 s6, $0x1;
	s6 =	sadd.s32 s21, s4  }
0xa3: {  	[timem:s8], [sflag:s22] =	dma.local [hbm:s6], s20  }
0xa4: {  	_ =	swait.ge [sflag:s22], s20  }
0xa5: {  	s5 =	ssub.s32 $0x0, s20;
	[sflag:s22] =	ssyncset.done $0x0  }
0xa6: {  	[sflag:s22] =	ssyncadd.s32 s5;
	_ =	sdelay $0x1  }
0xa7: {  	s23 =	simm.s32 $0x1B8B  }
0xa8: {  	_ =	swait.ge [sflag:s23], $0x1  }
0xa9: {  	[sflag:s23] =	ssyncset.done $0x0  }
0xaa: {  	s25 =	simm.s32 $0x1B8E;
	s24 =	sld [smem:$0x3FFE];
	[sflag:s23] =	ssyncadd.s32 $0xFFFFFFFF  }
0xab: {  	s26 =	simm.s32 $execute0_lowered;
	[smem:$0x3FD2] =	sst s25  }
0xac: {  	s6 =	sshll.u32 s26, $0x1;
	_ =	strace $0x80000046;
	[dreg:$0x1] =	wrdreg $0xFFFFFFFF  }
0xad: {  	s28 =	simm.s32 $_size_execute0_lowered;
	s4 =	sadd.s32 s4, s6;
	[dreg:$0x0] =	wrdreg $0x0  }
0xae: {  	s6 =	sshll.u32 s28, $0x1;
	[dreg:$0x2] =	wrdreg s4  }
0xaf: {  	[dreg:$0x3] =	wrdreg s6  }
0xb0: {  	[dreg:$0x4] =	wrdreg $0xC0  }
0xb1: {  	_ =	task [dreg:s8], $0x5FFFF  }
0xb2: {  	[dreg:$0x1] =	wrdreg $0xFFFFFFFF  }
0xb3: {  	[dreg:$0x0] =	wrdreg $0x60  }
0xb4: {  	[dreg:$0x2] =	wrdreg s15  }
0xb5: {  	[dreg:$0x3] =	wrdreg s24  }
0xb6: {  	[dreg:$0x4] =	wrdreg s16  }
0xb7: {  	[dreg:$0x5] =	wrdreg $0x9  }
0xb8: {  	_ =	task.clear_ibuf [dreg:s8], $0x6FFFF;
	_ =	strace $0x90000046  }
0xb9: {  	s29 =	simm.s32 $0x9;
	_ =	strace $0x80000048  }
0xba: {  	_ =	swait.ge [sflag:s29], $0x1  }
0xbb: {  	[sflag:s29] =	ssyncadd.s32 $0xFFFFFFFF  }
0xbc: {  	_ =	strace $0x90000048  }
0xbd: {  	_ =	sfence  }
0xbe: {  	s30 =	sld [smem:$0x0];
	_ =	sdelay $0x2  }
0xbf: {  	s31 =	sshll.u32 s1, $0xD;
	s1 =	sshrl.u32 s1, $0x2  }
0xc0: {  	s3 =	sand.u32 $0x4000, s31;
	s1 =	sadd.s32 s1, s30  }
0xc1: {  	s0 =	sor.u32 s3, s0;
	s1 =	sshll.u32 s1, $0x11  }
0xc2: {  	s0 =	sor.u32 s1, s0  }
0xc3: {  	s0 =	sadd.s32 $0x8F2B, s0  }
0xc4: {  	[sflag:s0] =	ssyncadd.remote.s32 $0x1  }
0xc5: {  	_ =	sfence.sel $0xFFFF  }
0xc6: {  	[dreg:$0x0] =	wrdreg $0xFFFFFFFF;
	(pc) =	sbr.abs _section_cstart, $3  }
0xc7: {  	[dreg:$0x1] =	wrdreg $0xFFFFFFFF  }
0xc8: {  	_ =	task.clear_ibuf [dreg:s8], $0x2FFFF;
	_ =	strace $0x9FFFFFFF  }
0xc9: {  	(tm) =	ssettm $0x7FFFFFFF  }
tec
execute0_lowered:
.L_overlay_start_1:
0x0: {  	(tag) =	ssettag $0x1  }
0x1: {  	s1 =	srdreg.scid;
	s0 =	stileid.u32  }
0x2: {  	s5 =	sand.u32 $0x1, s1;
	s30 =	sshll.u32 s0, $0x1  }
0x3: {  	s6 =	sor.u32 s5, s30  }
0x4: {  	s7 =	rddreg [dreg:$0x1];
	p1 =	seq.s32 s5, $0x1;
	p0 =	seq.s32 s6, $0x0  }
0x5: {  	s3 =	rddreg [dreg:$0x2];
	s8 =	simm.s32 $0x1;
	p0 =	por !p0, !p1  }
0x6: {  	s2 =	rddreg [dreg:$0x3];
	s4 =	simm.s32 $0x0;
	p0 =	por !p0, !p0  }
0x7: {  	s11 =	simm.s32 $0x4;
	s12 =	simm.s32 $0x1B400;
	s8 =	simm.s32 @!p0 $0x0  }
0x8: {  	s13 =	simm.s32 $0x3400;
	s14 =	simm.s32 $0x3;
	s8 =	ssub.s32 s0, s8  }
0x9: {  	v0 =	vimm.f32 $2.000000000e+00;
	s15 =	simm.s32 $0x13400;
	s16 =	simm.s32 $0x6;
	p5 =	seq.s32 s8, $0x0  }
0xa: {  	s17 =	simm.s32 $0x7;
	s18 =	simm.s32 $0x2;
	p6 =	seq.s32 s8, $0x1;
	v0 =	vpsel !p5, $0x0, v0  }
0xb: {  	s19 =	simm.s32 $0xB400;
	s20 =	simm.s32 $0x5;
	p1 =	seq.s32 s8, $0x2;
	v0 =	vpsel p6, $0x40800000, v0  }
0xc: {  	s21 =	simm.s32 $0x0;
	[smem:$0x7FF] =	sst s4;
	p2 =	seq.s32 s8, $0x3;
	v0 =	vpsel p1, $0x41900000, v0  }
0xd: {  	s1 =	rddreg [dreg:$0x0];
	_ =	strace $0x80000047;
	p3 =	seq.s32 s8, $0x4;
	v0 =	vpsel p2, $0x42100000, v0  }
0xe: {  	s5 =	ssub.s32 $0x2, s5;
	s9 =	smul.u32 $0x280, s6;
	p4 =	seq.s32 s8, $0x5;
	v0 =	vpsel p3, $0x46368800, v0  }
0xf: {  	s10 =	sshrl.u32 s5, $0x1;
	s6 =	sshll.u32 s6, $0xA;
	p5 =	seq.s32 s8, $0x6;
	v0 =	vpsel p4, $0x46B68800, v0  }
.Ltmp0:
0x10: {  	s10 =	ssub.s32 s5, s10;
	p2 =	seq.s32 s8, $0x7;
	v0 =	vpsel p5, $0x543997D3, v0;
	(pc) =	sbr.rel .LBB2_1-.Ltmp0, $4  }
0x11: {  	s6 =	sadd.s32 s7, s6;
	s9 =	sadd.s32 s9, s7;
	p3 =	seq.s32 s8, $0x8;
	v0 =	vpsel p2, $0x54B997D3, v0  }
0x12: {  	s7 =	simm.s32 $0x1;
	s31 =	sand.u32 $0xFFFFFFFE, s8;
	p4 =	seq.s32 s8, $0x9;
	v0 =	vpsel p3, $0x7E431712, v0  }
0x13: {  	s5 =	sadd.s32 $0x8000, s9;
	p0 =	sgt.u32 s0, $0xB;
	p6 =	seq.s32 s31, $0xA;
	v0 =	vpsel p4, $0x7EC31712, v0  }
0x14: {  	s9 =	simm.s32 $0x1400;
	s8 =	smax.u32 s10, $0x1;
	s10 =	simm.s32 $0x8;
	v0 =	vpsel p6, $0x7F800000, v0  }
.LBB2_29:
0x15: {  	_ =	swait.ge [sflag:s20], $0x8000  }
0x16: {  	[sflag:s20] =	ssyncset.done $0x0  }
0x17: {  	[sflag:s20] =	ssyncadd.s32 $0xFFFF8000  }
0x18: {  	_ =	swait.ge [sflag:s16], $0x8000  }
0x19: {  	[sflag:s16] =	ssyncset.done $0x0  }
0x1a: {  	[sflag:s16] =	ssyncadd.s32 $0xFFFF8000  }
.LBB2_30:
0x1b: {  	s21 =	sadd.s32 $0x1, s21  }
0x1c: {  	p1 =	sne.s32 s21, s8  }
.Ltmp1:
0x1d: {  	_ = 	snop;
	(pc) =	sbr.rel @!p1 .LBB2_31-.Ltmp1, $1  }
0x1e: {  	_ =	sdelay $0x3  }
.LBB2_1:
.Ltmp2:
0x1f: {  	(pc) =	sbr.rel @p0 .LBB2_19-.Ltmp2, $4  }
0x20: {  	_ = 	snop  }
0x21: {  	[tilespmem:s4], [sflag:$0x8] =	stream.linear.gather [hbm4b:s5+s4], $0x1380, $0x38;
	[tilespmem:$0x1F400] =	vst v63  }
0x22: {  	_ = 	snop  }
0x23: {  	[tilespmem:s9], [sflag:$0x8] =	stream.linear.gather [hbm4b:s6+s4], $0x2000, $0x38;
	[tilespmem:$0x1F400] =	vst v63  }
0x24: {  	s22 =	sshll.u32 s4, $0xC  }
0x25: {  	s22 =	sand.u32 $0x3FFFF000, s22  }
0x26: {  	[tilespmem:s22+$0x1C3F0] =	vst v0  }
0x27: {  	[tilespmem:s22+$0x1B400] =	vst v0  }
0x28: {  	[tilespmem:s22+$0x1B410] =	vst v0  }
0x29: {  	[tilespmem:s22+$0x1B420] =	vst v0  }
0x2a: {  	[tilespmem:s22+$0x1B430] =	vst v0  }
0x2b: {  	[tilespmem:s22+$0x1B440] =	vst v0  }
0x2c: {  	[tilespmem:s22+$0x1B450] =	vst v0  }
0x2d: {  	[tilespmem:s22+$0x1B460] =	vst v0  }
0x2e: {  	[tilespmem:s22+$0x1B470] =	vst v0  }
0x2f: {  	[tilespmem:s22+$0x1B480] =	vst v0  }
0x30: {  	[tilespmem:s22+$0x1B490] =	vst v0  }
0x31: {  	[tilespmem:s22+$0x1B4A0] =	vst v0  }
0x32: {  	[tilespmem:s22+$0x1B4B0] =	vst v0  }
0x33: {  	[tilespmem:s22+$0x1B4C0] =	vst v0  }
0x34: {  	[tilespmem:s22+$0x1B4D0] =	vst v0  }
0x35: {  	[tilespmem:s22+$0x1B4E0] =	vst v0  }
0x36: {  	[tilespmem:s22+$0x1B4F0] =	vst v0  }
0x37: {  	[tilespmem:s22+$0x1B500] =	vst v0  }
0x38: {  	[tilespmem:s22+$0x1B510] =	vst v0  }
0x39: {  	[tilespmem:s22+$0x1B520] =	vst v0  }
0x3a: {  	[tilespmem:s22+$0x1B530] =	vst v0  }
0x3b: {  	[tilespmem:s22+$0x1B540] =	vst v0  }
0x3c: {  	[tilespmem:s22+$0x1B550] =	vst v0  }
0x3d: {  	[tilespmem:s22+$0x1B560] =	vst v0  }
0x3e: {  	[tilespmem:s22+$0x1B570] =	vst v0  }
0x3f: {  	[tilespmem:s22+$0x1B580] =	vst v0  }
0x40: {  	[tilespmem:s22+$0x1B590] =	vst v0  }
0x41: {  	[tilespmem:s22+$0x1B5A0] =	vst v0  }
0x42: {  	[tilespmem:s22+$0x1B5B0] =	vst v0  }
0x43: {  	[tilespmem:s22+$0x1B5C0] =	vst v0  }
0x44: {  	[tilespmem:s22+$0x1B5D0] =	vst v0  }
0x45: {  	[tilespmem:s22+$0x1B5E0] =	vst v0  }
0x46: {  	[tilespmem:s22+$0x1B5F0] =	vst v0  }
0x47: {  	[tilespmem:s22+$0x1B600] =	vst v0  }
0x48: {  	[tilespmem:s22+$0x1B610] =	vst v0  }
0x49: {  	[tilespmem:s22+$0x1B620] =	vst v0  }
0x4a: {  	[tilespmem:s22+$0x1B630] =	vst v0  }
0x4b: {  	[tilespmem:s22+$0x1B640] =	vst v0  }
0x4c: {  	[tilespmem:s22+$0x1B650] =	vst v0  }
0x4d: {  	[tilespmem:s22+$0x1B660] =	vst v0  }
0x4e: {  	[tilespmem:s22+$0x1B670] =	vst v0  }
0x4f: {  	[tilespmem:s22+$0x1B680] =	vst v0  }
0x50: {  	[tilespmem:s22+$0x1B690] =	vst v0  }
0x51: {  	[tilespmem:s22+$0x1B6A0] =	vst v0  }
0x52: {  	[tilespmem:s22+$0x1B6B0] =	vst v0  }
0x53: {  	[tilespmem:s22+$0x1B6C0] =	vst v0  }
0x54: {  	[tilespmem:s22+$0x1B6D0] =	vst v0  }
0x55: {  	[tilespmem:s22+$0x1B6E0] =	vst v0  }
0x56: {  	[tilespmem:s22+$0x1B6F0] =	vst v0  }
0x57: {  	[tilespmem:s22+$0x1B700] =	vst v0  }
0x58: {  	[tilespmem:s22+$0x1B710] =	vst v0  }
0x59: {  	[tilespmem:s22+$0x1B720] =	vst v0  }
0x5a: {  	[tilespmem:s22+$0x1B730] =	vst v0  }
0x5b: {  	[tilespmem:s22+$0x1B740] =	vst v0  }
0x5c: {  	[tilespmem:s22+$0x1B750] =	vst v0  }
0x5d: {  	[tilespmem:s22+$0x1B760] =	vst v0  }
0x5e: {  	[tilespmem:s22+$0x1B770] =	vst v0  }
0x5f: {  	[tilespmem:s22+$0x1B780] =	vst v0  }
0x60: {  	[tilespmem:s22+$0x1B790] =	vst v0  }
0x61: {  	[tilespmem:s22+$0x1B7A0] =	vst v0  }
0x62: {  	[tilespmem:s22+$0x1B7B0] =	vst v0  }
0x63: {  	[tilespmem:s22+$0x1B7C0] =	vst v0  }
0x64: {  	[tilespmem:s22+$0x1B7D0] =	vst v0  }
0x65: {  	[tilespmem:s22+$0x1B7E0] =	vst v0  }
0x66: {  	[tilespmem:s22+$0x1B7F0] =	vst v0  }
0x67: {  	[tilespmem:s22+$0x1B800] =	vst v0  }
0x68: {  	[tilespmem:s22+$0x1B810] =	vst v0  }
0x69: {  	[tilespmem:s22+$0x1B820] =	vst v0  }
0x6a: {  	[tilespmem:s22+$0x1B830] =	vst v0  }
0x6b: {  	[tilespmem:s22+$0x1B840] =	vst v0  }
0x6c: {  	[tilespmem:s22+$0x1B850] =	vst v0  }
0x6d: {  	[tilespmem:s22+$0x1B860] =	vst v0  }
0x6e: {  	[tilespmem:s22+$0x1B870] =	vst v0  }
0x6f: {  	[tilespmem:s22+$0x1B880] =	vst v0  }
0x70: {  	[tilespmem:s22+$0x1B890] =	vst v0  }
0x71: {  	[tilespmem:s22+$0x1B8A0] =	vst v0  }
0x72: {  	[tilespmem:s22+$0x1B8B0] =	vst v0  }
0x73: {  	[tilespmem:s22+$0x1B8C0] =	vst v0  }
0x74: {  	[tilespmem:s22+$0x1B8D0] =	vst v0  }
0x75: {  	[tilespmem:s22+$0x1B8E0] =	vst v0  }
0x76: {  	[tilespmem:s22+$0x1B8F0] =	vst v0  }
0x77: {  	[tilespmem:s22+$0x1B900] =	vst v0  }
0x78: {  	[tilespmem:s22+$0x1B910] =	vst v0  }
0x79: {  	[tilespmem:s22+$0x1B920] =	vst v0  }
0x7a: {  	[tilespmem:s22+$0x1B930] =	vst v0  }
0x7b: {  	[tilespmem:s22+$0x1B940] =	vst v0  }
0x7c: {  	[tilespmem:s22+$0x1B950] =	vst v0  }
0x7d: {  	[tilespmem:s22+$0x1B960] =	vst v0  }
0x7e: {  	[tilespmem:s22+$0x1B970] =	vst v0  }
0x7f: {  	[tilespmem:s22+$0x1B980] =	vst v0  }
0x80: {  	[tilespmem:s22+$0x1B990] =	vst v0  }
0x81: {  	[tilespmem:s22+$0x1B9A0] =	vst v0  }
0x82: {  	[tilespmem:s22+$0x1B9B0] =	vst v0  }
0x83: {  	[tilespmem:s22+$0x1B9C0] =	vst v0  }
0x84: {  	[tilespmem:s22+$0x1B9D0] =	vst v0  }
0x85: {  	[tilespmem:s22+$0x1B9E0] =	vst v0  }
0x86: {  	[tilespmem:s22+$0x1B9F0] =	vst v0  }
0x87: {  	[tilespmem:s22+$0x1BA00] =	vst v0  }
0x88: {  	[tilespmem:s22+$0x1BA10] =	vst v0  }
0x89: {  	[tilespmem:s22+$0x1BA20] =	vst v0  }
0x8a: {  	[tilespmem:s22+$0x1BA30] =	vst v0  }
0x8b: {  	[tilespmem:s22+$0x1BA40] =	vst v0  }
0x8c: {  	[tilespmem:s22+$0x1BA50] =	vst v0  }
0x8d: {  	[tilespmem:s22+$0x1BA60] =	vst v0  }
0x8e: {  	[tilespmem:s22+$0x1BA70] =	vst v0  }
0x8f: {  	[tilespmem:s22+$0x1BA80] =	vst v0  }
0x90: {  	[tilespmem:s22+$0x1BA90] =	vst v0  }
0x91: {  	[tilespmem:s22+$0x1BAA0] =	vst v0  }
0x92: {  	[tilespmem:s22+$0x1BAB0] =	vst v0  }
0x93: {  	[tilespmem:s22+$0x1BAC0] =	vst v0  }
0x94: {  	[tilespmem:s22+$0x1BAD0] =	vst v0  }
0x95: {  	[tilespmem:s22+$0x1BAE0] =	vst v0  }
0x96: {  	[tilespmem:s22+$0x1BAF0] =	vst v0  }
0x97: {  	[tilespmem:s22+$0x1BB00] =	vst v0  }
0x98: {  	[tilespmem:s22+$0x1BB10] =	vst v0  }
0x99: {  	[tilespmem:s22+$0x1BB20] =	vst v0  }
0x9a: {  	[tilespmem:s22+$0x1BB30] =	vst v0  }
0x9b: {  	[tilespmem:s22+$0x1BB40] =	vst v0  }
0x9c: {  	[tilespmem:s22+$0x1BB50] =	vst v0  }
0x9d: {  	[tilespmem:s22+$0x1BB60] =	vst v0  }
0x9e: {  	[tilespmem:s22+$0x1BB70] =	vst v0  }
0x9f: {  	[tilespmem:s22+$0x1BB80] =	vst v0  }
0xa0: {  	[tilespmem:s22+$0x1BB90] =	vst v0  }
0xa1: {  	[tilespmem:s22+$0x1BBA0] =	vst v0  }
0xa2: {  	[tilespmem:s22+$0x1BBB0] =	vst v0  }
0xa3: {  	[tilespmem:s22+$0x1BBC0] =	vst v0  }
0xa4: {  	[tilespmem:s22+$0x1BBD0] =	vst v0  }
0xa5: {  	[tilespmem:s22+$0x1BBE0] =	vst v0  }
0xa6: {  	[tilespmem:s22+$0x1BBF0] =	vst v0  }
0xa7: {  	[tilespmem:s22+$0x1BC00] =	vst v0  }
0xa8: {  	[tilespmem:s22+$0x1BC10] =	vst v0  }
0xa9: {  	[tilespmem:s22+$0x1BC20] =	vst v0  }
0xaa: {  	[tilespmem:s22+$0x1BC30] =	vst v0  }
0xab: {  	[tilespmem:s22+$0x1BC40] =	vst v0  }
0xac: {  	[tilespmem:s22+$0x1BC50] =	vst v0  }
0xad: {  	[tilespmem:s22+$0x1BC60] =	vst v0  }
0xae: {  	[tilespmem:s22+$0x1BC70] =	vst v0  }
0xaf: {  	[tilespmem:s22+$0x1BC80] =	vst v0  }
0xb0: {  	[tilespmem:s22+$0x1BC90] =	vst v0  }
0xb1: {  	[tilespmem:s22+$0x1BCA0] =	vst v0  }
0xb2: {  	[tilespmem:s22+$0x1BCB0] =	vst v0  }
0xb3: {  	[tilespmem:s22+$0x1BCC0] =	vst v0  }
0xb4: {  	[tilespmem:s22+$0x1BCD0] =	vst v0  }
0xb5: {  	[tilespmem:s22+$0x1BCE0] =	vst v0  }
0xb6: {  	[tilespmem:s22+$0x1BCF0] =	vst v0  }
0xb7: {  	[tilespmem:s22+$0x1BD00] =	vst v0  }
0xb8: {  	[tilespmem:s22+$0x1BD10] =	vst v0  }
0xb9: {  	[tilespmem:s22+$0x1BD20] =	vst v0  }
0xba: {  	[tilespmem:s22+$0x1BD30] =	vst v0  }
0xbb: {  	[tilespmem:s22+$0x1BD40] =	vst v0  }
0xbc: {  	[tilespmem:s22+$0x1BD50] =	vst v0  }
0xbd: {  	[tilespmem:s22+$0x1BD60] =	vst v0  }
0xbe: {  	[tilespmem:s22+$0x1BD70] =	vst v0  }
0xbf: {  	[tilespmem:s22+$0x1BD80] =	vst v0  }
0xc0: {  	[tilespmem:s22+$0x1BD90] =	vst v0  }
0xc1: {  	[tilespmem:s22+$0x1BDA0] =	vst v0  }
0xc2: {  	[tilespmem:s22+$0x1BDB0] =	vst v0  }
0xc3: {  	[tilespmem:s22+$0x1BDC0] =	vst v0  }
0xc4: {  	[tilespmem:s22+$0x1BDD0] =	vst v0  }
0xc5: {  	[tilespmem:s22+$0x1BDE0] =	vst v0  }
0xc6: {  	[tilespmem:s22+$0x1BDF0] =	vst v0  }
0xc7: {  	[tilespmem:s22+$0x1BE00] =	vst v0  }
0xc8: {  	[tilespmem:s22+$0x1BE10] =	vst v0  }
0xc9: {  	[tilespmem:s22+$0x1BE20] =	vst v0  }
0xca: {  	[tilespmem:s22+$0x1BE30] =	vst v0  }
0xcb: {  	[tilespmem:s22+$0x1BE40] =	vst v0  }
0xcc: {  	[tilespmem:s22+$0x1BE50] =	vst v0  }
0xcd: {  	[tilespmem:s22+$0x1BE60] =	vst v0  }
0xce: {  	[tilespmem:s22+$0x1BE70] =	vst v0  }
0xcf: {  	[tilespmem:s22+$0x1BE80] =	vst v0  }
0xd0: {  	[tilespmem:s22+$0x1BE90] =	vst v0  }
0xd1: {  	[tilespmem:s22+$0x1BEA0] =	vst v0  }
0xd2: {  	[tilespmem:s22+$0x1BEB0] =	vst v0  }
0xd3: {  	[tilespmem:s22+$0x1BEC0] =	vst v0  }
0xd4: {  	[tilespmem:s22+$0x1BED0] =	vst v0  }
0xd5: {  	[tilespmem:s22+$0x1BEE0] =	vst v0  }
0xd6: {  	[tilespmem:s22+$0x1BEF0] =	vst v0  }
0xd7: {  	[tilespmem:s22+$0x1BF00] =	vst v0  }
0xd8: {  	[tilespmem:s22+$0x1BF10] =	vst v0  }
0xd9: {  	[tilespmem:s22+$0x1BF20] =	vst v0  }
0xda: {  	[tilespmem:s22+$0x1BF30] =	vst v0  }
0xdb: {  	[tilespmem:s22+$0x1BF40] =	vst v0  }
0xdc: {  	[tilespmem:s22+$0x1BF50] =	vst v0  }
0xdd: {  	[tilespmem:s22+$0x1BF60] =	vst v0  }
0xde: {  	[tilespmem:s22+$0x1BF70] =	vst v0  }
0xdf: {  	[tilespmem:s22+$0x1BF80] =	vst v0  }
0xe0: {  	[tilespmem:s22+$0x1BF90] =	vst v0  }
0xe1: {  	[tilespmem:s22+$0x1BFA0] =	vst v0  }
0xe2: {  	[tilespmem:s22+$0x1BFB0] =	vst v0  }
0xe3: {  	[tilespmem:s22+$0x1BFC0] =	vst v0  }
0xe4: {  	[tilespmem:s22+$0x1BFD0] =	vst v0  }
0xe5: {  	[tilespmem:s22+$0x1BFE0] =	vst v0  }
0xe6: {  	[tilespmem:s22+$0x1BFF0] =	vst v0  }
0xe7: {  	[tilespmem:s22+$0x1C000] =	vst v0  }
0xe8: {  	[tilespmem:s22+$0x1C010] =	vst v0  }
0xe9: {  	[tilespmem:s22+$0x1C020] =	vst v0  }
0xea: {  	[tilespmem:s22+$0x1C030] =	vst v0  }
0xeb: {  	[tilespmem:s22+$0x1C040] =	vst v0  }
0xec: {  	[tilespmem:s22+$0x1C050] =	vst v0  }
0xed: {  	[tilespmem:s22+$0x1C060] =	vst v0  }
0xee: {  	[tilespmem:s22+$0x1C070] =	vst v0  }
0xef: {  	[tilespmem:s22+$0x1C080] =	vst v0  }
0xf0: {  	[tilespmem:s22+$0x1C090] =	vst v0  }
0xf1: {  	[tilespmem:s22+$0x1C0A0] =	vst v0  }
0xf2: {  	[tilespmem:s22+$0x1C0B0] =	vst v0  }
0xf3: {  	[tilespmem:s22+$0x1C0C0] =	vst v0  }
0xf4: {  	[tilespmem:s22+$0x1C0D0] =	vst v0  }
0xf5: {  	[tilespmem:s22+$0x1C0E0] =	vst v0  }
0xf6: {  	[tilespmem:s22+$0x1C0F0] =	vst v0  }
0xf7: {  	[tilespmem:s22+$0x1C100] =	vst v0  }
0xf8: {  	[tilespmem:s22+$0x1C110] =	vst v0  }
0xf9: {  	[tilespmem:s22+$0x1C120] =	vst v0  }
0xfa: {  	[tilespmem:s22+$0x1C130] =	vst v0  }
0xfb: {  	[tilespmem:s22+$0x1C140] =	vst v0  }
0xfc: {  	[tilespmem:s22+$0x1C150] =	vst v0  }
0xfd: {  	[tilespmem:s22+$0x1C160] =	vst v0  }
0xfe: {  	[tilespmem:s22+$0x1C170] =	vst v0  }
0xff: {  	[tilespmem:s22+$0x1C180] =	vst v0  }
0x100: {  	[tilespmem:s22+$0x1C190] =	vst v0  }
0x101: {  	[tilespmem:s22+$0x1C1A0] =	vst v0  }
0x102: {  	[tilespmem:s22+$0x1C1B0] =	vst v0  }
0x103: {  	[tilespmem:s22+$0x1C1C0] =	vst v0  }
0x104: {  	[tilespmem:s22+$0x1C1D0] =	vst v0  }
0x105: {  	[tilespmem:s22+$0x1C1E0] =	vst v0  }
0x106: {  	[tilespmem:s22+$0x1C1F0] =	vst v0  }
0x107: {  	[tilespmem:s22+$0x1C200] =	vst v0  }
0x108: {  	[tilespmem:s22+$0x1C210] =	vst v0  }
0x109: {  	[tilespmem:s22+$0x1C220] =	vst v0  }
0x10a: {  	[tilespmem:s22+$0x1C230] =	vst v0  }
0x10b: {  	[tilespmem:s22+$0x1C240] =	vst v0  }
0x10c: {  	[tilespmem:s22+$0x1C250] =	vst v0  }
0x10d: {  	[tilespmem:s22+$0x1C260] =	vst v0  }
0x10e: {  	[tilespmem:s22+$0x1C270] =	vst v0  }
0x10f: {  	[tilespmem:s22+$0x1C280] =	vst v0  }
0x110: {  	[tilespmem:s22+$0x1C290] =	vst v0  }
0x111: {  	[tilespmem:s22+$0x1C2A0] =	vst v0  }
0x112: {  	[tilespmem:s22+$0x1C2B0] =	vst v0  }
0x113: {  	[tilespmem:s22+$0x1C2C0] =	vst v0  }
0x114: {  	[tilespmem:s22+$0x1C2D0] =	vst v0  }
0x115: {  	[tilespmem:s22+$0x1C2E0] =	vst v0  }
0x116: {  	[tilespmem:s22+$0x1C2F0] =	vst v0  }
0x117: {  	[tilespmem:s22+$0x1C300] =	vst v0  }
0x118: {  	[tilespmem:s22+$0x1C310] =	vst v0  }
0x119: {  	[tilespmem:s22+$0x1C320] =	vst v0  }
0x11a: {  	[tilespmem:s22+$0x1C330] =	vst v0  }
0x11b: {  	[tilespmem:s22+$0x1C340] =	vst v0  }
0x11c: {  	[tilespmem:s22+$0x1C350] =	vst v0  }
0x11d: {  	[tilespmem:s22+$0x1C360] =	vst v0  }
0x11e: {  	[tilespmem:s22+$0x1C370] =	vst v0  }
0x11f: {  	[tilespmem:s22+$0x1C380] =	vst v0  }
0x120: {  	[tilespmem:s22+$0x1C390] =	vst v0  }
0x121: {  	[tilespmem:s22+$0x1C3A0] =	vst v0  }
0x122: {  	[tilespmem:s22+$0x1C3B0] =	vst v0  }
0x123: {  	s23 =	sadd.s32 $0x1, s4;
	[tilespmem:s22+$0x1C3C0] =	vst v0  }
0x124: {  	s24 =	sshll.u32 s23, $0xC;
	s23 =	sadd.s32 $0x1, s23;
	[tilespmem:s22+$0x1C3D0] =	vst v0  }
.LBB2_3:
0x125: {  	p1 =	sne.s32 s23, $0x3;
	[tilespmem:s22+$0x1C3E0] =	vst v0;
	s22 =	sand.u32 $0x3FFFF000, s24  }
0x126: {  	[tilespmem:s22+$0x1C3F0] =	vst v0  }
0x127: {  	[tilespmem:s22+$0x1B400] =	vst v0  }
0x128: {  	[tilespmem:s22+$0x1B410] =	vst v0  }
0x129: {  	[tilespmem:s22+$0x1B420] =	vst v0  }
0x12a: {  	[tilespmem:s22+$0x1B430] =	vst v0  }
0x12b: {  	[tilespmem:s22+$0x1B440] =	vst v0  }
0x12c: {  	[tilespmem:s22+$0x1B450] =	vst v0  }
0x12d: {  	[tilespmem:s22+$0x1B460] =	vst v0  }
0x12e: {  	[tilespmem:s22+$0x1B470] =	vst v0  }
0x12f: {  	[tilespmem:s22+$0x1B480] =	vst v0  }
0x130: {  	[tilespmem:s22+$0x1B490] =	vst v0  }
0x131: {  	[tilespmem:s22+$0x1B4A0] =	vst v0  }
0x132: {  	[tilespmem:s22+$0x1B4B0] =	vst v0  }
0x133: {  	[tilespmem:s22+$0x1B4C0] =	vst v0  }
0x134: {  	[tilespmem:s22+$0x1B4D0] =	vst v0  }
0x135: {  	[tilespmem:s22+$0x1B4E0] =	vst v0  }
0x136: {  	[tilespmem:s22+$0x1B4F0] =	vst v0  }
0x137: {  	[tilespmem:s22+$0x1B500] =	vst v0  }
0x138: {  	[tilespmem:s22+$0x1B510] =	vst v0  }
0x139: {  	[tilespmem:s22+$0x1B520] =	vst v0  }
0x13a: {  	[tilespmem:s22+$0x1B530] =	vst v0  }
0x13b: {  	[tilespmem:s22+$0x1B540] =	vst v0  }
0x13c: {  	[tilespmem:s22+$0x1B550] =	vst v0  }
0x13d: {  	[tilespmem:s22+$0x1B560] =	vst v0  }
0x13e: {  	[tilespmem:s22+$0x1B570] =	vst v0  }
0x13f: {  	[tilespmem:s22+$0x1B580] =	vst v0  }
0x140: {  	[tilespmem:s22+$0x1B590] =	vst v0  }
0x141: {  	[tilespmem:s22+$0x1B5A0] =	vst v0  }
0x142: {  	[tilespmem:s22+$0x1B5B0] =	vst v0  }
0x143: {  	[tilespmem:s22+$0x1B5C0] =	vst v0  }
0x144: {  	[tilespmem:s22+$0x1B5D0] =	vst v0  }
0x145: {  	[tilespmem:s22+$0x1B5E0] =	vst v0  }
0x146: {  	[tilespmem:s22+$0x1B5F0] =	vst v0  }
0x147: {  	[tilespmem:s22+$0x1B600] =	vst v0  }
0x148: {  	[tilespmem:s22+$0x1B610] =	vst v0  }
0x149: {  	[tilespmem:s22+$0x1B620] =	vst v0  }
0x14a: {  	[tilespmem:s22+$0x1B630] =	vst v0  }
0x14b: {  	[tilespmem:s22+$0x1B640] =	vst v0  }
0x14c: {  	[tilespmem:s22+$0x1B650] =	vst v0  }
0x14d: {  	[tilespmem:s22+$0x1B660] =	vst v0  }
0x14e: {  	[tilespmem:s22+$0x1B670] =	vst v0  }
0x14f: {  	[tilespmem:s22+$0x1B680] =	vst v0  }
0x150: {  	[tilespmem:s22+$0x1B690] =	vst v0  }
0x151: {  	[tilespmem:s22+$0x1B6A0] =	vst v0  }
0x152: {  	[tilespmem:s22+$0x1B6B0] =	vst v0  }
0x153: {  	[tilespmem:s22+$0x1B6C0] =	vst v0  }
0x154: {  	[tilespmem:s22+$0x1B6D0] =	vst v0  }
0x155: {  	[tilespmem:s22+$0x1B6E0] =	vst v0  }
0x156: {  	[tilespmem:s22+$0x1B6F0] =	vst v0  }
0x157: {  	[tilespmem:s22+$0x1B700] =	vst v0  }
0x158: {  	[tilespmem:s22+$0x1B710] =	vst v0  }
0x159: {  	[tilespmem:s22+$0x1B720] =	vst v0  }
0x15a: {  	[tilespmem:s22+$0x1B730] =	vst v0  }
0x15b: {  	[tilespmem:s22+$0x1B740] =	vst v0  }
0x15c: {  	[tilespmem:s22+$0x1B750] =	vst v0  }
0x15d: {  	[tilespmem:s22+$0x1B760] =	vst v0  }
0x15e: {  	[tilespmem:s22+$0x1B770] =	vst v0  }
0x15f: {  	[tilespmem:s22+$0x1B780] =	vst v0  }
0x160: {  	[tilespmem:s22+$0x1B790] =	vst v0  }
0x161: {  	[tilespmem:s22+$0x1B7A0] =	vst v0  }
0x162: {  	[tilespmem:s22+$0x1B7B0] =	vst v0  }
0x163: {  	[tilespmem:s22+$0x1B7C0] =	vst v0  }
0x164: {  	[tilespmem:s22+$0x1B7D0] =	vst v0  }
0x165: {  	[tilespmem:s22+$0x1B7E0] =	vst v0  }
0x166: {  	[tilespmem:s22+$0x1B7F0] =	vst v0  }
0x167: {  	[tilespmem:s22+$0x1B800] =	vst v0  }
0x168: {  	[tilespmem:s22+$0x1B810] =	vst v0  }
0x169: {  	[tilespmem:s22+$0x1B820] =	vst v0  }
0x16a: {  	[tilespmem:s22+$0x1B830] =	vst v0  }
0x16b: {  	[tilespmem:s22+$0x1B840] =	vst v0  }
0x16c: {  	[tilespmem:s22+$0x1B850] =	vst v0  }
0x16d: {  	[tilespmem:s22+$0x1B860] =	vst v0  }
0x16e: {  	[tilespmem:s22+$0x1B870] =	vst v0  }
0x16f: {  	[tilespmem:s22+$0x1B880] =	vst v0  }
0x170: {  	[tilespmem:s22+$0x1B890] =	vst v0  }
0x171: {  	[tilespmem:s22+$0x1B8A0] =	vst v0  }
0x172: {  	[tilespmem:s22+$0x1B8B0] =	vst v0  }
0x173: {  	[tilespmem:s22+$0x1B8C0] =	vst v0  }
0x174: {  	[tilespmem:s22+$0x1B8D0] =	vst v0  }
0x175: {  	[tilespmem:s22+$0x1B8E0] =	vst v0  }
0x176: {  	[tilespmem:s22+$0x1B8F0] =	vst v0  }
0x177: {  	[tilespmem:s22+$0x1B900] =	vst v0  }
0x178: {  	[tilespmem:s22+$0x1B910] =	vst v0  }
0x179: {  	[tilespmem:s22+$0x1B920] =	vst v0  }
0x17a: {  	[tilespmem:s22+$0x1B930] =	vst v0  }
0x17b: {  	[tilespmem:s22+$0x1B940] =	vst v0  }
0x17c: {  	[tilespmem:s22+$0x1B950] =	vst v0  }
0x17d: {  	[tilespmem:s22+$0x1B960] =	vst v0  }
0x17e: {  	[tilespmem:s22+$0x1B970] =	vst v0  }
0x17f: {  	[tilespmem:s22+$0x1B980] =	vst v0  }
0x180: {  	[tilespmem:s22+$0x1B990] =	vst v0  }
0x181: {  	[tilespmem:s22+$0x1B9A0] =	vst v0  }
0x182: {  	[tilespmem:s22+$0x1B9B0] =	vst v0  }
0x183: {  	[tilespmem:s22+$0x1B9C0] =	vst v0  }
0x184: {  	[tilespmem:s22+$0x1B9D0] =	vst v0  }
0x185: {  	[tilespmem:s22+$0x1B9E0] =	vst v0  }
0x186: {  	[tilespmem:s22+$0x1B9F0] =	vst v0  }
0x187: {  	[tilespmem:s22+$0x1BA00] =	vst v0  }
0x188: {  	[tilespmem:s22+$0x1BA10] =	vst v0  }
0x189: {  	[tilespmem:s22+$0x1BA20] =	vst v0  }
0x18a: {  	[tilespmem:s22+$0x1BA30] =	vst v0  }
0x18b: {  	[tilespmem:s22+$0x1BA40] =	vst v0  }
0x18c: {  	[tilespmem:s22+$0x1BA50] =	vst v0  }
0x18d: {  	[tilespmem:s22+$0x1BA60] =	vst v0  }
0x18e: {  	[tilespmem:s22+$0x1BA70] =	vst v0  }
0x18f: {  	[tilespmem:s22+$0x1BA80] =	vst v0  }
0x190: {  	[tilespmem:s22+$0x1BA90] =	vst v0  }
0x191: {  	[tilespmem:s22+$0x1BAA0] =	vst v0  }
0x192: {  	[tilespmem:s22+$0x1BAB0] =	vst v0  }
0x193: {  	[tilespmem:s22+$0x1BAC0] =	vst v0  }
0x194: {  	[tilespmem:s22+$0x1BAD0] =	vst v0  }
0x195: {  	[tilespmem:s22+$0x1BAE0] =	vst v0  }
0x196: {  	[tilespmem:s22+$0x1BAF0] =	vst v0  }
0x197: {  	[tilespmem:s22+$0x1BB00] =	vst v0  }
0x198: {  	[tilespmem:s22+$0x1BB10] =	vst v0  }
0x199: {  	[tilespmem:s22+$0x1BB20] =	vst v0  }
0x19a: {  	[tilespmem:s22+$0x1BB30] =	vst v0  }
0x19b: {  	[tilespmem:s22+$0x1BB40] =	vst v0  }
0x19c: {  	[tilespmem:s22+$0x1BB50] =	vst v0  }
0x19d: {  	[tilespmem:s22+$0x1BB60] =	vst v0  }
0x19e: {  	[tilespmem:s22+$0x1BB70] =	vst v0  }
0x19f: {  	[tilespmem:s22+$0x1BB80] =	vst v0  }
0x1a0: {  	[tilespmem:s22+$0x1BB90] =	vst v0  }
0x1a1: {  	[tilespmem:s22+$0x1BBA0] =	vst v0  }
0x1a2: {  	[tilespmem:s22+$0x1BBB0] =	vst v0  }
0x1a3: {  	[tilespmem:s22+$0x1BBC0] =	vst v0  }
0x1a4: {  	[tilespmem:s22+$0x1BBD0] =	vst v0  }
0x1a5: {  	[tilespmem:s22+$0x1BBE0] =	vst v0  }
0x1a6: {  	[tilespmem:s22+$0x1BBF0] =	vst v0  }
0x1a7: {  	[tilespmem:s22+$0x1BC00] =	vst v0  }
0x1a8: {  	[tilespmem:s22+$0x1BC10] =	vst v0  }
0x1a9: {  	[tilespmem:s22+$0x1BC20] =	vst v0  }
0x1aa: {  	[tilespmem:s22+$0x1BC30] =	vst v0  }
0x1ab: {  	[tilespmem:s22+$0x1BC40] =	vst v0  }
0x1ac: {  	[tilespmem:s22+$0x1BC50] =	vst v0  }
0x1ad: {  	[tilespmem:s22+$0x1BC60] =	vst v0  }
0x1ae: {  	[tilespmem:s22+$0x1BC70] =	vst v0  }
0x1af: {  	[tilespmem:s22+$0x1BC80] =	vst v0  }
0x1b0: {  	[tilespmem:s22+$0x1BC90] =	vst v0  }
0x1b1: {  	[tilespmem:s22+$0x1BCA0] =	vst v0  }
0x1b2: {  	[tilespmem:s22+$0x1BCB0] =	vst v0  }
0x1b3: {  	[tilespmem:s22+$0x1BCC0] =	vst v0  }
0x1b4: {  	[tilespmem:s22+$0x1BCD0] =	vst v0  }
0x1b5: {  	[tilespmem:s22+$0x1BCE0] =	vst v0  }
0x1b6: {  	[tilespmem:s22+$0x1BCF0] =	vst v0  }
0x1b7: {  	[tilespmem:s22+$0x1BD00] =	vst v0  }
0x1b8: {  	[tilespmem:s22+$0x1BD10] =	vst v0  }
0x1b9: {  	[tilespmem:s22+$0x1BD20] =	vst v0  }
0x1ba: {  	[tilespmem:s22+$0x1BD30] =	vst v0  }
0x1bb: {  	[tilespmem:s22+$0x1BD40] =	vst v0  }
0x1bc: {  	[tilespmem:s22+$0x1BD50] =	vst v0  }
0x1bd: {  	[tilespmem:s22+$0x1BD60] =	vst v0  }
0x1be: {  	[tilespmem:s22+$0x1BD70] =	vst v0  }
0x1bf: {  	[tilespmem:s22+$0x1BD80] =	vst v0  }
0x1c0: {  	[tilespmem:s22+$0x1BD90] =	vst v0  }
0x1c1: {  	[tilespmem:s22+$0x1BDA0] =	vst v0  }
0x1c2: {  	[tilespmem:s22+$0x1BDB0] =	vst v0  }
0x1c3: {  	[tilespmem:s22+$0x1BDC0] =	vst v0  }
0x1c4: {  	[tilespmem:s22+$0x1BDD0] =	vst v0  }
0x1c5: {  	[tilespmem:s22+$0x1BDE0] =	vst v0  }
0x1c6: {  	[tilespmem:s22+$0x1BDF0] =	vst v0  }
0x1c7: {  	[tilespmem:s22+$0x1BE00] =	vst v0  }
0x1c8: {  	[tilespmem:s22+$0x1BE10] =	vst v0  }
0x1c9: {  	[tilespmem:s22+$0x1BE20] =	vst v0  }
0x1ca: {  	[tilespmem:s22+$0x1BE30] =	vst v0  }
0x1cb: {  	[tilespmem:s22+$0x1BE40] =	vst v0  }
0x1cc: {  	[tilespmem:s22+$0x1BE50] =	vst v0  }
0x1cd: {  	[tilespmem:s22+$0x1BE60] =	vst v0  }
0x1ce: {  	[tilespmem:s22+$0x1BE70] =	vst v0  }
0x1cf: {  	[tilespmem:s22+$0x1BE80] =	vst v0  }
0x1d0: {  	[tilespmem:s22+$0x1BE90] =	vst v0  }
0x1d1: {  	[tilespmem:s22+$0x1BEA0] =	vst v0  }
0x1d2: {  	[tilespmem:s22+$0x1BEB0] =	vst v0  }
0x1d3: {  	[tilespmem:s22+$0x1BEC0] =	vst v0  }
0x1d4: {  	[tilespmem:s22+$0x1BED0] =	vst v0  }
0x1d5: {  	[tilespmem:s22+$0x1BEE0] =	vst v0  }
0x1d6: {  	[tilespmem:s22+$0x1BEF0] =	vst v0  }
0x1d7: {  	[tilespmem:s22+$0x1BF00] =	vst v0  }
0x1d8: {  	[tilespmem:s22+$0x1BF10] =	vst v0  }
0x1d9: {  	[tilespmem:s22+$0x1BF20] =	vst v0  }
0x1da: {  	[tilespmem:s22+$0x1BF30] =	vst v0  }
0x1db: {  	[tilespmem:s22+$0x1BF40] =	vst v0  }
0x1dc: {  	[tilespmem:s22+$0x1BF50] =	vst v0  }
0x1dd: {  	[tilespmem:s22+$0x1BF60] =	vst v0  }
0x1de: {  	[tilespmem:s22+$0x1BF70] =	vst v0  }
0x1df: {  	[tilespmem:s22+$0x1BF80] =	vst v0  }
0x1e0: {  	[tilespmem:s22+$0x1BF90] =	vst v0  }
0x1e1: {  	[tilespmem:s22+$0x1BFA0] =	vst v0  }
0x1e2: {  	[tilespmem:s22+$0x1BFB0] =	vst v0  }
0x1e3: {  	[tilespmem:s22+$0x1BFC0] =	vst v0  }
0x1e4: {  	[tilespmem:s22+$0x1BFD0] =	vst v0  }
0x1e5: {  	[tilespmem:s22+$0x1BFE0] =	vst v0  }
0x1e6: {  	[tilespmem:s22+$0x1BFF0] =	vst v0  }
0x1e7: {  	[tilespmem:s22+$0x1C000] =	vst v0  }
0x1e8: {  	[tilespmem:s22+$0x1C010] =	vst v0  }
0x1e9: {  	[tilespmem:s22+$0x1C020] =	vst v0  }
0x1ea: {  	[tilespmem:s22+$0x1C030] =	vst v0  }
0x1eb: {  	[tilespmem:s22+$0x1C040] =	vst v0  }
0x1ec: {  	[tilespmem:s22+$0x1C050] =	vst v0  }
0x1ed: {  	[tilespmem:s22+$0x1C060] =	vst v0  }
0x1ee: {  	[tilespmem:s22+$0x1C070] =	vst v0  }
0x1ef: {  	[tilespmem:s22+$0x1C080] =	vst v0  }
0x1f0: {  	[tilespmem:s22+$0x1C090] =	vst v0  }
0x1f1: {  	[tilespmem:s22+$0x1C0A0] =	vst v0  }
0x1f2: {  	[tilespmem:s22+$0x1C0B0] =	vst v0  }
0x1f3: {  	[tilespmem:s22+$0x1C0C0] =	vst v0  }
0x1f4: {  	[tilespmem:s22+$0x1C0D0] =	vst v0  }
0x1f5: {  	[tilespmem:s22+$0x1C0E0] =	vst v0  }
0x1f6: {  	[tilespmem:s22+$0x1C0F0] =	vst v0  }
0x1f7: {  	[tilespmem:s22+$0x1C100] =	vst v0  }
0x1f8: {  	[tilespmem:s22+$0x1C110] =	vst v0  }
0x1f9: {  	[tilespmem:s22+$0x1C120] =	vst v0  }
0x1fa: {  	[tilespmem:s22+$0x1C130] =	vst v0  }
0x1fb: {  	[tilespmem:s22+$0x1C140] =	vst v0  }
0x1fc: {  	[tilespmem:s22+$0x1C150] =	vst v0  }
0x1fd: {  	[tilespmem:s22+$0x1C160] =	vst v0  }
0x1fe: {  	[tilespmem:s22+$0x1C170] =	vst v0  }
0x1ff: {  	[tilespmem:s22+$0x1C180] =	vst v0  }
0x200: {  	[tilespmem:s22+$0x1C190] =	vst v0  }
0x201: {  	[tilespmem:s22+$0x1C1A0] =	vst v0  }
0x202: {  	[tilespmem:s22+$0x1C1B0] =	vst v0  }
0x203: {  	[tilespmem:s22+$0x1C1C0] =	vst v0  }
0x204: {  	[tilespmem:s22+$0x1C1D0] =	vst v0  }
0x205: {  	[tilespmem:s22+$0x1C1E0] =	vst v0  }
0x206: {  	[tilespmem:s22+$0x1C1F0] =	vst v0  }
0x207: {  	[tilespmem:s22+$0x1C200] =	vst v0  }
0x208: {  	[tilespmem:s22+$0x1C210] =	vst v0  }
0x209: {  	[tilespmem:s22+$0x1C220] =	vst v0  }
0x20a: {  	[tilespmem:s22+$0x1C230] =	vst v0  }
0x20b: {  	[tilespmem:s22+$0x1C240] =	vst v0  }
0x20c: {  	[tilespmem:s22+$0x1C250] =	vst v0  }
0x20d: {  	[tilespmem:s22+$0x1C260] =	vst v0  }
0x20e: {  	[tilespmem:s22+$0x1C270] =	vst v0  }
0x20f: {  	[tilespmem:s22+$0x1C280] =	vst v0  }
0x210: {  	[tilespmem:s22+$0x1C290] =	vst v0  }
0x211: {  	[tilespmem:s22+$0x1C2A0] =	vst v0  }
0x212: {  	[tilespmem:s22+$0x1C2B0] =	vst v0  }
0x213: {  	[tilespmem:s22+$0x1C2C0] =	vst v0  }
0x214: {  	[tilespmem:s22+$0x1C2D0] =	vst v0  }
0x215: {  	[tilespmem:s22+$0x1C2E0] =	vst v0  }
0x216: {  	[tilespmem:s22+$0x1C2F0] =	vst v0  }
0x217: {  	[tilespmem:s22+$0x1C300] =	vst v0  }
0x218: {  	[tilespmem:s22+$0x1C310] =	vst v0  }
0x219: {  	[tilespmem:s22+$0x1C320] =	vst v0  }
0x21a: {  	[tilespmem:s22+$0x1C330] =	vst v0  }
0x21b: {  	[tilespmem:s22+$0x1C340] =	vst v0  }
0x21c: {  	[tilespmem:s22+$0x1C350] =	vst v0  }
0x21d: {  	[tilespmem:s22+$0x1C360] =	vst v0  }
0x21e: {  	[tilespmem:s22+$0x1C370] =	vst v0  }
0x21f: {  	[tilespmem:s22+$0x1C380] =	vst v0  }
.Ltmp3:
0x220: {  	[tilespmem:s22+$0x1C390] =	vst v0;
	(pc) =	sbr.rel @p1 .LBB2_3-.Ltmp3, $4  }
0x221: {  	[tilespmem:s22+$0x1C3A0] =	vst v0  }
0x222: {  	[tilespmem:s22+$0x1C3B0] =	vst v0  }
0x223: {  	[tilespmem:s22+$0x1C3C0] =	vst v0  }
0x224: {  	s24 =	sshll.u32 s23, $0xC;
	s23 =	sadd.s32 $0x1, s23;
	[tilespmem:s22+$0x1C3D0] =	vst v0  }
0x225: {  	s23 =	sand.u32 $0x3FFFF000, s24;
	[tilespmem:s22+$0x1C3E0] =	vst v0  }
0x226: {  	[tilespmem:s23+$0x1C3F0] =	vst v0  }
0x227: {  	[tilespmem:s23+$0x1B400] =	vst v0  }
0x228: {  	[tilespmem:s23+$0x1B410] =	vst v0  }
0x229: {  	[tilespmem:s23+$0x1B420] =	vst v0  }
0x22a: {  	[tilespmem:s23+$0x1B430] =	vst v0  }
0x22b: {  	[tilespmem:s23+$0x1B440] =	vst v0  }
0x22c: {  	[tilespmem:s23+$0x1B450] =	vst v0  }
0x22d: {  	[tilespmem:s23+$0x1B460] =	vst v0  }
0x22e: {  	[tilespmem:s23+$0x1B470] =	vst v0  }
0x22f: {  	[tilespmem:s23+$0x1B480] =	vst v0  }
0x230: {  	[tilespmem:s23+$0x1B490] =	vst v0  }
0x231: {  	[tilespmem:s23+$0x1B4A0] =	vst v0  }
0x232: {  	[tilespmem:s23+$0x1B4B0] =	vst v0  }
0x233: {  	[tilespmem:s23+$0x1B4C0] =	vst v0  }
0x234: {  	[tilespmem:s23+$0x1B4D0] =	vst v0  }
0x235: {  	[tilespmem:s23+$0x1B4E0] =	vst v0  }
0x236: {  	[tilespmem:s23+$0x1B4F0] =	vst v0  }
0x237: {  	[tilespmem:s23+$0x1B500] =	vst v0  }
0x238: {  	[tilespmem:s23+$0x1B510] =	vst v0  }
0x239: {  	[tilespmem:s23+$0x1B520] =	vst v0  }
0x23a: {  	[tilespmem:s23+$0x1B530] =	vst v0  }
0x23b: {  	[tilespmem:s23+$0x1B540] =	vst v0  }
0x23c: {  	[tilespmem:s23+$0x1B550] =	vst v0  }
0x23d: {  	[tilespmem:s23+$0x1B560] =	vst v0  }
0x23e: {  	[tilespmem:s23+$0x1B570] =	vst v0  }
0x23f: {  	[tilespmem:s23+$0x1B580] =	vst v0  }
0x240: {  	[tilespmem:s23+$0x1B590] =	vst v0  }
0x241: {  	[tilespmem:s23+$0x1B5A0] =	vst v0  }
0x242: {  	[tilespmem:s23+$0x1B5B0] =	vst v0  }
0x243: {  	[tilespmem:s23+$0x1B5C0] =	vst v0  }
0x244: {  	[tilespmem:s23+$0x1B5D0] =	vst v0  }
0x245: {  	[tilespmem:s23+$0x1B5E0] =	vst v0  }
0x246: {  	[tilespmem:s23+$0x1B5F0] =	vst v0  }
0x247: {  	[tilespmem:s23+$0x1B600] =	vst v0  }
0x248: {  	[tilespmem:s23+$0x1B610] =	vst v0  }
0x249: {  	[tilespmem:s23+$0x1B620] =	vst v0  }
0x24a: {  	[tilespmem:s23+$0x1B630] =	vst v0  }
0x24b: {  	[tilespmem:s23+$0x1B640] =	vst v0  }
0x24c: {  	[tilespmem:s23+$0x1B650] =	vst v0  }
0x24d: {  	[tilespmem:s23+$0x1B660] =	vst v0  }
0x24e: {  	[tilespmem:s23+$0x1B670] =	vst v0  }
0x24f: {  	[tilespmem:s23+$0x1B680] =	vst v0  }
0x250: {  	[tilespmem:s23+$0x1B690] =	vst v0  }
0x251: {  	[tilespmem:s23+$0x1B6A0] =	vst v0  }
0x252: {  	[tilespmem:s23+$0x1B6B0] =	vst v0  }
0x253: {  	[tilespmem:s23+$0x1B6C0] =	vst v0  }
0x254: {  	[tilespmem:s23+$0x1B6D0] =	vst v0  }
0x255: {  	[tilespmem:s23+$0x1B6E0] =	vst v0  }
0x256: {  	[tilespmem:s23+$0x1B6F0] =	vst v0  }
0x257: {  	[tilespmem:s23+$0x1B700] =	vst v0  }
0x258: {  	[tilespmem:s23+$0x1B710] =	vst v0  }
0x259: {  	[tilespmem:s23+$0x1B720] =	vst v0  }
0x25a: {  	[tilespmem:s23+$0x1B730] =	vst v0  }
0x25b: {  	[tilespmem:s23+$0x1B740] =	vst v0  }
0x25c: {  	[tilespmem:s23+$0x1B750] =	vst v0  }
0x25d: {  	[tilespmem:s23+$0x1B760] =	vst v0  }
0x25e: {  	[tilespmem:s23+$0x1B770] =	vst v0  }
0x25f: {  	[tilespmem:s23+$0x1B780] =	vst v0  }
0x260: {  	[tilespmem:s23+$0x1B790] =	vst v0  }
0x261: {  	[tilespmem:s23+$0x1B7A0] =	vst v0  }
0x262: {  	[tilespmem:s23+$0x1B7B0] =	vst v0  }
0x263: {  	[tilespmem:s23+$0x1B7C0] =	vst v0  }
0x264: {  	[tilespmem:s23+$0x1B7D0] =	vst v0  }
0x265: {  	[tilespmem:s23+$0x1B7E0] =	vst v0  }
0x266: {  	[tilespmem:s23+$0x1B7F0] =	vst v0  }
0x267: {  	[tilespmem:s23+$0x1B800] =	vst v0  }
0x268: {  	[tilespmem:s23+$0x1B810] =	vst v0  }
0x269: {  	[tilespmem:s23+$0x1B820] =	vst v0  }
0x26a: {  	[tilespmem:s23+$0x1B830] =	vst v0  }
0x26b: {  	[tilespmem:s23+$0x1B840] =	vst v0  }
0x26c: {  	[tilespmem:s23+$0x1B850] =	vst v0  }
0x26d: {  	[tilespmem:s23+$0x1B860] =	vst v0  }
0x26e: {  	[tilespmem:s23+$0x1B870] =	vst v0  }
0x26f: {  	[tilespmem:s23+$0x1B880] =	vst v0  }
0x270: {  	[tilespmem:s23+$0x1B890] =	vst v0  }
0x271: {  	[tilespmem:s23+$0x1B8A0] =	vst v0  }
0x272: {  	[tilespmem:s23+$0x1B8B0] =	vst v0  }
0x273: {  	[tilespmem:s23+$0x1B8C0] =	vst v0  }
0x274: {  	[tilespmem:s23+$0x1B8D0] =	vst v0  }
0x275: {  	[tilespmem:s23+$0x1B8E0] =	vst v0  }
0x276: {  	[tilespmem:s23+$0x1B8F0] =	vst v0  }
0x277: {  	[tilespmem:s23+$0x1B900] =	vst v0  }
0x278: {  	[tilespmem:s23+$0x1B910] =	vst v0  }
0x279: {  	[tilespmem:s23+$0x1B920] =	vst v0  }
0x27a: {  	[tilespmem:s23+$0x1B930] =	vst v0  }
0x27b: {  	[tilespmem:s23+$0x1B940] =	vst v0  }
0x27c: {  	[tilespmem:s23+$0x1B950] =	vst v0  }
0x27d: {  	[tilespmem:s23+$0x1B960] =	vst v0  }
0x27e: {  	[tilespmem:s23+$0x1B970] =	vst v0  }
0x27f: {  	[tilespmem:s23+$0x1B980] =	vst v0  }
0x280: {  	[tilespmem:s23+$0x1B990] =	vst v0  }
0x281: {  	[tilespmem:s23+$0x1B9A0] =	vst v0  }
0x282: {  	[tilespmem:s23+$0x1B9B0] =	vst v0  }
0x283: {  	[tilespmem:s23+$0x1B9C0] =	vst v0  }
0x284: {  	[tilespmem:s23+$0x1B9D0] =	vst v0  }
0x285: {  	[tilespmem:s23+$0x1B9E0] =	vst v0  }
0x286: {  	[tilespmem:s23+$0x1B9F0] =	vst v0  }
0x287: {  	[tilespmem:s23+$0x1BA00] =	vst v0  }
0x288: {  	[tilespmem:s23+$0x1BA10] =	vst v0  }
0x289: {  	[tilespmem:s23+$0x1BA20] =	vst v0  }
0x28a: {  	[tilespmem:s23+$0x1BA30] =	vst v0  }
0x28b: {  	[tilespmem:s23+$0x1BA40] =	vst v0  }
0x28c: {  	[tilespmem:s23+$0x1BA50] =	vst v0  }
0x28d: {  	[tilespmem:s23+$0x1BA60] =	vst v0  }
0x28e: {  	[tilespmem:s23+$0x1BA70] =	vst v0  }
0x28f: {  	[tilespmem:s23+$0x1BA80] =	vst v0  }
0x290: {  	[tilespmem:s23+$0x1BA90] =	vst v0  }
0x291: {  	[tilespmem:s23+$0x1BAA0] =	vst v0  }
0x292: {  	[tilespmem:s23+$0x1BAB0] =	vst v0  }
0x293: {  	[tilespmem:s23+$0x1BAC0] =	vst v0  }
0x294: {  	[tilespmem:s23+$0x1BAD0] =	vst v0  }
0x295: {  	[tilespmem:s23+$0x1BAE0] =	vst v0  }
0x296: {  	[tilespmem:s23+$0x1BAF0] =	vst v0  }
0x297: {  	[tilespmem:s23+$0x1BB00] =	vst v0  }
0x298: {  	[tilespmem:s23+$0x1BB10] =	vst v0  }
0x299: {  	[tilespmem:s23+$0x1BB20] =	vst v0  }
0x29a: {  	[tilespmem:s23+$0x1BB30] =	vst v0  }
0x29b: {  	[tilespmem:s23+$0x1BB40] =	vst v0  }
0x29c: {  	[tilespmem:s23+$0x1BB50] =	vst v0  }
0x29d: {  	[tilespmem:s23+$0x1BB60] =	vst v0  }
0x29e: {  	[tilespmem:s23+$0x1BB70] =	vst v0  }
0x29f: {  	[tilespmem:s23+$0x1BB80] =	vst v0  }
0x2a0: {  	[tilespmem:s23+$0x1BB90] =	vst v0  }
0x2a1: {  	[tilespmem:s23+$0x1BBA0] =	vst v0  }
0x2a2: {  	[tilespmem:s23+$0x1BBB0] =	vst v0  }
0x2a3: {  	[tilespmem:s23+$0x1BBC0] =	vst v0  }
0x2a4: {  	[tilespmem:s23+$0x1BBD0] =	vst v0  }
0x2a5: {  	[tilespmem:s23+$0x1BBE0] =	vst v0  }
0x2a6: {  	[tilespmem:s23+$0x1BBF0] =	vst v0  }
0x2a7: {  	[tilespmem:s23+$0x1BC00] =	vst v0  }
0x2a8: {  	[tilespmem:s23+$0x1BC10] =	vst v0  }
0x2a9: {  	[tilespmem:s23+$0x1BC20] =	vst v0  }
0x2aa: {  	[tilespmem:s23+$0x1BC30] =	vst v0  }
0x2ab: {  	[tilespmem:s23+$0x1BC40] =	vst v0  }
0x2ac: {  	[tilespmem:s23+$0x1BC50] =	vst v0  }
0x2ad: {  	[tilespmem:s23+$0x1BC60] =	vst v0  }
0x2ae: {  	[tilespmem:s23+$0x1BC70] =	vst v0  }
0x2af: {  	[tilespmem:s23+$0x1BC80] =	vst v0  }
0x2b0: {  	[tilespmem:s23+$0x1BC90] =	vst v0  }
0x2b1: {  	[tilespmem:s23+$0x1BCA0] =	vst v0  }
0x2b2: {  	[tilespmem:s23+$0x1BCB0] =	vst v0  }
0x2b3: {  	[tilespmem:s23+$0x1BCC0] =	vst v0  }
0x2b4: {  	[tilespmem:s23+$0x1BCD0] =	vst v0  }
0x2b5: {  	[tilespmem:s23+$0x1BCE0] =	vst v0  }
0x2b6: {  	[tilespmem:s23+$0x1BCF0] =	vst v0  }
0x2b7: {  	[tilespmem:s23+$0x1BD00] =	vst v0  }
0x2b8: {  	[tilespmem:s23+$0x1BD10] =	vst v0  }
0x2b9: {  	[tilespmem:s23+$0x1BD20] =	vst v0  }
0x2ba: {  	[tilespmem:s23+$0x1BD30] =	vst v0  }
0x2bb: {  	[tilespmem:s23+$0x1BD40] =	vst v0  }
0x2bc: {  	[tilespmem:s23+$0x1BD50] =	vst v0  }
0x2bd: {  	[tilespmem:s23+$0x1BD60] =	vst v0  }
0x2be: {  	[tilespmem:s23+$0x1BD70] =	vst v0  }
0x2bf: {  	[tilespmem:s23+$0x1BD80] =	vst v0  }
0x2c0: {  	[tilespmem:s23+$0x1BD90] =	vst v0  }
0x2c1: {  	[tilespmem:s23+$0x1BDA0] =	vst v0  }
0x2c2: {  	[tilespmem:s23+$0x1BDB0] =	vst v0  }
0x2c3: {  	[tilespmem:s23+$0x1BDC0] =	vst v0  }
0x2c4: {  	[tilespmem:s23+$0x1BDD0] =	vst v0  }
0x2c5: {  	[tilespmem:s23+$0x1BDE0] =	vst v0  }
0x2c6: {  	[tilespmem:s23+$0x1BDF0] =	vst v0  }
0x2c7: {  	[tilespmem:s23+$0x1BE00] =	vst v0  }
0x2c8: {  	[tilespmem:s23+$0x1BE10] =	vst v0  }
0x2c9: {  	[tilespmem:s23+$0x1BE20] =	vst v0  }
0x2ca: {  	[tilespmem:s23+$0x1BE30] =	vst v0  }
0x2cb: {  	[tilespmem:s23+$0x1BE40] =	vst v0  }
0x2cc: {  	[tilespmem:s23+$0x1BE50] =	vst v0  }
0x2cd: {  	[tilespmem:s23+$0x1BE60] =	vst v0  }
0x2ce: {  	[tilespmem:s23+$0x1BE70] =	vst v0  }
0x2cf: {  	[tilespmem:s23+$0x1BE80] =	vst v0  }
0x2d0: {  	[tilespmem:s23+$0x1BE90] =	vst v0  }
0x2d1: {  	[tilespmem:s23+$0x1BEA0] =	vst v0  }
0x2d2: {  	[tilespmem:s23+$0x1BEB0] =	vst v0  }
0x2d3: {  	[tilespmem:s23+$0x1BEC0] =	vst v0  }
0x2d4: {  	[tilespmem:s23+$0x1BED0] =	vst v0  }
0x2d5: {  	[tilespmem:s23+$0x1BEE0] =	vst v0  }
0x2d6: {  	[tilespmem:s23+$0x1BEF0] =	vst v0  }
0x2d7: {  	[tilespmem:s23+$0x1BF00] =	vst v0  }
0x2d8: {  	[tilespmem:s23+$0x1BF10] =	vst v0  }
0x2d9: {  	[tilespmem:s23+$0x1BF20] =	vst v0  }
0x2da: {  	[tilespmem:s23+$0x1BF30] =	vst v0  }
0x2db: {  	[tilespmem:s23+$0x1BF40] =	vst v0  }
0x2dc: {  	[tilespmem:s23+$0x1BF50] =	vst v0  }
0x2dd: {  	[tilespmem:s23+$0x1BF60] =	vst v0  }
0x2de: {  	[tilespmem:s23+$0x1BF70] =	vst v0  }
0x2df: {  	[tilespmem:s23+$0x1BF80] =	vst v0  }
0x2e0: {  	[tilespmem:s23+$0x1BF90] =	vst v0  }
0x2e1: {  	[tilespmem:s23+$0x1BFA0] =	vst v0  }
0x2e2: {  	[tilespmem:s23+$0x1BFB0] =	vst v0  }
0x2e3: {  	[tilespmem:s23+$0x1BFC0] =	vst v0  }
0x2e4: {  	[tilespmem:s23+$0x1BFD0] =	vst v0  }
0x2e5: {  	[tilespmem:s23+$0x1BFE0] =	vst v0  }
0x2e6: {  	[tilespmem:s23+$0x1BFF0] =	vst v0  }
0x2e7: {  	[tilespmem:s23+$0x1C000] =	vst v0  }
0x2e8: {  	[tilespmem:s23+$0x1C010] =	vst v0  }
0x2e9: {  	[tilespmem:s23+$0x1C020] =	vst v0  }
0x2ea: {  	[tilespmem:s23+$0x1C030] =	vst v0  }
0x2eb: {  	[tilespmem:s23+$0x1C040] =	vst v0  }
0x2ec: {  	[tilespmem:s23+$0x1C050] =	vst v0  }
0x2ed: {  	[tilespmem:s23+$0x1C060] =	vst v0  }
0x2ee: {  	[tilespmem:s23+$0x1C070] =	vst v0  }
0x2ef: {  	[tilespmem:s23+$0x1C080] =	vst v0  }
0x2f0: {  	[tilespmem:s23+$0x1C090] =	vst v0  }
0x2f1: {  	[tilespmem:s23+$0x1C0A0] =	vst v0  }
0x2f2: {  	[tilespmem:s23+$0x1C0B0] =	vst v0  }
0x2f3: {  	[tilespmem:s23+$0x1C0C0] =	vst v0  }
0x2f4: {  	[tilespmem:s23+$0x1C0D0] =	vst v0  }
0x2f5: {  	[tilespmem:s23+$0x1C0E0] =	vst v0  }
0x2f6: {  	[tilespmem:s23+$0x1C0F0] =	vst v0  }
0x2f7: {  	[tilespmem:s23+$0x1C100] =	vst v0  }
0x2f8: {  	[tilespmem:s23+$0x1C110] =	vst v0  }
0x2f9: {  	[tilespmem:s23+$0x1C120] =	vst v0  }
0x2fa: {  	[tilespmem:s23+$0x1C130] =	vst v0  }
0x2fb: {  	[tilespmem:s23+$0x1C140] =	vst v0  }
0x2fc: {  	[tilespmem:s23+$0x1C150] =	vst v0  }
0x2fd: {  	[tilespmem:s23+$0x1C160] =	vst v0  }
0x2fe: {  	[tilespmem:s23+$0x1C170] =	vst v0  }
0x2ff: {  	[tilespmem:s23+$0x1C180] =	vst v0  }
0x300: {  	[tilespmem:s23+$0x1C190] =	vst v0  }
0x301: {  	[tilespmem:s23+$0x1C1A0] =	vst v0  }
0x302: {  	[tilespmem:s23+$0x1C1B0] =	vst v0  }
0x303: {  	[tilespmem:s23+$0x1C1C0] =	vst v0  }
0x304: {  	[tilespmem:s23+$0x1C1D0] =	vst v0  }
0x305: {  	[tilespmem:s23+$0x1C1E0] =	vst v0  }
0x306: {  	[tilespmem:s23+$0x1C1F0] =	vst v0  }
0x307: {  	[tilespmem:s23+$0x1C200] =	vst v0  }
0x308: {  	[tilespmem:s23+$0x1C210] =	vst v0  }
0x309: {  	[tilespmem:s23+$0x1C220] =	vst v0  }
0x30a: {  	[tilespmem:s23+$0x1C230] =	vst v0  }
0x30b: {  	[tilespmem:s23+$0x1C240] =	vst v0  }
0x30c: {  	[tilespmem:s23+$0x1C250] =	vst v0  }
0x30d: {  	[tilespmem:s23+$0x1C260] =	vst v0  }
0x30e: {  	[tilespmem:s23+$0x1C270] =	vst v0  }
0x30f: {  	[tilespmem:s23+$0x1C280] =	vst v0  }
0x310: {  	[tilespmem:s23+$0x1C290] =	vst v0  }
0x311: {  	[tilespmem:s23+$0x1C2A0] =	vst v0  }
0x312: {  	[tilespmem:s23+$0x1C2B0] =	vst v0  }
0x313: {  	[tilespmem:s23+$0x1C2C0] =	vst v0  }
0x314: {  	[tilespmem:s23+$0x1C2D0] =	vst v0  }
0x315: {  	[tilespmem:s23+$0x1C2E0] =	vst v0  }
0x316: {  	[tilespmem:s23+$0x1C2F0] =	vst v0  }
0x317: {  	[tilespmem:s23+$0x1C300] =	vst v0  }
0x318: {  	[tilespmem:s23+$0x1C310] =	vst v0  }
0x319: {  	[tilespmem:s23+$0x1C320] =	vst v0  }
0x31a: {  	[tilespmem:s23+$0x1C330] =	vst v0  }
0x31b: {  	[tilespmem:s23+$0x1C340] =	vst v0  }
0x31c: {  	[tilespmem:s23+$0x1C350] =	vst v0  }
0x31d: {  	[tilespmem:s23+$0x1C360] =	vst v0  }
0x31e: {  	[tilespmem:s23+$0x1C370] =	vst v0  }
0x31f: {  	[tilespmem:s23+$0x1C380] =	vst v0  }
0x320: {  	[tilespmem:s23+$0x1C390] =	vst v0  }
0x321: {  	[tilespmem:s23+$0x1C3A0] =	vst v0  }
0x322: {  	[tilespmem:s23+$0x1C3B0] =	vst v0  }
0x323: {  	[tilespmem:s23+$0x1C3C0] =	vst v0  }
0x324: {  	[tilespmem:s23+$0x1C3D0] =	vst v0  }
0x325: {  	[tilespmem:s23+$0x1C3E0] =	vst v0  }
0x326: {  	_ =	swait.ge [sflag:s10], $0x1380  }
0x327: {  	[sflag:s10] =	ssyncset.done $0x0  }
0x328: {  	[sflag:s10] =	ssyncadd.s32 $0xFFFFEC80  }
0x329: {  	_ =	swait.ge [sflag:s10], $0x2000  }
0x32a: {  	[sflag:s10] =	ssyncset.done $0x0  }
0x32b: {  	s22 =	simm.s32 $0x200;
	s23 =	simm.s32 $0x1400;
	[sflag:s10] =	ssyncadd.s32 $0xFFFFE000  }
.LBB2_5:
0x32c: {  	[hbm4b:s3+s11] =	stream.indirect.scatter [tilespmem:s12], [sflag:$0x7], $0x1000, s23, s11, $0xb8;
	[tilespmem:$0x1F400] =	vst v63  }
0x32d: {  	s23 =	smov.u32 s22;
	p1 =	sne.s32 s22, $0x7E00  }
.Ltmp4:
0x32e: {  	s22 =	sadd.s32 $0x200, s22;
	(pc) =	sbr.rel @p1 .LBB2_5-.Ltmp4, $3  }
0x32f: {  	_ =	sdelay $0x1  }
0x330: {  	s23 =	sshra.s32 s23, $0x2  }
0x331: {  	s23 =	sadd.s32 $0x1400, s23  }
.Ltmp5:
0x332: {  	(pc) =	sbr.rel .LBB2_7-.Ltmp5, $4  }
0x333: {  	_ = 	snop  }
0x334: {  	[hbm4b:s3+s11] =	stream.indirect.scatter [tilespmem:s12], [sflag:$0x7], $0x1000, s23, s11, $0xb8;
	[tilespmem:$0x1F400] =	vst v63  }
0x335: {  	s22 =	simm.s32 $0x0;
	s23 =	simm.s32 $0x0  }
0x336: {  	[tilespmem:s13], [sflag:$0x1] =	stream.indirect.gather [hbm4b:s1+s10], $0x1000, s22, s10, $0xb8;
	[tilespmem:$0x1F400] =	vst v63  }
.LBB2_15:
0x337: {  	s23 =	sadd.s32 $0x1, s23  }
0x338: {  	p1 =	sne.s32 s23, $0x13  }
.Ltmp6:
0x339: {  	_ = 	snop;
	(pc) =	sbr.rel @!p1 .LBB2_16-.Ltmp6, $2  }
0x33a: {  	_ =	sdelay $0x2  }
0x33b: {  	s22 =	sadd.s32 $0x80, s22  }
.LBB2_7:
0x33c: {  	s24 =	smul.u32 $0xAB, s23;
	_ =	sdelay $0x1  }
0x33d: {  	s24 =	sshrl.u32 s24, $0x9  }
0x33e: {  	s24 =	sand.u32 $0x7F, s24  }
0x33f: {  	s24 =	smul.u32 $0x3, s24;
	_ =	sdelay $0x1  }
0x340: {  	s24 =	ssub.s32 s23, s24  }
0x341: {  	s24 =	sand.u32 $0xFF, s24  }
0x342: {  	p2 =	seq.s32 s24, $0x2  }
.Ltmp7:
0x343: {  	_ = 	snop;
	(pc) =	sbr.rel @p2 .LBB2_13-.Ltmp7, $2  }
0x344: {  	_ =	sdelay $0x2  }
0x345: {  	p1 =	seq.s32 s23, $0x12  }
0x346: {  	p2 =	seq.s32 s24, $0x1  }
.Ltmp8:
0x347: {  	_ = 	snop;
	(pc) =	sbr.rel @!p2 .LBB2_9-.Ltmp8, $1  }
0x348: {  	_ =	sdelay $0x3  }
.Ltmp9:
0x349: {  	(pc) =	sbr.rel @p1 .LBB2_16-.Ltmp9, $4  }
0x34a: {  	_ =	swait.ge [sflag:s18], $0x8000  }
0x34b: {  	[sflag:s18] =	ssyncset.done $0x0  }
0x34c: {  	[sflag:s18] =	ssyncadd.s32 $0xFFFF8000  }
0x34d: {  	[hbm4b:s3+s10] =	stream.indirect.scatter [tilespmem:s19], [sflag:$0x5], $0x1000, s22, s10, $0xb8;
	[tilespmem:$0x1F400] =	vst v63  }
0x34e: {  	p1 =	slt.u32 s23, $0x2  }
.Ltmp10:
0x34f: {  	s24 =	simm.s32 @!p1 $0x6;
	(pc) =	sbr.rel .LBB2_15-.Ltmp10, $4  }
0x350: {  	_ =	swait.ge @!p1 [sflag:s24], $0x8000  }
0x351: {  	[sflag:s24] =	ssyncset.done @!p1 $0x0  }
0x352: {  	s31 =	sadd.s32 $0x80, s22;
	[sflag:s24] =	ssyncadd.s32 @!p1 $0xFFFF8000  }
0x353: {  	[tilespmem:s15], [sflag:$0x3] =	stream.indirect.gather [hbm4b:s1+s10], $0x1000, s31, s10, $0xb8;
	[tilespmem:$0x1F400] =	vst v63  }
.LBB2_13:
.Ltmp11:
0x354: {  	(pc) =	sbr.rel @p1 .LBB2_16-.Ltmp11, $4  }
0x355: {  	_ =	swait.ge [sflag:s14], $0x8000  }
0x356: {  	[sflag:s14] =	ssyncset.done $0x0  }
0x357: {  	[sflag:s14] =	ssyncadd.s32 $0xFFFF8000  }
0x358: {  	[hbm4b:s3+s10] =	stream.indirect.scatter [tilespmem:s15], [sflag:$0x6], $0x1000, s22, s10, $0xb8;
	[tilespmem:$0x1F400] =	vst v63  }
.Ltmp12:
0x359: {  	(pc) =	sbr.rel .LBB2_15-.Ltmp12, $4  }
0x35a: {  	_ =	swait.ge [sflag:s11], $0x8000  }
0x35b: {  	[sflag:s11] =	ssyncset.done $0x0  }
0x35c: {  	s24 =	sadd.s32 $0x80, s22;
	[sflag:s11] =	ssyncadd.s32 $0xFFFF8000  }
0x35d: {  	[tilespmem:s13], [sflag:$0x1] =	stream.indirect.gather [hbm4b:s1+s10], $0x1000, s24, s10, $0xb8;
	[tilespmem:$0x1F400] =	vst v63  }
.LBB2_9:
.Ltmp13:
0x35e: {  	(pc) =	sbr.rel @p1 .LBB2_16-.Ltmp13, $4  }
0x35f: {  	_ =	swait.ge [sflag:s7], $0x8000  }
0x360: {  	[sflag:s7] =	ssyncset.done $0x0  }
0x361: {  	[sflag:s7] =	ssyncadd.s32 $0xFFFF8000  }
0x362: {  	[hbm4b:s3+s10] =	stream.indirect.scatter [tilespmem:s13], [sflag:$0x4], $0x1000, s22, s10, $0xb8;
	[tilespmem:$0x1F400] =	vst v63  }
0x363: {  	p1 =	slt.u32 s23, $0x2  }
.Ltmp14:
0x364: {  	s24 =	simm.s32 @!p1 $0x5;
	(pc) =	sbr.rel .LBB2_15-.Ltmp14, $4  }
0x365: {  	_ =	swait.ge @!p1 [sflag:s24], $0x8000  }
0x366: {  	[sflag:s24] =	ssyncset.done @!p1 $0x0  }
0x367: {  	s31 =	sadd.s32 $0x80, s22;
	[sflag:s24] =	ssyncadd.s32 @!p1 $0xFFFF8000  }
0x368: {  	[tilespmem:s19], [sflag:$0x2] =	stream.indirect.gather [hbm4b:s1+s10], $0x1000, s31, s10, $0xb8;
	[tilespmem:$0x1F400] =	vst v63  }
.LBB2_19:
0x369: {  	_ =	swait.ge [sflag:s10], $0x1380  }
0x36a: {  	[sflag:s10] =	ssyncset.done $0x0  }
.Ltmp15:
0x36b: {  	[sflag:s10] =	ssyncadd.s32 $0xFFFFEC80;
	(pc) =	sbr.rel .LBB2_20-.Ltmp15, $4  }
0x36c: {  	_ =	swait.ge [sflag:s10], $0x2000  }
0x36d: {  	[sflag:s10] =	ssyncset.done $0x0  }
0x36e: {  	s22 =	simm.s32 $0x0;
	s23 =	simm.s32 $0x0;
	[sflag:s10] =	ssyncadd.s32 $0xFFFFE000  }
0x36f: {  	[tilespmem:s13], [sflag:$0x1] =	stream.indirect.gather [hbm4b:s1+s10], $0x1000, s22, s10, $0xb8;
	[tilespmem:$0x1F400] =	vst v63  }
.LBB2_25:
0x370: {  	p1 =	slt.u32 s23, $0x2  }
0x371: {  	s25 =	simm.s32 @!p1 $0x6  }
0x372: {  	_ =	swait.ge @!p1 [sflag:s25], $0x8000  }
0x373: {  	[sflag:s25] =	ssyncset.done @!p1 $0x0  }
0x374: {  	s24 =	sadd.s32 $0x80, s24;
	[sflag:s25] =	ssyncadd.s32 @!p1 $0xFFFF8000  }
0x375: {  	[tilespmem:s15], [sflag:$0x3] =	stream.indirect.gather [hbm4b:s1+s10], $0x1000, s24, s10, $0xb8;
	[tilespmem:$0x1F400] =	vst v63  }
.LBB2_28:
0x376: {  	s23 =	sadd.s32 $0x1, s23  }
0x377: {  	p1 =	sne.s32 s23, $0x27  }
.Ltmp16:
0x378: {  	_ = 	snop;
	(pc) =	sbr.rel @!p1 .LBB2_29-.Ltmp16, $2  }
0x379: {  	_ =	sdelay $0x2  }
0x37a: {  	s22 =	sadd.s32 $0x200, s22  }
.LBB2_20:
0x37b: {  	s24 =	smul.u32 $0xAB, s23;
	_ =	sdelay $0x1  }
0x37c: {  	s24 =	sshrl.u32 s24, $0x9  }
0x37d: {  	s24 =	sand.u32 $0x7F, s24  }
0x37e: {  	s24 =	smul.u32 $0x3, s24;
	_ =	sdelay $0x1  }
0x37f: {  	s24 =	ssub.s32 s23, s24  }
0x380: {  	s24 =	sand.u32 $0xFF, s24  }
0x381: {  	p1 =	seq.s32 s24, $0x2  }
.Ltmp17:
0x382: {  	_ = 	snop;
	(pc) =	sbr.rel @p1 .LBB2_26-.Ltmp17, $2  }
0x383: {  	_ =	sdelay $0x2  }
0x384: {  	s25 =	smov.u32 s22  }
0x385: {  	p1 =	seq.s32 s24, $0x1  }
.Ltmp18:
0x386: {  	_ = 	snop;
	(pc) =	sbr.rel @!p1 .LBB2_22-.Ltmp18, $2  }
0x387: {  	_ =	sdelay $0x2  }
0x388: {  	s24 =	sshra.s32 s22, $0x2  }
0x389: {  	p1 =	seq.s32 s23, $0x26  }
.Ltmp19:
0x38a: {  	_ = 	snop;
	(pc) =	sbr.rel @!p1 .LBB2_25-.Ltmp19, $4  }
0x38b: {  	_ =	swait.ge [sflag:s18], $0x8000  }
0x38c: {  	[sflag:s18] =	ssyncset.done $0x0  }
0x38d: {  	s25 =	simm.s32 $0x4C00;
	[sflag:s18] =	ssyncadd.s32 $0xFFFF8000  }
0x38e: {  	[hbm4b:s3+s10] =	stream.indirect.scatter [tilespmem:s19], [sflag:$0x5], $0x1000, s24, s10, $0xb8;
	[tilespmem:$0x1F400] =	vst v63  }
.LBB2_26:
0x38f: {  	p1 =	seq.s32 s23, $0x26  }
.Ltmp20:
0x390: {  	_ = 	snop;
	(pc) =	sbr.rel @p1 .LBB2_29-.Ltmp20, $4  }
0x391: {  	_ =	swait.ge [sflag:s14], $0x8000  }
0x392: {  	[sflag:s14] =	ssyncset.done $0x0  }
0x393: {  	s24 =	sshra.s32 s25, $0x2;
	[sflag:s14] =	ssyncadd.s32 $0xFFFF8000  }
0x394: {  	[hbm4b:s3+s10] =	stream.indirect.scatter [tilespmem:s15], [sflag:$0x6], $0x1000, s24, s10, $0xb8;
	[tilespmem:$0x1F400] =	vst v63  }
0x395: {  	p1 =	slt.u32 s23, $0x2  }
.Ltmp21:
0x396: {  	s25 =	simm.s32 @!p1 $0x4;
	(pc) =	sbr.rel .LBB2_28-.Ltmp21, $4  }
0x397: {  	_ =	swait.ge @!p1 [sflag:s25], $0x8000  }
0x398: {  	[sflag:s25] =	ssyncset.done @!p1 $0x0  }
0x399: {  	s24 =	sadd.s32 $0x80, s24;
	[sflag:s25] =	ssyncadd.s32 @!p1 $0xFFFF8000  }
0x39a: {  	[tilespmem:s13], [sflag:$0x1] =	stream.indirect.gather [hbm4b:s1+s10], $0x1000, s24, s10, $0xb8;
	[tilespmem:$0x1F400] =	vst v63  }
.LBB2_22:
0x39b: {  	p1 =	seq.s32 s23, $0x26  }
.Ltmp22:
0x39c: {  	_ = 	snop;
	(pc) =	sbr.rel @p1 .LBB2_29-.Ltmp22, $4  }
0x39d: {  	_ =	swait.ge [sflag:s7], $0x8000  }
0x39e: {  	[sflag:s7] =	ssyncset.done $0x0  }
0x39f: {  	[sflag:s7] =	ssyncadd.s32 $0xFFFF8000  }
0x3a0: {  	[hbm4b:s3+s10] =	stream.indirect.scatter [tilespmem:s13], [sflag:$0x4], $0x1000, s24, s10, $0xb8;
	[tilespmem:$0x1F400] =	vst v63  }
0x3a1: {  	p1 =	slt.u32 s23, $0x2  }
.Ltmp23:
0x3a2: {  	s25 =	simm.s32 @!p1 $0x5;
	(pc) =	sbr.rel .LBB2_28-.Ltmp23, $4  }
0x3a3: {  	_ =	swait.ge @!p1 [sflag:s25], $0x8000  }
0x3a4: {  	[sflag:s25] =	ssyncset.done @!p1 $0x0  }
0x3a5: {  	s24 =	sadd.s32 $0x80, s24;
	[sflag:s25] =	ssyncadd.s32 @!p1 $0xFFFF8000  }
0x3a6: {  	[tilespmem:s19], [sflag:$0x2] =	stream.indirect.gather [hbm4b:s1+s10], $0x1000, s24, s10, $0xb8;
	[tilespmem:$0x1F400] =	vst v63  }
.LBB2_16:
0x3a7: {  	_ =	swait.ge [sflag:s16], $0x8000  }
0x3a8: {  	[sflag:s16] =	ssyncset.done $0x0  }
0x3a9: {  	[sflag:s16] =	ssyncadd.s32 $0xFFFF8000  }
0x3aa: {  	_ =	swait.ge [sflag:s11], $0x8000  }
0x3ab: {  	[sflag:s11] =	ssyncset.done $0x0  }
0x3ac: {  	[sflag:s11] =	ssyncadd.s32 $0xFFFF8000  }
0x3ad: {  	_ =	swait.ge [sflag:s17], $0x4000  }
0x3ae: {  	s22 =	simm.s32 $0x3F;
	[sflag:s17] =	ssyncset.done $0x0  }
.LBB2_17:
0x3af: {  	p1 =	seq.s32 s22, $0x1;
	s22 =	sadd.s32 $0xFFFFFFFF, s22;
	[sflag:s17] =	ssyncadd.s32 $0xFFFFC000  }
.Ltmp24:
0x3b0: {  	(pc) =	sbr.rel @!p1 .LBB2_17-.Ltmp24, $3  }
0x3b1: {  	_ =	sdelay $0x1  }
0x3b2: {  	_ =	swait.ge [sflag:s17], $0x4000  }
0x3b3: {  	[sflag:s17] =	ssyncset.done $0x0  }
.Ltmp25:
0x3b4: {  	(pc) =	sbr.rel .LBB2_30-.Ltmp25, $2  }
0x3b5: {  	_ =	sdelay $0x2  }
0x3b6: {  	[sflag:s17] =	ssyncadd.s32 $0xFFFFC000  }
.LBB2_31:
0x3b7: {  	_ =	sfence.sel $0x180000  }
0x3b8: {  	[bflag:$0x0] =	sbarrier.arrive $0xFFFF  }
0x3b9: {  	p0 =	sne.s32 s0, $0x0;
	_ =	strace $0x90000047  }
0x3ba: {  	s0 =	sadd.s32 @!p0 $0x100000, s2;
	[bflag:$0x2] =	sbarrier.arrive $0xFFFF  }
0x3bb: {  	[sflag:s0] =	ssyncadd.tile.s32 @!p0 $0x1;
	_ =	shalt  }
.Lfunc_end2:
_tile_overlayer_lowered:
.L_overlay_start_2:
0x3bc: {  	(tag) =	ssettag $0x2  }
0x3bd: {  	s0 =	rddreg [dreg:$0x0];
	s2 =	stileid.u32  }
0x3be: {  	s1 =	rddreg [dreg:$0x1];
	p0 =	sne.s32 s2, $0x0  }
0x3bf: {  	s3 =	rddreg [dreg:$0x2];
	[bflag:$0x3] =	sbarrier.arrive $0xFFFF;
	s2 =	simm.s32 @!p0 $0x1C09  }
0x3c0: {  	[timem:s3], [sflag:s2] =	dma.local @!p0 [hbm:s0], s1  }
0x3c1: {  	s0 =	simm.s32 @!p0 $0x9  }
0x3c2: {  	_ =	swait.ge @!p0 [sflag:s0], s1  }
0x3c3: {  	s1 =	ssub.s32 @!p0 $0x0, s1;
	[sflag:s0] =	ssyncset.done @!p0 $0x0  }
0x3c4: {  	[sflag:s0] =	ssyncadd.s32 @!p0 s1  }
0x3c5: {  	[bflag:$0x3] =	sbarrier.arrive $0xFFFF  }
0x3c6: {  	_ =	shalt  }

</sc_bundles>
